<compile_context>
chip_gen: v7x
topology: tpu7x:2x2x1
jax: 0.10.2.dev20260603
libtpu: 0.0.44.dev20260713+nightly
codegen_flags: <defaults>
</compile_context>

<pallas_src>
import jax
import jax.numpy as jnp
from jax import lax
from jax.experimental import pallas as pl
from jax.experimental.pallas import tpu as pltpu
from jax.experimental.pallas import tpu_sc as plsc

B, C, T, D = 16, 16, 200, 768
NC, NS = 2, 16
NW = NC * NS
L = 16
PAIRS_W = B * C // NW
ROWS_W = PAIRS_W * T
R = 40
NCHUNKS = ROWS_W // R
CPP = T // R
NBUF = 4


def _sc_body(x_hbm, ids_hbm, tok_hbm, cht_hbm, out_hbm,
             idx_all, ids_v, ch8,
             b0, b1, b2, b3, g0, g1, g2, g3, o0, o1, o2, o3, psem, csem):
    bufs = (b0, b1, b2, b3)
    gsems = (g0, g1, g2, g3)
    osems = (o0, o1, o2, o3)
    wid = lax.axis_index("s") * NC + lax.axis_index("c")
    c0 = lax.rem(wid, 2) * PAIRS_W
    idx_cp = pltpu.async_copy(x_hbm.at[pl.ds(wid * ROWS_W, ROWS_W)],
                              idx_all, psem)
    pltpu.sync_copy(ids_hbm, ids_v)
    ch_cp = pltpu.async_copy(cht_hbm.at[ids_v.at[pl.ds(c0, PAIRS_W)]], ch8,
                             csem)
    idx_cp.wait()

    def issue_gather(j, b):
        pltpu.async_copy(tok_hbm.at[idx_all.at[pl.ds(j * R, R)]],
                         bufs[b], gsems[b])

    def wait_gather(b):
        pltpu.make_async_copy(tok_hbm.at[idx_all.at[pl.ds(0, R)]],
                              bufs[b], gsems[b]).wait()

    def issue_scatter(j, b):
        pltpu.async_copy(bufs[b],
                         out_hbm.at[pl.ds(wid * ROWS_W + j * R, R)],
                         osems[b])

    def wait_scatter(b):
        pltpu.make_async_copy(bufs[b], out_hbm.at[pl.ds(0, R)],
                              osems[b]).wait()

    def add_channel(j, b):
        cl = j // CPP
        chvs = [ch8[cl, pl.ds(d * L, L)] for d in range(D // L)]
        buf = bufs[b]

        def row_body(r, rc):
            for d in range(D // L):
                buf[r, pl.ds(d * L, L)] += chvs[d]
            return rc

        lax.fori_loop(0, R, row_body, 0, unroll=False)

    def slot(j, b):
        nb = (b + 2) % NBUF

        @pl.when(j >= 2)
        def _():
            wait_scatter(nb)

        @pl.when(j + 2 < NCHUNKS)
        def _():
            issue_gather(j + 2, nb)

        wait_gather(b)
        add_channel(j, b)
        issue_scatter(j, b)

    issue_gather(0, 0)
    issue_gather(1, 1)
    ch_cp.wait()

    def outer(k, carry):
        j0 = 4 * k
        for s in range(4):
            slot(j0 + s, s)
        return carry

    lax.fori_loop(0, NCHUNKS // 4, outer, 0, unroll=False)

    wait_scatter((NCHUNKS - 2) % NBUF)
    wait_scatter((NCHUNKS - 1) % NBUF)


@jax.jit
def _sc_call(x32, ids32, token_table, channel_table):
    mesh = plsc.VectorSubcoreMesh(core_axis_name="c", subcore_axis_name="s")
    f = pl.kernel(
        _sc_body,
        out_type=jax.ShapeDtypeStruct((B * C * T, D), jnp.float32),
        mesh=mesh,
        scratch_types=[
            pltpu.VMEM((ROWS_W,), jnp.int32),
            pltpu.VMEM((C,), jnp.int32),
            pltpu.VMEM((PAIRS_W, D), jnp.float32),
            pltpu.VMEM((R, D), jnp.float32),
            pltpu.VMEM((R, D), jnp.float32),
            pltpu.VMEM((R, D), jnp.float32),
            pltpu.VMEM((R, D), jnp.float32),
            pltpu.SemaphoreType.DMA,
            pltpu.SemaphoreType.DMA,
            pltpu.SemaphoreType.DMA,
            pltpu.SemaphoreType.DMA,
            pltpu.SemaphoreType.DMA,
            pltpu.SemaphoreType.DMA,
            pltpu.SemaphoreType.DMA,
            pltpu.SemaphoreType.DMA,
            pltpu.SemaphoreType.DMA,
            pltpu.SemaphoreType.DMA,
        ],
    )
    return f(x32, ids32, token_table, channel_table)


def kernel(x, ids, token_table, channel_table):
    out = _sc_call(x.reshape(-1).astype(jnp.int32), ids.astype(jnp.int32),
                   token_table, channel_table)
    return out.reshape(B, C, T, D)

# --- scband reference (transcript-rebuilt; emitter-appended) ---
"""Pipeline reference for scband-matrix-embeddings-31963146617574 (READ-ONLY COPY).

The authoritative reference and input builder live on the scoring server;
editing this copy changes nothing except your own understanding.
"""

import jax, jax.numpy as jnp
import numpy as np

VOCAB = 100000
NUM_CHANNELS = 16
D = 768

def setup_inputs(seed: int = 0) -> dict:
    key = jax.random.key(seed)
    k1, k2, k3, k4 = jax.random.split(key, 4)
    x = jax.random.randint(k1, (16, 16, 200), 0, VOCAB, dtype=jnp.int64)
    ids = jax.random.randint(k2, (16,), 0, NUM_CHANNELS, dtype=jnp.int64)
    token_table = jax.random.normal(k3, (VOCAB, D), dtype=jnp.float32) * 0.02
    channel_table = jax.random.normal(k4, (NUM_CHANNELS, D), dtype=jnp.float32) * 0.02
    return {"x": x, "ids": ids, "token_table": token_table, "channel_table": channel_table}

def reference(x, ids, token_table, channel_table):
    # token embedding lookup: [B, C, T] -> [B, C, T, D]
    xe = jnp.take(token_table, x, axis=0)
    # channel_ids = arange(num_channels); gather by ids, then broadcast
    channel_ids = jnp.arange(NUM_CHANNELS, dtype=jnp.int64)
    ch = jnp.take(channel_table, channel_ids[ids], axis=0)  # [C, D]
    channel_emb = ch[None, :, None, :]  # unsqueeze(0).unsqueeze(2) -> [1, C, 1, D]
    return xe + channel_emb

if __name__ == "__main__":
    import jax
    _d = setup_inputs()
    print(jax.jit(kernel)(*tuple(_d.values())))

</pallas_src>

<mosaic_0001>
#map = affine_map<(d0, d1) -> (0)>
#map1 = affine_map<(d0, d1) -> (0, 0)>
module attributes {stable_mosaic.version = 14 : i64} {
  func.func @_sc_body(%arg0: i32, %arg1: i32, %arg2: memref<51200xi32, #tpu.memory_space<hbm>>, %arg3: memref<16xi32, #tpu.memory_space<hbm>>, %arg4: memref<100000x768xf32, #tpu.memory_space<hbm>>, %arg5: memref<16x768xf32, #tpu.memory_space<hbm>>, %arg6: memref<51200x768xf32, #tpu.memory_space<hbm>>, %arg7: memref<1600xi32, #tpu.memory_space<vmem>>, %arg8: memref<16xi32, #tpu.memory_space<vmem>>, %arg9: memref<8x768xf32, #tpu.memory_space<vmem>>, %arg10: memref<40x768xf32, #tpu.memory_space<vmem>>, %arg11: memref<40x768xf32, #tpu.memory_space<vmem>>, %arg12: memref<40x768xf32, #tpu.memory_space<vmem>>, %arg13: memref<40x768xf32, #tpu.memory_space<vmem>>, %arg14: memref<!tpu.dma_semaphore, #tpu.memory_space<semaphore_mem>>, %arg15: memref<!tpu.dma_semaphore, #tpu.memory_space<semaphore_mem>>, %arg16: memref<!tpu.dma_semaphore, #tpu.memory_space<semaphore_mem>>, %arg17: memref<!tpu.dma_semaphore, #tpu.memory_space<semaphore_mem>>, %arg18: memref<!tpu.dma_semaphore, #tpu.memory_space<semaphore_mem>>, %arg19: memref<!tpu.dma_semaphore, #tpu.memory_space<semaphore_mem>>, %arg20: memref<!tpu.dma_semaphore, #tpu.memory_space<semaphore_mem>>, %arg21: memref<!tpu.dma_semaphore, #tpu.memory_space<semaphore_mem>>, %arg22: memref<!tpu.dma_semaphore, #tpu.memory_space<semaphore_mem>>, %arg23: memref<!tpu.dma_semaphore, #tpu.memory_space<semaphore_mem>>) attributes {dimension_semantics = [#tpu.dimension_semantics<core_parallel>, #tpu.dimension_semantics<subcore_parallel>], iteration_bounds = array<i64: 2, 16>, scalar_prefetch = 0 : i64, scratch_operands = 17 : i64, tpu.core_type = #tpu.core_type<sc_vector_subcore>, window_params = [{transform_indices = #map}, {transform_indices = #map}, {transform_indices = #map1}, {transform_indices = #map1}, {transform_indices = #map1}]} {
    %mul3A = arith.constant 2 : i32
    %mul3A_0 = arith.muli %arg1, %mul3A : i32
    %add3A = arith.addi %mul3A_0, %arg0 : i32
    %rem3A = arith.constant 2 : i32
    %rem3A_1 = arith.remsi %add3A, %rem3A : i32
    %mul3A_2 = arith.constant 8 : i32
    %mul3A_3 = arith.muli %rem3A_1, %mul3A_2 : i32
    %mul3A_4 = arith.constant 1600 : i32
    %mul3A_5 = arith.muli %add3A, %mul3A_4 : i32
    %dma_start3A = tpu.memref_slice %arg2[%mul3A_5] : memref<51200xi32, #tpu.memory_space<hbm>> -> memref<1600xi32, #tpu.memory_space<hbm>>
    %dma_start3A_6 = tpu.memref_slice %arg2[%mul3A_5] : memref<51200xi32, #tpu.memory_space<hbm>> -> memref<1600xi32, #tpu.memory_space<hbm>>
    tpu.enqueue_dma source(%dma_start3A_6 : memref<1600xi32, #tpu.memory_space<hbm>>) target(%arg7 : memref<1600xi32, #tpu.memory_space<vmem>>) target_semaphore(%arg22 : memref<!tpu.dma_semaphore, #tpu.memory_space<semaphore_mem>>)
    "tpu.region"() ({
      %run_scoped3A = tpu.sem_alloc : memref<!tpu.dma_semaphore, #tpu.memory_space<semaphore_mem>>
      tpu.enqueue_dma source(%arg3 : memref<16xi32, #tpu.memory_space<hbm>>) target(%arg8 : memref<16xi32, #tpu.memory_space<vmem>>) target_semaphore(%run_scoped3A : memref<!tpu.dma_semaphore, #tpu.memory_space<semaphore_mem>>)
      tpu.wait_dma2 semaphore(%run_scoped3A : memref<!tpu.dma_semaphore, #tpu.memory_space<semaphore_mem>>) src(%arg3 : memref<16xi32, #tpu.memory_space<hbm>>) dst(%arg8 : memref<16xi32, #tpu.memory_space<vmem>>)
      tpu.yield
    }) : () -> ()
    %dma_start3A_7 = tpu.memref_slice %arg8[%mul3A_3] : memref<16xi32, #tpu.memory_space<vmem>> -> memref<8xi32, #tpu.memory_space<vmem>>
    %dma_start3A_8 = arith.constant 0 : i32
    %dma_start3A_9 = arith.constant 0 : i32
    %dma_start3A_10 = tpu.memref_slice %arg5[%dma_start3A_8, %dma_start3A_9] : memref<16x768xf32, #tpu.memory_space<hbm>> -> memref<16x768xf32, #tpu.memory_space<hbm>>
    tpu.enqueue_indirect_dma source(%dma_start3A_10 : memref<16x768xf32, #tpu.memory_space<hbm>>) target(%arg9 : memref<8x768xf32, #tpu.memory_space<vmem>>) offsets(%dma_start3A_7 : memref<8xi32, #tpu.memory_space<vmem>>) semaphore(%arg23 : memref<!tpu.dma_semaphore, #tpu.memory_space<semaphore_mem>>)
    %dma_wait3A = tpu.memref_slice %arg2[%mul3A_5] : memref<51200xi32, #tpu.memory_space<hbm>> -> memref<1600xi32, #tpu.memory_space<hbm>>
    %dma_wait3A_11 = tpu.memref_slice %arg2[%mul3A_5] : memref<51200xi32, #tpu.memory_space<hbm>> -> memref<1600xi32, #tpu.memory_space<hbm>>
    tpu.wait_dma2 semaphore(%arg22 : memref<!tpu.dma_semaphore, #tpu.memory_space<semaphore_mem>>) src(%dma_wait3A_11 : memref<1600xi32, #tpu.memory_space<hbm>>) dst(%arg7 : memref<1600xi32, #tpu.memory_space<vmem>>)
    %dma_start3A_12 = arith.constant 0 : i32
    %dma_start3A_13 = tpu.memref_slice %arg7[%dma_start3A_12] : memref<1600xi32, #tpu.memory_space<vmem>> -> memref<40xi32, #tpu.memory_space<vmem>>
    %dma_start3A_14 = arith.constant 0 : i32
    %dma_start3A_15 = arith.constant 0 : i32
    %dma_start3A_16 = tpu.memref_slice %arg4[%dma_start3A_14, %dma_start3A_15] : memref<100000x768xf32, #tpu.memory_space<hbm>> -> memref<100000x768xf32, #tpu.memory_space<hbm>>
    tpu.enqueue_indirect_dma source(%dma_start3A_16 : memref<100000x768xf32, #tpu.memory_space<hbm>>) target(%arg10 : memref<40x768xf32, #tpu.memory_space<vmem>>) offsets(%dma_start3A_13 : memref<40xi32, #tpu.memory_space<vmem>>) semaphore(%arg14 : memref<!tpu.dma_semaphore, #tpu.memory_space<semaphore_mem>>)
    %dma_start3A_17 = arith.constant 40 : i32
    %dma_start3A_18 = tpu.memref_slice %arg7[%dma_start3A_17] : memref<1600xi32, #tpu.memory_space<vmem>> -> memref<40xi32, #tpu.memory_space<vmem>>
    %dma_start3A_19 = arith.constant 0 : i32
    %dma_start3A_20 = arith.constant 0 : i32
    %dma_start3A_21 = tpu.memref_slice %arg4[%dma_start3A_19, %dma_start3A_20] : memref<100000x768xf32, #tpu.memory_space<hbm>> -> memref<100000x768xf32, #tpu.memory_space<hbm>>
    tpu.enqueue_indirect_dma source(%dma_start3A_21 : memref<100000x768xf32, #tpu.memory_space<hbm>>) target(%arg11 : memref<40x768xf32, #tpu.memory_space<vmem>>) offsets(%dma_start3A_18 : memref<40xi32, #tpu.memory_space<vmem>>) semaphore(%arg15 : memref<!tpu.dma_semaphore, #tpu.memory_space<semaphore_mem>>)
    %dma_wait3A_22 = tpu.memref_slice %arg8[%mul3A_3] : memref<16xi32, #tpu.memory_space<vmem>> -> memref<8xi32, #tpu.memory_space<vmem>>
    %dma_wait3A_23 = arith.constant 0 : i32
    %dma_wait3A_24 = arith.constant 0 : i32
    %dma_wait3A_25 = tpu.memref_slice %arg5[%dma_wait3A_23, %dma_wait3A_24] : memref<16x768xf32, #tpu.memory_space<hbm>> -> memref<16x768xf32, #tpu.memory_space<hbm>>
    tpu.wait_indirect_dma semaphore(%arg23 : memref<!tpu.dma_semaphore, #tpu.memory_space<semaphore_mem>>) src(%dma_wait3A_25 : memref<16x768xf32, #tpu.memory_space<hbm>>) dst(%arg9 : memref<8x768xf32, #tpu.memory_space<vmem>>)
    %scan3A = arith.constant 0 : i32
    %scan3A_26 = arith.constant 0 : i32
    %scan3A_27 = arith.constant 10 : i32
    %scan3A_28 = arith.addi %scan3A_26, %scan3A_27 : i32
    %scan3A_29 = arith.constant 1 : i32
    scf.for %scan3A_43 = %scan3A_26 to %scan3A_28 step %scan3A_29  : i32 {
      %mul3A_44 = arith.constant 4 : i32
      %mul3A_45 = arith.muli %mul3A_44, %scan3A_43 : i32
      %add3A_46 = arith.constant 0 : i32
      %add3A_47 = arith.addi %mul3A_45, %add3A_46 : i32
      %ge3A = arith.constant 2 : i32
      %ge3A_48 = arith.cmpi sge, %add3A_47, %ge3A : i32
      %convert_element_type3A = arith.extui %ge3A_48 : i1 to i32
      %cond3A = arith.constant 0 : i32
      %cond3A_49 = arith.cmpi ne, %convert_element_type3A, %cond3A : i32
      scf.if %cond3A_49 {
        %dma_wait3A_1034 = arith.constant 0 : i32
        %dma_wait3A_1035 = arith.constant 0 : i32
        %dma_wait3A_1036 = tpu.memref_slice %arg6[%dma_wait3A_1034, %dma_wait3A_1035] : memref<51200x768xf32, #tpu.memory_space<hbm>> -> memref<40x768xf32, #tpu.memory_space<hbm>>
        %dma_wait3A_1037 = arith.constant 0 : i32
        %dma_wait3A_1038 = arith.constant 0 : i32
        %dma_wait3A_1039 = tpu.memref_slice %arg6[%dma_wait3A_1037, %dma_wait3A_1038] : memref<51200x768xf32, #tpu.memory_space<hbm>> -> memref<40x768xf32, #tpu.memory_space<hbm>>
        tpu.wait_dma2 semaphore(%arg20 : memref<!tpu.dma_semaphore, #tpu.memory_space<semaphore_mem>>) src(%arg12 : memref<40x768xf32, #tpu.memory_space<vmem>>) dst(%dma_wait3A_1039 : memref<40x768xf32, #tpu.memory_space<hbm>>)
      } else {
      }
      %add3A_50 = arith.constant 2 : i32
      %add3A_51 = arith.addi %add3A_47, %add3A_50 : i32
      %lt3A = arith.constant 40 : i32
      %lt3A_52 = arith.cmpi slt, %add3A_51, %lt3A : i32
      %convert_element_type3A_53 = arith.extui %lt3A_52 : i1 to i32
      %cond3A_54 = arith.constant 0 : i32
      %cond3A_55 = arith.cmpi ne, %convert_element_type3A_53, %cond3A_54 : i32
      scf.if %cond3A_55 {
        %add3A_1034 = arith.constant 2 : i32
        %add3A_1035 = arith.addi %add3A_47, %add3A_1034 : i32
        %mul3A_1036 = arith.constant 40 : i32
        %mul3A_1037 = arith.muli %add3A_1035, %mul3A_1036 : i32
        %dma_start3A_1038 = tpu.memref_slice %arg7[%mul3A_1037] : memref<1600xi32, #tpu.memory_space<vmem>> -> memref<40xi32, #tpu.memory_space<vmem>>
        %dma_start3A_1039 = arith.constant 0 : i32
        %dma_start3A_1040 = arith.constant 0 : i32
        %dma_start3A_1041 = tpu.memref_slice %arg4[%dma_start3A_1039, %dma_start3A_1040] : memref<100000x768xf32, #tpu.memory_space<hbm>> -> memref<100000x768xf32, #tpu.memory_space<hbm>>
        tpu.enqueue_indirect_dma source(%dma_start3A_1041 : memref<100000x768xf32, #tpu.memory_space<hbm>>) target(%arg12 : memref<40x768xf32, #tpu.memory_space<vmem>>) offsets(%dma_start3A_1038 : memref<40xi32, #tpu.memory_space<vmem>>) semaphore(%arg16 : memref<!tpu.dma_semaphore, #tpu.memory_space<semaphore_mem>>)
      } else {
      }
      %dma_wait3A_56 = arith.constant 0 : i32
      %dma_wait3A_57 = tpu.memref_slice %arg7[%dma_wait3A_56] : memref<1600xi32, #tpu.memory_space<vmem>> -> memref<40xi32, #tpu.memory_space<vmem>>
      %dma_wait3A_58 = arith.constant 0 : i32
      %dma_wait3A_59 = arith.constant 0 : i32
      %dma_wait3A_60 = tpu.memref_slice %arg4[%dma_wait3A_58, %dma_wait3A_59] : memref<100000x768xf32, #tpu.memory_space<hbm>> -> memref<100000x768xf32, #tpu.memory_space<hbm>>
      tpu.wait_indirect_dma semaphore(%arg14 : memref<!tpu.dma_semaphore, #tpu.memory_space<semaphore_mem>>) src(%dma_wait3A_60 : memref<100000x768xf32, #tpu.memory_space<hbm>>) dst(%arg10 : memref<40x768xf32, #tpu.memory_space<vmem>>)
      %jit3A = arith.constant 5 : i32
      %div3A = arith.divsi %add3A_47, %jit3A : i32
      %sign3A = arith.constant 0 : i32
      %sign3A_61 = arith.cmpi sgt, %add3A_47, %sign3A : i32
      %sign3A_62 = arith.extui %sign3A_61 : i1 to i32
      %sign3A_63 = arith.constant 0 : i32
      %sign3A_64 = arith.cmpi slt, %add3A_47, %sign3A_63 : i32
      %sign3A_65 = arith.extui %sign3A_64 : i1 to i32
      %sign3A_66 = arith.subi %sign3A_62, %sign3A_65 : i32
      %sign3A_67 = arith.constant 0 : i32
      %sign3A_68 = arith.cmpi sgt, %jit3A, %sign3A_67 : i32
      %sign3A_69 = arith.extui %sign3A_68 : i1 to i32
      %sign3A_70 = arith.constant 0 : i32
      %sign3A_71 = arith.cmpi slt, %jit3A, %sign3A_70 : i32
      %sign3A_72 = arith.extui %sign3A_71 : i1 to i32
      %sign3A_73 = arith.subi %sign3A_69, %sign3A_72 : i32
      %ne3A = arith.cmpi ne, %sign3A_66, %sign3A_73 : i32
      %rem3A_74 = arith.remsi %add3A_47, %jit3A : i32
      %ne3A_75 = arith.constant 0 : i32
      %ne3A_76 = arith.cmpi ne, %rem3A_74, %ne3A_75 : i32
      %and3A = arith.andi %ne3A, %ne3A_76 : i1
      %sub3A = arith.constant 1 : i32
      %sub3A_77 = arith.subi %div3A, %sub3A : i32
      %select_n3A = arith.select %and3A, %sub3A_77, %div3A : i32
      %get3A = arith.index_cast %select_n3A : i32 to index
      %get3A_78 = arith.constant 0 : index
      %get3A_79 = tpu.vector_load %arg9[%get3A, %get3A_78] {strides = array<i32>} : memref<8x768xf32, #tpu.memory_space<vmem>>, vector<1x16xf32>,
      %get3A_80 = vector.shape_cast %get3A_79 : vector<1x16xf32> to vector<16xf32>
      %get3A_81 = arith.index_cast %select_n3A : i32 to index
      %get3A_82 = arith.constant 16 : index
      %get3A_83 = tpu.vector_load %arg9[%get3A_81, %get3A_82] {strides = array<i32>} : memref<8x768xf32, #tpu.memory_space<vmem>>, vector<1x16xf32>,
      %get3A_84 = vector.shape_cast %get3A_83 : vector<1x16xf32> to vector<16xf32>
      %get3A_85 = arith.index_cast %select_n3A : i32 to index
      %get3A_86 = arith.constant 32 : index
      %get3A_87 = tpu.vector_load %arg9[%get3A_85, %get3A_86] {strides = array<i32>} : memref<8x768xf32, #tpu.memory_space<vmem>>, vector<1x16xf32>,
      %get3A_88 = vector.shape_cast %get3A_87 : vector<1x16xf32> to vector<16xf32>
      %get3A_89 = arith.index_cast %select_n3A : i32 to index
      %get3A_90 = arith.constant 48 : index
      %get3A_91 = tpu.vector_load %arg9[%get3A_89, %get3A_90] {strides = array<i32>} : memref<8x768xf32, #tpu.memory_space<vmem>>, vector<1x16xf32>,
      %get3A_92 = vector.shape_cast %get3A_91 : vector<1x16xf32> to vector<16xf32>
      %get3A_93 = arith.index_cast %select_n3A : i32 to index
      %get3A_94 = arith.constant 64 : index
      %get3A_95 = tpu.vector_load %arg9[%get3A_93, %get3A_94] {strides = array<i32>} : memref<8x768xf32, #tpu.memory_space<vmem>>, vector<1x16xf32>,
      %get3A_96 = vector.shape_cast %get3A_95 : vector<1x16xf32> to vector<16xf32>
      %get3A_97 = arith.index_cast %select_n3A : i32 to index
      %get3A_98 = arith.constant 80 : index
      %get3A_99 = tpu.vector_load %arg9[%get3A_97, %get3A_98] {strides = array<i32>} : memref<8x768xf32, #tpu.memory_space<vmem>>, vector<1x16xf32>,
      %get3A_100 = vector.shape_cast %get3A_99 : vector<1x16xf32> to vector<16xf32>
      %get3A_101 = arith.index_cast %select_n3A : i32 to index
      %get3A_102 = arith.constant 96 : index
      %get3A_103 = tpu.vector_load %arg9[%get3A_101, %get3A_102] {strides = array<i32>} : memref<8x768xf32, #tpu.memory_space<vmem>>, vector<1x16xf32>,
      %get3A_104 = vector.shape_cast %get3A_103 : vector<1x16xf32> to vector<16xf32>
      %get3A_105 = arith.index_cast %select_n3A : i32 to index
      %get3A_106 = arith.constant 112 : index
      %get3A_107 = tpu.vector_load %arg9[%get3A_105, %get3A_106] {strides = array<i32>} : memref<8x768xf32, #tpu.memory_space<vmem>>, vector<1x16xf32>,
      %get3A_108 = vector.shape_cast %get3A_107 : vector<1x16xf32> to vector<16xf32>
      %get3A_109 = arith.index_cast %select_n3A : i32 to index
      %get3A_110 = arith.constant 128 : index
      %get3A_111 = tpu.vector_load %arg9[%get3A_109, %get3A_110] {strides = array<i32>} : memref<8x768xf32, #tpu.memory_space<vmem>>, vector<1x16xf32>,
      %get3A_112 = vector.shape_cast %get3A_111 : vector<1x16xf32> to vector<16xf32>
      %get3A_113 = arith.index_cast %select_n3A : i32 to index
      %get3A_114 = arith.constant 144 : index
      %get3A_115 = tpu.vector_load %arg9[%get3A_113, %get3A_114] {strides = array<i32>} : memref<8x768xf32, #tpu.memory_space<vmem>>, vector<1x16xf32>,
      %get3A_116 = vector.shape_cast %get3A_115 : vector<1x16xf32> to vector<16xf32>
      %get3A_117 = arith.index_cast %select_n3A : i32 to index
      %get3A_118 = arith.constant 160 : index
      %get3A_119 = tpu.vector_load %arg9[%get3A_117, %get3A_118] {strides = array<i32>} : memref<8x768xf32, #tpu.memory_space<vmem>>, vector<1x16xf32>,
      %get3A_120 = vector.shape_cast %get3A_119 : vector<1x16xf32> to vector<16xf32>
      %get3A_121 = arith.index_cast %select_n3A : i32 to index
      %get3A_122 = arith.constant 176 : index
      %get3A_123 = tpu.vector_load %arg9[%get3A_121, %get3A_122] {strides = array<i32>} : memref<8x768xf32, #tpu.memory_space<vmem>>, vector<1x16xf32>,
      %get3A_124 = vector.shape_cast %get3A_123 : vector<1x16xf32> to vector<16xf32>
      %get3A_125 = arith.index_cast %select_n3A : i32 to index
      %get3A_126 = arith.constant 192 : index
      %get3A_127 = tpu.vector_load %arg9[%get3A_125, %get3A_126] {strides = array<i32>} : memref<8x768xf32, #tpu.memory_space<vmem>>, vector<1x16xf32>,
      %get3A_128 = vector.shape_cast %get3A_127 : vector<1x16xf32> to vector<16xf32>
      %get3A_129 = arith.index_cast %select_n3A : i32 to index
      %get3A_130 = arith.constant 208 : index
      %get3A_131 = tpu.vector_load %arg9[%get3A_129, %get3A_130] {strides = array<i32>} : memref<8x768xf32, #tpu.memory_space<vmem>>, vector<1x16xf32>,
      %get3A_132 = vector.shape_cast %get3A_131 : vector<1x16xf32> to vector<16xf32>
      %get3A_133 = arith.index_cast %select_n3A : i32 to index
      %get3A_134 = arith.constant 224 : index
      %get3A_135 = tpu.vector_load %arg9[%get3A_133, %get3A_134] {strides = array<i32>} : memref<8x768xf32, #tpu.memory_space<vmem>>, vector<1x16xf32>,
      %get3A_136 = vector.shape_cast %get3A_135 : vector<1x16xf32> to vector<16xf32>
      %get3A_137 = arith.index_cast %select_n3A : i32 to index
      %get3A_138 = arith.constant 240 : index
      %get3A_139 = tpu.vector_load %arg9[%get3A_137, %get3A_138] {strides = array<i32>} : memref<8x768xf32, #tpu.memory_space<vmem>>, vector<1x16xf32>,
      %get3A_140 = vector.shape_cast %get3A_139 : vector<1x16xf32> to vector<16xf32>
      %get3A_141 = arith.index_cast %select_n3A : i32 to index
      %get3A_142 = arith.constant 256 : index
      %get3A_143 = tpu.vector_load %arg9[%get3A_141, %get3A_142] {strides = array<i32>} : memref<8x768xf32, #tpu.memory_space<vmem>>, vector<1x16xf32>,
      %get3A_144 = vector.shape_cast %get3A_143 : vector<1x16xf32> to vector<16xf32>
      %get3A_145 = arith.index_cast %select_n3A : i32 to index
      %get3A_146 = arith.constant 272 : index
      %get3A_147 = tpu.vector_load %arg9[%get3A_145, %get3A_146] {strides = array<i32>} : memref<8x768xf32, #tpu.memory_space<vmem>>, vector<1x16xf32>,
      %get3A_148 = vector.shape_cast %get3A_147 : vector<1x16xf32> to vector<16xf32>
      %get3A_149 = arith.index_cast %select_n3A : i32 to index
      %get3A_150 = arith.constant 288 : index
      %get3A_151 = tpu.vector_load %arg9[%get3A_149, %get3A_150] {strides = array<i32>} : memref<8x768xf32, #tpu.memory_space<vmem>>, vector<1x16xf32>,
      %get3A_152 = vector.shape_cast %get3A_151 : vector<1x16xf32> to vector<16xf32>
      %get3A_153 = arith.index_cast %select_n3A : i32 to index
      %get3A_154 = arith.constant 304 : index
      %get3A_155 = tpu.vector_load %arg9[%get3A_153, %get3A_154] {strides = array<i32>} : memref<8x768xf32, #tpu.memory_space<vmem>>, vector<1x16xf32>,
      %get3A_156 = vector.shape_cast %get3A_155 : vector<1x16xf32> to vector<16xf32>
      %get3A_157 = arith.index_cast %select_n3A : i32 to index
      %get3A_158 = arith.constant 320 : index
      %get3A_159 = tpu.vector_load %arg9[%get3A_157, %get3A_158] {strides = array<i32>} : memref<8x768xf32, #tpu.memory_space<vmem>>, vector<1x16xf32>,
      %get3A_160 = vector.shape_cast %get3A_159 : vector<1x16xf32> to vector<16xf32>
      %get3A_161 = arith.index_cast %select_n3A : i32 to index
      %get3A_162 = arith.constant 336 : index
      %get3A_163 = tpu.vector_load %arg9[%get3A_161, %get3A_162] {strides = array<i32>} : memref<8x768xf32, #tpu.memory_space<vmem>>, vector<1x16xf32>,
      %get3A_164 = vector.shape_cast %get3A_163 : vector<1x16xf32> to vector<16xf32>
      %get3A_165 = arith.index_cast %select_n3A : i32 to index
      %get3A_166 = arith.constant 352 : index
      %get3A_167 = tpu.vector_load %arg9[%get3A_165, %get3A_166] {strides = array<i32>} : memref<8x768xf32, #tpu.memory_space<vmem>>, vector<1x16xf32>,
      %get3A_168 = vector.shape_cast %get3A_167 : vector<1x16xf32> to vector<16xf32>
      %get3A_169 = arith.index_cast %select_n3A : i32 to index
      %get3A_170 = arith.constant 368 : index
      %get3A_171 = tpu.vector_load %arg9[%get3A_169, %get3A_170] {strides = array<i32>} : memref<8x768xf32, #tpu.memory_space<vmem>>, vector<1x16xf32>,
      %get3A_172 = vector.shape_cast %get3A_171 : vector<1x16xf32> to vector<16xf32>
      %get3A_173 = arith.index_cast %select_n3A : i32 to index
      %get3A_174 = arith.constant 384 : index
      %get3A_175 = tpu.vector_load %arg9[%get3A_173, %get3A_174] {strides = array<i32>} : memref<8x768xf32, #tpu.memory_space<vmem>>, vector<1x16xf32>,
      %get3A_176 = vector.shape_cast %get3A_175 : vector<1x16xf32> to vector<16xf32>
      %get3A_177 = arith.index_cast %select_n3A : i32 to index
      %get3A_178 = arith.constant 400 : index
      %get3A_179 = tpu.vector_load %arg9[%get3A_177, %get3A_178] {strides = array<i32>} : memref<8x768xf32, #tpu.memory_space<vmem>>, vector<1x16xf32>,
      %get3A_180 = vector.shape_cast %get3A_179 : vector<1x16xf32> to vector<16xf32>
      %get3A_181 = arith.index_cast %select_n3A : i32 to index
      %get3A_182 = arith.constant 416 : index
      %get3A_183 = tpu.vector_load %arg9[%get3A_181, %get3A_182] {strides = array<i32>} : memref<8x768xf32, #tpu.memory_space<vmem>>, vector<1x16xf32>,
      %get3A_184 = vector.shape_cast %get3A_183 : vector<1x16xf32> to vector<16xf32>
      %get3A_185 = arith.index_cast %select_n3A : i32 to index
      %get3A_186 = arith.constant 432 : index
      %get3A_187 = tpu.vector_load %arg9[%get3A_185, %get3A_186] {strides = array<i32>} : memref<8x768xf32, #tpu.memory_space<vmem>>, vector<1x16xf32>,
      %get3A_188 = vector.shape_cast %get3A_187 : vector<1x16xf32> to vector<16xf32>
      %get3A_189 = arith.index_cast %select_n3A : i32 to index
      %get3A_190 = arith.constant 448 : index
      %get3A_191 = tpu.vector_load %arg9[%get3A_189, %get3A_190] {strides = array<i32>} : memref<8x768xf32, #tpu.memory_space<vmem>>, vector<1x16xf32>,
      %get3A_192 = vector.shape_cast %get3A_191 : vector<1x16xf32> to vector<16xf32>
      %get3A_193 = arith.index_cast %select_n3A : i32 to index
      %get3A_194 = arith.constant 464 : index
      %get3A_195 = tpu.vector_load %arg9[%get3A_193, %get3A_194] {strides = array<i32>} : memref<8x768xf32, #tpu.memory_space<vmem>>, vector<1x16xf32>,
      %get3A_196 = vector.shape_cast %get3A_195 : vector<1x16xf32> to vector<16xf32>
      %get3A_197 = arith.index_cast %select_n3A : i32 to index
      %get3A_198 = arith.constant 480 : index
      %get3A_199 = tpu.vector_load %arg9[%get3A_197, %get3A_198] {strides = array<i32>} : memref<8x768xf32, #tpu.memory_space<vmem>>, vector<1x16xf32>,
      %get3A_200 = vector.shape_cast %get3A_199 : vector<1x16xf32> to vector<16xf32>
      %get3A_201 = arith.index_cast %select_n3A : i32 to index
      %get3A_202 = arith.constant 496 : index
      %get3A_203 = tpu.vector_load %arg9[%get3A_201, %get3A_202] {strides = array<i32>} : memref<8x768xf32, #tpu.memory_space<vmem>>, vector<1x16xf32>,
      %get3A_204 = vector.shape_cast %get3A_203 : vector<1x16xf32> to vector<16xf32>
      %get3A_205 = arith.index_cast %select_n3A : i32 to index
      %get3A_206 = arith.constant 512 : index
      %get3A_207 = tpu.vector_load %arg9[%get3A_205, %get3A_206] {strides = array<i32>} : memref<8x768xf32, #tpu.memory_space<vmem>>, vector<1x16xf32>,
      %get3A_208 = vector.shape_cast %get3A_207 : vector<1x16xf32> to vector<16xf32>
      %get3A_209 = arith.index_cast %select_n3A : i32 to index
      %get3A_210 = arith.constant 528 : index
      %get3A_211 = tpu.vector_load %arg9[%get3A_209, %get3A_210] {strides = array<i32>} : memref<8x768xf32, #tpu.memory_space<vmem>>, vector<1x16xf32>,
      %get3A_212 = vector.shape_cast %get3A_211 : vector<1x16xf32> to vector<16xf32>
      %get3A_213 = arith.index_cast %select_n3A : i32 to index
      %get3A_214 = arith.constant 544 : index
      %get3A_215 = tpu.vector_load %arg9[%get3A_213, %get3A_214] {strides = array<i32>} : memref<8x768xf32, #tpu.memory_space<vmem>>, vector<1x16xf32>,
      %get3A_216 = vector.shape_cast %get3A_215 : vector<1x16xf32> to vector<16xf32>
      %get3A_217 = arith.index_cast %select_n3A : i32 to index
      %get3A_218 = arith.constant 560 : index
      %get3A_219 = tpu.vector_load %arg9[%get3A_217, %get3A_218] {strides = array<i32>} : memref<8x768xf32, #tpu.memory_space<vmem>>, vector<1x16xf32>,
      %get3A_220 = vector.shape_cast %get3A_219 : vector<1x16xf32> to vector<16xf32>
      %get3A_221 = arith.index_cast %select_n3A : i32 to index
      %get3A_222 = arith.constant 576 : index
      %get3A_223 = tpu.vector_load %arg9[%get3A_221, %get3A_222] {strides = array<i32>} : memref<8x768xf32, #tpu.memory_space<vmem>>, vector<1x16xf32>,
      %get3A_224 = vector.shape_cast %get3A_223 : vector<1x16xf32> to vector<16xf32>
      %get3A_225 = arith.index_cast %select_n3A : i32 to index
      %get3A_226 = arith.constant 592 : index
      %get3A_227 = tpu.vector_load %arg9[%get3A_225, %get3A_226] {strides = array<i32>} : memref<8x768xf32, #tpu.memory_space<vmem>>, vector<1x16xf32>,
      %get3A_228 = vector.shape_cast %get3A_227 : vector<1x16xf32> to vector<16xf32>
      %get3A_229 = arith.index_cast %select_n3A : i32 to index
      %get3A_230 = arith.constant 608 : index
      %get3A_231 = tpu.vector_load %arg9[%get3A_229, %get3A_230] {strides = array<i32>} : memref<8x768xf32, #tpu.memory_space<vmem>>, vector<1x16xf32>,
      %get3A_232 = vector.shape_cast %get3A_231 : vector<1x16xf32> to vector<16xf32>
      %get3A_233 = arith.index_cast %select_n3A : i32 to index
      %get3A_234 = arith.constant 624 : index
      %get3A_235 = tpu.vector_load %arg9[%get3A_233, %get3A_234] {strides = array<i32>} : memref<8x768xf32, #tpu.memory_space<vmem>>, vector<1x16xf32>,
      %get3A_236 = vector.shape_cast %get3A_235 : vector<1x16xf32> to vector<16xf32>
      %get3A_237 = arith.index_cast %select_n3A : i32 to index
      %get3A_238 = arith.constant 640 : index
      %get3A_239 = tpu.vector_load %arg9[%get3A_237, %get3A_238] {strides = array<i32>} : memref<8x768xf32, #tpu.memory_space<vmem>>, vector<1x16xf32>,
      %get3A_240 = vector.shape_cast %get3A_239 : vector<1x16xf32> to vector<16xf32>
      %get3A_241 = arith.index_cast %select_n3A : i32 to index
      %get3A_242 = arith.constant 656 : index
      %get3A_243 = tpu.vector_load %arg9[%get3A_241, %get3A_242] {strides = array<i32>} : memref<8x768xf32, #tpu.memory_space<vmem>>, vector<1x16xf32>,
      %get3A_244 = vector.shape_cast %get3A_243 : vector<1x16xf32> to vector<16xf32>
      %get3A_245 = arith.index_cast %select_n3A : i32 to index
      %get3A_246 = arith.constant 672 : index
      %get3A_247 = tpu.vector_load %arg9[%get3A_245, %get3A_246] {strides = array<i32>} : memref<8x768xf32, #tpu.memory_space<vmem>>, vector<1x16xf32>,
      %get3A_248 = vector.shape_cast %get3A_247 : vector<1x16xf32> to vector<16xf32>
      %get3A_249 = arith.index_cast %select_n3A : i32 to index
      %get3A_250 = arith.constant 688 : index
      %get3A_251 = tpu.vector_load %arg9[%get3A_249, %get3A_250] {strides = array<i32>} : memref<8x768xf32, #tpu.memory_space<vmem>>, vector<1x16xf32>,
      %get3A_252 = vector.shape_cast %get3A_251 : vector<1x16xf32> to vector<16xf32>
      %get3A_253 = arith.index_cast %select_n3A : i32 to index
      %get3A_254 = arith.constant 704 : index
      %get3A_255 = tpu.vector_load %arg9[%get3A_253, %get3A_254] {strides = array<i32>} : memref<8x768xf32, #tpu.memory_space<vmem>>, vector<1x16xf32>,
      %get3A_256 = vector.shape_cast %get3A_255 : vector<1x16xf32> to vector<16xf32>
      %get3A_257 = arith.index_cast %select_n3A : i32 to index
      %get3A_258 = arith.constant 720 : index
      %get3A_259 = tpu.vector_load %arg9[%get3A_257, %get3A_258] {strides = array<i32>} : memref<8x768xf32, #tpu.memory_space<vmem>>, vector<1x16xf32>,
      %get3A_260 = vector.shape_cast %get3A_259 : vector<1x16xf32> to vector<16xf32>
      %get3A_261 = arith.index_cast %select_n3A : i32 to index
      %get3A_262 = arith.constant 736 : index
      %get3A_263 = tpu.vector_load %arg9[%get3A_261, %get3A_262] {strides = array<i32>} : memref<8x768xf32, #tpu.memory_space<vmem>>, vector<1x16xf32>,
      %get3A_264 = vector.shape_cast %get3A_263 : vector<1x16xf32> to vector<16xf32>
      %get3A_265 = arith.index_cast %select_n3A : i32 to index
      %get3A_266 = arith.constant 752 : index
      %get3A_267 = tpu.vector_load %arg9[%get3A_265, %get3A_266] {strides = array<i32>} : memref<8x768xf32, #tpu.memory_space<vmem>>, vector<1x16xf32>,
      %get3A_268 = vector.shape_cast %get3A_267 : vector<1x16xf32> to vector<16xf32>
      %scan3A_269 = arith.constant 0 : i32
      %scan3A_270 = arith.constant 0 : i32
      %scan3A_271 = arith.constant 40 : i32
      %scan3A_272 = arith.addi %scan3A_270, %scan3A_271 : i32
      %scan3A_273 = arith.constant 1 : i32
      scf.for %scan3A_1034 = %scan3A_270 to %scan3A_272 step %scan3A_273  : i32 {
        %get3A_1035 = arith.index_cast %scan3A_1034 : i32 to index
        %get3A_1036 = arith.constant 0 : index
        %get3A_1037 = tpu.vector_load %arg10[%get3A_1035, %get3A_1036] {strides = array<i32>} : memref<40x768xf32, #tpu.memory_space<vmem>>, vector<1x16xf32>,
        %get3A_1038 = vector.shape_cast %get3A_1037 : vector<1x16xf32> to vector<16xf32>
        %add3A_1039 = arith.addf %get3A_1038, %get3A_80 : vector<16xf32>
        %swap3A = arith.index_cast %scan3A_1034 : i32 to index
        %swap3A_1040 = arith.constant 0 : index
        %swap3A_1041 = tpu.vector_load %arg10[%swap3A, %swap3A_1040] {strides = array<i32>} : memref<40x768xf32, #tpu.memory_space<vmem>>, vector<1x16xf32>,
        %swap3A_1042 = vector.shape_cast %swap3A_1041 : vector<1x16xf32> to vector<16xf32>
        %swap3A_1043 = vector.shape_cast %add3A_1039 : vector<16xf32> to vector<1x16xf32>
        tpu.vector_store %arg10[%swap3A, %swap3A_1040], %swap3A_1043 {strides = array<i32>} : memref<40x768xf32, #tpu.memory_space<vmem>>, vector<1x16xf32>,
        %get3A_1044 = arith.index_cast %scan3A_1034 : i32 to index
        %get3A_1045 = arith.constant 16 : index
        %get3A_1046 = tpu.vector_load %arg10[%get3A_1044, %get3A_1045] {strides = array<i32>} : memref<40x768xf32, #tpu.memory_space<vmem>>, vector<1x16xf32>,
        %get3A_1047 = vector.shape_cast %get3A_1046 : vector<1x16xf32> to vector<16xf32>
        %add3A_1048 = arith.addf %get3A_1047, %get3A_84 : vector<16xf32>
        %swap3A_1049 = arith.index_cast %scan3A_1034 : i32 to index
        %swap3A_1050 = arith.constant 16 : index
        %swap3A_1051 = tpu.vector_load %arg10[%swap3A_1049, %swap3A_1050] {strides = array<i32>} : memref<40x768xf32, #tpu.memory_space<vmem>>, vector<1x16xf32>,
        %swap3A_1052 = vector.shape_cast %swap3A_1051 : vector<1x16xf32> to vector<16xf32>
        %swap3A_1053 = vector.shape_cast %add3A_1048 : vector<16xf32> to vector<1x16xf32>
        tpu.vector_store %arg10[%swap3A_1049, %swap3A_1050], %swap3A_1053 {strides = array<i32>} : memref<40x768xf32, #tpu.memory_space<vmem>>, vector<1x16xf32>,
        %get3A_1054 = arith.index_cast %scan3A_1034 : i32 to index
        %get3A_1055 = arith.constant 32 : index
        %get3A_1056 = tpu.vector_load %arg10[%get3A_1054, %get3A_1055] {strides = array<i32>} : memref<40x768xf32, #tpu.memory_space<vmem>>, vector<1x16xf32>,
        %get3A_1057 = vector.shape_cast %get3A_1056 : vector<1x16xf32> to vector<16xf32>
        %add3A_1058 = arith.addf %get3A_1057, %get3A_88 : vector<16xf32>
        %swap3A_1059 = arith.index_cast %scan3A_1034 : i32 to index
        %swap3A_1060 = arith.constant 32 : index
        %swap3A_1061 = tpu.vector_load %arg10[%swap3A_1059, %swap3A_1060] {strides = array<i32>} : memref<40x768xf32, #tpu.memory_space<vmem>>, vector<1x16xf32>,
        %swap3A_1062 = vector.shape_cast %swap3A_1061 : vector<1x16xf32> to vector<16xf32>
        %swap3A_1063 = vector.shape_cast %add3A_1058 : vector<16xf32> to vector<1x16xf32>
        tpu.vector_store %arg10[%swap3A_1059, %swap3A_1060], %swap3A_1063 {strides = array<i32>} : memref<40x768xf32, #tpu.memory_space<vmem>>, vector<1x16xf32>,
        %get3A_1064 = arith.index_cast %scan3A_1034 : i32 to index
        %get3A_1065 = arith.constant 48 : index
        %get3A_1066 = tpu.vector_load %arg10[%get3A_1064, %get3A_1065] {strides = array<i32>} : memref<40x768xf32, #tpu.memory_space<vmem>>, vector<1x16xf32>,
        %get3A_1067 = vector.shape_cast %get3A_1066 : vector<1x16xf32> to vector<16xf32>
        %add3A_1068 = arith.addf %get3A_1067, %get3A_92 : vector<16xf32>
        %swap3A_1069 = arith.index_cast %scan3A_1034 : i32 to index
        %swap3A_1070 = arith.constant 48 : index
        %swap3A_1071 = tpu.vector_load %arg10[%swap3A_1069, %swap3A_1070] {strides = array<i32>} : memref<40x768xf32, #tpu.memory_space<vmem>>, vector<1x16xf32>,
        %swap3A_1072 = vector.shape_cast %swap3A_1071 : vector<1x16xf32> to vector<16xf32>
        %swap3A_1073 = vector.shape_cast %add3A_1068 : vector<16xf32> to vector<1x16xf32>
        tpu.vector_store %arg10[%swap3A_1069, %swap3A_1070], %swap3A_1073 {strides = array<i32>} : memref<40x768xf32, #tpu.memory_space<vmem>>, vector<1x16xf32>,
        %get3A_1074 = arith.index_cast %scan3A_1034 : i32 to index
        %get3A_1075 = arith.constant 64 : index
        %get3A_1076 = tpu.vector_load %arg10[%get3A_1074, %get3A_1075] {strides = array<i32>} : memref<40x768xf32, #tpu.memory_space<vmem>>, vector<1x16xf32>,
        %get3A_1077 = vector.shape_cast %get3A_1076 : vector<1x16xf32> to vector<16xf32>
        %add3A_1078 = arith.addf %get3A_1077, %get3A_96 : vector<16xf32>
        %swap3A_1079 = arith.index_cast %scan3A_1034 : i32 to index
        %swap3A_1080 = arith.constant 64 : index
        %swap3A_1081 = tpu.vector_load %arg10[%swap3A_1079, %swap3A_1080] {strides = array<i32>} : memref<40x768xf32, #tpu.memory_space<vmem>>, vector<1x16xf32>,
        %swap3A_1082 = vector.shape_cast %swap3A_1081 : vector<1x16xf32> to vector<16xf32>
        %swap3A_1083 = vector.shape_cast %add3A_1078 : vector<16xf32> to vector<1x16xf32>
        tpu.vector_store %arg10[%swap3A_1079, %swap3A_1080], %swap3A_1083 {strides = array<i32>} : memref<40x768xf32, #tpu.memory_space<vmem>>, vector<1x16xf32>,
        %get3A_1084 = arith.index_cast %scan3A_1034 : i32 to index
        %get3A_1085 = arith.constant 80 : index
        %get3A_1086 = tpu.vector_load %arg10[%get3A_1084, %get3A_1085] {strides = array<i32>} : memref<40x768xf32, #tpu.memory_space<vmem>>, vector<1x16xf32>,
        %get3A_1087 = vector.shape_cast %get3A_1086 : vector<1x16xf32> to vector<16xf32>
        %add3A_1088 = arith.addf %get3A_1087, %get3A_100 : vector<16xf32>
        %swap3A_1089 = arith.index_cast %scan3A_1034 : i32 to index
        %swap3A_1090 = arith.constant 80 : index
        %swap3A_1091 = tpu.vector_load %arg10[%swap3A_1089, %swap3A_1090] {strides = array<i32>} : memref<40x768xf32, #tpu.memory_space<vmem>>, vector<1x16xf32>,
        %swap3A_1092 = vector.shape_cast %swap3A_1091 : vector<1x16xf32> to vector<16xf32>
        %swap3A_1093 = vector.shape_cast %add3A_1088 : vector<16xf32> to vector<1x16xf32>
        tpu.vector_store %arg10[%swap3A_1089, %swap3A_1090], %swap3A_1093 {strides = array<i32>} : memref<40x768xf32, #tpu.memory_space<vmem>>, vector<1x16xf32>,
        %get3A_1094 = arith.index_cast %scan3A_1034 : i32 to index
        %get3A_1095 = arith.constant 96 : index
        %get3A_1096 = tpu.vector_load %arg10[%get3A_1094, %get3A_1095] {strides = array<i32>} : memref<40x768xf32, #tpu.memory_space<vmem>>, vector<1x16xf32>,
        %get3A_1097 = vector.shape_cast %get3A_1096 : vector<1x16xf32> to vector<16xf32>
        %add3A_1098 = arith.addf %get3A_1097, %get3A_104 : vector<16xf32>
        %swap3A_1099 = arith.index_cast %scan3A_1034 : i32 to index
        %swap3A_1100 = arith.constant 96 : index
        %swap3A_1101 = tpu.vector_load %arg10[%swap3A_1099, %swap3A_1100] {strides = array<i32>} : memref<40x768xf32, #tpu.memory_space<vmem>>, vector<1x16xf32>,
        %swap3A_1102 = vector.shape_cast %swap3A_1101 : vector<1x16xf32> to vector<16xf32>
        %swap3A_1103 = vector.shape_cast %add3A_1098 : vector<16xf32> to vector<1x16xf32>
        tpu.vector_store %arg10[%swap3A_1099, %swap3A_1100], %swap3A_1103 {strides = array<i32>} : memref<40x768xf32, #tpu.memory_space<vmem>>, vector<1x16xf32>,
        %get3A_1104 = arith.index_cast %scan3A_1034 : i32 to index
        %get3A_1105 = arith.constant 112 : index
        %get3A_1106 = tpu.vector_load %arg10[%get3A_1104, %get3A_1105] {strides = array<i32>} : memref<40x768xf32, #tpu.memory_space<vmem>>, vector<1x16xf32>,
        %get3A_1107 = vector.shape_cast %get3A_1106 : vector<1x16xf32> to vector<16xf32>
        %add3A_1108 = arith.addf %get3A_1107, %get3A_108 : vector<16xf32>
        %swap3A_1109 = arith.index_cast %scan3A_1034 : i32 to index
        %swap3A_1110 = arith.constant 112 : index
        %swap3A_1111 = tpu.vector_load %arg10[%swap3A_1109, %swap3A_1110] {strides = array<i32>} : memref<40x768xf32, #tpu.memory_space<vmem>>, vector<1x16xf32>,
        %swap3A_1112 = vector.shape_cast %swap3A_1111 : vector<1x16xf32> to vector<16xf32>
        %swap3A_1113 = vector.shape_cast %add3A_1108 : vector<16xf32> to vector<1x16xf32>
        tpu.vector_store %arg10[%swap3A_1109, %swap3A_1110], %swap3A_1113 {strides = array<i32>} : memref<40x768xf32, #tpu.memory_space<vmem>>, vector<1x16xf32>,
        %get3A_1114 = arith.index_cast %scan3A_1034 : i32 to index
        %get3A_1115 = arith.constant 128 : index
        %get3A_1116 = tpu.vector_load %arg10[%get3A_1114, %get3A_1115] {strides = array<i32>} : memref<40x768xf32, #tpu.memory_space<vmem>>, vector<1x16xf32>,
        %get3A_1117 = vector.shape_cast %get3A_1116 : vector<1x16xf32> to vector<16xf32>
        %add3A_1118 = arith.addf %get3A_1117, %get3A_112 : vector<16xf32>
        %swap3A_1119 = arith.index_cast %scan3A_1034 : i32 to index
        %swap3A_1120 = arith.constant 128 : index
        %swap3A_1121 = tpu.vector_load %arg10[%swap3A_1119, %swap3A_1120] {strides = array<i32>} : memref<40x768xf32, #tpu.memory_space<vmem>>, vector<1x16xf32>,
        %swap3A_1122 = vector.shape_cast %swap3A_1121 : vector<1x16xf32> to vector<16xf32>
        %swap3A_1123 = vector.shape_cast %add3A_1118 : vector<16xf32> to vector<1x16xf32>
        tpu.vector_store %arg10[%swap3A_1119, %swap3A_1120], %swap3A_1123 {strides = array<i32>} : memref<40x768xf32, #tpu.memory_space<vmem>>, vector<1x16xf32>,
        %get3A_1124 = arith.index_cast %scan3A_1034 : i32 to index
        %get3A_1125 = arith.constant 144 : index
        %get3A_1126 = tpu.vector_load %arg10[%get3A_1124, %get3A_1125] {strides = array<i32>} : memref<40x768xf32, #tpu.memory_space<vmem>>, vector<1x16xf32>,
        %get3A_1127 = vector.shape_cast %get3A_1126 : vector<1x16xf32> to vector<16xf32>
        %add3A_1128 = arith.addf %get3A_1127, %get3A_116 : vector<16xf32>
        %swap3A_1129 = arith.index_cast %scan3A_1034 : i32 to index
        %swap3A_1130 = arith.constant 144 : index
        %swap3A_1131 = tpu.vector_load %arg10[%swap3A_1129, %swap3A_1130] {strides = array<i32>} : memref<40x768xf32, #tpu.memory_space<vmem>>, vector<1x16xf32>,
        %swap3A_1132 = vector.shape_cast %swap3A_1131 : vector<1x16xf32> to vector<16xf32>
        %swap3A_1133 = vector.shape_cast %add3A_1128 : vector<16xf32> to vector<1x16xf32>
        tpu.vector_store %arg10[%swap3A_1129, %swap3A_1130], %swap3A_1133 {strides = array<i32>} : memref<40x768xf32, #tpu.memory_space<vmem>>, vector<1x16xf32>,
        %get3A_1134 = arith.index_cast %scan3A_1034 : i32 to index
        %get3A_1135 = arith.constant 160 : index
        %get3A_1136 = tpu.vector_load %arg10[%get3A_1134, %get3A_1135] {strides = array<i32>} : memref<40x768xf32, #tpu.memory_space<vmem>>, vector<1x16xf32>,
        %get3A_1137 = vector.shape_cast %get3A_1136 : vector<1x16xf32> to vector<16xf32>
        %add3A_1138 = arith.addf %get3A_1137, %get3A_120 : vector<16xf32>
        %swap3A_1139 = arith.index_cast %scan3A_1034 : i32 to index
        %swap3A_1140 = arith.constant 160 : index
        %swap3A_1141 = tpu.vector_load %arg10[%swap3A_1139, %swap3A_1140] {strides = array<i32>} : memref<40x768xf32, #tpu.memory_space<vmem>>, vector<1x16xf32>,
        %swap3A_1142 = vector.shape_cast %swap3A_1141 : vector<1x16xf32> to vector<16xf32>
        %swap3A_1143 = vector.shape_cast %add3A_1138 : vector<16xf32> to vector<1x16xf32>
        tpu.vector_store %arg10[%swap3A_1139, %swap3A_1140], %swap3A_1143 {strides = array<i32>} : memref<40x768xf32, #tpu.memory_space<vmem>>, vector<1x16xf32>,
        %get3A_1144 = arith.index_cast %scan3A_1034 : i32 to index
        %get3A_1145 = arith.constant 176 : index
        %get3A_1146 = tpu.vector_load %arg10[%get3A_1144, %get3A_1145] {strides = array<i32>} : memref<40x768xf32, #tpu.memory_space<vmem>>, vector<1x16xf32>,
        %get3A_1147 = vector.shape_cast %get3A_1146 : vector<1x16xf32> to vector<16xf32>
        %add3A_1148 = arith.addf %get3A_1147, %get3A_124 : vector<16xf32>
        %swap3A_1149 = arith.index_cast %scan3A_1034 : i32 to index
        %swap3A_1150 = arith.constant 176 : index
        %swap3A_1151 = tpu.vector_load %arg10[%swap3A_1149, %swap3A_1150] {strides = array<i32>} : memref<40x768xf32, #tpu.memory_space<vmem>>, vector<1x16xf32>,
        %swap3A_1152 = vector.shape_cast %swap3A_1151 : vector<1x16xf32> to vector<16xf32>
        %swap3A_1153 = vector.shape_cast %add3A_1148 : vector<16xf32> to vector<1x16xf32>
        tpu.vector_store %arg10[%swap3A_1149, %swap3A_1150], %swap3A_1153 {strides = array<i32>} : memref<40x768xf32, #tpu.memory_space<vmem>>, vector<1x16xf32>,
        %get3A_1154 = arith.index_cast %scan3A_1034 : i32 to index
        %get3A_1155 = arith.constant 192 : index
        %get3A_1156 = tpu.vector_load %arg10[%get3A_1154, %get3A_1155] {strides = array<i32>} : memref<40x768xf32, #tpu.memory_space<vmem>>, vector<1x16xf32>,
        %get3A_1157 = vector.shape_cast %get3A_1156 : vector<1x16xf32> to vector<16xf32>
        %add3A_1158 = arith.addf %get3A_1157, %get3A_128 : vector<16xf32>
        %swap3A_1159 = arith.index_cast %scan3A_1034 : i32 to index
        %swap3A_1160 = arith.constant 192 : index
        %swap3A_1161 = tpu.vector_load %arg10[%swap3A_1159, %swap3A_1160] {strides = array<i32>} : memref<40x768xf32, #tpu.memory_space<vmem>>, vector<1x16xf32>,
        %swap3A_1162 = vector.shape_cast %swap3A_1161 : vector<1x16xf32> to vector<16xf32>
        %swap3A_1163 = vector.shape_cast %add3A_1158 : vector<16xf32> to vector<1x16xf32>
        tpu.vector_store %arg10[%swap3A_1159, %swap3A_1160], %swap3A_1163 {strides = array<i32>} : memref<40x768xf32, #tpu.memory_space<vmem>>, vector<1x16xf32>,
        %get3A_1164 = arith.index_cast %scan3A_1034 : i32 to index
        %get3A_1165 = arith.constant 208 : index
        %get3A_1166 = tpu.vector_load %arg10[%get3A_1164, %get3A_1165] {strides = array<i32>} : memref<40x768xf32, #tpu.memory_space<vmem>>, vector<1x16xf32>,
        %get3A_1167 = vector.shape_cast %get3A_1166 : vector<1x16xf32> to vector<16xf32>
        %add3A_1168 = arith.addf %get3A_1167, %get3A_132 : vector<16xf32>
        %swap3A_1169 = arith.index_cast %scan3A_1034 : i32 to index
        %swap3A_1170 = arith.constant 208 : index
        %swap3A_1171 = tpu.vector_load %arg10[%swap3A_1169, %swap3A_1170] {strides = array<i32>} : memref<40x768xf32, #tpu.memory_space<vmem>>, vector<1x16xf32>,
        %swap3A_1172 = vector.shape_cast %swap3A_1171 : vector<1x16xf32> to vector<16xf32>
        %swap3A_1173 = vector.shape_cast %add3A_1168 : vector<16xf32> to vector<1x16xf32>
        tpu.vector_store %arg10[%swap3A_1169, %swap3A_1170], %swap3A_1173 {strides = array<i32>} : memref<40x768xf32, #tpu.memory_space<vmem>>, vector<1x16xf32>,
        %get3A_1174 = arith.index_cast %scan3A_1034 : i32 to index
        %get3A_1175 = arith.constant 224 : index
        %get3A_1176 = tpu.vector_load %arg10[%get3A_1174, %get3A_1175] {strides = array<i32>} : memref<40x768xf32, #tpu.memory_space<vmem>>, vector<1x16xf32>,
        %get3A_1177 = vector.shape_cast %get3A_1176 : vector<1x16xf32> to vector<16xf32>
        %add3A_1178 = arith.addf %get3A_1177, %get3A_136 : vector<16xf32>
        %swap3A_1179 = arith.index_cast %scan3A_1034 : i32 to index
        %swap3A_1180 = arith.constant 224 : index
        %swap3A_1181 = tpu.vector_load %arg10[%swap3A_1179, %swap3A_1180] {strides = array<i32>} : memref<40x768xf32, #tpu.memory_space<vmem>>, vector<1x16xf32>,
        %swap3A_1182 = vector.shape_cast %swap3A_1181 : vector<1x16xf32> to vector<16xf32>
        %swap3A_1183 = vector.shape_cast %add3A_1178 : vector<16xf32> to vector<1x16xf32>
        tpu.vector_store %arg10[%swap3A_1179, %swap3A_1180], %swap3A_1183 {strides = array<i32>} : memref<40x768xf32, #tpu.memory_space<vmem>>, vector<1x16xf32>,
        %get3A_1184 = arith.index_cast %scan3A_1034 : i32 to index
        %get3A_1185 = arith.constant 240 : index
        %get3A_1186 = tpu.vector_load %arg10[%get3A_1184, %get3A_1185] {strides = array<i32>} : memref<40x768xf32, #tpu.memory_space<vmem>>, vector<1x16xf32>,
        %get3A_1187 = vector.shape_cast %get3A_1186 : vector<1x16xf32> to vector<16xf32>
        %add3A_1188 = arith.addf %get3A_1187, %get3A_140 : vector<16xf32>
        %swap3A_1189 = arith.index_cast %scan3A_1034 : i32 to index
        %swap3A_1190 = arith.constant 240 : index
        %swap3A_1191 = tpu.vector_load %arg10[%swap3A_1189, %swap3A_1190] {strides = array<i32>} : memref<40x768xf32, #tpu.memory_space<vmem>>, vector<1x16xf32>,
        %swap3A_1192 = vector.shape_cast %swap3A_1191 : vector<1x16xf32> to vector<16xf32>
        %swap3A_1193 = vector.shape_cast %add3A_1188 : vector<16xf32> to vector<1x16xf32>
        tpu.vector_store %arg10[%swap3A_1189, %swap3A_1190], %swap3A_1193 {strides = array<i32>} : memref<40x768xf32, #tpu.memory_space<vmem>>, vector<1x16xf32>,
        %get3A_1194 = arith.index_cast %scan3A_1034 : i32 to index
        %get3A_1195 = arith.constant 256 : index
        %get3A_1196 = tpu.vector_load %arg10[%get3A_1194, %get3A_1195] {strides = array<i32>} : memref<40x768xf32, #tpu.memory_space<vmem>>, vector<1x16xf32>,
        %get3A_1197 = vector.shape_cast %get3A_1196 : vector<1x16xf32> to vector<16xf32>
        %add3A_1198 = arith.addf %get3A_1197, %get3A_144 : vector<16xf32>
        %swap3A_1199 = arith.index_cast %scan3A_1034 : i32 to index
        %swap3A_1200 = arith.constant 256 : index
        %swap3A_1201 = tpu.vector_load %arg10[%swap3A_1199, %swap3A_1200] {strides = array<i32>} : memref<40x768xf32, #tpu.memory_space<vmem>>, vector<1x16xf32>,
        %swap3A_1202 = vector.shape_cast %swap3A_1201 : vector<1x16xf32> to vector<16xf32>
        %swap3A_1203 = vector.shape_cast %add3A_1198 : vector<16xf32> to vector<1x16xf32>
        tpu.vector_store %arg10[%swap3A_1199, %swap3A_1200], %swap3A_1203 {strides = array<i32>} : memref<40x768xf32, #tpu.memory_space<vmem>>, vector<1x16xf32>,
        %get3A_1204 = arith.index_cast %scan3A_1034 : i32 to index
        %get3A_1205 = arith.constant 272 : index
        %get3A_1206 = tpu.vector_load %arg10[%get3A_1204, %get3A_1205] {strides = array<i32>} : memref<40x768xf32, #tpu.memory_space<vmem>>, vector<1x16xf32>,
        %get3A_1207 = vector.shape_cast %get3A_1206 : vector<1x16xf32> to vector<16xf32>
        %add3A_1208 = arith.addf %get3A_1207, %get3A_148 : vector<16xf32>
        %swap3A_1209 = arith.index_cast %scan3A_1034 : i32 to index
        %swap3A_1210 = arith.constant 272 : index
        %swap3A_1211 = tpu.vector_load %arg10[%swap3A_1209, %swap3A_1210] {strides = array<i32>} : memref<40x768xf32, #tpu.memory_space<vmem>>, vector<1x16xf32>,
        %swap3A_1212 = vector.shape_cast %swap3A_1211 : vector<1x16xf32> to vector<16xf32>
        %swap3A_1213 = vector.shape_cast %add3A_1208 : vector<16xf32> to vector<1x16xf32>
        tpu.vector_store %arg10[%swap3A_1209, %swap3A_1210], %swap3A_1213 {strides = array<i32>} : memref<40x768xf32, #tpu.memory_space<vmem>>, vector<1x16xf32>,
        %get3A_1214 = arith.index_cast %scan3A_1034 : i32 to index
        %get3A_1215 = arith.constant 288 : index
        %get3A_1216 = tpu.vector_load %arg10[%get3A_1214, %get3A_1215] {strides = array<i32>} : memref<40x768xf32, #tpu.memory_space<vmem>>, vector<1x16xf32>,
        %get3A_1217 = vector.shape_cast %get3A_1216 : vector<1x16xf32> to vector<16xf32>
        %add3A_1218 = arith.addf %get3A_1217, %get3A_152 : vector<16xf32>
        %swap3A_1219 = arith.index_cast %scan3A_1034 : i32 to index
        %swap3A_1220 = arith.constant 288 : index
        %swap3A_1221 = tpu.vector_load %arg10[%swap3A_1219, %swap3A_1220] {strides = array<i32>} : memref<40x768xf32, #tpu.memory_space<vmem>>, vector<1x16xf32>,
        %swap3A_1222 = vector.shape_cast %swap3A_1221 : vector<1x16xf32> to vector<16xf32>
        %swap3A_1223 = vector.shape_cast %add3A_1218 : vector<16xf32> to vector<1x16xf32>
        tpu.vector_store %arg10[%swap3A_1219, %swap3A_1220], %swap3A_1223 {strides = array<i32>} : memref<40x768xf32, #tpu.memory_space<vmem>>, vector<1x16xf32>,
        %get3A_1224 = arith.index_cast %scan3A_1034 : i32 to index
        %get3A_1225 = arith.constant 304 : index
        %get3A_1226 = tpu.vector_load %arg10[%get3A_1224, %get3A_1225] {strides = array<i32>} : memref<40x768xf32, #tpu.memory_space<vmem>>, vector<1x16xf32>,
        %get3A_1227 = vector.shape_cast %get3A_1226 : vector<1x16xf32> to vector<16xf32>
        %add3A_1228 = arith.addf %get3A_1227, %get3A_156 : vector<16xf32>
        %swap3A_1229 = arith.index_cast %scan3A_1034 : i32 to index
        %swap3A_1230 = arith.constant 304 : index
        %swap3A_1231 = tpu.vector_load %arg10[%swap3A_1229, %swap3A_1230] {strides = array<i32>} : memref<40x768xf32, #tpu.memory_space<vmem>>, vector<1x16xf32>,
        %swap3A_1232 = vector.shape_cast %swap3A_1231 : vector<1x16xf32> to vector<16xf32>
        %swap3A_1233 = vector.shape_cast %add3A_1228 : vector<16xf32> to vector<1x16xf32>
        tpu.vector_store %arg10[%swap3A_1229, %swap3A_1230], %swap3A_1233 {strides = array<i32>} : memref<40x768xf32, #tpu.memory_space<vmem>>, vector<1x16xf32>,
        %get3A_1234 = arith.index_cast %scan3A_1034 : i32 to index
        %get3A_1235 = arith.constant 320 : index
        %get3A_1236 = tpu.vector_load %arg10[%get3A_1234, %get3A_1235] {strides = array<i32>} : memref<40x768xf32, #tpu.memory_space<vmem>>, vector<1x16xf32>,
        %get3A_1237 = vector.shape_cast %get3A_1236 : vector<1x16xf32> to vector<16xf32>
        %add3A_1238 = arith.addf %get3A_1237, %get3A_160 : vector<16xf32>
        %swap3A_1239 = arith.index_cast %scan3A_1034 : i32 to index
        %swap3A_1240 = arith.constant 320 : index
        %swap3A_1241 = tpu.vector_load %arg10[%swap3A_1239, %swap3A_1240] {strides = array<i32>} : memref<40x768xf32, #tpu.memory_space<vmem>>, vector<1x16xf32>,
        %swap3A_1242 = vector.shape_cast %swap3A_1241 : vector<1x16xf32> to vector<16xf32>
        %swap3A_1243 = vector.shape_cast %add3A_1238 : vector<16xf32> to vector<1x16xf32>
        tpu.vector_store %arg10[%swap3A_1239, %swap3A_1240], %swap3A_1243 {strides = array<i32>} : memref<40x768xf32, #tpu.memory_space<vmem>>, vector<1x16xf32>,
        %get3A_1244 = arith.index_cast %scan3A_1034 : i32 to index
        %get3A_1245 = arith.constant 336 : index
        %get3A_1246 = tpu.vector_load %arg10[%get3A_1244, %get3A_1245] {strides = array<i32>} : memref<40x768xf32, #tpu.memory_space<vmem>>, vector<1x16xf32>,
        %get3A_1247 = vector.shape_cast %get3A_1246 : vector<1x16xf32> to vector<16xf32>
        %add3A_1248 = arith.addf %get3A_1247, %get3A_164 : vector<16xf32>
        %swap3A_1249 = arith.index_cast %scan3A_1034 : i32 to index
        %swap3A_1250 = arith.constant 336 : index
        %swap3A_1251 = tpu.vector_load %arg10[%swap3A_1249, %swap3A_1250] {strides = array<i32>} : memref<40x768xf32, #tpu.memory_space<vmem>>, vector<1x16xf32>,
        %swap3A_1252 = vector.shape_cast %swap3A_1251 : vector<1x16xf32> to vector<16xf32>
        %swap3A_1253 = vector.shape_cast %add3A_1248 : vector<16xf32> to vector<1x16xf32>
        tpu.vector_store %arg10[%swap3A_1249, %swap3A_1250], %swap3A_1253 {strides = array<i32>} : memref<40x768xf32, #tpu.memory_space<vmem>>, vector<1x16xf32>,
        %get3A_1254 = arith.index_cast %scan3A_1034 : i32 to index
        %get3A_1255 = arith.constant 352 : index
        %get3A_1256 = tpu.vector_load %arg10[%get3A_1254, %get3A_1255] {strides = array<i32>} : memref<40x768xf32, #tpu.memory_space<vmem>>, vector<1x16xf32>,
        %get3A_1257 = vector.shape_cast %get3A_1256 : vector<1x16xf32> to vector<16xf32>
        %add3A_1258 = arith.addf %get3A_1257, %get3A_168 : vector<16xf32>
        %swap3A_1259 = arith.index_cast %scan3A_1034 : i32 to index
        %swap3A_1260 = arith.constant 352 : index
        %swap3A_1261 = tpu.vector_load %arg10[%swap3A_1259, %swap3A_1260] {strides = array<i32>} : memref<40x768xf32, #tpu.memory_space<vmem>>, vector<1x16xf32>,
        %swap3A_1262 = vector.shape_cast %swap3A_1261 : vector<1x16xf32> to vector<16xf32>
        %swap3A_1263 = vector.shape_cast %add3A_1258 : vector<16xf32> to vector<1x16xf32>
        tpu.vector_store %arg10[%swap3A_1259, %swap3A_1260], %swap3A_1263 {strides = array<i32>} : memref<40x768xf32, #tpu.memory_space<vmem>>, vector<1x16xf32>,
        %get3A_1264 = arith.index_cast %scan3A_1034 : i32 to index
        %get3A_1265 = arith.constant 368 : index
        %get3A_1266 = tpu.vector_load %arg10[%get3A_1264, %get3A_1265] {strides = array<i32>} : memref<40x768xf32, #tpu.memory_space<vmem>>, vector<1x16xf32>,
        %get3A_1267 = vector.shape_cast %get3A_1266 : vector<1x16xf32> to vector<16xf32>
        %add3A_1268 = arith.addf %get3A_1267, %get3A_172 : vector<16xf32>
        %swap3A_1269 = arith.index_cast %scan3A_1034 : i32 to index
        %swap3A_1270 = arith.constant 368 : index
        %swap3A_1271 = tpu.vector_load %arg10[%swap3A_1269, %swap3A_1270] {strides = array<i32>} : memref<40x768xf32, #tpu.memory_space<vmem>>, vector<1x16xf32>,
        %swap3A_1272 = vector.shape_cast %swap3A_1271 : vector<1x16xf32> to vector<16xf32>
        %swap3A_1273 = vector.shape_cast %add3A_1268 : vector<16xf32> to vector<1x16xf32>
        tpu.vector_store %arg10[%swap3A_1269, %swap3A_1270], %swap3A_1273 {strides = array<i32>} : memref<40x768xf32, #tpu.memory_space<vmem>>, vector<1x16xf32>,
        %get3A_1274 = arith.index_cast %scan3A_1034 : i32 to index
        %get3A_1275 = arith.constant 384 : index
        %get3A_1276 = tpu.vector_load %arg10[%get3A_1274, %get3A_1275] {strides = array<i32>} : memref<40x768xf32, #tpu.memory_space<vmem>>, vector<1x16xf32>,
        %get3A_1277 = vector.shape_cast %get3A_1276 : vector<1x16xf32> to vector<16xf32>
        %add3A_1278 = arith.addf %get3A_1277, %get3A_176 : vector<16xf32>
        %swap3A_1279 = arith.index_cast %scan3A_1034 : i32 to index
        %swap3A_1280 = arith.constant 384 : index
        %swap3A_1281 = tpu.vector_load %arg10[%swap3A_1279, %swap3A_1280] {strides = array<i32>} : memref<40x768xf32, #tpu.memory_space<vmem>>, vector<1x16xf32>,
        %swap3A_1282 = vector.shape_cast %swap3A_1281 : vector<1x16xf32> to vector<16xf32>
        %swap3A_1283 = vector.shape_cast %add3A_1278 : vector<16xf32> to vector<1x16xf32>
        tpu.vector_store %arg10[%swap3A_1279, %swap3A_1280], %swap3A_1283 {strides = array<i32>} : memref<40x768xf32, #tpu.memory_space<vmem>>, vector<1x16xf32>,
        %get3A_1284 = arith.index_cast %scan3A_1034 : i32 to index
        %get3A_1285 = arith.constant 400 : index
        %get3A_1286 = tpu.vector_load %arg10[%get3A_1284, %get3A_1285] {strides = array<i32>} : memref<40x768xf32, #tpu.memory_space<vmem>>, vector<1x16xf32>,
        %get3A_1287 = vector.shape_cast %get3A_1286 : vector<1x16xf32> to vector<16xf32>
        %add3A_1288 = arith.addf %get3A_1287, %get3A_180 : vector<16xf32>
        %swap3A_1289 = arith.index_cast %scan3A_1034 : i32 to index
        %swap3A_1290 = arith.constant 400 : index
        %swap3A_1291 = tpu.vector_load %arg10[%swap3A_1289, %swap3A_1290] {strides = array<i32>} : memref<40x768xf32, #tpu.memory_space<vmem>>, vector<1x16xf32>,
        %swap3A_1292 = vector.shape_cast %swap3A_1291 : vector<1x16xf32> to vector<16xf32>
        %swap3A_1293 = vector.shape_cast %add3A_1288 : vector<16xf32> to vector<1x16xf32>
        tpu.vector_store %arg10[%swap3A_1289, %swap3A_1290], %swap3A_1293 {strides = array<i32>} : memref<40x768xf32, #tpu.memory_space<vmem>>, vector<1x16xf32>,
        %get3A_1294 = arith.index_cast %scan3A_1034 : i32 to index
        %get3A_1295 = arith.constant 416 : index
        %get3A_1296 = tpu.vector_load %arg10[%get3A_1294, %get3A_1295] {strides = array<i32>} : memref<40x768xf32, #tpu.memory_space<vmem>>, vector<1x16xf32>,
        %get3A_1297 = vector.shape_cast %get3A_1296 : vector<1x16xf32> to vector<16xf32>
        %add3A_1298 = arith.addf %get3A_1297, %get3A_184 : vector<16xf32>
        %swap3A_1299 = arith.index_cast %scan3A_1034 : i32 to index
        %swap3A_1300 = arith.constant 416 : index
        %swap3A_1301 = tpu.vector_load %arg10[%swap3A_1299, %swap3A_1300] {strides = array<i32>} : memref<40x768xf32, #tpu.memory_space<vmem>>, vector<1x16xf32>,
        %swap3A_1302 = vector.shape_cast %swap3A_1301 : vector<1x16xf32> to vector<16xf32>
        %swap3A_1303 = vector.shape_cast %add3A_1298 : vector<16xf32> to vector<1x16xf32>
        tpu.vector_store %arg10[%swap3A_1299, %swap3A_1300], %swap3A_1303 {strides = array<i32>} : memref<40x768xf32, #tpu.memory_space<vmem>>, vector<1x16xf32>,
        %get3A_1304 = arith.index_cast %scan3A_1034 : i32 to index
        %get3A_1305 = arith.constant 432 : index
        %get3A_1306 = tpu.vector_load %arg10[%get3A_1304, %get3A_1305] {strides = array<i32>} : memref<40x768xf32, #tpu.memory_space<vmem>>, vector<1x16xf32>,
        %get3A_1307 = vector.shape_cast %get3A_1306 : vector<1x16xf32> to vector<16xf32>
        %add3A_1308 = arith.addf %get3A_1307, %get3A_188 : vector<16xf32>
        %swap3A_1309 = arith.index_cast %scan3A_1034 : i32 to index
        %swap3A_1310 = arith.constant 432 : index
        %swap3A_1311 = tpu.vector_load %arg10[%swap3A_1309, %swap3A_1310] {strides = array<i32>} : memref<40x768xf32, #tpu.memory_space<vmem>>, vector<1x16xf32>,
        %swap3A_1312 = vector.shape_cast %swap3A_1311 : vector<1x16xf32> to vector<16xf32>
        %swap3A_1313 = vector.shape_cast %add3A_1308 : vector<16xf32> to vector<1x16xf32>
        tpu.vector_store %arg10[%swap3A_1309, %swap3A_1310], %swap3A_1313 {strides = array<i32>} : memref<40x768xf32, #tpu.memory_space<vmem>>, vector<1x16xf32>,
        %get3A_1314 = arith.index_cast %scan3A_1034 : i32 to index
        %get3A_1315 = arith.constant 448 : index
        %get3A_1316 = tpu.vector_load %arg10[%get3A_1314, %get3A_1315] {strides = array<i32>} : memref<40x768xf32, #tpu.memory_space<vmem>>, vector<1x16xf32>,
        %get3A_1317 = vector.shape_cast %get3A_1316 : vector<1x16xf32> to vector<16xf32>
        %add3A_1318 = arith.addf %get3A_1317, %get3A_192 : vector<16xf32>
        %swap3A_1319 = arith.index_cast %scan3A_1034 : i32 to index
        %swap3A_1320 = arith.constant 448 : index
        %swap3A_1321 = tpu.vector_load %arg10[%swap3A_1319, %swap3A_1320] {strides = array<i32>} : memref<40x768xf32, #tpu.memory_space<vmem>>, vector<1x16xf32>,
        %swap3A_1322 = vector.shape_cast %swap3A_1321 : vector<1x16xf32> to vector<16xf32>
        %swap3A_1323 = vector.shape_cast %add3A_1318 : vector<16xf32> to vector<1x16xf32>
        tpu.vector_store %arg10[%swap3A_1319, %swap3A_1320], %swap3A_1323 {strides = array<i32>} : memref<40x768xf32, #tpu.memory_space<vmem>>, vector<1x16xf32>,
        %get3A_1324 = arith.index_cast %scan3A_1034 : i32 to index
        %get3A_1325 = arith.constant 464 : index
        %get3A_1326 = tpu.vector_load %arg10[%get3A_1324, %get3A_1325] {strides = array<i32>} : memref<40x768xf32, #tpu.memory_space<vmem>>, vector<1x16xf32>,
        %get3A_1327 = vector.shape_cast %get3A_1326 : vector<1x16xf32> to vector<16xf32>
        %add3A_1328 = arith.addf %get3A_1327, %get3A_196 : vector<16xf32>
        %swap3A_1329 = arith.index_cast %scan3A_1034 : i32 to index
        %swap3A_1330 = arith.constant 464 : index
        %swap3A_1331 = tpu.vector_load %arg10[%swap3A_1329, %swap3A_1330] {strides = array<i32>} : memref<40x768xf32, #tpu.memory_space<vmem>>, vector<1x16xf32>,
        %swap3A_1332 = vector.shape_cast %swap3A_1331 : vector<1x16xf32> to vector<16xf32>
        %swap3A_1333 = vector.shape_cast %add3A_1328 : vector<16xf32> to vector<1x16xf32>
        tpu.vector_store %arg10[%swap3A_1329, %swap3A_1330], %swap3A_1333 {strides = array<i32>} : memref<40x768xf32, #tpu.memory_space<vmem>>, vector<1x16xf32>,
        %get3A_1334 = arith.index_cast %scan3A_1034 : i32 to index
        %get3A_1335 = arith.constant 480 : index
        %get3A_1336 = tpu.vector_load %arg10[%get3A_1334, %get3A_1335] {strides = array<i32>} : memref<40x768xf32, #tpu.memory_space<vmem>>, vector<1x16xf32>,
        %get3A_1337 = vector.shape_cast %get3A_1336 : vector<1x16xf32> to vector<16xf32>
        %add3A_1338 = arith.addf %get3A_1337, %get3A_200 : vector<16xf32>
        %swap3A_1339 = arith.index_cast %scan3A_1034 : i32 to index
        %swap3A_1340 = arith.constant 480 : index
        %swap3A_1341 = tpu.vector_load %arg10[%swap3A_1339, %swap3A_1340] {strides = array<i32>} : memref<40x768xf32, #tpu.memory_space<vmem>>, vector<1x16xf32>,
        %swap3A_1342 = vector.shape_cast %swap3A_1341 : vector<1x16xf32> to vector<16xf32>
        %swap3A_1343 = vector.shape_cast %add3A_1338 : vector<16xf32> to vector<1x16xf32>
        tpu.vector_store %arg10[%swap3A_1339, %swap3A_1340], %swap3A_1343 {strides = array<i32>} : memref<40x768xf32, #tpu.memory_space<vmem>>, vector<1x16xf32>,
        %get3A_1344 = arith.index_cast %scan3A_1034 : i32 to index
        %get3A_1345 = arith.constant 496 : index
        %get3A_1346 = tpu.vector_load %arg10[%get3A_1344, %get3A_1345] {strides = array<i32>} : memref<40x768xf32, #tpu.memory_space<vmem>>, vector<1x16xf32>,
        %get3A_1347 = vector.shape_cast %get3A_1346 : vector<1x16xf32> to vector<16xf32>
        %add3A_1348 = arith.addf %get3A_1347, %get3A_204 : vector<16xf32>
        %swap3A_1349 = arith.index_cast %scan3A_1034 : i32 to index
        %swap3A_1350 = arith.constant 496 : index
        %swap3A_1351 = tpu.vector_load %arg10[%swap3A_1349, %swap3A_1350] {strides = array<i32>} : memref<40x768xf32, #tpu.memory_space<vmem>>, vector<1x16xf32>,
        %swap3A_1352 = vector.shape_cast %swap3A_1351 : vector<1x16xf32> to vector<16xf32>
        %swap3A_1353 = vector.shape_cast %add3A_1348 : vector<16xf32> to vector<1x16xf32>
        tpu.vector_store %arg10[%swap3A_1349, %swap3A_1350], %swap3A_1353 {strides = array<i32>} : memref<40x768xf32, #tpu.memory_space<vmem>>, vector<1x16xf32>,
        %get3A_1354 = arith.index_cast %scan3A_1034 : i32 to index
        %get3A_1355 = arith.constant 512 : index
        %get3A_1356 = tpu.vector_load %arg10[%get3A_1354, %get3A_1355] {strides = array<i32>} : memref<40x768xf32, #tpu.memory_space<vmem>>, vector<1x16xf32>,
        %get3A_1357 = vector.shape_cast %get3A_1356 : vector<1x16xf32> to vector<16xf32>
        %add3A_1358 = arith.addf %get3A_1357, %get3A_208 : vector<16xf32>
        %swap3A_1359 = arith.index_cast %scan3A_1034 : i32 to index
        %swap3A_1360 = arith.constant 512 : index
        %swap3A_1361 = tpu.vector_load %arg10[%swap3A_1359, %swap3A_1360] {strides = array<i32>} : memref<40x768xf32, #tpu.memory_space<vmem>>, vector<1x16xf32>,
        %swap3A_1362 = vector.shape_cast %swap3A_1361 : vector<1x16xf32> to vector<16xf32>
        %swap3A_1363 = vector.shape_cast %add3A_1358 : vector<16xf32> to vector<1x16xf32>
        tpu.vector_store %arg10[%swap3A_1359, %swap3A_1360], %swap3A_1363 {strides = array<i32>} : memref<40x768xf32, #tpu.memory_space<vmem>>, vector<1x16xf32>,
        %get3A_1364 = arith.index_cast %scan3A_1034 : i32 to index
        %get3A_1365 = arith.constant 528 : index
        %get3A_1366 = tpu.vector_load %arg10[%get3A_1364, %get3A_1365] {strides = array<i32>} : memref<40x768xf32, #tpu.memory_space<vmem>>, vector<1x16xf32>,
        %get3A_1367 = vector.shape_cast %get3A_1366 : vector<1x16xf32> to vector<16xf32>
        %add3A_1368 = arith.addf %get3A_1367, %get3A_212 : vector<16xf32>
        %swap3A_1369 = arith.index_cast %scan3A_1034 : i32 to index
        %swap3A_1370 = arith.constant 528 : index
        %swap3A_1371 = tpu.vector_load %arg10[%swap3A_1369, %swap3A_1370] {strides = array<i32>} : memref<40x768xf32, #tpu.memory_space<vmem>>, vector<1x16xf32>,
        %swap3A_1372 = vector.shape_cast %swap3A_1371 : vector<1x16xf32> to vector<16xf32>
        %swap3A_1373 = vector.shape_cast %add3A_1368 : vector<16xf32> to vector<1x16xf32>
        tpu.vector_store %arg10[%swap3A_1369, %swap3A_1370], %swap3A_1373 {strides = array<i32>} : memref<40x768xf32, #tpu.memory_space<vmem>>, vector<1x16xf32>,
        %get3A_1374 = arith.index_cast %scan3A_1034 : i32 to index
        %get3A_1375 = arith.constant 544 : index
        %get3A_1376 = tpu.vector_load %arg10[%get3A_1374, %get3A_1375] {strides = array<i32>} : memref<40x768xf32, #tpu.memory_space<vmem>>, vector<1x16xf32>,
        %get3A_1377 = vector.shape_cast %get3A_1376 : vector<1x16xf32> to vector<16xf32>
        %add3A_1378 = arith.addf %get3A_1377, %get3A_216 : vector<16xf32>
        %swap3A_1379 = arith.index_cast %scan3A_1034 : i32 to index
        %swap3A_1380 = arith.constant 544 : index
        %swap3A_1381 = tpu.vector_load %arg10[%swap3A_1379, %swap3A_1380] {strides = array<i32>} : memref<40x768xf32, #tpu.memory_space<vmem>>, vector<1x16xf32>,
        %swap3A_1382 = vector.shape_cast %swap3A_1381 : vector<1x16xf32> to vector<16xf32>
        %swap3A_1383 = vector.shape_cast %add3A_1378 : vector<16xf32> to vector<1x16xf32>
        tpu.vector_store %arg10[%swap3A_1379, %swap3A_1380], %swap3A_1383 {strides = array<i32>} : memref<40x768xf32, #tpu.memory_space<vmem>>, vector<1x16xf32>,
        %get3A_1384 = arith.index_cast %scan3A_1034 : i32 to index
        %get3A_1385 = arith.constant 560 : index
        %get3A_1386 = tpu.vector_load %arg10[%get3A_1384, %get3A_1385] {strides = array<i32>} : memref<40x768xf32, #tpu.memory_space<vmem>>, vector<1x16xf32>,
        %get3A_1387 = vector.shape_cast %get3A_1386 : vector<1x16xf32> to vector<16xf32>
        %add3A_1388 = arith.addf %get3A_1387, %get3A_220 : vector<16xf32>
        %swap3A_1389 = arith.index_cast %scan3A_1034 : i32 to index
        %swap3A_1390 = arith.constant 560 : index
        %swap3A_1391 = tpu.vector_load %arg10[%swap3A_1389, %swap3A_1390] {strides = array<i32>} : memref<40x768xf32, #tpu.memory_space<vmem>>, vector<1x16xf32>,
        %swap3A_1392 = vector.shape_cast %swap3A_1391 : vector<1x16xf32> to vector<16xf32>
        %swap3A_1393 = vector.shape_cast %add3A_1388 : vector<16xf32> to vector<1x16xf32>
        tpu.vector_store %arg10[%swap3A_1389, %swap3A_1390], %swap3A_1393 {strides = array<i32>} : memref<40x768xf32, #tpu.memory_space<vmem>>, vector<1x16xf32>,
        %get3A_1394 = arith.index_cast %scan3A_1034 : i32 to index
        %get3A_1395 = arith.constant 576 : index
        %get3A_1396 = tpu.vector_load %arg10[%get3A_1394, %get3A_1395] {strides = array<i32>} : memref<40x768xf32, #tpu.memory_space<vmem>>, vector<1x16xf32>,
        %get3A_1397 = vector.shape_cast %get3A_1396 : vector<1x16xf32> to vector<16xf32>
        %add3A_1398 = arith.addf %get3A_1397, %get3A_224 : vector<16xf32>
        %swap3A_1399 = arith.index_cast %scan3A_1034 : i32 to index
        %swap3A_1400 = arith.constant 576 : index
        %swap3A_1401 = tpu.vector_load %arg10[%swap3A_1399, %swap3A_1400] {strides = array<i32>} : memref<40x768xf32, #tpu.memory_space<vmem>>, vector<1x16xf32>,
        %swap3A_1402 = vector.shape_cast %swap3A_1401 : vector<1x16xf32> to vector<16xf32>
        %swap3A_1403 = vector.shape_cast %add3A_1398 : vector<16xf32> to vector<1x16xf32>
        tpu.vector_store %arg10[%swap3A_1399, %swap3A_1400], %swap3A_1403 {strides = array<i32>} : memref<40x768xf32, #tpu.memory_space<vmem>>, vector<1x16xf32>,
        %get3A_1404 = arith.index_cast %scan3A_1034 : i32 to index
        %get3A_1405 = arith.constant 592 : index
        %get3A_1406 = tpu.vector_load %arg10[%get3A_1404, %get3A_1405] {strides = array<i32>} : memref<40x768xf32, #tpu.memory_space<vmem>>, vector<1x16xf32>,
        %get3A_1407 = vector.shape_cast %get3A_1406 : vector<1x16xf32> to vector<16xf32>
        %add3A_1408 = arith.addf %get3A_1407, %get3A_228 : vector<16xf32>
        %swap3A_1409 = arith.index_cast %scan3A_1034 : i32 to index
        %swap3A_1410 = arith.constant 592 : index
        %swap3A_1411 = tpu.vector_load %arg10[%swap3A_1409, %swap3A_1410] {strides = array<i32>} : memref<40x768xf32, #tpu.memory_space<vmem>>, vector<1x16xf32>,
        %swap3A_1412 = vector.shape_cast %swap3A_1411 : vector<1x16xf32> to vector<16xf32>
        %swap3A_1413 = vector.shape_cast %add3A_1408 : vector<16xf32> to vector<1x16xf32>
        tpu.vector_store %arg10[%swap3A_1409, %swap3A_1410], %swap3A_1413 {strides = array<i32>} : memref<40x768xf32, #tpu.memory_space<vmem>>, vector<1x16xf32>,
        %get3A_1414 = arith.index_cast %scan3A_1034 : i32 to index
        %get3A_1415 = arith.constant 608 : index
        %get3A_1416 = tpu.vector_load %arg10[%get3A_1414, %get3A_1415] {strides = array<i32>} : memref<40x768xf32, #tpu.memory_space<vmem>>, vector<1x16xf32>,
        %get3A_1417 = vector.shape_cast %get3A_1416 : vector<1x16xf32> to vector<16xf32>
        %add3A_1418 = arith.addf %get3A_1417, %get3A_232 : vector<16xf32>
        %swap3A_1419 = arith.index_cast %scan3A_1034 : i32 to index
        %swap3A_1420 = arith.constant 608 : index
        %swap3A_1421 = tpu.vector_load %arg10[%swap3A_1419, %swap3A_1420] {strides = array<i32>} : memref<40x768xf32, #tpu.memory_space<vmem>>, vector<1x16xf32>,
        %swap3A_1422 = vector.shape_cast %swap3A_1421 : vector<1x16xf32> to vector<16xf32>
        %swap3A_1423 = vector.shape_cast %add3A_1418 : vector<16xf32> to vector<1x16xf32>
        tpu.vector_store %arg10[%swap3A_1419, %swap3A_1420], %swap3A_1423 {strides = array<i32>} : memref<40x768xf32, #tpu.memory_space<vmem>>, vector<1x16xf32>,
        %get3A_1424 = arith.index_cast %scan3A_1034 : i32 to index
        %get3A_1425 = arith.constant 624 : index
        %get3A_1426 = tpu.vector_load %arg10[%get3A_1424, %get3A_1425] {strides = array<i32>} : memref<40x768xf32, #tpu.memory_space<vmem>>, vector<1x16xf32>,
        %get3A_1427 = vector.shape_cast %get3A_1426 : vector<1x16xf32> to vector<16xf32>
        %add3A_1428 = arith.addf %get3A_1427, %get3A_236 : vector<16xf32>
        %swap3A_1429 = arith.index_cast %scan3A_1034 : i32 to index
        %swap3A_1430 = arith.constant 624 : index
        %swap3A_1431 = tpu.vector_load %arg10[%swap3A_1429, %swap3A_1430] {strides = array<i32>} : memref<40x768xf32, #tpu.memory_space<vmem>>, vector<1x16xf32>,
        %swap3A_1432 = vector.shape_cast %swap3A_1431 : vector<1x16xf32> to vector<16xf32>
        %swap3A_1433 = vector.shape_cast %add3A_1428 : vector<16xf32> to vector<1x16xf32>
        tpu.vector_store %arg10[%swap3A_1429, %swap3A_1430], %swap3A_1433 {strides = array<i32>} : memref<40x768xf32, #tpu.memory_space<vmem>>, vector<1x16xf32>,
        %get3A_1434 = arith.index_cast %scan3A_1034 : i32 to index
        %get3A_1435 = arith.constant 640 : index
        %get3A_1436 = tpu.vector_load %arg10[%get3A_1434, %get3A_1435] {strides = array<i32>} : memref<40x768xf32, #tpu.memory_space<vmem>>, vector<1x16xf32>,
        %get3A_1437 = vector.shape_cast %get3A_1436 : vector<1x16xf32> to vector<16xf32>
        %add3A_1438 = arith.addf %get3A_1437, %get3A_240 : vector<16xf32>
        %swap3A_1439 = arith.index_cast %scan3A_1034 : i32 to index
        %swap3A_1440 = arith.constant 640 : index
        %swap3A_1441 = tpu.vector_load %arg10[%swap3A_1439, %swap3A_1440] {strides = array<i32>} : memref<40x768xf32, #tpu.memory_space<vmem>>, vector<1x16xf32>,
        %swap3A_1442 = vector.shape_cast %swap3A_1441 : vector<1x16xf32> to vector<16xf32>
        %swap3A_1443 = vector.shape_cast %add3A_1438 : vector<16xf32> to vector<1x16xf32>
        tpu.vector_store %arg10[%swap3A_1439, %swap3A_1440], %swap3A_1443 {strides = array<i32>} : memref<40x768xf32, #tpu.memory_space<vmem>>, vector<1x16xf32>,
        %get3A_1444 = arith.index_cast %scan3A_1034 : i32 to index
        %get3A_1445 = arith.constant 656 : index
        %get3A_1446 = tpu.vector_load %arg10[%get3A_1444, %get3A_1445] {strides = array<i32>} : memref<40x768xf32, #tpu.memory_space<vmem>>, vector<1x16xf32>,
        %get3A_1447 = vector.shape_cast %get3A_1446 : vector<1x16xf32> to vector<16xf32>
        %add3A_1448 = arith.addf %get3A_1447, %get3A_244 : vector<16xf32>
        %swap3A_1449 = arith.index_cast %scan3A_1034 : i32 to index
        %swap3A_1450 = arith.constant 656 : index
        %swap3A_1451 = tpu.vector_load %arg10[%swap3A_1449, %swap3A_1450] {strides = array<i32>} : memref<40x768xf32, #tpu.memory_space<vmem>>, vector<1x16xf32>,
        %swap3A_1452 = vector.shape_cast %swap3A_1451 : vector<1x16xf32> to vector<16xf32>
        %swap3A_1453 = vector.shape_cast %add3A_1448 : vector<16xf32> to vector<1x16xf32>
        tpu.vector_store %arg10[%swap3A_1449, %swap3A_1450], %swap3A_1453 {strides = array<i32>} : memref<40x768xf32, #tpu.memory_space<vmem>>, vector<1x16xf32>,
        %get3A_1454 = arith.index_cast %scan3A_1034 : i32 to index
        %get3A_1455 = arith.constant 672 : index
        %get3A_1456 = tpu.vector_load %arg10[%get3A_1454, %get3A_1455] {strides = array<i32>} : memref<40x768xf32, #tpu.memory_space<vmem>>, vector<1x16xf32>,
        %get3A_1457 = vector.shape_cast %get3A_1456 : vector<1x16xf32> to vector<16xf32>
        %add3A_1458 = arith.addf %get3A_1457, %get3A_248 : vector<16xf32>
        %swap3A_1459 = arith.index_cast %scan3A_1034 : i32 to index
        %swap3A_1460 = arith.constant 672 : index
        %swap3A_1461 = tpu.vector_load %arg10[%swap3A_1459, %swap3A_1460] {strides = array<i32>} : memref<40x768xf32, #tpu.memory_space<vmem>>, vector<1x16xf32>,
        %swap3A_1462 = vector.shape_cast %swap3A_1461 : vector<1x16xf32> to vector<16xf32>
        %swap3A_1463 = vector.shape_cast %add3A_1458 : vector<16xf32> to vector<1x16xf32>
        tpu.vector_store %arg10[%swap3A_1459, %swap3A_1460], %swap3A_1463 {strides = array<i32>} : memref<40x768xf32, #tpu.memory_space<vmem>>, vector<1x16xf32>,
        %get3A_1464 = arith.index_cast %scan3A_1034 : i32 to index
        %get3A_1465 = arith.constant 688 : index
        %get3A_1466 = tpu.vector_load %arg10[%get3A_1464, %get3A_1465] {strides = array<i32>} : memref<40x768xf32, #tpu.memory_space<vmem>>, vector<1x16xf32>,
        %get3A_1467 = vector.shape_cast %get3A_1466 : vector<1x16xf32> to vector<16xf32>
        %add3A_1468 = arith.addf %get3A_1467, %get3A_252 : vector<16xf32>
        %swap3A_1469 = arith.index_cast %scan3A_1034 : i32 to index
        %swap3A_1470 = arith.constant 688 : index
        %swap3A_1471 = tpu.vector_load %arg10[%swap3A_1469, %swap3A_1470] {strides = array<i32>} : memref<40x768xf32, #tpu.memory_space<vmem>>, vector<1x16xf32>,
        %swap3A_1472 = vector.shape_cast %swap3A_1471 : vector<1x16xf32> to vector<16xf32>
        %swap3A_1473 = vector.shape_cast %add3A_1468 : vector<16xf32> to vector<1x16xf32>
        tpu.vector_store %arg10[%swap3A_1469, %swap3A_1470], %swap3A_1473 {strides = array<i32>} : memref<40x768xf32, #tpu.memory_space<vmem>>, vector<1x16xf32>,
        %get3A_1474 = arith.index_cast %scan3A_1034 : i32 to index
        %get3A_1475 = arith.constant 704 : index
        %get3A_1476 = tpu.vector_load %arg10[%get3A_1474, %get3A_1475] {strides = array<i32>} : memref<40x768xf32, #tpu.memory_space<vmem>>, vector<1x16xf32>,
        %get3A_1477 = vector.shape_cast %get3A_1476 : vector<1x16xf32> to vector<16xf32>
        %add3A_1478 = arith.addf %get3A_1477, %get3A_256 : vector<16xf32>
        %swap3A_1479 = arith.index_cast %scan3A_1034 : i32 to index
        %swap3A_1480 = arith.constant 704 : index
        %swap3A_1481 = tpu.vector_load %arg10[%swap3A_1479, %swap3A_1480] {strides = array<i32>} : memref<40x768xf32, #tpu.memory_space<vmem>>, vector<1x16xf32>,
        %swap3A_1482 = vector.shape_cast %swap3A_1481 : vector<1x16xf32> to vector<16xf32>
        %swap3A_1483 = vector.shape_cast %add3A_1478 : vector<16xf32> to vector<1x16xf32>
        tpu.vector_store %arg10[%swap3A_1479, %swap3A_1480], %swap3A_1483 {strides = array<i32>} : memref<40x768xf32, #tpu.memory_space<vmem>>, vector<1x16xf32>,
        %get3A_1484 = arith.index_cast %scan3A_1034 : i32 to index
        %get3A_1485 = arith.constant 720 : index
        %get3A_1486 = tpu.vector_load %arg10[%get3A_1484, %get3A_1485] {strides = array<i32>} : memref<40x768xf32, #tpu.memory_space<vmem>>, vector<1x16xf32>,
        %get3A_1487 = vector.shape_cast %get3A_1486 : vector<1x16xf32> to vector<16xf32>
        %add3A_1488 = arith.addf %get3A_1487, %get3A_260 : vector<16xf32>
        %swap3A_1489 = arith.index_cast %scan3A_1034 : i32 to index
        %swap3A_1490 = arith.constant 720 : index
        %swap3A_1491 = tpu.vector_load %arg10[%swap3A_1489, %swap3A_1490] {strides = array<i32>} : memref<40x768xf32, #tpu.memory_space<vmem>>, vector<1x16xf32>,
        %swap3A_1492 = vector.shape_cast %swap3A_1491 : vector<1x16xf32> to vector<16xf32>
        %swap3A_1493 = vector.shape_cast %add3A_1488 : vector<16xf32> to vector<1x16xf32>
        tpu.vector_store %arg10[%swap3A_1489, %swap3A_1490], %swap3A_1493 {strides = array<i32>} : memref<40x768xf32, #tpu.memory_space<vmem>>, vector<1x16xf32>,
        %get3A_1494 = arith.index_cast %scan3A_1034 : i32 to index
        %get3A_1495 = arith.constant 736 : index
        %get3A_1496 = tpu.vector_load %arg10[%get3A_1494, %get3A_1495] {strides = array<i32>} : memref<40x768xf32, #tpu.memory_space<vmem>>, vector<1x16xf32>,
        %get3A_1497 = vector.shape_cast %get3A_1496 : vector<1x16xf32> to vector<16xf32>
        %add3A_1498 = arith.addf %get3A_1497, %get3A_264 : vector<16xf32>
        %swap3A_1499 = arith.index_cast %scan3A_1034 : i32 to index
        %swap3A_1500 = arith.constant 736 : index
        %swap3A_1501 = tpu.vector_load %arg10[%swap3A_1499, %swap3A_1500] {strides = array<i32>} : memref<40x768xf32, #tpu.memory_space<vmem>>, vector<1x16xf32>,
        %swap3A_1502 = vector.shape_cast %swap3A_1501 : vector<1x16xf32> to vector<16xf32>
        %swap3A_1503 = vector.shape_cast %add3A_1498 : vector<16xf32> to vector<1x16xf32>
        tpu.vector_store %arg10[%swap3A_1499, %swap3A_1500], %swap3A_1503 {strides = array<i32>} : memref<40x768xf32, #tpu.memory_space<vmem>>, vector<1x16xf32>,
        %get3A_1504 = arith.index_cast %scan3A_1034 : i32 to index
        %get3A_1505 = arith.constant 752 : index
        %get3A_1506 = tpu.vector_load %arg10[%get3A_1504, %get3A_1505] {strides = array<i32>} : memref<40x768xf32, #tpu.memory_space<vmem>>, vector<1x16xf32>,
        %get3A_1507 = vector.shape_cast %get3A_1506 : vector<1x16xf32> to vector<16xf32>
        %add3A_1508 = arith.addf %get3A_1507, %get3A_268 : vector<16xf32>
        %swap3A_1509 = arith.index_cast %scan3A_1034 : i32 to index
        %swap3A_1510 = arith.constant 752 : index
        %swap3A_1511 = tpu.vector_load %arg10[%swap3A_1509, %swap3A_1510] {strides = array<i32>} : memref<40x768xf32, #tpu.memory_space<vmem>>, vector<1x16xf32>,
        %swap3A_1512 = vector.shape_cast %swap3A_1511 : vector<1x16xf32> to vector<16xf32>
        %swap3A_1513 = vector.shape_cast %add3A_1508 : vector<16xf32> to vector<1x16xf32>
        tpu.vector_store %arg10[%swap3A_1509, %swap3A_1510], %swap3A_1513 {strides = array<i32>} : memref<40x768xf32, #tpu.memory_space<vmem>>, vector<1x16xf32>,
      }
      %scan3A_274 = arith.constant 40 : i32
      %mul3A_275 = arith.constant 1600 : i32
      %mul3A_276 = arith.muli %add3A, %mul3A_275 : i32
      %mul3A_277 = arith.constant 40 : i32
      %mul3A_278 = arith.muli %add3A_47, %mul3A_277 : i32
      %add3A_279 = arith.addi %mul3A_276, %mul3A_278 : i32
      %dma_start3A_280 = arith.constant 0 : i32
      %dma_start3A_281 = tpu.memref_slice %arg6[%add3A_279, %dma_start3A_280] : memref<51200x768xf32, #tpu.memory_space<hbm>> -> memref<40x768xf32, #tpu.memory_space<hbm>>
      %dma_start3A_282 = arith.constant 0 : i32
      %dma_start3A_283 = tpu.memref_slice %arg6[%add3A_279, %dma_start3A_282] : memref<51200x768xf32, #tpu.memory_space<hbm>> -> memref<40x768xf32, #tpu.memory_space<hbm>>
      tpu.enqueue_dma source(%arg10 : memref<40x768xf32, #tpu.memory_space<vmem>>) target(%dma_start3A_283 : memref<40x768xf32, #tpu.memory_space<hbm>>) target_semaphore(%arg18 : memref<!tpu.dma_semaphore, #tpu.memory_space<semaphore_mem>>)
      %add3A_284 = arith.constant 1 : i32
      %add3A_285 = arith.addi %mul3A_45, %add3A_284 : i32
      %ge3A_286 = arith.constant 2 : i32
      %ge3A_287 = arith.cmpi sge, %add3A_285, %ge3A_286 : i32
      %convert_element_type3A_288 = arith.extui %ge3A_287 : i1 to i32
      %cond3A_289 = arith.constant 0 : i32
      %cond3A_290 = arith.cmpi ne, %convert_element_type3A_288, %cond3A_289 : i32
      scf.if %cond3A_290 {
        %dma_wait3A_1034 = arith.constant 0 : i32
        %dma_wait3A_1035 = arith.constant 0 : i32
        %dma_wait3A_1036 = tpu.memref_slice %arg6[%dma_wait3A_1034, %dma_wait3A_1035] : memref<51200x768xf32, #tpu.memory_space<hbm>> -> memref<40x768xf32, #tpu.memory_space<hbm>>
        %dma_wait3A_1037 = arith.constant 0 : i32
        %dma_wait3A_1038 = arith.constant 0 : i32
        %dma_wait3A_1039 = tpu.memref_slice %arg6[%dma_wait3A_1037, %dma_wait3A_1038] : memref<51200x768xf32, #tpu.memory_space<hbm>> -> memref<40x768xf32, #tpu.memory_space<hbm>>
        tpu.wait_dma2 semaphore(%arg21 : memref<!tpu.dma_semaphore, #tpu.memory_space<semaphore_mem>>) src(%arg13 : memref<40x768xf32, #tpu.memory_space<vmem>>) dst(%dma_wait3A_1039 : memref<40x768xf32, #tpu.memory_space<hbm>>)
      } else {
      }
      %add3A_291 = arith.constant 2 : i32
      %add3A_292 = arith.addi %add3A_285, %add3A_291 : i32
      %lt3A_293 = arith.constant 40 : i32
      %lt3A_294 = arith.cmpi slt, %add3A_292, %lt3A_293 : i32
      %convert_element_type3A_295 = arith.extui %lt3A_294 : i1 to i32
      %cond3A_296 = arith.constant 0 : i32
      %cond3A_297 = arith.cmpi ne, %convert_element_type3A_295, %cond3A_296 : i32
      scf.if %cond3A_297 {
        %add3A_1034 = arith.constant 2 : i32
        %add3A_1035 = arith.addi %add3A_285, %add3A_1034 : i32
        %mul3A_1036 = arith.constant 40 : i32
        %mul3A_1037 = arith.muli %add3A_1035, %mul3A_1036 : i32
        %dma_start3A_1038 = tpu.memref_slice %arg7[%mul3A_1037] : memref<1600xi32, #tpu.memory_space<vmem>> -> memref<40xi32, #tpu.memory_space<vmem>>
        %dma_start3A_1039 = arith.constant 0 : i32
        %dma_start3A_1040 = arith.constant 0 : i32
        %dma_start3A_1041 = tpu.memref_slice %arg4[%dma_start3A_1039, %dma_start3A_1040] : memref<100000x768xf32, #tpu.memory_space<hbm>> -> memref<100000x768xf32, #tpu.memory_space<hbm>>
        tpu.enqueue_indirect_dma source(%dma_start3A_1041 : memref<100000x768xf32, #tpu.memory_space<hbm>>) target(%arg13 : memref<40x768xf32, #tpu.memory_space<vmem>>) offsets(%dma_start3A_1038 : memref<40xi32, #tpu.memory_space<vmem>>) semaphore(%arg17 : memref<!tpu.dma_semaphore, #tpu.memory_space<semaphore_mem>>)
      } else {
      }
      %dma_wait3A_298 = arith.constant 0 : i32
      %dma_wait3A_299 = tpu.memref_slice %arg7[%dma_wait3A_298] : memref<1600xi32, #tpu.memory_space<vmem>> -> memref<40xi32, #tpu.memory_space<vmem>>
      %dma_wait3A_300 = arith.constant 0 : i32
      %dma_wait3A_301 = arith.constant 0 : i32
      %dma_wait3A_302 = tpu.memref_slice %arg4[%dma_wait3A_300, %dma_wait3A_301] : memref<100000x768xf32, #tpu.memory_space<hbm>> -> memref<100000x768xf32, #tpu.memory_space<hbm>>
      tpu.wait_indirect_dma semaphore(%arg15 : memref<!tpu.dma_semaphore, #tpu.memory_space<semaphore_mem>>) src(%dma_wait3A_302 : memref<100000x768xf32, #tpu.memory_space<hbm>>) dst(%arg11 : memref<40x768xf32, #tpu.memory_space<vmem>>)
      %jit3A_303 = arith.constant 5 : i32
      %div3A_304 = arith.divsi %add3A_285, %jit3A_303 : i32
      %sign3A_305 = arith.constant 0 : i32
      %sign3A_306 = arith.cmpi sgt, %add3A_285, %sign3A_305 : i32
      %sign3A_307 = arith.extui %sign3A_306 : i1 to i32
      %sign3A_308 = arith.constant 0 : i32
      %sign3A_309 = arith.cmpi slt, %add3A_285, %sign3A_308 : i32
      %sign3A_310 = arith.extui %sign3A_309 : i1 to i32
      %sign3A_311 = arith.subi %sign3A_307, %sign3A_310 : i32
      %sign3A_312 = arith.constant 0 : i32
      %sign3A_313 = arith.cmpi sgt, %jit3A_303, %sign3A_312 : i32
      %sign3A_314 = arith.extui %sign3A_313 : i1 to i32
      %sign3A_315 = arith.constant 0 : i32
      %sign3A_316 = arith.cmpi slt, %jit3A_303, %sign3A_315 : i32
      %sign3A_317 = arith.extui %sign3A_316 : i1 to i32
      %sign3A_318 = arith.subi %sign3A_314, %sign3A_317 : i32
      %ne3A_319 = arith.cmpi ne, %sign3A_311, %sign3A_318 : i32
      %rem3A_320 = arith.remsi %add3A_285, %jit3A_303 : i32
      %ne3A_321 = arith.constant 0 : i32
      %ne3A_322 = arith.cmpi ne, %rem3A_320, %ne3A_321 : i32
      %and3A_323 = arith.andi %ne3A_319, %ne3A_322 : i1
      %sub3A_324 = arith.constant 1 : i32
      %sub3A_325 = arith.subi %div3A_304, %sub3A_324 : i32
      %select_n3A_326 = arith.select %and3A_323, %sub3A_325, %div3A_304 : i32
      %get3A_327 = arith.index_cast %select_n3A_326 : i32 to index
      %get3A_328 = arith.constant 0 : index
      %get3A_329 = tpu.vector_load %arg9[%get3A_327, %get3A_328] {strides = array<i32>} : memref<8x768xf32, #tpu.memory_space<vmem>>, vector<1x16xf32>,
      %get3A_330 = vector.shape_cast %get3A_329 : vector<1x16xf32> to vector<16xf32>
      %get3A_331 = arith.index_cast %select_n3A_326 : i32 to index
      %get3A_332 = arith.constant 16 : index
      %get3A_333 = tpu.vector_load %arg9[%get3A_331, %get3A_332] {strides = array<i32>} : memref<8x768xf32, #tpu.memory_space<vmem>>, vector<1x16xf32>,
      %get3A_334 = vector.shape_cast %get3A_333 : vector<1x16xf32> to vector<16xf32>
      %get3A_335 = arith.index_cast %select_n3A_326 : i32 to index
      %get3A_336 = arith.constant 32 : index
      %get3A_337 = tpu.vector_load %arg9[%get3A_335, %get3A_336] {strides = array<i32>} : memref<8x768xf32, #tpu.memory_space<vmem>>, vector<1x16xf32>,
      %get3A_338 = vector.shape_cast %get3A_337 : vector<1x16xf32> to vector<16xf32>
      %get3A_339 = arith.index_cast %select_n3A_326 : i32 to index
      %get3A_340 = arith.constant 48 : index
      %get3A_341 = tpu.vector_load %arg9[%get3A_339, %get3A_340] {strides = array<i32>} : memref<8x768xf32, #tpu.memory_space<vmem>>, vector<1x16xf32>,
      %get3A_342 = vector.shape_cast %get3A_341 : vector<1x16xf32> to vector<16xf32>
      %get3A_343 = arith.index_cast %select_n3A_326 : i32 to index
      %get3A_344 = arith.constant 64 : index
      %get3A_345 = tpu.vector_load %arg9[%get3A_343, %get3A_344] {strides = array<i32>} : memref<8x768xf32, #tpu.memory_space<vmem>>, vector<1x16xf32>,
      %get3A_346 = vector.shape_cast %get3A_345 : vector<1x16xf32> to vector<16xf32>
      %get3A_347 = arith.index_cast %select_n3A_326 : i32 to index
      %get3A_348 = arith.constant 80 : index
      %get3A_349 = tpu.vector_load %arg9[%get3A_347, %get3A_348] {strides = array<i32>} : memref<8x768xf32, #tpu.memory_space<vmem>>, vector<1x16xf32>,
      %get3A_350 = vector.shape_cast %get3A_349 : vector<1x16xf32> to vector<16xf32>
      %get3A_351 = arith.index_cast %select_n3A_326 : i32 to index
      %get3A_352 = arith.constant 96 : index
      %get3A_353 = tpu.vector_load %arg9[%get3A_351, %get3A_352] {strides = array<i32>} : memref<8x768xf32, #tpu.memory_space<vmem>>, vector<1x16xf32>,
      %get3A_354 = vector.shape_cast %get3A_353 : vector<1x16xf32> to vector<16xf32>
      %get3A_355 = arith.index_cast %select_n3A_326 : i32 to index
      %get3A_356 = arith.constant 112 : index
      %get3A_357 = tpu.vector_load %arg9[%get3A_355, %get3A_356] {strides = array<i32>} : memref<8x768xf32, #tpu.memory_space<vmem>>, vector<1x16xf32>,
      %get3A_358 = vector.shape_cast %get3A_357 : vector<1x16xf32> to vector<16xf32>
      %get3A_359 = arith.index_cast %select_n3A_326 : i32 to index
      %get3A_360 = arith.constant 128 : index
      %get3A_361 = tpu.vector_load %arg9[%get3A_359, %get3A_360] {strides = array<i32>} : memref<8x768xf32, #tpu.memory_space<vmem>>, vector<1x16xf32>,
      %get3A_362 = vector.shape_cast %get3A_361 : vector<1x16xf32> to vector<16xf32>
      %get3A_363 = arith.index_cast %select_n3A_326 : i32 to index
      %get3A_364 = arith.constant 144 : index
      %get3A_365 = tpu.vector_load %arg9[%get3A_363, %get3A_364] {strides = array<i32>} : memref<8x768xf32, #tpu.memory_space<vmem>>, vector<1x16xf32>,
      %get3A_366 = vector.shape_cast %get3A_365 : vector<1x16xf32> to vector<16xf32>
      %get3A_367 = arith.index_cast %select_n3A_326 : i32 to index
      %get3A_368 = arith.constant 160 : index
      %get3A_369 = tpu.vector_load %arg9[%get3A_367, %get3A_368] {strides = array<i32>} : memref<8x768xf32, #tpu.memory_space<vmem>>, vector<1x16xf32>,
      %get3A_370 = vector.shape_cast %get3A_369 : vector<1x16xf32> to vector<16xf32>
      %get3A_371 = arith.index_cast %select_n3A_326 : i32 to index
      %get3A_372 = arith.constant 176 : index
      %get3A_373 = tpu.vector_load %arg9[%get3A_371, %get3A_372] {strides = array<i32>} : memref<8x768xf32, #tpu.memory_space<vmem>>, vector<1x16xf32>,
      %get3A_374 = vector.shape_cast %get3A_373 : vector<1x16xf32> to vector<16xf32>
      %get3A_375 = arith.index_cast %select_n3A_326 : i32 to index
      %get3A_376 = arith.constant 192 : index
      %get3A_377 = tpu.vector_load %arg9[%get3A_375, %get3A_376] {strides = array<i32>} : memref<8x768xf32, #tpu.memory_space<vmem>>, vector<1x16xf32>,
      %get3A_378 = vector.shape_cast %get3A_377 : vector<1x16xf32> to vector<16xf32>
      %get3A_379 = arith.index_cast %select_n3A_326 : i32 to index
      %get3A_380 = arith.constant 208 : index
      %get3A_381 = tpu.vector_load %arg9[%get3A_379, %get3A_380] {strides = array<i32>} : memref<8x768xf32, #tpu.memory_space<vmem>>, vector<1x16xf32>,
      %get3A_382 = vector.shape_cast %get3A_381 : vector<1x16xf32> to vector<16xf32>
      %get3A_383 = arith.index_cast %select_n3A_326 : i32 to index
      %get3A_384 = arith.constant 224 : index
      %get3A_385 = tpu.vector_load %arg9[%get3A_383, %get3A_384] {strides = array<i32>} : memref<8x768xf32, #tpu.memory_space<vmem>>, vector<1x16xf32>,
      %get3A_386 = vector.shape_cast %get3A_385 : vector<1x16xf32> to vector<16xf32>
      %get3A_387 = arith.index_cast %select_n3A_326 : i32 to index
      %get3A_388 = arith.constant 240 : index
      %get3A_389 = tpu.vector_load %arg9[%get3A_387, %get3A_388] {strides = array<i32>} : memref<8x768xf32, #tpu.memory_space<vmem>>, vector<1x16xf32>,
      %get3A_390 = vector.shape_cast %get3A_389 : vector<1x16xf32> to vector<16xf32>
      %get3A_391 = arith.index_cast %select_n3A_326 : i32 to index
      %get3A_392 = arith.constant 256 : index
      %get3A_393 = tpu.vector_load %arg9[%get3A_391, %get3A_392] {strides = array<i32>} : memref<8x768xf32, #tpu.memory_space<vmem>>, vector<1x16xf32>,
      %get3A_394 = vector.shape_cast %get3A_393 : vector<1x16xf32> to vector<16xf32>
      %get3A_395 = arith.index_cast %select_n3A_326 : i32 to index
      %get3A_396 = arith.constant 272 : index
      %get3A_397 = tpu.vector_load %arg9[%get3A_395, %get3A_396] {strides = array<i32>} : memref<8x768xf32, #tpu.memory_space<vmem>>, vector<1x16xf32>,
      %get3A_398 = vector.shape_cast %get3A_397 : vector<1x16xf32> to vector<16xf32>
      %get3A_399 = arith.index_cast %select_n3A_326 : i32 to index
      %get3A_400 = arith.constant 288 : index
      %get3A_401 = tpu.vector_load %arg9[%get3A_399, %get3A_400] {strides = array<i32>} : memref<8x768xf32, #tpu.memory_space<vmem>>, vector<1x16xf32>,
      %get3A_402 = vector.shape_cast %get3A_401 : vector<1x16xf32> to vector<16xf32>
      %get3A_403 = arith.index_cast %select_n3A_326 : i32 to index
      %get3A_404 = arith.constant 304 : index
      %get3A_405 = tpu.vector_load %arg9[%get3A_403, %get3A_404] {strides = array<i32>} : memref<8x768xf32, #tpu.memory_space<vmem>>, vector<1x16xf32>,
      %get3A_406 = vector.shape_cast %get3A_405 : vector<1x16xf32> to vector<16xf32>
      %get3A_407 = arith.index_cast %select_n3A_326 : i32 to index
      %get3A_408 = arith.constant 320 : index
      %get3A_409 = tpu.vector_load %arg9[%get3A_407, %get3A_408] {strides = array<i32>} : memref<8x768xf32, #tpu.memory_space<vmem>>, vector<1x16xf32>,
      %get3A_410 = vector.shape_cast %get3A_409 : vector<1x16xf32> to vector<16xf32>
      %get3A_411 = arith.index_cast %select_n3A_326 : i32 to index
      %get3A_412 = arith.constant 336 : index
      %get3A_413 = tpu.vector_load %arg9[%get3A_411, %get3A_412] {strides = array<i32>} : memref<8x768xf32, #tpu.memory_space<vmem>>, vector<1x16xf32>,
      %get3A_414 = vector.shape_cast %get3A_413 : vector<1x16xf32> to vector<16xf32>
      %get3A_415 = arith.index_cast %select_n3A_326 : i32 to index
      %get3A_416 = arith.constant 352 : index
      %get3A_417 = tpu.vector_load %arg9[%get3A_415, %get3A_416] {strides = array<i32>} : memref<8x768xf32, #tpu.memory_space<vmem>>, vector<1x16xf32>,
      %get3A_418 = vector.shape_cast %get3A_417 : vector<1x16xf32> to vector<16xf32>
      %get3A_419 = arith.index_cast %select_n3A_326 : i32 to index
      %get3A_420 = arith.constant 368 : index
      %get3A_421 = tpu.vector_load %arg9[%get3A_419, %get3A_420] {strides = array<i32>} : memref<8x768xf32, #tpu.memory_space<vmem>>, vector<1x16xf32>,
      %get3A_422 = vector.shape_cast %get3A_421 : vector<1x16xf32> to vector<16xf32>
      %get3A_423 = arith.index_cast %select_n3A_326 : i32 to index
      %get3A_424 = arith.constant 384 : index
      %get3A_425 = tpu.vector_load %arg9[%get3A_423, %get3A_424] {strides = array<i32>} : memref<8x768xf32, #tpu.memory_space<vmem>>, vector<1x16xf32>,
      %get3A_426 = vector.shape_cast %get3A_425 : vector<1x16xf32> to vector<16xf32>
      %get3A_427 = arith.index_cast %select_n3A_326 : i32 to index
      %get3A_428 = arith.constant 400 : index
      %get3A_429 = tpu.vector_load %arg9[%get3A_427, %get3A_428] {strides = array<i32>} : memref<8x768xf32, #tpu.memory_space<vmem>>, vector<1x16xf32>,
      %get3A_430 = vector.shape_cast %get3A_429 : vector<1x16xf32> to vector<16xf32>
      %get3A_431 = arith.index_cast %select_n3A_326 : i32 to index
      %get3A_432 = arith.constant 416 : index
      %get3A_433 = tpu.vector_load %arg9[%get3A_431, %get3A_432] {strides = array<i32>} : memref<8x768xf32, #tpu.memory_space<vmem>>, vector<1x16xf32>,
      %get3A_434 = vector.shape_cast %get3A_433 : vector<1x16xf32> to vector<16xf32>
      %get3A_435 = arith.index_cast %select_n3A_326 : i32 to index
      %get3A_436 = arith.constant 432 : index
      %get3A_437 = tpu.vector_load %arg9[%get3A_435, %get3A_436] {strides = array<i32>} : memref<8x768xf32, #tpu.memory_space<vmem>>, vector<1x16xf32>,
      %get3A_438 = vector.shape_cast %get3A_437 : vector<1x16xf32> to vector<16xf32>
      %get3A_439 = arith.index_cast %select_n3A_326 : i32 to index
      %get3A_440 = arith.constant 448 : index
      %get3A_441 = tpu.vector_load %arg9[%get3A_439, %get3A_440] {strides = array<i32>} : memref<8x768xf32, #tpu.memory_space<vmem>>, vector<1x16xf32>,
      %get3A_442 = vector.shape_cast %get3A_441 : vector<1x16xf32> to vector<16xf32>
      %get3A_443 = arith.index_cast %select_n3A_326 : i32 to index
      %get3A_444 = arith.constant 464 : index
      %get3A_445 = tpu.vector_load %arg9[%get3A_443, %get3A_444] {strides = array<i32>} : memref<8x768xf32, #tpu.memory_space<vmem>>, vector<1x16xf32>,
      %get3A_446 = vector.shape_cast %get3A_445 : vector<1x16xf32> to vector<16xf32>
      %get3A_447 = arith.index_cast %select_n3A_326 : i32 to index
      %get3A_448 = arith.constant 480 : index
      %get3A_449 = tpu.vector_load %arg9[%get3A_447, %get3A_448] {strides = array<i32>} : memref<8x768xf32, #tpu.memory_space<vmem>>, vector<1x16xf32>,
      %get3A_450 = vector.shape_cast %get3A_449 : vector<1x16xf32> to vector<16xf32>
      %get3A_451 = arith.index_cast %select_n3A_326 : i32 to index
      %get3A_452 = arith.constant 496 : index
      %get3A_453 = tpu.vector_load %arg9[%get3A_451, %get3A_452] {strides = array<i32>} : memref<8x768xf32, #tpu.memory_space<vmem>>, vector<1x16xf32>,
      %get3A_454 = vector.shape_cast %get3A_453 : vector<1x16xf32> to vector<16xf32>
      %get3A_455 = arith.index_cast %select_n3A_326 : i32 to index
      %get3A_456 = arith.constant 512 : index
      %get3A_457 = tpu.vector_load %arg9[%get3A_455, %get3A_456] {strides = array<i32>} : memref<8x768xf32, #tpu.memory_space<vmem>>, vector<1x16xf32>,
      %get3A_458 = vector.shape_cast %get3A_457 : vector<1x16xf32> to vector<16xf32>
      %get3A_459 = arith.index_cast %select_n3A_326 : i32 to index
      %get3A_460 = arith.constant 528 : index
      %get3A_461 = tpu.vector_load %arg9[%get3A_459, %get3A_460] {strides = array<i32>} : memref<8x768xf32, #tpu.memory_space<vmem>>, vector<1x16xf32>,
      %get3A_462 = vector.shape_cast %get3A_461 : vector<1x16xf32> to vector<16xf32>
      %get3A_463 = arith.index_cast %select_n3A_326 : i32 to index
      %get3A_464 = arith.constant 544 : index
      %get3A_465 = tpu.vector_load %arg9[%get3A_463, %get3A_464] {strides = array<i32>} : memref<8x768xf32, #tpu.memory_space<vmem>>, vector<1x16xf32>,
      %get3A_466 = vector.shape_cast %get3A_465 : vector<1x16xf32> to vector<16xf32>
      %get3A_467 = arith.index_cast %select_n3A_326 : i32 to index
      %get3A_468 = arith.constant 560 : index
      %get3A_469 = tpu.vector_load %arg9[%get3A_467, %get3A_468] {strides = array<i32>} : memref<8x768xf32, #tpu.memory_space<vmem>>, vector<1x16xf32>,
      %get3A_470 = vector.shape_cast %get3A_469 : vector<1x16xf32> to vector<16xf32>
      %get3A_471 = arith.index_cast %select_n3A_326 : i32 to index
      %get3A_472 = arith.constant 576 : index
      %get3A_473 = tpu.vector_load %arg9[%get3A_471, %get3A_472] {strides = array<i32>} : memref<8x768xf32, #tpu.memory_space<vmem>>, vector<1x16xf32>,
      %get3A_474 = vector.shape_cast %get3A_473 : vector<1x16xf32> to vector<16xf32>
      %get3A_475 = arith.index_cast %select_n3A_326 : i32 to index
      %get3A_476 = arith.constant 592 : index
      %get3A_477 = tpu.vector_load %arg9[%get3A_475, %get3A_476] {strides = array<i32>} : memref<8x768xf32, #tpu.memory_space<vmem>>, vector<1x16xf32>,
      %get3A_478 = vector.shape_cast %get3A_477 : vector<1x16xf32> to vector<16xf32>
      %get3A_479 = arith.index_cast %select_n3A_326 : i32 to index
      %get3A_480 = arith.constant 608 : index
      %get3A_481 = tpu.vector_load %arg9[%get3A_479, %get3A_480] {strides = array<i32>} : memref<8x768xf32, #tpu.memory_space<vmem>>, vector<1x16xf32>,
      %get3A_482 = vector.shape_cast %get3A_481 : vector<1x16xf32> to vector<16xf32>
      %get3A_483 = arith.index_cast %select_n3A_326 : i32 to index
      %get3A_484 = arith.constant 624 : index
      %get3A_485 = tpu.vector_load %arg9[%get3A_483, %get3A_484] {strides = array<i32>} : memref<8x768xf32, #tpu.memory_space<vmem>>, vector<1x16xf32>,
      %get3A_486 = vector.shape_cast %get3A_485 : vector<1x16xf32> to vector<16xf32>
      %get3A_487 = arith.index_cast %select_n3A_326 : i32 to index
      %get3A_488 = arith.constant 640 : index
      %get3A_489 = tpu.vector_load %arg9[%get3A_487, %get3A_488] {strides = array<i32>} : memref<8x768xf32, #tpu.memory_space<vmem>>, vector<1x16xf32>,
      %get3A_490 = vector.shape_cast %get3A_489 : vector<1x16xf32> to vector<16xf32>
      %get3A_491 = arith.index_cast %select_n3A_326 : i32 to index
      %get3A_492 = arith.constant 656 : index
      %get3A_493 = tpu.vector_load %arg9[%get3A_491, %get3A_492] {strides = array<i32>} : memref<8x768xf32, #tpu.memory_space<vmem>>, vector<1x16xf32>,
      %get3A_494 = vector.shape_cast %get3A_493 : vector<1x16xf32> to vector<16xf32>
      %get3A_495 = arith.index_cast %select_n3A_326 : i32 to index
      %get3A_496 = arith.constant 672 : index
      %get3A_497 = tpu.vector_load %arg9[%get3A_495, %get3A_496] {strides = array<i32>} : memref<8x768xf32, #tpu.memory_space<vmem>>, vector<1x16xf32>,
      %get3A_498 = vector.shape_cast %get3A_497 : vector<1x16xf32> to vector<16xf32>
      %get3A_499 = arith.index_cast %select_n3A_326 : i32 to index
      %get3A_500 = arith.constant 688 : index
      %get3A_501 = tpu.vector_load %arg9[%get3A_499, %get3A_500] {strides = array<i32>} : memref<8x768xf32, #tpu.memory_space<vmem>>, vector<1x16xf32>,
      %get3A_502 = vector.shape_cast %get3A_501 : vector<1x16xf32> to vector<16xf32>
      %get3A_503 = arith.index_cast %select_n3A_326 : i32 to index
      %get3A_504 = arith.constant 704 : index
      %get3A_505 = tpu.vector_load %arg9[%get3A_503, %get3A_504] {strides = array<i32>} : memref<8x768xf32, #tpu.memory_space<vmem>>, vector<1x16xf32>,
      %get3A_506 = vector.shape_cast %get3A_505 : vector<1x16xf32> to vector<16xf32>
      %get3A_507 = arith.index_cast %select_n3A_326 : i32 to index
      %get3A_508 = arith.constant 720 : index
      %get3A_509 = tpu.vector_load %arg9[%get3A_507, %get3A_508] {strides = array<i32>} : memref<8x768xf32, #tpu.memory_space<vmem>>, vector<1x16xf32>,
      %get3A_510 = vector.shape_cast %get3A_509 : vector<1x16xf32> to vector<16xf32>
      %get3A_511 = arith.index_cast %select_n3A_326 : i32 to index
      %get3A_512 = arith.constant 736 : index
      %get3A_513 = tpu.vector_load %arg9[%get3A_511, %get3A_512] {strides = array<i32>} : memref<8x768xf32, #tpu.memory_space<vmem>>, vector<1x16xf32>,
      %get3A_514 = vector.shape_cast %get3A_513 : vector<1x16xf32> to vector<16xf32>
      %get3A_515 = arith.index_cast %select_n3A_326 : i32 to index
      %get3A_516 = arith.constant 752 : index
      %get3A_517 = tpu.vector_load %arg9[%get3A_515, %get3A_516] {strides = array<i32>} : memref<8x768xf32, #tpu.memory_space<vmem>>, vector<1x16xf32>,
      %get3A_518 = vector.shape_cast %get3A_517 : vector<1x16xf32> to vector<16xf32>
      %scan3A_519 = arith.constant 0 : i32
      %scan3A_520 = arith.constant 0 : i32
      %scan3A_521 = arith.constant 40 : i32
      %scan3A_522 = arith.addi %scan3A_520, %scan3A_521 : i32
      %scan3A_523 = arith.constant 1 : i32
      scf.for %scan3A_1034 = %scan3A_520 to %scan3A_522 step %scan3A_523  : i32 {
        %get3A_1035 = arith.index_cast %scan3A_1034 : i32 to index
        %get3A_1036 = arith.constant 0 : index
        %get3A_1037 = tpu.vector_load %arg11[%get3A_1035, %get3A_1036] {strides = array<i32>} : memref<40x768xf32, #tpu.memory_space<vmem>>, vector<1x16xf32>,
        %get3A_1038 = vector.shape_cast %get3A_1037 : vector<1x16xf32> to vector<16xf32>
        %add3A_1039 = arith.addf %get3A_1038, %get3A_330 : vector<16xf32>
        %swap3A = arith.index_cast %scan3A_1034 : i32 to index
        %swap3A_1040 = arith.constant 0 : index
        %swap3A_1041 = tpu.vector_load %arg11[%swap3A, %swap3A_1040] {strides = array<i32>} : memref<40x768xf32, #tpu.memory_space<vmem>>, vector<1x16xf32>,
        %swap3A_1042 = vector.shape_cast %swap3A_1041 : vector<1x16xf32> to vector<16xf32>
        %swap3A_1043 = vector.shape_cast %add3A_1039 : vector<16xf32> to vector<1x16xf32>
        tpu.vector_store %arg11[%swap3A, %swap3A_1040], %swap3A_1043 {strides = array<i32>} : memref<40x768xf32, #tpu.memory_space<vmem>>, vector<1x16xf32>,
        %get3A_1044 = arith.index_cast %scan3A_1034 : i32 to index
        %get3A_1045 = arith.constant 16 : index
        %get3A_1046 = tpu.vector_load %arg11[%get3A_1044, %get3A_1045] {strides = array<i32>} : memref<40x768xf32, #tpu.memory_space<vmem>>, vector<1x16xf32>,
        %get3A_1047 = vector.shape_cast %get3A_1046 : vector<1x16xf32> to vector<16xf32>
        %add3A_1048 = arith.addf %get3A_1047, %get3A_334 : vector<16xf32>
        %swap3A_1049 = arith.index_cast %scan3A_1034 : i32 to index
        %swap3A_1050 = arith.constant 16 : index
        %swap3A_1051 = tpu.vector_load %arg11[%swap3A_1049, %swap3A_1050] {strides = array<i32>} : memref<40x768xf32, #tpu.memory_space<vmem>>, vector<1x16xf32>,
        %swap3A_1052 = vector.shape_cast %swap3A_1051 : vector<1x16xf32> to vector<16xf32>
        %swap3A_1053 = vector.shape_cast %add3A_1048 : vector<16xf32> to vector<1x16xf32>
        tpu.vector_store %arg11[%swap3A_1049, %swap3A_1050], %swap3A_1053 {strides = array<i32>} : memref<40x768xf32, #tpu.memory_space<vmem>>, vector<1x16xf32>,
        %get3A_1054 = arith.index_cast %scan3A_1034 : i32 to index
        %get3A_1055 = arith.constant 32 : index
        %get3A_1056 = tpu.vector_load %arg11[%get3A_1054, %get3A_1055] {strides = array<i32>} : memref<40x768xf32, #tpu.memory_space<vmem>>, vector<1x16xf32>,
        %get3A_1057 = vector.shape_cast %get3A_1056 : vector<1x16xf32> to vector<16xf32>
        %add3A_1058 = arith.addf %get3A_1057, %get3A_338 : vector<16xf32>
        %swap3A_1059 = arith.index_cast %scan3A_1034 : i32 to index
        %swap3A_1060 = arith.constant 32 : index
        %swap3A_1061 = tpu.vector_load %arg11[%swap3A_1059, %swap3A_1060] {strides = array<i32>} : memref<40x768xf32, #tpu.memory_space<vmem>>, vector<1x16xf32>,
        %swap3A_1062 = vector.shape_cast %swap3A_1061 : vector<1x16xf32> to vector<16xf32>
        %swap3A_1063 = vector.shape_cast %add3A_1058 : vector<16xf32> to vector<1x16xf32>
        tpu.vector_store %arg11[%swap3A_1059, %swap3A_1060], %swap3A_1063 {strides = array<i32>} : memref<40x768xf32, #tpu.memory_space<vmem>>, vector<1x16xf32>,
        %get3A_1064 = arith.index_cast %scan3A_1034 : i32 to index
        %get3A_1065 = arith.constant 48 : index
        %get3A_1066 = tpu.vector_load %arg11[%get3A_1064, %get3A_1065] {strides = array<i32>} : memref<40x768xf32, #tpu.memory_space<vmem>>, vector<1x16xf32>,
        %get3A_1067 = vector.shape_cast %get3A_1066 : vector<1x16xf32> to vector<16xf32>
        %add3A_1068 = arith.addf %get3A_1067, %get3A_342 : vector<16xf32>
        %swap3A_1069 = arith.index_cast %scan3A_1034 : i32 to index
        %swap3A_1070 = arith.constant 48 : index
        %swap3A_1071 = tpu.vector_load %arg11[%swap3A_1069, %swap3A_1070] {strides = array<i32>} : memref<40x768xf32, #tpu.memory_space<vmem>>, vector<1x16xf32>,
        %swap3A_1072 = vector.shape_cast %swap3A_1071 : vector<1x16xf32> to vector<16xf32>
        %swap3A_1073 = vector.shape_cast %add3A_1068 : vector<16xf32> to vector<1x16xf32>
        tpu.vector_store %arg11[%swap3A_1069, %swap3A_1070], %swap3A_1073 {strides = array<i32>} : memref<40x768xf32, #tpu.memory_space<vmem>>, vector<1x16xf32>,
        %get3A_1074 = arith.index_cast %scan3A_1034 : i32 to index
        %get3A_1075 = arith.constant 64 : index
        %get3A_1076 = tpu.vector_load %arg11[%get3A_1074, %get3A_1075] {strides = array<i32>} : memref<40x768xf32, #tpu.memory_space<vmem>>, vector<1x16xf32>,
        %get3A_1077 = vector.shape_cast %get3A_1076 : vector<1x16xf32> to vector<16xf32>
        %add3A_1078 = arith.addf %get3A_1077, %get3A_346 : vector<16xf32>
        %swap3A_1079 = arith.index_cast %scan3A_1034 : i32 to index
        %swap3A_1080 = arith.constant 64 : index
        %swap3A_1081 = tpu.vector_load %arg11[%swap3A_1079, %swap3A_1080] {strides = array<i32>} : memref<40x768xf32, #tpu.memory_space<vmem>>, vector<1x16xf32>,
        %swap3A_1082 = vector.shape_cast %swap3A_1081 : vector<1x16xf32> to vector<16xf32>
        %swap3A_1083 = vector.shape_cast %add3A_1078 : vector<16xf32> to vector<1x16xf32>
        tpu.vector_store %arg11[%swap3A_1079, %swap3A_1080], %swap3A_1083 {strides = array<i32>} : memref<40x768xf32, #tpu.memory_space<vmem>>, vector<1x16xf32>,
        %get3A_1084 = arith.index_cast %scan3A_1034 : i32 to index
        %get3A_1085 = arith.constant 80 : index
        %get3A_1086 = tpu.vector_load %arg11[%get3A_1084, %get3A_1085] {strides = array<i32>} : memref<40x768xf32, #tpu.memory_space<vmem>>, vector<1x16xf32>,
        %get3A_1087 = vector.shape_cast %get3A_1086 : vector<1x16xf32> to vector<16xf32>
        %add3A_1088 = arith.addf %get3A_1087, %get3A_350 : vector<16xf32>
        %swap3A_1089 = arith.index_cast %scan3A_1034 : i32 to index
        %swap3A_1090 = arith.constant 80 : index
        %swap3A_1091 = tpu.vector_load %arg11[%swap3A_1089, %swap3A_1090] {strides = array<i32>} : memref<40x768xf32, #tpu.memory_space<vmem>>, vector<1x16xf32>,
        %swap3A_1092 = vector.shape_cast %swap3A_1091 : vector<1x16xf32> to vector<16xf32>
        %swap3A_1093 = vector.shape_cast %add3A_1088 : vector<16xf32> to vector<1x16xf32>
        tpu.vector_store %arg11[%swap3A_1089, %swap3A_1090], %swap3A_1093 {strides = array<i32>} : memref<40x768xf32, #tpu.memory_space<vmem>>, vector<1x16xf32>,
        %get3A_1094 = arith.index_cast %scan3A_1034 : i32 to index
        %get3A_1095 = arith.constant 96 : index
        %get3A_1096 = tpu.vector_load %arg11[%get3A_1094, %get3A_1095] {strides = array<i32>} : memref<40x768xf32, #tpu.memory_space<vmem>>, vector<1x16xf32>,
        %get3A_1097 = vector.shape_cast %get3A_1096 : vector<1x16xf32> to vector<16xf32>
        %add3A_1098 = arith.addf %get3A_1097, %get3A_354 : vector<16xf32>
        %swap3A_1099 = arith.index_cast %scan3A_1034 : i32 to index
        %swap3A_1100 = arith.constant 96 : index
        %swap3A_1101 = tpu.vector_load %arg11[%swap3A_1099, %swap3A_1100] {strides = array<i32>} : memref<40x768xf32, #tpu.memory_space<vmem>>, vector<1x16xf32>,
        %swap3A_1102 = vector.shape_cast %swap3A_1101 : vector<1x16xf32> to vector<16xf32>
        %swap3A_1103 = vector.shape_cast %add3A_1098 : vector<16xf32> to vector<1x16xf32>
        tpu.vector_store %arg11[%swap3A_1099, %swap3A_1100], %swap3A_1103 {strides = array<i32>} : memref<40x768xf32, #tpu.memory_space<vmem>>, vector<1x16xf32>,
        %get3A_1104 = arith.index_cast %scan3A_1034 : i32 to index
        %get3A_1105 = arith.constant 112 : index
        %get3A_1106 = tpu.vector_load %arg11[%get3A_1104, %get3A_1105] {strides = array<i32>} : memref<40x768xf32, #tpu.memory_space<vmem>>, vector<1x16xf32>,
        %get3A_1107 = vector.shape_cast %get3A_1106 : vector<1x16xf32> to vector<16xf32>
        %add3A_1108 = arith.addf %get3A_1107, %get3A_358 : vector<16xf32>
        %swap3A_1109 = arith.index_cast %scan3A_1034 : i32 to index
        %swap3A_1110 = arith.constant 112 : index
        %swap3A_1111 = tpu.vector_load %arg11[%swap3A_1109, %swap3A_1110] {strides = array<i32>} : memref<40x768xf32, #tpu.memory_space<vmem>>, vector<1x16xf32>,
        %swap3A_1112 = vector.shape_cast %swap3A_1111 : vector<1x16xf32> to vector<16xf32>
        %swap3A_1113 = vector.shape_cast %add3A_1108 : vector<16xf32> to vector<1x16xf32>
        tpu.vector_store %arg11[%swap3A_1109, %swap3A_1110], %swap3A_1113 {strides = array<i32>} : memref<40x768xf32, #tpu.memory_space<vmem>>, vector<1x16xf32>,
        %get3A_1114 = arith.index_cast %scan3A_1034 : i32 to index
        %get3A_1115 = arith.constant 128 : index
        %get3A_1116 = tpu.vector_load %arg11[%get3A_1114, %get3A_1115] {strides = array<i32>} : memref<40x768xf32, #tpu.memory_space<vmem>>, vector<1x16xf32>,
        %get3A_1117 = vector.shape_cast %get3A_1116 : vector<1x16xf32> to vector<16xf32>
        %add3A_1118 = arith.addf %get3A_1117, %get3A_362 : vector<16xf32>
        %swap3A_1119 = arith.index_cast %scan3A_1034 : i32 to index
        %swap3A_1120 = arith.constant 128 : index
        %swap3A_1121 = tpu.vector_load %arg11[%swap3A_1119, %swap3A_1120] {strides = array<i32>} : memref<40x768xf32, #tpu.memory_space<vmem>>, vector<1x16xf32>,
        %swap3A_1122 = vector.shape_cast %swap3A_1121 : vector<1x16xf32> to vector<16xf32>
        %swap3A_1123 = vector.shape_cast %add3A_1118 : vector<16xf32> to vector<1x16xf32>
        tpu.vector_store %arg11[%swap3A_1119, %swap3A_1120], %swap3A_1123 {strides = array<i32>} : memref<40x768xf32, #tpu.memory_space<vmem>>, vector<1x16xf32>,
        %get3A_1124 = arith.index_cast %scan3A_1034 : i32 to index
        %get3A_1125 = arith.constant 144 : index
        %get3A_1126 = tpu.vector_load %arg11[%get3A_1124, %get3A_1125] {strides = array<i32>} : memref<40x768xf32, #tpu.memory_space<vmem>>, vector<1x16xf32>,
        %get3A_1127 = vector.shape_cast %get3A_1126 : vector<1x16xf32> to vector<16xf32>
        %add3A_1128 = arith.addf %get3A_1127, %get3A_366 : vector<16xf32>
        %swap3A_1129 = arith.index_cast %scan3A_1034 : i32 to index
        %swap3A_1130 = arith.constant 144 : index
        %swap3A_1131 = tpu.vector_load %arg11[%swap3A_1129, %swap3A_1130] {strides = array<i32>} : memref<40x768xf32, #tpu.memory_space<vmem>>, vector<1x16xf32>,
        %swap3A_1132 = vector.shape_cast %swap3A_1131 : vector<1x16xf32> to vector<16xf32>
        %swap3A_1133 = vector.shape_cast %add3A_1128 : vector<16xf32> to vector<1x16xf32>
        tpu.vector_store %arg11[%swap3A_1129, %swap3A_1130], %swap3A_1133 {strides = array<i32>} : memref<40x768xf32, #tpu.memory_space<vmem>>, vector<1x16xf32>,
        %get3A_1134 = arith.index_cast %scan3A_1034 : i32 to index
        %get3A_1135 = arith.constant 160 : index
        %get3A_1136 = tpu.vector_load %arg11[%get3A_1134, %get3A_1135] {strides = array<i32>} : memref<40x768xf32, #tpu.memory_space<vmem>>, vector<1x16xf32>,
        %get3A_1137 = vector.shape_cast %get3A_1136 : vector<1x16xf32> to vector<16xf32>
        %add3A_1138 = arith.addf %get3A_1137, %get3A_370 : vector<16xf32>
        %swap3A_1139 = arith.index_cast %scan3A_1034 : i32 to index
        %swap3A_1140 = arith.constant 160 : index
        %swap3A_1141 = tpu.vector_load %arg11[%swap3A_1139, %swap3A_1140] {strides = array<i32>} : memref<40x768xf32, #tpu.memory_space<vmem>>, vector<1x16xf32>,
        %swap3A_1142 = vector.shape_cast %swap3A_1141 : vector<1x16xf32> to vector<16xf32>
        %swap3A_1143 = vector.shape_cast %add3A_1138 : vector<16xf32> to vector<1x16xf32>
        tpu.vector_store %arg11[%swap3A_1139, %swap3A_1140], %swap3A_1143 {strides = array<i32>} : memref<40x768xf32, #tpu.memory_space<vmem>>, vector<1x16xf32>,
        %get3A_1144 = arith.index_cast %scan3A_1034 : i32 to index
        %get3A_1145 = arith.constant 176 : index
        %get3A_1146 = tpu.vector_load %arg11[%get3A_1144, %get3A_1145] {strides = array<i32>} : memref<40x768xf32, #tpu.memory_space<vmem>>, vector<1x16xf32>,
        %get3A_1147 = vector.shape_cast %get3A_1146 : vector<1x16xf32> to vector<16xf32>
        %add3A_1148 = arith.addf %get3A_1147, %get3A_374 : vector<16xf32>
        %swap3A_1149 = arith.index_cast %scan3A_1034 : i32 to index
        %swap3A_1150 = arith.constant 176 : index
        %swap3A_1151 = tpu.vector_load %arg11[%swap3A_1149, %swap3A_1150] {strides = array<i32>} : memref<40x768xf32, #tpu.memory_space<vmem>>, vector<1x16xf32>,
        %swap3A_1152 = vector.shape_cast %swap3A_1151 : vector<1x16xf32> to vector<16xf32>
        %swap3A_1153 = vector.shape_cast %add3A_1148 : vector<16xf32> to vector<1x16xf32>
        tpu.vector_store %arg11[%swap3A_1149, %swap3A_1150], %swap3A_1153 {strides = array<i32>} : memref<40x768xf32, #tpu.memory_space<vmem>>, vector<1x16xf32>,
        %get3A_1154 = arith.index_cast %scan3A_1034 : i32 to index
        %get3A_1155 = arith.constant 192 : index
        %get3A_1156 = tpu.vector_load %arg11[%get3A_1154, %get3A_1155] {strides = array<i32>} : memref<40x768xf32, #tpu.memory_space<vmem>>, vector<1x16xf32>,
        %get3A_1157 = vector.shape_cast %get3A_1156 : vector<1x16xf32> to vector<16xf32>
        %add3A_1158 = arith.addf %get3A_1157, %get3A_378 : vector<16xf32>
        %swap3A_1159 = arith.index_cast %scan3A_1034 : i32 to index
        %swap3A_1160 = arith.constant 192 : index
        %swap3A_1161 = tpu.vector_load %arg11[%swap3A_1159, %swap3A_1160] {strides = array<i32>} : memref<40x768xf32, #tpu.memory_space<vmem>>, vector<1x16xf32>,
        %swap3A_1162 = vector.shape_cast %swap3A_1161 : vector<1x16xf32> to vector<16xf32>
        %swap3A_1163 = vector.shape_cast %add3A_1158 : vector<16xf32> to vector<1x16xf32>
        tpu.vector_store %arg11[%swap3A_1159, %swap3A_1160], %swap3A_1163 {strides = array<i32>} : memref<40x768xf32, #tpu.memory_space<vmem>>, vector<1x16xf32>,
        %get3A_1164 = arith.index_cast %scan3A_1034 : i32 to index
        %get3A_1165 = arith.constant 208 : index
        %get3A_1166 = tpu.vector_load %arg11[%get3A_1164, %get3A_1165] {strides = array<i32>} : memref<40x768xf32, #tpu.memory_space<vmem>>, vector<1x16xf32>,
        %get3A_1167 = vector.shape_cast %get3A_1166 : vector<1x16xf32> to vector<16xf32>
        %add3A_1168 = arith.addf %get3A_1167, %get3A_382 : vector<16xf32>
        %swap3A_1169 = arith.index_cast %scan3A_1034 : i32 to index
        %swap3A_1170 = arith.constant 208 : index
        %swap3A_1171 = tpu.vector_load %arg11[%swap3A_1169, %swap3A_1170] {strides = array<i32>} : memref<40x768xf32, #tpu.memory_space<vmem>>, vector<1x16xf32>,
        %swap3A_1172 = vector.shape_cast %swap3A_1171 : vector<1x16xf32> to vector<16xf32>
        %swap3A_1173 = vector.shape_cast %add3A_1168 : vector<16xf32> to vector<1x16xf32>
        tpu.vector_store %arg11[%swap3A_1169, %swap3A_1170], %swap3A_1173 {strides = array<i32>} : memref<40x768xf32, #tpu.memory_space<vmem>>, vector<1x16xf32>,
        %get3A_1174 = arith.index_cast %scan3A_1034 : i32 to index
        %get3A_1175 = arith.constant 224 : index
        %get3A_1176 = tpu.vector_load %arg11[%get3A_1174, %get3A_1175] {strides = array<i32>} : memref<40x768xf32, #tpu.memory_space<vmem>>, vector<1x16xf32>,
        %get3A_1177 = vector.shape_cast %get3A_1176 : vector<1x16xf32> to vector<16xf32>
        %add3A_1178 = arith.addf %get3A_1177, %get3A_386 : vector<16xf32>
        %swap3A_1179 = arith.index_cast %scan3A_1034 : i32 to index
        %swap3A_1180 = arith.constant 224 : index
        %swap3A_1181 = tpu.vector_load %arg11[%swap3A_1179, %swap3A_1180] {strides = array<i32>} : memref<40x768xf32, #tpu.memory_space<vmem>>, vector<1x16xf32>,
        %swap3A_1182 = vector.shape_cast %swap3A_1181 : vector<1x16xf32> to vector<16xf32>
        %swap3A_1183 = vector.shape_cast %add3A_1178 : vector<16xf32> to vector<1x16xf32>
        tpu.vector_store %arg11[%swap3A_1179, %swap3A_1180], %swap3A_1183 {strides = array<i32>} : memref<40x768xf32, #tpu.memory_space<vmem>>, vector<1x16xf32>,
        %get3A_1184 = arith.index_cast %scan3A_1034 : i32 to index
        %get3A_1185 = arith.constant 240 : index
        %get3A_1186 = tpu.vector_load %arg11[%get3A_1184, %get3A_1185] {strides = array<i32>} : memref<40x768xf32, #tpu.memory_space<vmem>>, vector<1x16xf32>,
        %get3A_1187 = vector.shape_cast %get3A_1186 : vector<1x16xf32> to vector<16xf32>
        %add3A_1188 = arith.addf %get3A_1187, %get3A_390 : vector<16xf32>
        %swap3A_1189 = arith.index_cast %scan3A_1034 : i32 to index
        %swap3A_1190 = arith.constant 240 : index
        %swap3A_1191 = tpu.vector_load %arg11[%swap3A_1189, %swap3A_1190] {strides = array<i32>} : memref<40x768xf32, #tpu.memory_space<vmem>>, vector<1x16xf32>,
        %swap3A_1192 = vector.shape_cast %swap3A_1191 : vector<1x16xf32> to vector<16xf32>
        %swap3A_1193 = vector.shape_cast %add3A_1188 : vector<16xf32> to vector<1x16xf32>
        tpu.vector_store %arg11[%swap3A_1189, %swap3A_1190], %swap3A_1193 {strides = array<i32>} : memref<40x768xf32, #tpu.memory_space<vmem>>, vector<1x16xf32>,
        %get3A_1194 = arith.index_cast %scan3A_1034 : i32 to index
        %get3A_1195 = arith.constant 256 : index
        %get3A_1196 = tpu.vector_load %arg11[%get3A_1194, %get3A_1195] {strides = array<i32>} : memref<40x768xf32, #tpu.memory_space<vmem>>, vector<1x16xf32>,
        %get3A_1197 = vector.shape_cast %get3A_1196 : vector<1x16xf32> to vector<16xf32>
        %add3A_1198 = arith.addf %get3A_1197, %get3A_394 : vector<16xf32>
        %swap3A_1199 = arith.index_cast %scan3A_1034 : i32 to index
        %swap3A_1200 = arith.constant 256 : index
        %swap3A_1201 = tpu.vector_load %arg11[%swap3A_1199, %swap3A_1200] {strides = array<i32>} : memref<40x768xf32, #tpu.memory_space<vmem>>, vector<1x16xf32>,
        %swap3A_1202 = vector.shape_cast %swap3A_1201 : vector<1x16xf32> to vector<16xf32>
        %swap3A_1203 = vector.shape_cast %add3A_1198 : vector<16xf32> to vector<1x16xf32>
        tpu.vector_store %arg11[%swap3A_1199, %swap3A_1200], %swap3A_1203 {strides = array<i32>} : memref<40x768xf32, #tpu.memory_space<vmem>>, vector<1x16xf32>,
        %get3A_1204 = arith.index_cast %scan3A_1034 : i32 to index
        %get3A_1205 = arith.constant 272 : index
        %get3A_1206 = tpu.vector_load %arg11[%get3A_1204, %get3A_1205] {strides = array<i32>} : memref<40x768xf32, #tpu.memory_space<vmem>>, vector<1x16xf32>,
        %get3A_1207 = vector.shape_cast %get3A_1206 : vector<1x16xf32> to vector<16xf32>
        %add3A_1208 = arith.addf %get3A_1207, %get3A_398 : vector<16xf32>
        %swap3A_1209 = arith.index_cast %scan3A_1034 : i32 to index
        %swap3A_1210 = arith.constant 272 : index
        %swap3A_1211 = tpu.vector_load %arg11[%swap3A_1209, %swap3A_1210] {strides = array<i32>} : memref<40x768xf32, #tpu.memory_space<vmem>>, vector<1x16xf32>,
        %swap3A_1212 = vector.shape_cast %swap3A_1211 : vector<1x16xf32> to vector<16xf32>
        %swap3A_1213 = vector.shape_cast %add3A_1208 : vector<16xf32> to vector<1x16xf32>
        tpu.vector_store %arg11[%swap3A_1209, %swap3A_1210], %swap3A_1213 {strides = array<i32>} : memref<40x768xf32, #tpu.memory_space<vmem>>, vector<1x16xf32>,
        %get3A_1214 = arith.index_cast %scan3A_1034 : i32 to index
        %get3A_1215 = arith.constant 288 : index
        %get3A_1216 = tpu.vector_load %arg11[%get3A_1214, %get3A_1215] {strides = array<i32>} : memref<40x768xf32, #tpu.memory_space<vmem>>, vector<1x16xf32>,
        %get3A_1217 = vector.shape_cast %get3A_1216 : vector<1x16xf32> to vector<16xf32>
        %add3A_1218 = arith.addf %get3A_1217, %get3A_402 : vector<16xf32>
        %swap3A_1219 = arith.index_cast %scan3A_1034 : i32 to index
        %swap3A_1220 = arith.constant 288 : index
        %swap3A_1221 = tpu.vector_load %arg11[%swap3A_1219, %swap3A_1220] {strides = array<i32>} : memref<40x768xf32, #tpu.memory_space<vmem>>, vector<1x16xf32>,
        %swap3A_1222 = vector.shape_cast %swap3A_1221 : vector<1x16xf32> to vector<16xf32>
        %swap3A_1223 = vector.shape_cast %add3A_1218 : vector<16xf32> to vector<1x16xf32>
        tpu.vector_store %arg11[%swap3A_1219, %swap3A_1220], %swap3A_1223 {strides = array<i32>} : memref<40x768xf32, #tpu.memory_space<vmem>>, vector<1x16xf32>,
        %get3A_1224 = arith.index_cast %scan3A_1034 : i32 to index
        %get3A_1225 = arith.constant 304 : index
        %get3A_1226 = tpu.vector_load %arg11[%get3A_1224, %get3A_1225] {strides = array<i32>} : memref<40x768xf32, #tpu.memory_space<vmem>>, vector<1x16xf32>,
        %get3A_1227 = vector.shape_cast %get3A_1226 : vector<1x16xf32> to vector<16xf32>
        %add3A_1228 = arith.addf %get3A_1227, %get3A_406 : vector<16xf32>
        %swap3A_1229 = arith.index_cast %scan3A_1034 : i32 to index
        %swap3A_1230 = arith.constant 304 : index
        %swap3A_1231 = tpu.vector_load %arg11[%swap3A_1229, %swap3A_1230] {strides = array<i32>} : memref<40x768xf32, #tpu.memory_space<vmem>>, vector<1x16xf32>,
        %swap3A_1232 = vector.shape_cast %swap3A_1231 : vector<1x16xf32> to vector<16xf32>
        %swap3A_1233 = vector.shape_cast %add3A_1228 : vector<16xf32> to vector<1x16xf32>
        tpu.vector_store %arg11[%swap3A_1229, %swap3A_1230], %swap3A_1233 {strides = array<i32>} : memref<40x768xf32, #tpu.memory_space<vmem>>, vector<1x16xf32>,
        %get3A_1234 = arith.index_cast %scan3A_1034 : i32 to index
        %get3A_1235 = arith.constant 320 : index
        %get3A_1236 = tpu.vector_load %arg11[%get3A_1234, %get3A_1235] {strides = array<i32>} : memref<40x768xf32, #tpu.memory_space<vmem>>, vector<1x16xf32>,
        %get3A_1237 = vector.shape_cast %get3A_1236 : vector<1x16xf32> to vector<16xf32>
        %add3A_1238 = arith.addf %get3A_1237, %get3A_410 : vector<16xf32>
        %swap3A_1239 = arith.index_cast %scan3A_1034 : i32 to index
        %swap3A_1240 = arith.constant 320 : index
        %swap3A_1241 = tpu.vector_load %arg11[%swap3A_1239, %swap3A_1240] {strides = array<i32>} : memref<40x768xf32, #tpu.memory_space<vmem>>, vector<1x16xf32>,
        %swap3A_1242 = vector.shape_cast %swap3A_1241 : vector<1x16xf32> to vector<16xf32>
        %swap3A_1243 = vector.shape_cast %add3A_1238 : vector<16xf32> to vector<1x16xf32>
        tpu.vector_store %arg11[%swap3A_1239, %swap3A_1240], %swap3A_1243 {strides = array<i32>} : memref<40x768xf32, #tpu.memory_space<vmem>>, vector<1x16xf32>,
        %get3A_1244 = arith.index_cast %scan3A_1034 : i32 to index
        %get3A_1245 = arith.constant 336 : index
        %get3A_1246 = tpu.vector_load %arg11[%get3A_1244, %get3A_1245] {strides = array<i32>} : memref<40x768xf32, #tpu.memory_space<vmem>>, vector<1x16xf32>,
        %get3A_1247 = vector.shape_cast %get3A_1246 : vector<1x16xf32> to vector<16xf32>
        %add3A_1248 = arith.addf %get3A_1247, %get3A_414 : vector<16xf32>
        %swap3A_1249 = arith.index_cast %scan3A_1034 : i32 to index
        %swap3A_1250 = arith.constant 336 : index
        %swap3A_1251 = tpu.vector_load %arg11[%swap3A_1249, %swap3A_1250] {strides = array<i32>} : memref<40x768xf32, #tpu.memory_space<vmem>>, vector<1x16xf32>,
        %swap3A_1252 = vector.shape_cast %swap3A_1251 : vector<1x16xf32> to vector<16xf32>
        %swap3A_1253 = vector.shape_cast %add3A_1248 : vector<16xf32> to vector<1x16xf32>
        tpu.vector_store %arg11[%swap3A_1249, %swap3A_1250], %swap3A_1253 {strides = array<i32>} : memref<40x768xf32, #tpu.memory_space<vmem>>, vector<1x16xf32>,
        %get3A_1254 = arith.index_cast %scan3A_1034 : i32 to index
        %get3A_1255 = arith.constant 352 : index
        %get3A_1256 = tpu.vector_load %arg11[%get3A_1254, %get3A_1255] {strides = array<i32>} : memref<40x768xf32, #tpu.memory_space<vmem>>, vector<1x16xf32>,
        %get3A_1257 = vector.shape_cast %get3A_1256 : vector<1x16xf32> to vector<16xf32>
        %add3A_1258 = arith.addf %get3A_1257, %get3A_418 : vector<16xf32>
        %swap3A_1259 = arith.index_cast %scan3A_1034 : i32 to index
        %swap3A_1260 = arith.constant 352 : index
        %swap3A_1261 = tpu.vector_load %arg11[%swap3A_1259, %swap3A_1260] {strides = array<i32>} : memref<40x768xf32, #tpu.memory_space<vmem>>, vector<1x16xf32>,
        %swap3A_1262 = vector.shape_cast %swap3A_1261 : vector<1x16xf32> to vector<16xf32>
        %swap3A_1263 = vector.shape_cast %add3A_1258 : vector<16xf32> to vector<1x16xf32>
        tpu.vector_store %arg11[%swap3A_1259, %swap3A_1260], %swap3A_1263 {strides = array<i32>} : memref<40x768xf32, #tpu.memory_space<vmem>>, vector<1x16xf32>,
        %get3A_1264 = arith.index_cast %scan3A_1034 : i32 to index
        %get3A_1265 = arith.constant 368 : index
        %get3A_1266 = tpu.vector_load %arg11[%get3A_1264, %get3A_1265] {strides = array<i32>} : memref<40x768xf32, #tpu.memory_space<vmem>>, vector<1x16xf32>,
        %get3A_1267 = vector.shape_cast %get3A_1266 : vector<1x16xf32> to vector<16xf32>
        %add3A_1268 = arith.addf %get3A_1267, %get3A_422 : vector<16xf32>
        %swap3A_1269 = arith.index_cast %scan3A_1034 : i32 to index
        %swap3A_1270 = arith.constant 368 : index
        %swap3A_1271 = tpu.vector_load %arg11[%swap3A_1269, %swap3A_1270] {strides = array<i32>} : memref<40x768xf32, #tpu.memory_space<vmem>>, vector<1x16xf32>,
        %swap3A_1272 = vector.shape_cast %swap3A_1271 : vector<1x16xf32> to vector<16xf32>
        %swap3A_1273 = vector.shape_cast %add3A_1268 : vector<16xf32> to vector<1x16xf32>
        tpu.vector_store %arg11[%swap3A_1269, %swap3A_1270], %swap3A_1273 {strides = array<i32>} : memref<40x768xf32, #tpu.memory_space<vmem>>, vector<1x16xf32>,
        %get3A_1274 = arith.index_cast %scan3A_1034 : i32 to index
        %get3A_1275 = arith.constant 384 : index
        %get3A_1276 = tpu.vector_load %arg11[%get3A_1274, %get3A_1275] {strides = array<i32>} : memref<40x768xf32, #tpu.memory_space<vmem>>, vector<1x16xf32>,
        %get3A_1277 = vector.shape_cast %get3A_1276 : vector<1x16xf32> to vector<16xf32>
        %add3A_1278 = arith.addf %get3A_1277, %get3A_426 : vector<16xf32>
        %swap3A_1279 = arith.index_cast %scan3A_1034 : i32 to index
        %swap3A_1280 = arith.constant 384 : index
        %swap3A_1281 = tpu.vector_load %arg11[%swap3A_1279, %swap3A_1280] {strides = array<i32>} : memref<40x768xf32, #tpu.memory_space<vmem>>, vector<1x16xf32>,
        %swap3A_1282 = vector.shape_cast %swap3A_1281 : vector<1x16xf32> to vector<16xf32>
        %swap3A_1283 = vector.shape_cast %add3A_1278 : vector<16xf32> to vector<1x16xf32>
        tpu.vector_store %arg11[%swap3A_1279, %swap3A_1280], %swap3A_1283 {strides = array<i32>} : memref<40x768xf32, #tpu.memory_space<vmem>>, vector<1x16xf32>,
        %get3A_1284 = arith.index_cast %scan3A_1034 : i32 to index
        %get3A_1285 = arith.constant 400 : index
        %get3A_1286 = tpu.vector_load %arg11[%get3A_1284, %get3A_1285] {strides = array<i32>} : memref<40x768xf32, #tpu.memory_space<vmem>>, vector<1x16xf32>,
        %get3A_1287 = vector.shape_cast %get3A_1286 : vector<1x16xf32> to vector<16xf32>
        %add3A_1288 = arith.addf %get3A_1287, %get3A_430 : vector<16xf32>
        %swap3A_1289 = arith.index_cast %scan3A_1034 : i32 to index
        %swap3A_1290 = arith.constant 400 : index
        %swap3A_1291 = tpu.vector_load %arg11[%swap3A_1289, %swap3A_1290] {strides = array<i32>} : memref<40x768xf32, #tpu.memory_space<vmem>>, vector<1x16xf32>,
        %swap3A_1292 = vector.shape_cast %swap3A_1291 : vector<1x16xf32> to vector<16xf32>
        %swap3A_1293 = vector.shape_cast %add3A_1288 : vector<16xf32> to vector<1x16xf32>
        tpu.vector_store %arg11[%swap3A_1289, %swap3A_1290], %swap3A_1293 {strides = array<i32>} : memref<40x768xf32, #tpu.memory_space<vmem>>, vector<1x16xf32>,
        %get3A_1294 = arith.index_cast %scan3A_1034 : i32 to index
        %get3A_1295 = arith.constant 416 : index
        %get3A_1296 = tpu.vector_load %arg11[%get3A_1294, %get3A_1295] {strides = array<i32>} : memref<40x768xf32, #tpu.memory_space<vmem>>, vector<1x16xf32>,
        %get3A_1297 = vector.shape_cast %get3A_1296 : vector<1x16xf32> to vector<16xf32>
        %add3A_1298 = arith.addf %get3A_1297, %get3A_434 : vector<16xf32>
        %swap3A_1299 = arith.index_cast %scan3A_1034 : i32 to index
        %swap3A_1300 = arith.constant 416 : index
        %swap3A_1301 = tpu.vector_load %arg11[%swap3A_1299, %swap3A_1300] {strides = array<i32>} : memref<40x768xf32, #tpu.memory_space<vmem>>, vector<1x16xf32>,
        %swap3A_1302 = vector.shape_cast %swap3A_1301 : vector<1x16xf32> to vector<16xf32>
        %swap3A_1303 = vector.shape_cast %add3A_1298 : vector<16xf32> to vector<1x16xf32>
        tpu.vector_store %arg11[%swap3A_1299, %swap3A_1300], %swap3A_1303 {strides = array<i32>} : memref<40x768xf32, #tpu.memory_space<vmem>>, vector<1x16xf32>,
        %get3A_1304 = arith.index_cast %scan3A_1034 : i32 to index
        %get3A_1305 = arith.constant 432 : index
        %get3A_1306 = tpu.vector_load %arg11[%get3A_1304, %get3A_1305] {strides = array<i32>} : memref<40x768xf32, #tpu.memory_space<vmem>>, vector<1x16xf32>,
        %get3A_1307 = vector.shape_cast %get3A_1306 : vector<1x16xf32> to vector<16xf32>
        %add3A_1308 = arith.addf %get3A_1307, %get3A_438 : vector<16xf32>
        %swap3A_1309 = arith.index_cast %scan3A_1034 : i32 to index
        %swap3A_1310 = arith.constant 432 : index
        %swap3A_1311 = tpu.vector_load %arg11[%swap3A_1309, %swap3A_1310] {strides = array<i32>} : memref<40x768xf32, #tpu.memory_space<vmem>>, vector<1x16xf32>,
        %swap3A_1312 = vector.shape_cast %swap3A_1311 : vector<1x16xf32> to vector<16xf32>
        %swap3A_1313 = vector.shape_cast %add3A_1308 : vector<16xf32> to vector<1x16xf32>
        tpu.vector_store %arg11[%swap3A_1309, %swap3A_1310], %swap3A_1313 {strides = array<i32>} : memref<40x768xf32, #tpu.memory_space<vmem>>, vector<1x16xf32>,
        %get3A_1314 = arith.index_cast %scan3A_1034 : i32 to index
        %get3A_1315 = arith.constant 448 : index
        %get3A_1316 = tpu.vector_load %arg11[%get3A_1314, %get3A_1315] {strides = array<i32>} : memref<40x768xf32, #tpu.memory_space<vmem>>, vector<1x16xf32>,
        %get3A_1317 = vector.shape_cast %get3A_1316 : vector<1x16xf32> to vector<16xf32>
        %add3A_1318 = arith.addf %get3A_1317, %get3A_442 : vector<16xf32>
        %swap3A_1319 = arith.index_cast %scan3A_1034 : i32 to index
        %swap3A_1320 = arith.constant 448 : index
        %swap3A_1321 = tpu.vector_load %arg11[%swap3A_1319, %swap3A_1320] {strides = array<i32>} : memref<40x768xf32, #tpu.memory_space<vmem>>, vector<1x16xf32>,
        %swap3A_1322 = vector.shape_cast %swap3A_1321 : vector<1x16xf32> to vector<16xf32>
        %swap3A_1323 = vector.shape_cast %add3A_1318 : vector<16xf32> to vector<1x16xf32>
        tpu.vector_store %arg11[%swap3A_1319, %swap3A_1320], %swap3A_1323 {strides = array<i32>} : memref<40x768xf32, #tpu.memory_space<vmem>>, vector<1x16xf32>,
        %get3A_1324 = arith.index_cast %scan3A_1034 : i32 to index
        %get3A_1325 = arith.constant 464 : index
        %get3A_1326 = tpu.vector_load %arg11[%get3A_1324, %get3A_1325] {strides = array<i32>} : memref<40x768xf32, #tpu.memory_space<vmem>>, vector<1x16xf32>,
        %get3A_1327 = vector.shape_cast %get3A_1326 : vector<1x16xf32> to vector<16xf32>
        %add3A_1328 = arith.addf %get3A_1327, %get3A_446 : vector<16xf32>
        %swap3A_1329 = arith.index_cast %scan3A_1034 : i32 to index
        %swap3A_1330 = arith.constant 464 : index
        %swap3A_1331 = tpu.vector_load %arg11[%swap3A_1329, %swap3A_1330] {strides = array<i32>} : memref<40x768xf32, #tpu.memory_space<vmem>>, vector<1x16xf32>,
        %swap3A_1332 = vector.shape_cast %swap3A_1331 : vector<1x16xf32> to vector<16xf32>
        %swap3A_1333 = vector.shape_cast %add3A_1328 : vector<16xf32> to vector<1x16xf32>
        tpu.vector_store %arg11[%swap3A_1329, %swap3A_1330], %swap3A_1333 {strides = array<i32>} : memref<40x768xf32, #tpu.memory_space<vmem>>, vector<1x16xf32>,
        %get3A_1334 = arith.index_cast %scan3A_1034 : i32 to index
        %get3A_1335 = arith.constant 480 : index
        %get3A_1336 = tpu.vector_load %arg11[%get3A_1334, %get3A_1335] {strides = array<i32>} : memref<40x768xf32, #tpu.memory_space<vmem>>, vector<1x16xf32>,
        %get3A_1337 = vector.shape_cast %get3A_1336 : vector<1x16xf32> to vector<16xf32>
        %add3A_1338 = arith.addf %get3A_1337, %get3A_450 : vector<16xf32>
        %swap3A_1339 = arith.index_cast %scan3A_1034 : i32 to index
        %swap3A_1340 = arith.constant 480 : index
        %swap3A_1341 = tpu.vector_load %arg11[%swap3A_1339, %swap3A_1340] {strides = array<i32>} : memref<40x768xf32, #tpu.memory_space<vmem>>, vector<1x16xf32>,
        %swap3A_1342 = vector.shape_cast %swap3A_1341 : vector<1x16xf32> to vector<16xf32>
        %swap3A_1343 = vector.shape_cast %add3A_1338 : vector<16xf32> to vector<1x16xf32>
        tpu.vector_store %arg11[%swap3A_1339, %swap3A_1340], %swap3A_1343 {strides = array<i32>} : memref<40x768xf32, #tpu.memory_space<vmem>>, vector<1x16xf32>,
        %get3A_1344 = arith.index_cast %scan3A_1034 : i32 to index
        %get3A_1345 = arith.constant 496 : index
        %get3A_1346 = tpu.vector_load %arg11[%get3A_1344, %get3A_1345] {strides = array<i32>} : memref<40x768xf32, #tpu.memory_space<vmem>>, vector<1x16xf32>,
        %get3A_1347 = vector.shape_cast %get3A_1346 : vector<1x16xf32> to vector<16xf32>
        %add3A_1348 = arith.addf %get3A_1347, %get3A_454 : vector<16xf32>
        %swap3A_1349 = arith.index_cast %scan3A_1034 : i32 to index
        %swap3A_1350 = arith.constant 496 : index
        %swap3A_1351 = tpu.vector_load %arg11[%swap3A_1349, %swap3A_1350] {strides = array<i32>} : memref<40x768xf32, #tpu.memory_space<vmem>>, vector<1x16xf32>,
        %swap3A_1352 = vector.shape_cast %swap3A_1351 : vector<1x16xf32> to vector<16xf32>
        %swap3A_1353 = vector.shape_cast %add3A_1348 : vector<16xf32> to vector<1x16xf32>
        tpu.vector_store %arg11[%swap3A_1349, %swap3A_1350], %swap3A_1353 {strides = array<i32>} : memref<40x768xf32, #tpu.memory_space<vmem>>, vector<1x16xf32>,
        %get3A_1354 = arith.index_cast %scan3A_1034 : i32 to index
        %get3A_1355 = arith.constant 512 : index
        %get3A_1356 = tpu.vector_load %arg11[%get3A_1354, %get3A_1355] {strides = array<i32>} : memref<40x768xf32, #tpu.memory_space<vmem>>, vector<1x16xf32>,
        %get3A_1357 = vector.shape_cast %get3A_1356 : vector<1x16xf32> to vector<16xf32>
        %add3A_1358 = arith.addf %get3A_1357, %get3A_458 : vector<16xf32>
        %swap3A_1359 = arith.index_cast %scan3A_1034 : i32 to index
        %swap3A_1360 = arith.constant 512 : index
        %swap3A_1361 = tpu.vector_load %arg11[%swap3A_1359, %swap3A_1360] {strides = array<i32>} : memref<40x768xf32, #tpu.memory_space<vmem>>, vector<1x16xf32>,
        %swap3A_1362 = vector.shape_cast %swap3A_1361 : vector<1x16xf32> to vector<16xf32>
        %swap3A_1363 = vector.shape_cast %add3A_1358 : vector<16xf32> to vector<1x16xf32>
        tpu.vector_store %arg11[%swap3A_1359, %swap3A_1360], %swap3A_1363 {strides = array<i32>} : memref<40x768xf32, #tpu.memory_space<vmem>>, vector<1x16xf32>,
        %get3A_1364 = arith.index_cast %scan3A_1034 : i32 to index
        %get3A_1365 = arith.constant 528 : index
        %get3A_1366 = tpu.vector_load %arg11[%get3A_1364, %get3A_1365] {strides = array<i32>} : memref<40x768xf32, #tpu.memory_space<vmem>>, vector<1x16xf32>,
        %get3A_1367 = vector.shape_cast %get3A_1366 : vector<1x16xf32> to vector<16xf32>
        %add3A_1368 = arith.addf %get3A_1367, %get3A_462 : vector<16xf32>
        %swap3A_1369 = arith.index_cast %scan3A_1034 : i32 to index
        %swap3A_1370 = arith.constant 528 : index
        %swap3A_1371 = tpu.vector_load %arg11[%swap3A_1369, %swap3A_1370] {strides = array<i32>} : memref<40x768xf32, #tpu.memory_space<vmem>>, vector<1x16xf32>,
        %swap3A_1372 = vector.shape_cast %swap3A_1371 : vector<1x16xf32> to vector<16xf32>
        %swap3A_1373 = vector.shape_cast %add3A_1368 : vector<16xf32> to vector<1x16xf32>
        tpu.vector_store %arg11[%swap3A_1369, %swap3A_1370], %swap3A_1373 {strides = array<i32>} : memref<40x768xf32, #tpu.memory_space<vmem>>, vector<1x16xf32>,
        %get3A_1374 = arith.index_cast %scan3A_1034 : i32 to index
        %get3A_1375 = arith.constant 544 : index
        %get3A_1376 = tpu.vector_load %arg11[%get3A_1374, %get3A_1375] {strides = array<i32>} : memref<40x768xf32, #tpu.memory_space<vmem>>, vector<1x16xf32>,
        %get3A_1377 = vector.shape_cast %get3A_1376 : vector<1x16xf32> to vector<16xf32>
        %add3A_1378 = arith.addf %get3A_1377, %get3A_466 : vector<16xf32>
        %swap3A_1379 = arith.index_cast %scan3A_1034 : i32 to index
        %swap3A_1380 = arith.constant 544 : index
        %swap3A_1381 = tpu.vector_load %arg11[%swap3A_1379, %swap3A_1380] {strides = array<i32>} : memref<40x768xf32, #tpu.memory_space<vmem>>, vector<1x16xf32>,
        %swap3A_1382 = vector.shape_cast %swap3A_1381 : vector<1x16xf32> to vector<16xf32>
        %swap3A_1383 = vector.shape_cast %add3A_1378 : vector<16xf32> to vector<1x16xf32>
        tpu.vector_store %arg11[%swap3A_1379, %swap3A_1380], %swap3A_1383 {strides = array<i32>} : memref<40x768xf32, #tpu.memory_space<vmem>>, vector<1x16xf32>,
        %get3A_1384 = arith.index_cast %scan3A_1034 : i32 to index
        %get3A_1385 = arith.constant 560 : index
        %get3A_1386 = tpu.vector_load %arg11[%get3A_1384, %get3A_1385] {strides = array<i32>} : memref<40x768xf32, #tpu.memory_space<vmem>>, vector<1x16xf32>,
        %get3A_1387 = vector.shape_cast %get3A_1386 : vector<1x16xf32> to vector<16xf32>
        %add3A_1388 = arith.addf %get3A_1387, %get3A_470 : vector<16xf32>
        %swap3A_1389 = arith.index_cast %scan3A_1034 : i32 to index
        %swap3A_1390 = arith.constant 560 : index
        %swap3A_1391 = tpu.vector_load %arg11[%swap3A_1389, %swap3A_1390] {strides = array<i32>} : memref<40x768xf32, #tpu.memory_space<vmem>>, vector<1x16xf32>,
        %swap3A_1392 = vector.shape_cast %swap3A_1391 : vector<1x16xf32> to vector<16xf32>
        %swap3A_1393 = vector.shape_cast %add3A_1388 : vector<16xf32> to vector<1x16xf32>
        tpu.vector_store %arg11[%swap3A_1389, %swap3A_1390], %swap3A_1393 {strides = array<i32>} : memref<40x768xf32, #tpu.memory_space<vmem>>, vector<1x16xf32>,
        %get3A_1394 = arith.index_cast %scan3A_1034 : i32 to index
        %get3A_1395 = arith.constant 576 : index
        %get3A_1396 = tpu.vector_load %arg11[%get3A_1394, %get3A_1395] {strides = array<i32>} : memref<40x768xf32, #tpu.memory_space<vmem>>, vector<1x16xf32>,
        %get3A_1397 = vector.shape_cast %get3A_1396 : vector<1x16xf32> to vector<16xf32>
        %add3A_1398 = arith.addf %get3A_1397, %get3A_474 : vector<16xf32>
        %swap3A_1399 = arith.index_cast %scan3A_1034 : i32 to index
        %swap3A_1400 = arith.constant 576 : index
        %swap3A_1401 = tpu.vector_load %arg11[%swap3A_1399, %swap3A_1400] {strides = array<i32>} : memref<40x768xf32, #tpu.memory_space<vmem>>, vector<1x16xf32>,
        %swap3A_1402 = vector.shape_cast %swap3A_1401 : vector<1x16xf32> to vector<16xf32>
        %swap3A_1403 = vector.shape_cast %add3A_1398 : vector<16xf32> to vector<1x16xf32>
        tpu.vector_store %arg11[%swap3A_1399, %swap3A_1400], %swap3A_1403 {strides = array<i32>} : memref<40x768xf32, #tpu.memory_space<vmem>>, vector<1x16xf32>,
        %get3A_1404 = arith.index_cast %scan3A_1034 : i32 to index
        %get3A_1405 = arith.constant 592 : index
        %get3A_1406 = tpu.vector_load %arg11[%get3A_1404, %get3A_1405] {strides = array<i32>} : memref<40x768xf32, #tpu.memory_space<vmem>>, vector<1x16xf32>,
        %get3A_1407 = vector.shape_cast %get3A_1406 : vector<1x16xf32> to vector<16xf32>
        %add3A_1408 = arith.addf %get3A_1407, %get3A_478 : vector<16xf32>
        %swap3A_1409 = arith.index_cast %scan3A_1034 : i32 to index
        %swap3A_1410 = arith.constant 592 : index
        %swap3A_1411 = tpu.vector_load %arg11[%swap3A_1409, %swap3A_1410] {strides = array<i32>} : memref<40x768xf32, #tpu.memory_space<vmem>>, vector<1x16xf32>,
        %swap3A_1412 = vector.shape_cast %swap3A_1411 : vector<1x16xf32> to vector<16xf32>
        %swap3A_1413 = vector.shape_cast %add3A_1408 : vector<16xf32> to vector<1x16xf32>
        tpu.vector_store %arg11[%swap3A_1409, %swap3A_1410], %swap3A_1413 {strides = array<i32>} : memref<40x768xf32, #tpu.memory_space<vmem>>, vector<1x16xf32>,
        %get3A_1414 = arith.index_cast %scan3A_1034 : i32 to index
        %get3A_1415 = arith.constant 608 : index
        %get3A_1416 = tpu.vector_load %arg11[%get3A_1414, %get3A_1415] {strides = array<i32>} : memref<40x768xf32, #tpu.memory_space<vmem>>, vector<1x16xf32>,
        %get3A_1417 = vector.shape_cast %get3A_1416 : vector<1x16xf32> to vector<16xf32>
        %add3A_1418 = arith.addf %get3A_1417, %get3A_482 : vector<16xf32>
        %swap3A_1419 = arith.index_cast %scan3A_1034 : i32 to index
        %swap3A_1420 = arith.constant 608 : index
        %swap3A_1421 = tpu.vector_load %arg11[%swap3A_1419, %swap3A_1420] {strides = array<i32>} : memref<40x768xf32, #tpu.memory_space<vmem>>, vector<1x16xf32>,
        %swap3A_1422 = vector.shape_cast %swap3A_1421 : vector<1x16xf32> to vector<16xf32>
        %swap3A_1423 = vector.shape_cast %add3A_1418 : vector<16xf32> to vector<1x16xf32>
        tpu.vector_store %arg11[%swap3A_1419, %swap3A_1420], %swap3A_1423 {strides = array<i32>} : memref<40x768xf32, #tpu.memory_space<vmem>>, vector<1x16xf32>,
        %get3A_1424 = arith.index_cast %scan3A_1034 : i32 to index
        %get3A_1425 = arith.constant 624 : index
        %get3A_1426 = tpu.vector_load %arg11[%get3A_1424, %get3A_1425] {strides = array<i32>} : memref<40x768xf32, #tpu.memory_space<vmem>>, vector<1x16xf32>,
        %get3A_1427 = vector.shape_cast %get3A_1426 : vector<1x16xf32> to vector<16xf32>
        %add3A_1428 = arith.addf %get3A_1427, %get3A_486 : vector<16xf32>
        %swap3A_1429 = arith.index_cast %scan3A_1034 : i32 to index
        %swap3A_1430 = arith.constant 624 : index
        %swap3A_1431 = tpu.vector_load %arg11[%swap3A_1429, %swap3A_1430] {strides = array<i32>} : memref<40x768xf32, #tpu.memory_space<vmem>>, vector<1x16xf32>,
        %swap3A_1432 = vector.shape_cast %swap3A_1431 : vector<1x16xf32> to vector<16xf32>
        %swap3A_1433 = vector.shape_cast %add3A_1428 : vector<16xf32> to vector<1x16xf32>
        tpu.vector_store %arg11[%swap3A_1429, %swap3A_1430], %swap3A_1433 {strides = array<i32>} : memref<40x768xf32, #tpu.memory_space<vmem>>, vector<1x16xf32>,
        %get3A_1434 = arith.index_cast %scan3A_1034 : i32 to index
        %get3A_1435 = arith.constant 640 : index
        %get3A_1436 = tpu.vector_load %arg11[%get3A_1434, %get3A_1435] {strides = array<i32>} : memref<40x768xf32, #tpu.memory_space<vmem>>, vector<1x16xf32>,
        %get3A_1437 = vector.shape_cast %get3A_1436 : vector<1x16xf32> to vector<16xf32>
        %add3A_1438 = arith.addf %get3A_1437, %get3A_490 : vector<16xf32>
        %swap3A_1439 = arith.index_cast %scan3A_1034 : i32 to index
        %swap3A_1440 = arith.constant 640 : index
        %swap3A_1441 = tpu.vector_load %arg11[%swap3A_1439, %swap3A_1440] {strides = array<i32>} : memref<40x768xf32, #tpu.memory_space<vmem>>, vector<1x16xf32>,
        %swap3A_1442 = vector.shape_cast %swap3A_1441 : vector<1x16xf32> to vector<16xf32>
        %swap3A_1443 = vector.shape_cast %add3A_1438 : vector<16xf32> to vector<1x16xf32>
        tpu.vector_store %arg11[%swap3A_1439, %swap3A_1440], %swap3A_1443 {strides = array<i32>} : memref<40x768xf32, #tpu.memory_space<vmem>>, vector<1x16xf32>,
        %get3A_1444 = arith.index_cast %scan3A_1034 : i32 to index
        %get3A_1445 = arith.constant 656 : index
        %get3A_1446 = tpu.vector_load %arg11[%get3A_1444, %get3A_1445] {strides = array<i32>} : memref<40x768xf32, #tpu.memory_space<vmem>>, vector<1x16xf32>,
        %get3A_1447 = vector.shape_cast %get3A_1446 : vector<1x16xf32> to vector<16xf32>
        %add3A_1448 = arith.addf %get3A_1447, %get3A_494 : vector<16xf32>
        %swap3A_1449 = arith.index_cast %scan3A_1034 : i32 to index
        %swap3A_1450 = arith.constant 656 : index
        %swap3A_1451 = tpu.vector_load %arg11[%swap3A_1449, %swap3A_1450] {strides = array<i32>} : memref<40x768xf32, #tpu.memory_space<vmem>>, vector<1x16xf32>,
        %swap3A_1452 = vector.shape_cast %swap3A_1451 : vector<1x16xf32> to vector<16xf32>
        %swap3A_1453 = vector.shape_cast %add3A_1448 : vector<16xf32> to vector<1x16xf32>
        tpu.vector_store %arg11[%swap3A_1449, %swap3A_1450], %swap3A_1453 {strides = array<i32>} : memref<40x768xf32, #tpu.memory_space<vmem>>, vector<1x16xf32>,
        %get3A_1454 = arith.index_cast %scan3A_1034 : i32 to index
        %get3A_1455 = arith.constant 672 : index
        %get3A_1456 = tpu.vector_load %arg11[%get3A_1454, %get3A_1455] {strides = array<i32>} : memref<40x768xf32, #tpu.memory_space<vmem>>, vector<1x16xf32>,
        %get3A_1457 = vector.shape_cast %get3A_1456 : vector<1x16xf32> to vector<16xf32>
        %add3A_1458 = arith.addf %get3A_1457, %get3A_498 : vector<16xf32>
        %swap3A_1459 = arith.index_cast %scan3A_1034 : i32 to index
        %swap3A_1460 = arith.constant 672 : index
        %swap3A_1461 = tpu.vector_load %arg11[%swap3A_1459, %swap3A_1460] {strides = array<i32>} : memref<40x768xf32, #tpu.memory_space<vmem>>, vector<1x16xf32>,
        %swap3A_1462 = vector.shape_cast %swap3A_1461 : vector<1x16xf32> to vector<16xf32>
        %swap3A_1463 = vector.shape_cast %add3A_1458 : vector<16xf32> to vector<1x16xf32>
        tpu.vector_store %arg11[%swap3A_1459, %swap3A_1460], %swap3A_1463 {strides = array<i32>} : memref<40x768xf32, #tpu.memory_space<vmem>>, vector<1x16xf32>,
        %get3A_1464 = arith.index_cast %scan3A_1034 : i32 to index
        %get3A_1465 = arith.constant 688 : index
        %get3A_1466 = tpu.vector_load %arg11[%get3A_1464, %get3A_1465] {strides = array<i32>} : memref<40x768xf32, #tpu.memory_space<vmem>>, vector<1x16xf32>,
        %get3A_1467 = vector.shape_cast %get3A_1466 : vector<1x16xf32> to vector<16xf32>
        %add3A_1468 = arith.addf %get3A_1467, %get3A_502 : vector<16xf32>
        %swap3A_1469 = arith.index_cast %scan3A_1034 : i32 to index
        %swap3A_1470 = arith.constant 688 : index
        %swap3A_1471 = tpu.vector_load %arg11[%swap3A_1469, %swap3A_1470] {strides = array<i32>} : memref<40x768xf32, #tpu.memory_space<vmem>>, vector<1x16xf32>,
        %swap3A_1472 = vector.shape_cast %swap3A_1471 : vector<1x16xf32> to vector<16xf32>
        %swap3A_1473 = vector.shape_cast %add3A_1468 : vector<16xf32> to vector<1x16xf32>
        tpu.vector_store %arg11[%swap3A_1469, %swap3A_1470], %swap3A_1473 {strides = array<i32>} : memref<40x768xf32, #tpu.memory_space<vmem>>, vector<1x16xf32>,
        %get3A_1474 = arith.index_cast %scan3A_1034 : i32 to index
        %get3A_1475 = arith.constant 704 : index
        %get3A_1476 = tpu.vector_load %arg11[%get3A_1474, %get3A_1475] {strides = array<i32>} : memref<40x768xf32, #tpu.memory_space<vmem>>, vector<1x16xf32>,
        %get3A_1477 = vector.shape_cast %get3A_1476 : vector<1x16xf32> to vector<16xf32>
        %add3A_1478 = arith.addf %get3A_1477, %get3A_506 : vector<16xf32>
        %swap3A_1479 = arith.index_cast %scan3A_1034 : i32 to index
        %swap3A_1480 = arith.constant 704 : index
        %swap3A_1481 = tpu.vector_load %arg11[%swap3A_1479, %swap3A_1480] {strides = array<i32>} : memref<40x768xf32, #tpu.memory_space<vmem>>, vector<1x16xf32>,
        %swap3A_1482 = vector.shape_cast %swap3A_1481 : vector<1x16xf32> to vector<16xf32>
        %swap3A_1483 = vector.shape_cast %add3A_1478 : vector<16xf32> to vector<1x16xf32>
        tpu.vector_store %arg11[%swap3A_1479, %swap3A_1480], %swap3A_1483 {strides = array<i32>} : memref<40x768xf32, #tpu.memory_space<vmem>>, vector<1x16xf32>,
        %get3A_1484 = arith.index_cast %scan3A_1034 : i32 to index
        %get3A_1485 = arith.constant 720 : index
        %get3A_1486 = tpu.vector_load %arg11[%get3A_1484, %get3A_1485] {strides = array<i32>} : memref<40x768xf32, #tpu.memory_space<vmem>>, vector<1x16xf32>,
        %get3A_1487 = vector.shape_cast %get3A_1486 : vector<1x16xf32> to vector<16xf32>
        %add3A_1488 = arith.addf %get3A_1487, %get3A_510 : vector<16xf32>
        %swap3A_1489 = arith.index_cast %scan3A_1034 : i32 to index
        %swap3A_1490 = arith.constant 720 : index
        %swap3A_1491 = tpu.vector_load %arg11[%swap3A_1489, %swap3A_1490] {strides = array<i32>} : memref<40x768xf32, #tpu.memory_space<vmem>>, vector<1x16xf32>,
        %swap3A_1492 = vector.shape_cast %swap3A_1491 : vector<1x16xf32> to vector<16xf32>
        %swap3A_1493 = vector.shape_cast %add3A_1488 : vector<16xf32> to vector<1x16xf32>
        tpu.vector_store %arg11[%swap3A_1489, %swap3A_1490], %swap3A_1493 {strides = array<i32>} : memref<40x768xf32, #tpu.memory_space<vmem>>, vector<1x16xf32>,
        %get3A_1494 = arith.index_cast %scan3A_1034 : i32 to index
        %get3A_1495 = arith.constant 736 : index
        %get3A_1496 = tpu.vector_load %arg11[%get3A_1494, %get3A_1495] {strides = array<i32>} : memref<40x768xf32, #tpu.memory_space<vmem>>, vector<1x16xf32>,
        %get3A_1497 = vector.shape_cast %get3A_1496 : vector<1x16xf32> to vector<16xf32>
        %add3A_1498 = arith.addf %get3A_1497, %get3A_514 : vector<16xf32>
        %swap3A_1499 = arith.index_cast %scan3A_1034 : i32 to index
        %swap3A_1500 = arith.constant 736 : index
        %swap3A_1501 = tpu.vector_load %arg11[%swap3A_1499, %swap3A_1500] {strides = array<i32>} : memref<40x768xf32, #tpu.memory_space<vmem>>, vector<1x16xf32>,
        %swap3A_1502 = vector.shape_cast %swap3A_1501 : vector<1x16xf32> to vector<16xf32>
        %swap3A_1503 = vector.shape_cast %add3A_1498 : vector<16xf32> to vector<1x16xf32>
        tpu.vector_store %arg11[%swap3A_1499, %swap3A_1500], %swap3A_1503 {strides = array<i32>} : memref<40x768xf32, #tpu.memory_space<vmem>>, vector<1x16xf32>,
        %get3A_1504 = arith.index_cast %scan3A_1034 : i32 to index
        %get3A_1505 = arith.constant 752 : index
        %get3A_1506 = tpu.vector_load %arg11[%get3A_1504, %get3A_1505] {strides = array<i32>} : memref<40x768xf32, #tpu.memory_space<vmem>>, vector<1x16xf32>,
        %get3A_1507 = vector.shape_cast %get3A_1506 : vector<1x16xf32> to vector<16xf32>
        %add3A_1508 = arith.addf %get3A_1507, %get3A_518 : vector<16xf32>
        %swap3A_1509 = arith.index_cast %scan3A_1034 : i32 to index
        %swap3A_1510 = arith.constant 752 : index
        %swap3A_1511 = tpu.vector_load %arg11[%swap3A_1509, %swap3A_1510] {strides = array<i32>} : memref<40x768xf32, #tpu.memory_space<vmem>>, vector<1x16xf32>,
        %swap3A_1512 = vector.shape_cast %swap3A_1511 : vector<1x16xf32> to vector<16xf32>
        %swap3A_1513 = vector.shape_cast %add3A_1508 : vector<16xf32> to vector<1x16xf32>
        tpu.vector_store %arg11[%swap3A_1509, %swap3A_1510], %swap3A_1513 {strides = array<i32>} : memref<40x768xf32, #tpu.memory_space<vmem>>, vector<1x16xf32>,
      }
      %scan3A_524 = arith.constant 40 : i32
      %mul3A_525 = arith.constant 1600 : i32
      %mul3A_526 = arith.muli %add3A, %mul3A_525 : i32
      %mul3A_527 = arith.constant 40 : i32
      %mul3A_528 = arith.muli %add3A_285, %mul3A_527 : i32
      %add3A_529 = arith.addi %mul3A_526, %mul3A_528 : i32
      %dma_start3A_530 = arith.constant 0 : i32
      %dma_start3A_531 = tpu.memref_slice %arg6[%add3A_529, %dma_start3A_530] : memref<51200x768xf32, #tpu.memory_space<hbm>> -> memref<40x768xf32, #tpu.memory_space<hbm>>
      %dma_start3A_532 = arith.constant 0 : i32
      %dma_start3A_533 = tpu.memref_slice %arg6[%add3A_529, %dma_start3A_532] : memref<51200x768xf32, #tpu.memory_space<hbm>> -> memref<40x768xf32, #tpu.memory_space<hbm>>
      tpu.enqueue_dma source(%arg11 : memref<40x768xf32, #tpu.memory_space<vmem>>) target(%dma_start3A_533 : memref<40x768xf32, #tpu.memory_space<hbm>>) target_semaphore(%arg19 : memref<!tpu.dma_semaphore, #tpu.memory_space<semaphore_mem>>)
      %add3A_534 = arith.constant 2 : i32
      %add3A_535 = arith.addi %mul3A_45, %add3A_534 : i32
      %ge3A_536 = arith.constant 2 : i32
      %ge3A_537 = arith.cmpi sge, %add3A_535, %ge3A_536 : i32
      %convert_element_type3A_538 = arith.extui %ge3A_537 : i1 to i32
      %cond3A_539 = arith.constant 0 : i32
      %cond3A_540 = arith.cmpi ne, %convert_element_type3A_538, %cond3A_539 : i32
      scf.if %cond3A_540 {
        %dma_wait3A_1034 = arith.constant 0 : i32
        %dma_wait3A_1035 = arith.constant 0 : i32
        %dma_wait3A_1036 = tpu.memref_slice %arg6[%dma_wait3A_1034, %dma_wait3A_1035] : memref<51200x768xf32, #tpu.memory_space<hbm>> -> memref<40x768xf32, #tpu.memory_space<hbm>>
        %dma_wait3A_1037 = arith.constant 0 : i32
        %dma_wait3A_1038 = arith.constant 0 : i32
        %dma_wait3A_1039 = tpu.memref_slice %arg6[%dma_wait3A_1037, %dma_wait3A_1038] : memref<51200x768xf32, #tpu.memory_space<hbm>> -> memref<40x768xf32, #tpu.memory_space<hbm>>
        tpu.wait_dma2 semaphore(%arg18 : memref<!tpu.dma_semaphore, #tpu.memory_space<semaphore_mem>>) src(%arg10 : memref<40x768xf32, #tpu.memory_space<vmem>>) dst(%dma_wait3A_1039 : memref<40x768xf32, #tpu.memory_space<hbm>>)
      } else {
      }
      %add3A_541 = arith.constant 2 : i32
      %add3A_542 = arith.addi %add3A_535, %add3A_541 : i32
      %lt3A_543 = arith.constant 40 : i32
      %lt3A_544 = arith.cmpi slt, %add3A_542, %lt3A_543 : i32
      %convert_element_type3A_545 = arith.extui %lt3A_544 : i1 to i32
      %cond3A_546 = arith.constant 0 : i32
      %cond3A_547 = arith.cmpi ne, %convert_element_type3A_545, %cond3A_546 : i32
      scf.if %cond3A_547 {
        %add3A_1034 = arith.constant 2 : i32
        %add3A_1035 = arith.addi %add3A_535, %add3A_1034 : i32
        %mul3A_1036 = arith.constant 40 : i32
        %mul3A_1037 = arith.muli %add3A_1035, %mul3A_1036 : i32
        %dma_start3A_1038 = tpu.memref_slice %arg7[%mul3A_1037] : memref<1600xi32, #tpu.memory_space<vmem>> -> memref<40xi32, #tpu.memory_space<vmem>>
        %dma_start3A_1039 = arith.constant 0 : i32
        %dma_start3A_1040 = arith.constant 0 : i32
        %dma_start3A_1041 = tpu.memref_slice %arg4[%dma_start3A_1039, %dma_start3A_1040] : memref<100000x768xf32, #tpu.memory_space<hbm>> -> memref<100000x768xf32, #tpu.memory_space<hbm>>
        tpu.enqueue_indirect_dma source(%dma_start3A_1041 : memref<100000x768xf32, #tpu.memory_space<hbm>>) target(%arg10 : memref<40x768xf32, #tpu.memory_space<vmem>>) offsets(%dma_start3A_1038 : memref<40xi32, #tpu.memory_space<vmem>>) semaphore(%arg14 : memref<!tpu.dma_semaphore, #tpu.memory_space<semaphore_mem>>)
      } else {
      }
      %dma_wait3A_548 = arith.constant 0 : i32
      %dma_wait3A_549 = tpu.memref_slice %arg7[%dma_wait3A_548] : memref<1600xi32, #tpu.memory_space<vmem>> -> memref<40xi32, #tpu.memory_space<vmem>>
      %dma_wait3A_550 = arith.constant 0 : i32
      %dma_wait3A_551 = arith.constant 0 : i32
      %dma_wait3A_552 = tpu.memref_slice %arg4[%dma_wait3A_550, %dma_wait3A_551] : memref<100000x768xf32, #tpu.memory_space<hbm>> -> memref<100000x768xf32, #tpu.memory_space<hbm>>
      tpu.wait_indirect_dma semaphore(%arg16 : memref<!tpu.dma_semaphore, #tpu.memory_space<semaphore_mem>>) src(%dma_wait3A_552 : memref<100000x768xf32, #tpu.memory_space<hbm>>) dst(%arg12 : memref<40x768xf32, #tpu.memory_space<vmem>>)
      %jit3A_553 = arith.constant 5 : i32
      %div3A_554 = arith.divsi %add3A_535, %jit3A_553 : i32
      %sign3A_555 = arith.constant 0 : i32
      %sign3A_556 = arith.cmpi sgt, %add3A_535, %sign3A_555 : i32
      %sign3A_557 = arith.extui %sign3A_556 : i1 to i32
      %sign3A_558 = arith.constant 0 : i32
      %sign3A_559 = arith.cmpi slt, %add3A_535, %sign3A_558 : i32
      %sign3A_560 = arith.extui %sign3A_559 : i1 to i32
      %sign3A_561 = arith.subi %sign3A_557, %sign3A_560 : i32
      %sign3A_562 = arith.constant 0 : i32
      %sign3A_563 = arith.cmpi sgt, %jit3A_553, %sign3A_562 : i32
      %sign3A_564 = arith.extui %sign3A_563 : i1 to i32
      %sign3A_565 = arith.constant 0 : i32
      %sign3A_566 = arith.cmpi slt, %jit3A_553, %sign3A_565 : i32
      %sign3A_567 = arith.extui %sign3A_566 : i1 to i32
      %sign3A_568 = arith.subi %sign3A_564, %sign3A_567 : i32
      %ne3A_569 = arith.cmpi ne, %sign3A_561, %sign3A_568 : i32
      %rem3A_570 = arith.remsi %add3A_535, %jit3A_553 : i32
      %ne3A_571 = arith.constant 0 : i32
      %ne3A_572 = arith.cmpi ne, %rem3A_570, %ne3A_571 : i32
      %and3A_573 = arith.andi %ne3A_569, %ne3A_572 : i1
      %sub3A_574 = arith.constant 1 : i32
      %sub3A_575 = arith.subi %div3A_554, %sub3A_574 : i32
      %select_n3A_576 = arith.select %and3A_573, %sub3A_575, %div3A_554 : i32
      %get3A_577 = arith.index_cast %select_n3A_576 : i32 to index
      %get3A_578 = arith.constant 0 : index
      %get3A_579 = tpu.vector_load %arg9[%get3A_577, %get3A_578] {strides = array<i32>} : memref<8x768xf32, #tpu.memory_space<vmem>>, vector<1x16xf32>,
      %get3A_580 = vector.shape_cast %get3A_579 : vector<1x16xf32> to vector<16xf32>
      %get3A_581 = arith.index_cast %select_n3A_576 : i32 to index
      %get3A_582 = arith.constant 16 : index
      %get3A_583 = tpu.vector_load %arg9[%get3A_581, %get3A_582] {strides = array<i32>} : memref<8x768xf32, #tpu.memory_space<vmem>>, vector<1x16xf32>,
      %get3A_584 = vector.shape_cast %get3A_583 : vector<1x16xf32> to vector<16xf32>
      %get3A_585 = arith.index_cast %select_n3A_576 : i32 to index
      %get3A_586 = arith.constant 32 : index
      %get3A_587 = tpu.vector_load %arg9[%get3A_585, %get3A_586] {strides = array<i32>} : memref<8x768xf32, #tpu.memory_space<vmem>>, vector<1x16xf32>,
      %get3A_588 = vector.shape_cast %get3A_587 : vector<1x16xf32> to vector<16xf32>
      %get3A_589 = arith.index_cast %select_n3A_576 : i32 to index
      %get3A_590 = arith.constant 48 : index
      %get3A_591 = tpu.vector_load %arg9[%get3A_589, %get3A_590] {strides = array<i32>} : memref<8x768xf32, #tpu.memory_space<vmem>>, vector<1x16xf32>,
      %get3A_592 = vector.shape_cast %get3A_591 : vector<1x16xf32> to vector<16xf32>
      %get3A_593 = arith.index_cast %select_n3A_576 : i32 to index
      %get3A_594 = arith.constant 64 : index
      %get3A_595 = tpu.vector_load %arg9[%get3A_593, %get3A_594] {strides = array<i32>} : memref<8x768xf32, #tpu.memory_space<vmem>>, vector<1x16xf32>,
      %get3A_596 = vector.shape_cast %get3A_595 : vector<1x16xf32> to vector<16xf32>
      %get3A_597 = arith.index_cast %select_n3A_576 : i32 to index
      %get3A_598 = arith.constant 80 : index
      %get3A_599 = tpu.vector_load %arg9[%get3A_597, %get3A_598] {strides = array<i32>} : memref<8x768xf32, #tpu.memory_space<vmem>>, vector<1x16xf32>,
      %get3A_600 = vector.shape_cast %get3A_599 : vector<1x16xf32> to vector<16xf32>
      %get3A_601 = arith.index_cast %select_n3A_576 : i32 to index
      %get3A_602 = arith.constant 96 : index
      %get3A_603 = tpu.vector_load %arg9[%get3A_601, %get3A_602] {strides = array<i32>} : memref<8x768xf32, #tpu.memory_space<vmem>>, vector<1x16xf32>,
      %get3A_604 = vector.shape_cast %get3A_603 : vector<1x16xf32> to vector<16xf32>
      %get3A_605 = arith.index_cast %select_n3A_576 : i32 to index
      %get3A_606 = arith.constant 112 : index
      %get3A_607 = tpu.vector_load %arg9[%get3A_605, %get3A_606] {strides = array<i32>} : memref<8x768xf32, #tpu.memory_space<vmem>>, vector<1x16xf32>,
      %get3A_608 = vector.shape_cast %get3A_607 : vector<1x16xf32> to vector<16xf32>
      %get3A_609 = arith.index_cast %select_n3A_576 : i32 to index
      %get3A_610 = arith.constant 128 : index
      %get3A_611 = tpu.vector_load %arg9[%get3A_609, %get3A_610] {strides = array<i32>} : memref<8x768xf32, #tpu.memory_space<vmem>>, vector<1x16xf32>,
      %get3A_612 = vector.shape_cast %get3A_611 : vector<1x16xf32> to vector<16xf32>
      %get3A_613 = arith.index_cast %select_n3A_576 : i32 to index
      %get3A_614 = arith.constant 144 : index
      %get3A_615 = tpu.vector_load %arg9[%get3A_613, %get3A_614] {strides = array<i32>} : memref<8x768xf32, #tpu.memory_space<vmem>>, vector<1x16xf32>,
      %get3A_616 = vector.shape_cast %get3A_615 : vector<1x16xf32> to vector<16xf32>
      %get3A_617 = arith.index_cast %select_n3A_576 : i32 to index
      %get3A_618 = arith.constant 160 : index
      %get3A_619 = tpu.vector_load %arg9[%get3A_617, %get3A_618] {strides = array<i32>} : memref<8x768xf32, #tpu.memory_space<vmem>>, vector<1x16xf32>,
      %get3A_620 = vector.shape_cast %get3A_619 : vector<1x16xf32> to vector<16xf32>
      %get3A_621 = arith.index_cast %select_n3A_576 : i32 to index
      %get3A_622 = arith.constant 176 : index
      %get3A_623 = tpu.vector_load %arg9[%get3A_621, %get3A_622] {strides = array<i32>} : memref<8x768xf32, #tpu.memory_space<vmem>>, vector<1x16xf32>,
      %get3A_624 = vector.shape_cast %get3A_623 : vector<1x16xf32> to vector<16xf32>
      %get3A_625 = arith.index_cast %select_n3A_576 : i32 to index
      %get3A_626 = arith.constant 192 : index
      %get3A_627 = tpu.vector_load %arg9[%get3A_625, %get3A_626] {strides = array<i32>} : memref<8x768xf32, #tpu.memory_space<vmem>>, vector<1x16xf32>,
      %get3A_628 = vector.shape_cast %get3A_627 : vector<1x16xf32> to vector<16xf32>
      %get3A_629 = arith.index_cast %select_n3A_576 : i32 to index
      %get3A_630 = arith.constant 208 : index
      %get3A_631 = tpu.vector_load %arg9[%get3A_629, %get3A_630] {strides = array<i32>} : memref<8x768xf32, #tpu.memory_space<vmem>>, vector<1x16xf32>,
      %get3A_632 = vector.shape_cast %get3A_631 : vector<1x16xf32> to vector<16xf32>
      %get3A_633 = arith.index_cast %select_n3A_576 : i32 to index
      %get3A_634 = arith.constant 224 : index
      %get3A_635 = tpu.vector_load %arg9[%get3A_633, %get3A_634] {strides = array<i32>} : memref<8x768xf32, #tpu.memory_space<vmem>>, vector<1x16xf32>,
      %get3A_636 = vector.shape_cast %get3A_635 : vector<1x16xf32> to vector<16xf32>
      %get3A_637 = arith.index_cast %select_n3A_576 : i32 to index
      %get3A_638 = arith.constant 240 : index
      %get3A_639 = tpu.vector_load %arg9[%get3A_637, %get3A_638] {strides = array<i32>} : memref<8x768xf32, #tpu.memory_space<vmem>>, vector<1x16xf32>,
      %get3A_640 = vector.shape_cast %get3A_639 : vector<1x16xf32> to vector<16xf32>
      %get3A_641 = arith.index_cast %select_n3A_576 : i32 to index
      %get3A_642 = arith.constant 256 : index
      %get3A_643 = tpu.vector_load %arg9[%get3A_641, %get3A_642] {strides = array<i32>} : memref<8x768xf32, #tpu.memory_space<vmem>>, vector<1x16xf32>,
      %get3A_644 = vector.shape_cast %get3A_643 : vector<1x16xf32> to vector<16xf32>
      %get3A_645 = arith.index_cast %select_n3A_576 : i32 to index
      %get3A_646 = arith.constant 272 : index
      %get3A_647 = tpu.vector_load %arg9[%get3A_645, %get3A_646] {strides = array<i32>} : memref<8x768xf32, #tpu.memory_space<vmem>>, vector<1x16xf32>,
      %get3A_648 = vector.shape_cast %get3A_647 : vector<1x16xf32> to vector<16xf32>
      %get3A_649 = arith.index_cast %select_n3A_576 : i32 to index
      %get3A_650 = arith.constant 288 : index
      %get3A_651 = tpu.vector_load %arg9[%get3A_649, %get3A_650] {strides = array<i32>} : memref<8x768xf32, #tpu.memory_space<vmem>>, vector<1x16xf32>,
      %get3A_652 = vector.shape_cast %get3A_651 : vector<1x16xf32> to vector<16xf32>
      %get3A_653 = arith.index_cast %select_n3A_576 : i32 to index
      %get3A_654 = arith.constant 304 : index
      %get3A_655 = tpu.vector_load %arg9[%get3A_653, %get3A_654] {strides = array<i32>} : memref<8x768xf32, #tpu.memory_space<vmem>>, vector<1x16xf32>,
      %get3A_656 = vector.shape_cast %get3A_655 : vector<1x16xf32> to vector<16xf32>
      %get3A_657 = arith.index_cast %select_n3A_576 : i32 to index
      %get3A_658 = arith.constant 320 : index
      %get3A_659 = tpu.vector_load %arg9[%get3A_657, %get3A_658] {strides = array<i32>} : memref<8x768xf32, #tpu.memory_space<vmem>>, vector<1x16xf32>,
      %get3A_660 = vector.shape_cast %get3A_659 : vector<1x16xf32> to vector<16xf32>
      %get3A_661 = arith.index_cast %select_n3A_576 : i32 to index
      %get3A_662 = arith.constant 336 : index
      %get3A_663 = tpu.vector_load %arg9[%get3A_661, %get3A_662] {strides = array<i32>} : memref<8x768xf32, #tpu.memory_space<vmem>>, vector<1x16xf32>,
      %get3A_664 = vector.shape_cast %get3A_663 : vector<1x16xf32> to vector<16xf32>
      %get3A_665 = arith.index_cast %select_n3A_576 : i32 to index
      %get3A_666 = arith.constant 352 : index
      %get3A_667 = tpu.vector_load %arg9[%get3A_665, %get3A_666] {strides = array<i32>} : memref<8x768xf32, #tpu.memory_space<vmem>>, vector<1x16xf32>,
      %get3A_668 = vector.shape_cast %get3A_667 : vector<1x16xf32> to vector<16xf32>
      %get3A_669 = arith.index_cast %select_n3A_576 : i32 to index
      %get3A_670 = arith.constant 368 : index
      %get3A_671 = tpu.vector_load %arg9[%get3A_669, %get3A_670] {strides = array<i32>} : memref<8x768xf32, #tpu.memory_space<vmem>>, vector<1x16xf32>,
      %get3A_672 = vector.shape_cast %get3A_671 : vector<1x16xf32> to vector<16xf32>
      %get3A_673 = arith.index_cast %select_n3A_576 : i32 to index
      %get3A_674 = arith.constant 384 : index
      %get3A_675 = tpu.vector_load %arg9[%get3A_673, %get3A_674] {strides = array<i32>} : memref<8x768xf32, #tpu.memory_space<vmem>>, vector<1x16xf32>,
      %get3A_676 = vector.shape_cast %get3A_675 : vector<1x16xf32> to vector<16xf32>
      %get3A_677 = arith.index_cast %select_n3A_576 : i32 to index
      %get3A_678 = arith.constant 400 : index
      %get3A_679 = tpu.vector_load %arg9[%get3A_677, %get3A_678] {strides = array<i32>} : memref<8x768xf32, #tpu.memory_space<vmem>>, vector<1x16xf32>,
      %get3A_680 = vector.shape_cast %get3A_679 : vector<1x16xf32> to vector<16xf32>
      %get3A_681 = arith.index_cast %select_n3A_576 : i32 to index
      %get3A_682 = arith.constant 416 : index
      %get3A_683 = tpu.vector_load %arg9[%get3A_681, %get3A_682] {strides = array<i32>} : memref<8x768xf32, #tpu.memory_space<vmem>>, vector<1x16xf32>,
      %get3A_684 = vector.shape_cast %get3A_683 : vector<1x16xf32> to vector<16xf32>
      %get3A_685 = arith.index_cast %select_n3A_576 : i32 to index
      %get3A_686 = arith.constant 432 : index
      %get3A_687 = tpu.vector_load %arg9[%get3A_685, %get3A_686] {strides = array<i32>} : memref<8x768xf32, #tpu.memory_space<vmem>>, vector<1x16xf32>,
      %get3A_688 = vector.shape_cast %get3A_687 : vector<1x16xf32> to vector<16xf32>
      %get3A_689 = arith.index_cast %select_n3A_576 : i32 to index
      %get3A_690 = arith.constant 448 : index
      %get3A_691 = tpu.vector_load %arg9[%get3A_689, %get3A_690] {strides = array<i32>} : memref<8x768xf32, #tpu.memory_space<vmem>>, vector<1x16xf32>,
      %get3A_692 = vector.shape_cast %get3A_691 : vector<1x16xf32> to vector<16xf32>
      %get3A_693 = arith.index_cast %select_n3A_576 : i32 to index
      %get3A_694 = arith.constant 464 : index
      %get3A_695 = tpu.vector_load %arg9[%get3A_693, %get3A_694] {strides = array<i32>} : memref<8x768xf32, #tpu.memory_space<vmem>>, vector<1x16xf32>,
      %get3A_696 = vector.shape_cast %get3A_695 : vector<1x16xf32> to vector<16xf32>
      %get3A_697 = arith.index_cast %select_n3A_576 : i32 to index
      %get3A_698 = arith.constant 480 : index
      %get3A_699 = tpu.vector_load %arg9[%get3A_697, %get3A_698] {strides = array<i32>} : memref<8x768xf32, #tpu.memory_space<vmem>>, vector<1x16xf32>,
      %get3A_700 = vector.shape_cast %get3A_699 : vector<1x16xf32> to vector<16xf32>
      %get3A_701 = arith.index_cast %select_n3A_576 : i32 to index
      %get3A_702 = arith.constant 496 : index
      %get3A_703 = tpu.vector_load %arg9[%get3A_701, %get3A_702] {strides = array<i32>} : memref<8x768xf32, #tpu.memory_space<vmem>>, vector<1x16xf32>,
      %get3A_704 = vector.shape_cast %get3A_703 : vector<1x16xf32> to vector<16xf32>
      %get3A_705 = arith.index_cast %select_n3A_576 : i32 to index
      %get3A_706 = arith.constant 512 : index
      %get3A_707 = tpu.vector_load %arg9[%get3A_705, %get3A_706] {strides = array<i32>} : memref<8x768xf32, #tpu.memory_space<vmem>>, vector<1x16xf32>,
      %get3A_708 = vector.shape_cast %get3A_707 : vector<1x16xf32> to vector<16xf32>
      %get3A_709 = arith.index_cast %select_n3A_576 : i32 to index
      %get3A_710 = arith.constant 528 : index
      %get3A_711 = tpu.vector_load %arg9[%get3A_709, %get3A_710] {strides = array<i32>} : memref<8x768xf32, #tpu.memory_space<vmem>>, vector<1x16xf32>,
      %get3A_712 = vector.shape_cast %get3A_711 : vector<1x16xf32> to vector<16xf32>
      %get3A_713 = arith.index_cast %select_n3A_576 : i32 to index
      %get3A_714 = arith.constant 544 : index
      %get3A_715 = tpu.vector_load %arg9[%get3A_713, %get3A_714] {strides = array<i32>} : memref<8x768xf32, #tpu.memory_space<vmem>>, vector<1x16xf32>,
      %get3A_716 = vector.shape_cast %get3A_715 : vector<1x16xf32> to vector<16xf32>
      %get3A_717 = arith.index_cast %select_n3A_576 : i32 to index
      %get3A_718 = arith.constant 560 : index
      %get3A_719 = tpu.vector_load %arg9[%get3A_717, %get3A_718] {strides = array<i32>} : memref<8x768xf32, #tpu.memory_space<vmem>>, vector<1x16xf32>,
      %get3A_720 = vector.shape_cast %get3A_719 : vector<1x16xf32> to vector<16xf32>
      %get3A_721 = arith.index_cast %select_n3A_576 : i32 to index
      %get3A_722 = arith.constant 576 : index
      %get3A_723 = tpu.vector_load %arg9[%get3A_721, %get3A_722] {strides = array<i32>} : memref<8x768xf32, #tpu.memory_space<vmem>>, vector<1x16xf32>,
      %get3A_724 = vector.shape_cast %get3A_723 : vector<1x16xf32> to vector<16xf32>
      %get3A_725 = arith.index_cast %select_n3A_576 : i32 to index
      %get3A_726 = arith.constant 592 : index
      %get3A_727 = tpu.vector_load %arg9[%get3A_725, %get3A_726] {strides = array<i32>} : memref<8x768xf32, #tpu.memory_space<vmem>>, vector<1x16xf32>,
      %get3A_728 = vector.shape_cast %get3A_727 : vector<1x16xf32> to vector<16xf32>
      %get3A_729 = arith.index_cast %select_n3A_576 : i32 to index
      %get3A_730 = arith.constant 608 : index
      %get3A_731 = tpu.vector_load %arg9[%get3A_729, %get3A_730] {strides = array<i32>} : memref<8x768xf32, #tpu.memory_space<vmem>>, vector<1x16xf32>,
      %get3A_732 = vector.shape_cast %get3A_731 : vector<1x16xf32> to vector<16xf32>
      %get3A_733 = arith.index_cast %select_n3A_576 : i32 to index
      %get3A_734 = arith.constant 624 : index
      %get3A_735 = tpu.vector_load %arg9[%get3A_733, %get3A_734] {strides = array<i32>} : memref<8x768xf32, #tpu.memory_space<vmem>>, vector<1x16xf32>,
      %get3A_736 = vector.shape_cast %get3A_735 : vector<1x16xf32> to vector<16xf32>
      %get3A_737 = arith.index_cast %select_n3A_576 : i32 to index
      %get3A_738 = arith.constant 640 : index
      %get3A_739 = tpu.vector_load %arg9[%get3A_737, %get3A_738] {strides = array<i32>} : memref<8x768xf32, #tpu.memory_space<vmem>>, vector<1x16xf32>,
      %get3A_740 = vector.shape_cast %get3A_739 : vector<1x16xf32> to vector<16xf32>
      %get3A_741 = arith.index_cast %select_n3A_576 : i32 to index
      %get3A_742 = arith.constant 656 : index
      %get3A_743 = tpu.vector_load %arg9[%get3A_741, %get3A_742] {strides = array<i32>} : memref<8x768xf32, #tpu.memory_space<vmem>>, vector<1x16xf32>,
      %get3A_744 = vector.shape_cast %get3A_743 : vector<1x16xf32> to vector<16xf32>
      %get3A_745 = arith.index_cast %select_n3A_576 : i32 to index
      %get3A_746 = arith.constant 672 : index
      %get3A_747 = tpu.vector_load %arg9[%get3A_745, %get3A_746] {strides = array<i32>} : memref<8x768xf32, #tpu.memory_space<vmem>>, vector<1x16xf32>,
      %get3A_748 = vector.shape_cast %get3A_747 : vector<1x16xf32> to vector<16xf32>
      %get3A_749 = arith.index_cast %select_n3A_576 : i32 to index
      %get3A_750 = arith.constant 688 : index
      %get3A_751 = tpu.vector_load %arg9[%get3A_749, %get3A_750] {strides = array<i32>} : memref<8x768xf32, #tpu.memory_space<vmem>>, vector<1x16xf32>,
      %get3A_752 = vector.shape_cast %get3A_751 : vector<1x16xf32> to vector<16xf32>
      %get3A_753 = arith.index_cast %select_n3A_576 : i32 to index
      %get3A_754 = arith.constant 704 : index
      %get3A_755 = tpu.vector_load %arg9[%get3A_753, %get3A_754] {strides = array<i32>} : memref<8x768xf32, #tpu.memory_space<vmem>>, vector<1x16xf32>,
      %get3A_756 = vector.shape_cast %get3A_755 : vector<1x16xf32> to vector<16xf32>
      %get3A_757 = arith.index_cast %select_n3A_576 : i32 to index
      %get3A_758 = arith.constant 720 : index
      %get3A_759 = tpu.vector_load %arg9[%get3A_757, %get3A_758] {strides = array<i32>} : memref<8x768xf32, #tpu.memory_space<vmem>>, vector<1x16xf32>,
      %get3A_760 = vector.shape_cast %get3A_759 : vector<1x16xf32> to vector<16xf32>
      %get3A_761 = arith.index_cast %select_n3A_576 : i32 to index
      %get3A_762 = arith.constant 736 : index
      %get3A_763 = tpu.vector_load %arg9[%get3A_761, %get3A_762] {strides = array<i32>} : memref<8x768xf32, #tpu.memory_space<vmem>>, vector<1x16xf32>,
      %get3A_764 = vector.shape_cast %get3A_763 : vector<1x16xf32> to vector<16xf32>
      %get3A_765 = arith.index_cast %select_n3A_576 : i32 to index
      %get3A_766 = arith.constant 752 : index
      %get3A_767 = tpu.vector_load %arg9[%get3A_765, %get3A_766] {strides = array<i32>} : memref<8x768xf32, #tpu.memory_space<vmem>>, vector<1x16xf32>,
      %get3A_768 = vector.shape_cast %get3A_767 : vector<1x16xf32> to vector<16xf32>
      %scan3A_769 = arith.constant 0 : i32
      %scan3A_770 = arith.constant 0 : i32
      %scan3A_771 = arith.constant 40 : i32
      %scan3A_772 = arith.addi %scan3A_770, %scan3A_771 : i32
      %scan3A_773 = arith.constant 1 : i32
      scf.for %scan3A_1034 = %scan3A_770 to %scan3A_772 step %scan3A_773  : i32 {
        %get3A_1035 = arith.index_cast %scan3A_1034 : i32 to index
        %get3A_1036 = arith.constant 0 : index
        %get3A_1037 = tpu.vector_load %arg12[%get3A_1035, %get3A_1036] {strides = array<i32>} : memref<40x768xf32, #tpu.memory_space<vmem>>, vector<1x16xf32>,
        %get3A_1038 = vector.shape_cast %get3A_1037 : vector<1x16xf32> to vector<16xf32>
        %add3A_1039 = arith.addf %get3A_1038, %get3A_580 : vector<16xf32>
        %swap3A = arith.index_cast %scan3A_1034 : i32 to index
        %swap3A_1040 = arith.constant 0 : index
        %swap3A_1041 = tpu.vector_load %arg12[%swap3A, %swap3A_1040] {strides = array<i32>} : memref<40x768xf32, #tpu.memory_space<vmem>>, vector<1x16xf32>,
        %swap3A_1042 = vector.shape_cast %swap3A_1041 : vector<1x16xf32> to vector<16xf32>
        %swap3A_1043 = vector.shape_cast %add3A_1039 : vector<16xf32> to vector<1x16xf32>
        tpu.vector_store %arg12[%swap3A, %swap3A_1040], %swap3A_1043 {strides = array<i32>} : memref<40x768xf32, #tpu.memory_space<vmem>>, vector<1x16xf32>,
        %get3A_1044 = arith.index_cast %scan3A_1034 : i32 to index
        %get3A_1045 = arith.constant 16 : index
        %get3A_1046 = tpu.vector_load %arg12[%get3A_1044, %get3A_1045] {strides = array<i32>} : memref<40x768xf32, #tpu.memory_space<vmem>>, vector<1x16xf32>,
        %get3A_1047 = vector.shape_cast %get3A_1046 : vector<1x16xf32> to vector<16xf32>
        %add3A_1048 = arith.addf %get3A_1047, %get3A_584 : vector<16xf32>
        %swap3A_1049 = arith.index_cast %scan3A_1034 : i32 to index
        %swap3A_1050 = arith.constant 16 : index
        %swap3A_1051 = tpu.vector_load %arg12[%swap3A_1049, %swap3A_1050] {strides = array<i32>} : memref<40x768xf32, #tpu.memory_space<vmem>>, vector<1x16xf32>,
        %swap3A_1052 = vector.shape_cast %swap3A_1051 : vector<1x16xf32> to vector<16xf32>
        %swap3A_1053 = vector.shape_cast %add3A_1048 : vector<16xf32> to vector<1x16xf32>
        tpu.vector_store %arg12[%swap3A_1049, %swap3A_1050], %swap3A_1053 {strides = array<i32>} : memref<40x768xf32, #tpu.memory_space<vmem>>, vector<1x16xf32>,
        %get3A_1054 = arith.index_cast %scan3A_1034 : i32 to index
        %get3A_1055 = arith.constant 32 : index
        %get3A_1056 = tpu.vector_load %arg12[%get3A_1054, %get3A_1055] {strides = array<i32>} : memref<40x768xf32, #tpu.memory_space<vmem>>, vector<1x16xf32>,
        %get3A_1057 = vector.shape_cast %get3A_1056 : vector<1x16xf32> to vector<16xf32>
        %add3A_1058 = arith.addf %get3A_1057, %get3A_588 : vector<16xf32>
        %swap3A_1059 = arith.index_cast %scan3A_1034 : i32 to index
        %swap3A_1060 = arith.constant 32 : index
        %swap3A_1061 = tpu.vector_load %arg12[%swap3A_1059, %swap3A_1060] {strides = array<i32>} : memref<40x768xf32, #tpu.memory_space<vmem>>, vector<1x16xf32>,
        %swap3A_1062 = vector.shape_cast %swap3A_1061 : vector<1x16xf32> to vector<16xf32>
        %swap3A_1063 = vector.shape_cast %add3A_1058 : vector<16xf32> to vector<1x16xf32>
        tpu.vector_store %arg12[%swap3A_1059, %swap3A_1060], %swap3A_1063 {strides = array<i32>} : memref<40x768xf32, #tpu.memory_space<vmem>>, vector<1x16xf32>,
        %get3A_1064 = arith.index_cast %scan3A_1034 : i32 to index
        %get3A_1065 = arith.constant 48 : index
        %get3A_1066 = tpu.vector_load %arg12[%get3A_1064, %get3A_1065] {strides = array<i32>} : memref<40x768xf32, #tpu.memory_space<vmem>>, vector<1x16xf32>,
        %get3A_1067 = vector.shape_cast %get3A_1066 : vector<1x16xf32> to vector<16xf32>
        %add3A_1068 = arith.addf %get3A_1067, %get3A_592 : vector<16xf32>
        %swap3A_1069 = arith.index_cast %scan3A_1034 : i32 to index
        %swap3A_1070 = arith.constant 48 : index
        %swap3A_1071 = tpu.vector_load %arg12[%swap3A_1069, %swap3A_1070] {strides = array<i32>} : memref<40x768xf32, #tpu.memory_space<vmem>>, vector<1x16xf32>,
        %swap3A_1072 = vector.shape_cast %swap3A_1071 : vector<1x16xf32> to vector<16xf32>
        %swap3A_1073 = vector.shape_cast %add3A_1068 : vector<16xf32> to vector<1x16xf32>
        tpu.vector_store %arg12[%swap3A_1069, %swap3A_1070], %swap3A_1073 {strides = array<i32>} : memref<40x768xf32, #tpu.memory_space<vmem>>, vector<1x16xf32>,
        %get3A_1074 = arith.index_cast %scan3A_1034 : i32 to index
        %get3A_1075 = arith.constant 64 : index
        %get3A_1076 = tpu.vector_load %arg12[%get3A_1074, %get3A_1075] {strides = array<i32>} : memref<40x768xf32, #tpu.memory_space<vmem>>, vector<1x16xf32>,
        %get3A_1077 = vector.shape_cast %get3A_1076 : vector<1x16xf32> to vector<16xf32>
        %add3A_1078 = arith.addf %get3A_1077, %get3A_596 : vector<16xf32>
        %swap3A_1079 = arith.index_cast %scan3A_1034 : i32 to index
        %swap3A_1080 = arith.constant 64 : index
        %swap3A_1081 = tpu.vector_load %arg12[%swap3A_1079, %swap3A_1080] {strides = array<i32>} : memref<40x768xf32, #tpu.memory_space<vmem>>, vector<1x16xf32>,
        %swap3A_1082 = vector.shape_cast %swap3A_1081 : vector<1x16xf32> to vector<16xf32>
        %swap3A_1083 = vector.shape_cast %add3A_1078 : vector<16xf32> to vector<1x16xf32>
        tpu.vector_store %arg12[%swap3A_1079, %swap3A_1080], %swap3A_1083 {strides = array<i32>} : memref<40x768xf32, #tpu.memory_space<vmem>>, vector<1x16xf32>,
        %get3A_1084 = arith.index_cast %scan3A_1034 : i32 to index
        %get3A_1085 = arith.constant 80 : index
        %get3A_1086 = tpu.vector_load %arg12[%get3A_1084, %get3A_1085] {strides = array<i32>} : memref<40x768xf32, #tpu.memory_space<vmem>>, vector<1x16xf32>,
        %get3A_1087 = vector.shape_cast %get3A_1086 : vector<1x16xf32> to vector<16xf32>
        %add3A_1088 = arith.addf %get3A_1087, %get3A_600 : vector<16xf32>
        %swap3A_1089 = arith.index_cast %scan3A_1034 : i32 to index
        %swap3A_1090 = arith.constant 80 : index
        %swap3A_1091 = tpu.vector_load %arg12[%swap3A_1089, %swap3A_1090] {strides = array<i32>} : memref<40x768xf32, #tpu.memory_space<vmem>>, vector<1x16xf32>,
        %swap3A_1092 = vector.shape_cast %swap3A_1091 : vector<1x16xf32> to vector<16xf32>
        %swap3A_1093 = vector.shape_cast %add3A_1088 : vector<16xf32> to vector<1x16xf32>
        tpu.vector_store %arg12[%swap3A_1089, %swap3A_1090], %swap3A_1093 {strides = array<i32>} : memref<40x768xf32, #tpu.memory_space<vmem>>, vector<1x16xf32>,
        %get3A_1094 = arith.index_cast %scan3A_1034 : i32 to index
        %get3A_1095 = arith.constant 96 : index
        %get3A_1096 = tpu.vector_load %arg12[%get3A_1094, %get3A_1095] {strides = array<i32>} : memref<40x768xf32, #tpu.memory_space<vmem>>, vector<1x16xf32>,
        %get3A_1097 = vector.shape_cast %get3A_1096 : vector<1x16xf32> to vector<16xf32>
        %add3A_1098 = arith.addf %get3A_1097, %get3A_604 : vector<16xf32>
        %swap3A_1099 = arith.index_cast %scan3A_1034 : i32 to index
        %swap3A_1100 = arith.constant 96 : index
        %swap3A_1101 = tpu.vector_load %arg12[%swap3A_1099, %swap3A_1100] {strides = array<i32>} : memref<40x768xf32, #tpu.memory_space<vmem>>, vector<1x16xf32>,
        %swap3A_1102 = vector.shape_cast %swap3A_1101 : vector<1x16xf32> to vector<16xf32>
        %swap3A_1103 = vector.shape_cast %add3A_1098 : vector<16xf32> to vector<1x16xf32>
        tpu.vector_store %arg12[%swap3A_1099, %swap3A_1100], %swap3A_1103 {strides = array<i32>} : memref<40x768xf32, #tpu.memory_space<vmem>>, vector<1x16xf32>,
        %get3A_1104 = arith.index_cast %scan3A_1034 : i32 to index
        %get3A_1105 = arith.constant 112 : index
        %get3A_1106 = tpu.vector_load %arg12[%get3A_1104, %get3A_1105] {strides = array<i32>} : memref<40x768xf32, #tpu.memory_space<vmem>>, vector<1x16xf32>,
        %get3A_1107 = vector.shape_cast %get3A_1106 : vector<1x16xf32> to vector<16xf32>
        %add3A_1108 = arith.addf %get3A_1107, %get3A_608 : vector<16xf32>
        %swap3A_1109 = arith.index_cast %scan3A_1034 : i32 to index
        %swap3A_1110 = arith.constant 112 : index
        %swap3A_1111 = tpu.vector_load %arg12[%swap3A_1109, %swap3A_1110] {strides = array<i32>} : memref<40x768xf32, #tpu.memory_space<vmem>>, vector<1x16xf32>,
        %swap3A_1112 = vector.shape_cast %swap3A_1111 : vector<1x16xf32> to vector<16xf32>
        %swap3A_1113 = vector.shape_cast %add3A_1108 : vector<16xf32> to vector<1x16xf32>
        tpu.vector_store %arg12[%swap3A_1109, %swap3A_1110], %swap3A_1113 {strides = array<i32>} : memref<40x768xf32, #tpu.memory_space<vmem>>, vector<1x16xf32>,
        %get3A_1114 = arith.index_cast %scan3A_1034 : i32 to index
        %get3A_1115 = arith.constant 128 : index
        %get3A_1116 = tpu.vector_load %arg12[%get3A_1114, %get3A_1115] {strides = array<i32>} : memref<40x768xf32, #tpu.memory_space<vmem>>, vector<1x16xf32>,
        %get3A_1117 = vector.shape_cast %get3A_1116 : vector<1x16xf32> to vector<16xf32>
        %add3A_1118 = arith.addf %get3A_1117, %get3A_612 : vector<16xf32>
        %swap3A_1119 = arith.index_cast %scan3A_1034 : i32 to index
        %swap3A_1120 = arith.constant 128 : index
        %swap3A_1121 = tpu.vector_load %arg12[%swap3A_1119, %swap3A_1120] {strides = array<i32>} : memref<40x768xf32, #tpu.memory_space<vmem>>, vector<1x16xf32>,
        %swap3A_1122 = vector.shape_cast %swap3A_1121 : vector<1x16xf32> to vector<16xf32>
        %swap3A_1123 = vector.shape_cast %add3A_1118 : vector<16xf32> to vector<1x16xf32>
        tpu.vector_store %arg12[%swap3A_1119, %swap3A_1120], %swap3A_1123 {strides = array<i32>} : memref<40x768xf32, #tpu.memory_space<vmem>>, vector<1x16xf32>,
        %get3A_1124 = arith.index_cast %scan3A_1034 : i32 to index
        %get3A_1125 = arith.constant 144 : index
        %get3A_1126 = tpu.vector_load %arg12[%get3A_1124, %get3A_1125] {strides = array<i32>} : memref<40x768xf32, #tpu.memory_space<vmem>>, vector<1x16xf32>,
        %get3A_1127 = vector.shape_cast %get3A_1126 : vector<1x16xf32> to vector<16xf32>
        %add3A_1128 = arith.addf %get3A_1127, %get3A_616 : vector<16xf32>
        %swap3A_1129 = arith.index_cast %scan3A_1034 : i32 to index
        %swap3A_1130 = arith.constant 144 : index
        %swap3A_1131 = tpu.vector_load %arg12[%swap3A_1129, %swap3A_1130] {strides = array<i32>} : memref<40x768xf32, #tpu.memory_space<vmem>>, vector<1x16xf32>,
        %swap3A_1132 = vector.shape_cast %swap3A_1131 : vector<1x16xf32> to vector<16xf32>
        %swap3A_1133 = vector.shape_cast %add3A_1128 : vector<16xf32> to vector<1x16xf32>
        tpu.vector_store %arg12[%swap3A_1129, %swap3A_1130], %swap3A_1133 {strides = array<i32>} : memref<40x768xf32, #tpu.memory_space<vmem>>, vector<1x16xf32>,
        %get3A_1134 = arith.index_cast %scan3A_1034 : i32 to index
        %get3A_1135 = arith.constant 160 : index
        %get3A_1136 = tpu.vector_load %arg12[%get3A_1134, %get3A_1135] {strides = array<i32>} : memref<40x768xf32, #tpu.memory_space<vmem>>, vector<1x16xf32>,
        %get3A_1137 = vector.shape_cast %get3A_1136 : vector<1x16xf32> to vector<16xf32>
        %add3A_1138 = arith.addf %get3A_1137, %get3A_620 : vector<16xf32>
        %swap3A_1139 = arith.index_cast %scan3A_1034 : i32 to index
        %swap3A_1140 = arith.constant 160 : index
        %swap3A_1141 = tpu.vector_load %arg12[%swap3A_1139, %swap3A_1140] {strides = array<i32>} : memref<40x768xf32, #tpu.memory_space<vmem>>, vector<1x16xf32>,
        %swap3A_1142 = vector.shape_cast %swap3A_1141 : vector<1x16xf32> to vector<16xf32>
        %swap3A_1143 = vector.shape_cast %add3A_1138 : vector<16xf32> to vector<1x16xf32>
        tpu.vector_store %arg12[%swap3A_1139, %swap3A_1140], %swap3A_1143 {strides = array<i32>} : memref<40x768xf32, #tpu.memory_space<vmem>>, vector<1x16xf32>,
        %get3A_1144 = arith.index_cast %scan3A_1034 : i32 to index
        %get3A_1145 = arith.constant 176 : index
        %get3A_1146 = tpu.vector_load %arg12[%get3A_1144, %get3A_1145] {strides = array<i32>} : memref<40x768xf32, #tpu.memory_space<vmem>>, vector<1x16xf32>,
        %get3A_1147 = vector.shape_cast %get3A_1146 : vector<1x16xf32> to vector<16xf32>
        %add3A_1148 = arith.addf %get3A_1147, %get3A_624 : vector<16xf32>
        %swap3A_1149 = arith.index_cast %scan3A_1034 : i32 to index
        %swap3A_1150 = arith.constant 176 : index
        %swap3A_1151 = tpu.vector_load %arg12[%swap3A_1149, %swap3A_1150] {strides = array<i32>} : memref<40x768xf32, #tpu.memory_space<vmem>>, vector<1x16xf32>,
        %swap3A_1152 = vector.shape_cast %swap3A_1151 : vector<1x16xf32> to vector<16xf32>
        %swap3A_1153 = vector.shape_cast %add3A_1148 : vector<16xf32> to vector<1x16xf32>
        tpu.vector_store %arg12[%swap3A_1149, %swap3A_1150], %swap3A_1153 {strides = array<i32>} : memref<40x768xf32, #tpu.memory_space<vmem>>, vector<1x16xf32>,
        %get3A_1154 = arith.index_cast %scan3A_1034 : i32 to index
        %get3A_1155 = arith.constant 192 : index
        %get3A_1156 = tpu.vector_load %arg12[%get3A_1154, %get3A_1155] {strides = array<i32>} : memref<40x768xf32, #tpu.memory_space<vmem>>, vector<1x16xf32>,
        %get3A_1157 = vector.shape_cast %get3A_1156 : vector<1x16xf32> to vector<16xf32>
        %add3A_1158 = arith.addf %get3A_1157, %get3A_628 : vector<16xf32>
        %swap3A_1159 = arith.index_cast %scan3A_1034 : i32 to index
        %swap3A_1160 = arith.constant 192 : index
        %swap3A_1161 = tpu.vector_load %arg12[%swap3A_1159, %swap3A_1160] {strides = array<i32>} : memref<40x768xf32, #tpu.memory_space<vmem>>, vector<1x16xf32>,
        %swap3A_1162 = vector.shape_cast %swap3A_1161 : vector<1x16xf32> to vector<16xf32>
        %swap3A_1163 = vector.shape_cast %add3A_1158 : vector<16xf32> to vector<1x16xf32>
        tpu.vector_store %arg12[%swap3A_1159, %swap3A_1160], %swap3A_1163 {strides = array<i32>} : memref<40x768xf32, #tpu.memory_space<vmem>>, vector<1x16xf32>,
        %get3A_1164 = arith.index_cast %scan3A_1034 : i32 to index
        %get3A_1165 = arith.constant 208 : index
        %get3A_1166 = tpu.vector_load %arg12[%get3A_1164, %get3A_1165] {strides = array<i32>} : memref<40x768xf32, #tpu.memory_space<vmem>>, vector<1x16xf32>,
        %get3A_1167 = vector.shape_cast %get3A_1166 : vector<1x16xf32> to vector<16xf32>
        %add3A_1168 = arith.addf %get3A_1167, %get3A_632 : vector<16xf32>
        %swap3A_1169 = arith.index_cast %scan3A_1034 : i32 to index
        %swap3A_1170 = arith.constant 208 : index
        %swap3A_1171 = tpu.vector_load %arg12[%swap3A_1169, %swap3A_1170] {strides = array<i32>} : memref<40x768xf32, #tpu.memory_space<vmem>>, vector<1x16xf32>,
        %swap3A_1172 = vector.shape_cast %swap3A_1171 : vector<1x16xf32> to vector<16xf32>
        %swap3A_1173 = vector.shape_cast %add3A_1168 : vector<16xf32> to vector<1x16xf32>
        tpu.vector_store %arg12[%swap3A_1169, %swap3A_1170], %swap3A_1173 {strides = array<i32>} : memref<40x768xf32, #tpu.memory_space<vmem>>, vector<1x16xf32>,
        %get3A_1174 = arith.index_cast %scan3A_1034 : i32 to index
        %get3A_1175 = arith.constant 224 : index
        %get3A_1176 = tpu.vector_load %arg12[%get3A_1174, %get3A_1175] {strides = array<i32>} : memref<40x768xf32, #tpu.memory_space<vmem>>, vector<1x16xf32>,
        %get3A_1177 = vector.shape_cast %get3A_1176 : vector<1x16xf32> to vector<16xf32>
        %add3A_1178 = arith.addf %get3A_1177, %get3A_636 : vector<16xf32>
        %swap3A_1179 = arith.index_cast %scan3A_1034 : i32 to index
        %swap3A_1180 = arith.constant 224 : index
        %swap3A_1181 = tpu.vector_load %arg12[%swap3A_1179, %swap3A_1180] {strides = array<i32>} : memref<40x768xf32, #tpu.memory_space<vmem>>, vector<1x16xf32>,
        %swap3A_1182 = vector.shape_cast %swap3A_1181 : vector<1x16xf32> to vector<16xf32>
        %swap3A_1183 = vector.shape_cast %add3A_1178 : vector<16xf32> to vector<1x16xf32>
        tpu.vector_store %arg12[%swap3A_1179, %swap3A_1180], %swap3A_1183 {strides = array<i32>} : memref<40x768xf32, #tpu.memory_space<vmem>>, vector<1x16xf32>,
        %get3A_1184 = arith.index_cast %scan3A_1034 : i32 to index
        %get3A_1185 = arith.constant 240 : index
        %get3A_1186 = tpu.vector_load %arg12[%get3A_1184, %get3A_1185] {strides = array<i32>} : memref<40x768xf32, #tpu.memory_space<vmem>>, vector<1x16xf32>,
        %get3A_1187 = vector.shape_cast %get3A_1186 : vector<1x16xf32> to vector<16xf32>
        %add3A_1188 = arith.addf %get3A_1187, %get3A_640 : vector<16xf32>
        %swap3A_1189 = arith.index_cast %scan3A_1034 : i32 to index
        %swap3A_1190 = arith.constant 240 : index
        %swap3A_1191 = tpu.vector_load %arg12[%swap3A_1189, %swap3A_1190] {strides = array<i32>} : memref<40x768xf32, #tpu.memory_space<vmem>>, vector<1x16xf32>,
        %swap3A_1192 = vector.shape_cast %swap3A_1191 : vector<1x16xf32> to vector<16xf32>
        %swap3A_1193 = vector.shape_cast %add3A_1188 : vector<16xf32> to vector<1x16xf32>
        tpu.vector_store %arg12[%swap3A_1189, %swap3A_1190], %swap3A_1193 {strides = array<i32>} : memref<40x768xf32, #tpu.memory_space<vmem>>, vector<1x16xf32>,
        %get3A_1194 = arith.index_cast %scan3A_1034 : i32 to index
        %get3A_1195 = arith.constant 256 : index
        %get3A_1196 = tpu.vector_load %arg12[%get3A_1194, %get3A_1195] {strides = array<i32>} : memref<40x768xf32, #tpu.memory_space<vmem>>, vector<1x16xf32>,
        %get3A_1197 = vector.shape_cast %get3A_1196 : vector<1x16xf32> to vector<16xf32>
        %add3A_1198 = arith.addf %get3A_1197, %get3A_644 : vector<16xf32>
        %swap3A_1199 = arith.index_cast %scan3A_1034 : i32 to index
        %swap3A_1200 = arith.constant 256 : index
        %swap3A_1201 = tpu.vector_load %arg12[%swap3A_1199, %swap3A_1200] {strides = array<i32>} : memref<40x768xf32, #tpu.memory_space<vmem>>, vector<1x16xf32>,
        %swap3A_1202 = vector.shape_cast %swap3A_1201 : vector<1x16xf32> to vector<16xf32>
        %swap3A_1203 = vector.shape_cast %add3A_1198 : vector<16xf32> to vector<1x16xf32>
        tpu.vector_store %arg12[%swap3A_1199, %swap3A_1200], %swap3A_1203 {strides = array<i32>} : memref<40x768xf32, #tpu.memory_space<vmem>>, vector<1x16xf32>,
        %get3A_1204 = arith.index_cast %scan3A_1034 : i32 to index
        %get3A_1205 = arith.constant 272 : index
        %get3A_1206 = tpu.vector_load %arg12[%get3A_1204, %get3A_1205] {strides = array<i32>} : memref<40x768xf32, #tpu.memory_space<vmem>>, vector<1x16xf32>,
        %get3A_1207 = vector.shape_cast %get3A_1206 : vector<1x16xf32> to vector<16xf32>
        %add3A_1208 = arith.addf %get3A_1207, %get3A_648 : vector<16xf32>
        %swap3A_1209 = arith.index_cast %scan3A_1034 : i32 to index
        %swap3A_1210 = arith.constant 272 : index
        %swap3A_1211 = tpu.vector_load %arg12[%swap3A_1209, %swap3A_1210] {strides = array<i32>} : memref<40x768xf32, #tpu.memory_space<vmem>>, vector<1x16xf32>,
        %swap3A_1212 = vector.shape_cast %swap3A_1211 : vector<1x16xf32> to vector<16xf32>
        %swap3A_1213 = vector.shape_cast %add3A_1208 : vector<16xf32> to vector<1x16xf32>
        tpu.vector_store %arg12[%swap3A_1209, %swap3A_1210], %swap3A_1213 {strides = array<i32>} : memref<40x768xf32, #tpu.memory_space<vmem>>, vector<1x16xf32>,
        %get3A_1214 = arith.index_cast %scan3A_1034 : i32 to index
        %get3A_1215 = arith.constant 288 : index
        %get3A_1216 = tpu.vector_load %arg12[%get3A_1214, %get3A_1215] {strides = array<i32>} : memref<40x768xf32, #tpu.memory_space<vmem>>, vector<1x16xf32>,
        %get3A_1217 = vector.shape_cast %get3A_1216 : vector<1x16xf32> to vector<16xf32>
        %add3A_1218 = arith.addf %get3A_1217, %get3A_652 : vector<16xf32>
        %swap3A_1219 = arith.index_cast %scan3A_1034 : i32 to index
        %swap3A_1220 = arith.constant 288 : index
        %swap3A_1221 = tpu.vector_load %arg12[%swap3A_1219, %swap3A_1220] {strides = array<i32>} : memref<40x768xf32, #tpu.memory_space<vmem>>, vector<1x16xf32>,
        %swap3A_1222 = vector.shape_cast %swap3A_1221 : vector<1x16xf32> to vector<16xf32>
        %swap3A_1223 = vector.shape_cast %add3A_1218 : vector<16xf32> to vector<1x16xf32>
        tpu.vector_store %arg12[%swap3A_1219, %swap3A_1220], %swap3A_1223 {strides = array<i32>} : memref<40x768xf32, #tpu.memory_space<vmem>>, vector<1x16xf32>,
        %get3A_1224 = arith.index_cast %scan3A_1034 : i32 to index
        %get3A_1225 = arith.constant 304 : index
        %get3A_1226 = tpu.vector_load %arg12[%get3A_1224, %get3A_1225] {strides = array<i32>} : memref<40x768xf32, #tpu.memory_space<vmem>>, vector<1x16xf32>,
        %get3A_1227 = vector.shape_cast %get3A_1226 : vector<1x16xf32> to vector<16xf32>
        %add3A_1228 = arith.addf %get3A_1227, %get3A_656 : vector<16xf32>
        %swap3A_1229 = arith.index_cast %scan3A_1034 : i32 to index
        %swap3A_1230 = arith.constant 304 : index
        %swap3A_1231 = tpu.vector_load %arg12[%swap3A_1229, %swap3A_1230] {strides = array<i32>} : memref<40x768xf32, #tpu.memory_space<vmem>>, vector<1x16xf32>,
        %swap3A_1232 = vector.shape_cast %swap3A_1231 : vector<1x16xf32> to vector<16xf32>
        %swap3A_1233 = vector.shape_cast %add3A_1228 : vector<16xf32> to vector<1x16xf32>
        tpu.vector_store %arg12[%swap3A_1229, %swap3A_1230], %swap3A_1233 {strides = array<i32>} : memref<40x768xf32, #tpu.memory_space<vmem>>, vector<1x16xf32>,
        %get3A_1234 = arith.index_cast %scan3A_1034 : i32 to index
        %get3A_1235 = arith.constant 320 : index
        %get3A_1236 = tpu.vector_load %arg12[%get3A_1234, %get3A_1235] {strides = array<i32>} : memref<40x768xf32, #tpu.memory_space<vmem>>, vector<1x16xf32>,
        %get3A_1237 = vector.shape_cast %get3A_1236 : vector<1x16xf32> to vector<16xf32>
        %add3A_1238 = arith.addf %get3A_1237, %get3A_660 : vector<16xf32>
        %swap3A_1239 = arith.index_cast %scan3A_1034 : i32 to index
        %swap3A_1240 = arith.constant 320 : index
        %swap3A_1241 = tpu.vector_load %arg12[%swap3A_1239, %swap3A_1240] {strides = array<i32>} : memref<40x768xf32, #tpu.memory_space<vmem>>, vector<1x16xf32>,
        %swap3A_1242 = vector.shape_cast %swap3A_1241 : vector<1x16xf32> to vector<16xf32>
        %swap3A_1243 = vector.shape_cast %add3A_1238 : vector<16xf32> to vector<1x16xf32>
        tpu.vector_store %arg12[%swap3A_1239, %swap3A_1240], %swap3A_1243 {strides = array<i32>} : memref<40x768xf32, #tpu.memory_space<vmem>>, vector<1x16xf32>,
        %get3A_1244 = arith.index_cast %scan3A_1034 : i32 to index
        %get3A_1245 = arith.constant 336 : index
        %get3A_1246 = tpu.vector_load %arg12[%get3A_1244, %get3A_1245] {strides = array<i32>} : memref<40x768xf32, #tpu.memory_space<vmem>>, vector<1x16xf32>,
        %get3A_1247 = vector.shape_cast %get3A_1246 : vector<1x16xf32> to vector<16xf32>
        %add3A_1248 = arith.addf %get3A_1247, %get3A_664 : vector<16xf32>
        %swap3A_1249 = arith.index_cast %scan3A_1034 : i32 to index
        %swap3A_1250 = arith.constant 336 : index
        %swap3A_1251 = tpu.vector_load %arg12[%swap3A_1249, %swap3A_1250] {strides = array<i32>} : memref<40x768xf32, #tpu.memory_space<vmem>>, vector<1x16xf32>,
        %swap3A_1252 = vector.shape_cast %swap3A_1251 : vector<1x16xf32> to vector<16xf32>
        %swap3A_1253 = vector.shape_cast %add3A_1248 : vector<16xf32> to vector<1x16xf32>
        tpu.vector_store %arg12[%swap3A_1249, %swap3A_1250], %swap3A_1253 {strides = array<i32>} : memref<40x768xf32, #tpu.memory_space<vmem>>, vector<1x16xf32>,
        %get3A_1254 = arith.index_cast %scan3A_1034 : i32 to index
        %get3A_1255 = arith.constant 352 : index
        %get3A_1256 = tpu.vector_load %arg12[%get3A_1254, %get3A_1255] {strides = array<i32>} : memref<40x768xf32, #tpu.memory_space<vmem>>, vector<1x16xf32>,
        %get3A_1257 = vector.shape_cast %get3A_1256 : vector<1x16xf32> to vector<16xf32>
        %add3A_1258 = arith.addf %get3A_1257, %get3A_668 : vector<16xf32>
        %swap3A_1259 = arith.index_cast %scan3A_1034 : i32 to index
        %swap3A_1260 = arith.constant 352 : index
        %swap3A_1261 = tpu.vector_load %arg12[%swap3A_1259, %swap3A_1260] {strides = array<i32>} : memref<40x768xf32, #tpu.memory_space<vmem>>, vector<1x16xf32>,
        %swap3A_1262 = vector.shape_cast %swap3A_1261 : vector<1x16xf32> to vector<16xf32>
        %swap3A_1263 = vector.shape_cast %add3A_1258 : vector<16xf32> to vector<1x16xf32>
        tpu.vector_store %arg12[%swap3A_1259, %swap3A_1260], %swap3A_1263 {strides = array<i32>} : memref<40x768xf32, #tpu.memory_space<vmem>>, vector<1x16xf32>,
        %get3A_1264 = arith.index_cast %scan3A_1034 : i32 to index
        %get3A_1265 = arith.constant 368 : index
        %get3A_1266 = tpu.vector_load %arg12[%get3A_1264, %get3A_1265] {strides = array<i32>} : memref<40x768xf32, #tpu.memory_space<vmem>>, vector<1x16xf32>,
        %get3A_1267 = vector.shape_cast %get3A_1266 : vector<1x16xf32> to vector<16xf32>
        %add3A_1268 = arith.addf %get3A_1267, %get3A_672 : vector<16xf32>
        %swap3A_1269 = arith.index_cast %scan3A_1034 : i32 to index
        %swap3A_1270 = arith.constant 368 : index
        %swap3A_1271 = tpu.vector_load %arg12[%swap3A_1269, %swap3A_1270] {strides = array<i32>} : memref<40x768xf32, #tpu.memory_space<vmem>>, vector<1x16xf32>,
        %swap3A_1272 = vector.shape_cast %swap3A_1271 : vector<1x16xf32> to vector<16xf32>
        %swap3A_1273 = vector.shape_cast %add3A_1268 : vector<16xf32> to vector<1x16xf32>
        tpu.vector_store %arg12[%swap3A_1269, %swap3A_1270], %swap3A_1273 {strides = array<i32>} : memref<40x768xf32, #tpu.memory_space<vmem>>, vector<1x16xf32>,
        %get3A_1274 = arith.index_cast %scan3A_1034 : i32 to index
        %get3A_1275 = arith.constant 384 : index
        %get3A_1276 = tpu.vector_load %arg12[%get3A_1274, %get3A_1275] {strides = array<i32>} : memref<40x768xf32, #tpu.memory_space<vmem>>, vector<1x16xf32>,
        %get3A_1277 = vector.shape_cast %get3A_1276 : vector<1x16xf32> to vector<16xf32>
        %add3A_1278 = arith.addf %get3A_1277, %get3A_676 : vector<16xf32>
        %swap3A_1279 = arith.index_cast %scan3A_1034 : i32 to index
        %swap3A_1280 = arith.constant 384 : index
        %swap3A_1281 = tpu.vector_load %arg12[%swap3A_1279, %swap3A_1280] {strides = array<i32>} : memref<40x768xf32, #tpu.memory_space<vmem>>, vector<1x16xf32>,
        %swap3A_1282 = vector.shape_cast %swap3A_1281 : vector<1x16xf32> to vector<16xf32>
        %swap3A_1283 = vector.shape_cast %add3A_1278 : vector<16xf32> to vector<1x16xf32>
        tpu.vector_store %arg12[%swap3A_1279, %swap3A_1280], %swap3A_1283 {strides = array<i32>} : memref<40x768xf32, #tpu.memory_space<vmem>>, vector<1x16xf32>,
        %get3A_1284 = arith.index_cast %scan3A_1034 : i32 to index
        %get3A_1285 = arith.constant 400 : index
        %get3A_1286 = tpu.vector_load %arg12[%get3A_1284, %get3A_1285] {strides = array<i32>} : memref<40x768xf32, #tpu.memory_space<vmem>>, vector<1x16xf32>,
        %get3A_1287 = vector.shape_cast %get3A_1286 : vector<1x16xf32> to vector<16xf32>
        %add3A_1288 = arith.addf %get3A_1287, %get3A_680 : vector<16xf32>
        %swap3A_1289 = arith.index_cast %scan3A_1034 : i32 to index
        %swap3A_1290 = arith.constant 400 : index
        %swap3A_1291 = tpu.vector_load %arg12[%swap3A_1289, %swap3A_1290] {strides = array<i32>} : memref<40x768xf32, #tpu.memory_space<vmem>>, vector<1x16xf32>,
        %swap3A_1292 = vector.shape_cast %swap3A_1291 : vector<1x16xf32> to vector<16xf32>
        %swap3A_1293 = vector.shape_cast %add3A_1288 : vector<16xf32> to vector<1x16xf32>
        tpu.vector_store %arg12[%swap3A_1289, %swap3A_1290], %swap3A_1293 {strides = array<i32>} : memref<40x768xf32, #tpu.memory_space<vmem>>, vector<1x16xf32>,
        %get3A_1294 = arith.index_cast %scan3A_1034 : i32 to index
        %get3A_1295 = arith.constant 416 : index
        %get3A_1296 = tpu.vector_load %arg12[%get3A_1294, %get3A_1295] {strides = array<i32>} : memref<40x768xf32, #tpu.memory_space<vmem>>, vector<1x16xf32>,
        %get3A_1297 = vector.shape_cast %get3A_1296 : vector<1x16xf32> to vector<16xf32>
        %add3A_1298 = arith.addf %get3A_1297, %get3A_684 : vector<16xf32>
        %swap3A_1299 = arith.index_cast %scan3A_1034 : i32 to index
        %swap3A_1300 = arith.constant 416 : index
        %swap3A_1301 = tpu.vector_load %arg12[%swap3A_1299, %swap3A_1300] {strides = array<i32>} : memref<40x768xf32, #tpu.memory_space<vmem>>, vector<1x16xf32>,
        %swap3A_1302 = vector.shape_cast %swap3A_1301 : vector<1x16xf32> to vector<16xf32>
        %swap3A_1303 = vector.shape_cast %add3A_1298 : vector<16xf32> to vector<1x16xf32>
        tpu.vector_store %arg12[%swap3A_1299, %swap3A_1300], %swap3A_1303 {strides = array<i32>} : memref<40x768xf32, #tpu.memory_space<vmem>>, vector<1x16xf32>,
        %get3A_1304 = arith.index_cast %scan3A_1034 : i32 to index
        %get3A_1305 = arith.constant 432 : index
        %get3A_1306 = tpu.vector_load %arg12[%get3A_1304, %get3A_1305] {strides = array<i32>} : memref<40x768xf32, #tpu.memory_space<vmem>>, vector<1x16xf32>,
        %get3A_1307 = vector.shape_cast %get3A_1306 : vector<1x16xf32> to vector<16xf32>
        %add3A_1308 = arith.addf %get3A_1307, %get3A_688 : vector<16xf32>
        %swap3A_1309 = arith.index_cast %scan3A_1034 : i32 to index
        %swap3A_1310 = arith.constant 432 : index
        %swap3A_1311 = tpu.vector_load %arg12[%swap3A_1309, %swap3A_1310] {strides = array<i32>} : memref<40x768xf32, #tpu.memory_space<vmem>>, vector<1x16xf32>,
        %swap3A_1312 = vector.shape_cast %swap3A_1311 : vector<1x16xf32> to vector<16xf32>
        %swap3A_1313 = vector.shape_cast %add3A_1308 : vector<16xf32> to vector<1x16xf32>
        tpu.vector_store %arg12[%swap3A_1309, %swap3A_1310], %swap3A_1313 {strides = array<i32>} : memref<40x768xf32, #tpu.memory_space<vmem>>, vector<1x16xf32>,
        %get3A_1314 = arith.index_cast %scan3A_1034 : i32 to index
        %get3A_1315 = arith.constant 448 : index
        %get3A_1316 = tpu.vector_load %arg12[%get3A_1314, %get3A_1315] {strides = array<i32>} : memref<40x768xf32, #tpu.memory_space<vmem>>, vector<1x16xf32>,
        %get3A_1317 = vector.shape_cast %get3A_1316 : vector<1x16xf32> to vector<16xf32>
        %add3A_1318 = arith.addf %get3A_1317, %get3A_692 : vector<16xf32>
        %swap3A_1319 = arith.index_cast %scan3A_1034 : i32 to index
        %swap3A_1320 = arith.constant 448 : index
        %swap3A_1321 = tpu.vector_load %arg12[%swap3A_1319, %swap3A_1320] {strides = array<i32>} : memref<40x768xf32, #tpu.memory_space<vmem>>, vector<1x16xf32>,
        %swap3A_1322 = vector.shape_cast %swap3A_1321 : vector<1x16xf32> to vector<16xf32>
        %swap3A_1323 = vector.shape_cast %add3A_1318 : vector<16xf32> to vector<1x16xf32>
        tpu.vector_store %arg12[%swap3A_1319, %swap3A_1320], %swap3A_1323 {strides = array<i32>} : memref<40x768xf32, #tpu.memory_space<vmem>>, vector<1x16xf32>,
        %get3A_1324 = arith.index_cast %scan3A_1034 : i32 to index
        %get3A_1325 = arith.constant 464 : index
        %get3A_1326 = tpu.vector_load %arg12[%get3A_1324, %get3A_1325] {strides = array<i32>} : memref<40x768xf32, #tpu.memory_space<vmem>>, vector<1x16xf32>,
        %get3A_1327 = vector.shape_cast %get3A_1326 : vector<1x16xf32> to vector<16xf32>
        %add3A_1328 = arith.addf %get3A_1327, %get3A_696 : vector<16xf32>
        %swap3A_1329 = arith.index_cast %scan3A_1034 : i32 to index
        %swap3A_1330 = arith.constant 464 : index
        %swap3A_1331 = tpu.vector_load %arg12[%swap3A_1329, %swap3A_1330] {strides = array<i32>} : memref<40x768xf32, #tpu.memory_space<vmem>>, vector<1x16xf32>,
        %swap3A_1332 = vector.shape_cast %swap3A_1331 : vector<1x16xf32> to vector<16xf32>
        %swap3A_1333 = vector.shape_cast %add3A_1328 : vector<16xf32> to vector<1x16xf32>
        tpu.vector_store %arg12[%swap3A_1329, %swap3A_1330], %swap3A_1333 {strides = array<i32>} : memref<40x768xf32, #tpu.memory_space<vmem>>, vector<1x16xf32>,
        %get3A_1334 = arith.index_cast %scan3A_1034 : i32 to index
        %get3A_1335 = arith.constant 480 : index
        %get3A_1336 = tpu.vector_load %arg12[%get3A_1334, %get3A_1335] {strides = array<i32>} : memref<40x768xf32, #tpu.memory_space<vmem>>, vector<1x16xf32>,
        %get3A_1337 = vector.shape_cast %get3A_1336 : vector<1x16xf32> to vector<16xf32>
        %add3A_1338 = arith.addf %get3A_1337, %get3A_700 : vector<16xf32>
        %swap3A_1339 = arith.index_cast %scan3A_1034 : i32 to index
        %swap3A_1340 = arith.constant 480 : index
        %swap3A_1341 = tpu.vector_load %arg12[%swap3A_1339, %swap3A_1340] {strides = array<i32>} : memref<40x768xf32, #tpu.memory_space<vmem>>, vector<1x16xf32>,
        %swap3A_1342 = vector.shape_cast %swap3A_1341 : vector<1x16xf32> to vector<16xf32>
        %swap3A_1343 = vector.shape_cast %add3A_1338 : vector<16xf32> to vector<1x16xf32>
        tpu.vector_store %arg12[%swap3A_1339, %swap3A_1340], %swap3A_1343 {strides = array<i32>} : memref<40x768xf32, #tpu.memory_space<vmem>>, vector<1x16xf32>,
        %get3A_1344 = arith.index_cast %scan3A_1034 : i32 to index
        %get3A_1345 = arith.constant 496 : index
        %get3A_1346 = tpu.vector_load %arg12[%get3A_1344, %get3A_1345] {strides = array<i32>} : memref<40x768xf32, #tpu.memory_space<vmem>>, vector<1x16xf32>,
        %get3A_1347 = vector.shape_cast %get3A_1346 : vector<1x16xf32> to vector<16xf32>
        %add3A_1348 = arith.addf %get3A_1347, %get3A_704 : vector<16xf32>
        %swap3A_1349 = arith.index_cast %scan3A_1034 : i32 to index
        %swap3A_1350 = arith.constant 496 : index
        %swap3A_1351 = tpu.vector_load %arg12[%swap3A_1349, %swap3A_1350] {strides = array<i32>} : memref<40x768xf32, #tpu.memory_space<vmem>>, vector<1x16xf32>,
        %swap3A_1352 = vector.shape_cast %swap3A_1351 : vector<1x16xf32> to vector<16xf32>
        %swap3A_1353 = vector.shape_cast %add3A_1348 : vector<16xf32> to vector<1x16xf32>
        tpu.vector_store %arg12[%swap3A_1349, %swap3A_1350], %swap3A_1353 {strides = array<i32>} : memref<40x768xf32, #tpu.memory_space<vmem>>, vector<1x16xf32>,
        %get3A_1354 = arith.index_cast %scan3A_1034 : i32 to index
        %get3A_1355 = arith.constant 512 : index
        %get3A_1356 = tpu.vector_load %arg12[%get3A_1354, %get3A_1355] {strides = array<i32>} : memref<40x768xf32, #tpu.memory_space<vmem>>, vector<1x16xf32>,
        %get3A_1357 = vector.shape_cast %get3A_1356 : vector<1x16xf32> to vector<16xf32>
        %add3A_1358 = arith.addf %get3A_1357, %get3A_708 : vector<16xf32>
        %swap3A_1359 = arith.index_cast %scan3A_1034 : i32 to index
        %swap3A_1360 = arith.constant 512 : index
        %swap3A_1361 = tpu.vector_load %arg12[%swap3A_1359, %swap3A_1360] {strides = array<i32>} : memref<40x768xf32, #tpu.memory_space<vmem>>, vector<1x16xf32>,
        %swap3A_1362 = vector.shape_cast %swap3A_1361 : vector<1x16xf32> to vector<16xf32>
        %swap3A_1363 = vector.shape_cast %add3A_1358 : vector<16xf32> to vector<1x16xf32>
        tpu.vector_store %arg12[%swap3A_1359, %swap3A_1360], %swap3A_1363 {strides = array<i32>} : memref<40x768xf32, #tpu.memory_space<vmem>>, vector<1x16xf32>,
        %get3A_1364 = arith.index_cast %scan3A_1034 : i32 to index
        %get3A_1365 = arith.constant 528 : index
        %get3A_1366 = tpu.vector_load %arg12[%get3A_1364, %get3A_1365] {strides = array<i32>} : memref<40x768xf32, #tpu.memory_space<vmem>>, vector<1x16xf32>,
        %get3A_1367 = vector.shape_cast %get3A_1366 : vector<1x16xf32> to vector<16xf32>
        %add3A_1368 = arith.addf %get3A_1367, %get3A_712 : vector<16xf32>
        %swap3A_1369 = arith.index_cast %scan3A_1034 : i32 to index
        %swap3A_1370 = arith.constant 528 : index
        %swap3A_1371 = tpu.vector_load %arg12[%swap3A_1369, %swap3A_1370] {strides = array<i32>} : memref<40x768xf32, #tpu.memory_space<vmem>>, vector<1x16xf32>,
        %swap3A_1372 = vector.shape_cast %swap3A_1371 : vector<1x16xf32> to vector<16xf32>
        %swap3A_1373 = vector.shape_cast %add3A_1368 : vector<16xf32> to vector<1x16xf32>
        tpu.vector_store %arg12[%swap3A_1369, %swap3A_1370], %swap3A_1373 {strides = array<i32>} : memref<40x768xf32, #tpu.memory_space<vmem>>, vector<1x16xf32>,
        %get3A_1374 = arith.index_cast %scan3A_1034 : i32 to index
        %get3A_1375 = arith.constant 544 : index
        %get3A_1376 = tpu.vector_load %arg12[%get3A_1374, %get3A_1375] {strides = array<i32>} : memref<40x768xf32, #tpu.memory_space<vmem>>, vector<1x16xf32>,
        %get3A_1377 = vector.shape_cast %get3A_1376 : vector<1x16xf32> to vector<16xf32>
        %add3A_1378 = arith.addf %get3A_1377, %get3A_716 : vector<16xf32>
        %swap3A_1379 = arith.index_cast %scan3A_1034 : i32 to index
        %swap3A_1380 = arith.constant 544 : index
        %swap3A_1381 = tpu.vector_load %arg12[%swap3A_1379, %swap3A_1380] {strides = array<i32>} : memref<40x768xf32, #tpu.memory_space<vmem>>, vector<1x16xf32>,
        %swap3A_1382 = vector.shape_cast %swap3A_1381 : vector<1x16xf32> to vector<16xf32>
        %swap3A_1383 = vector.shape_cast %add3A_1378 : vector<16xf32> to vector<1x16xf32>
        tpu.vector_store %arg12[%swap3A_1379, %swap3A_1380], %swap3A_1383 {strides = array<i32>} : memref<40x768xf32, #tpu.memory_space<vmem>>, vector<1x16xf32>,
        %get3A_1384 = arith.index_cast %scan3A_1034 : i32 to index
        %get3A_1385 = arith.constant 560 : index
        %get3A_1386 = tpu.vector_load %arg12[%get3A_1384, %get3A_1385] {strides = array<i32>} : memref<40x768xf32, #tpu.memory_space<vmem>>, vector<1x16xf32>,
        %get3A_1387 = vector.shape_cast %get3A_1386 : vector<1x16xf32> to vector<16xf32>
        %add3A_1388 = arith.addf %get3A_1387, %get3A_720 : vector<16xf32>
        %swap3A_1389 = arith.index_cast %scan3A_1034 : i32 to index
        %swap3A_1390 = arith.constant 560 : index
        %swap3A_1391 = tpu.vector_load %arg12[%swap3A_1389, %swap3A_1390] {strides = array<i32>} : memref<40x768xf32, #tpu.memory_space<vmem>>, vector<1x16xf32>,
        %swap3A_1392 = vector.shape_cast %swap3A_1391 : vector<1x16xf32> to vector<16xf32>
        %swap3A_1393 = vector.shape_cast %add3A_1388 : vector<16xf32> to vector<1x16xf32>
        tpu.vector_store %arg12[%swap3A_1389, %swap3A_1390], %swap3A_1393 {strides = array<i32>} : memref<40x768xf32, #tpu.memory_space<vmem>>, vector<1x16xf32>,
        %get3A_1394 = arith.index_cast %scan3A_1034 : i32 to index
        %get3A_1395 = arith.constant 576 : index
        %get3A_1396 = tpu.vector_load %arg12[%get3A_1394, %get3A_1395] {strides = array<i32>} : memref<40x768xf32, #tpu.memory_space<vmem>>, vector<1x16xf32>,
        %get3A_1397 = vector.shape_cast %get3A_1396 : vector<1x16xf32> to vector<16xf32>
        %add3A_1398 = arith.addf %get3A_1397, %get3A_724 : vector<16xf32>
        %swap3A_1399 = arith.index_cast %scan3A_1034 : i32 to index
        %swap3A_1400 = arith.constant 576 : index
        %swap3A_1401 = tpu.vector_load %arg12[%swap3A_1399, %swap3A_1400] {strides = array<i32>} : memref<40x768xf32, #tpu.memory_space<vmem>>, vector<1x16xf32>,
        %swap3A_1402 = vector.shape_cast %swap3A_1401 : vector<1x16xf32> to vector<16xf32>
        %swap3A_1403 = vector.shape_cast %add3A_1398 : vector<16xf32> to vector<1x16xf32>
        tpu.vector_store %arg12[%swap3A_1399, %swap3A_1400], %swap3A_1403 {strides = array<i32>} : memref<40x768xf32, #tpu.memory_space<vmem>>, vector<1x16xf32>,
        %get3A_1404 = arith.index_cast %scan3A_1034 : i32 to index
        %get3A_1405 = arith.constant 592 : index
        %get3A_1406 = tpu.vector_load %arg12[%get3A_1404, %get3A_1405] {strides = array<i32>} : memref<40x768xf32, #tpu.memory_space<vmem>>, vector<1x16xf32>,
        %get3A_1407 = vector.shape_cast %get3A_1406 : vector<1x16xf32> to vector<16xf32>
        %add3A_1408 = arith.addf %get3A_1407, %get3A_728 : vector<16xf32>
        %swap3A_1409 = arith.index_cast %scan3A_1034 : i32 to index
        %swap3A_1410 = arith.constant 592 : index
        %swap3A_1411 = tpu.vector_load %arg12[%swap3A_1409, %swap3A_1410] {strides = array<i32>} : memref<40x768xf32, #tpu.memory_space<vmem>>, vector<1x16xf32>,
        %swap3A_1412 = vector.shape_cast %swap3A_1411 : vector<1x16xf32> to vector<16xf32>
        %swap3A_1413 = vector.shape_cast %add3A_1408 : vector<16xf32> to vector<1x16xf32>
        tpu.vector_store %arg12[%swap3A_1409, %swap3A_1410], %swap3A_1413 {strides = array<i32>} : memref<40x768xf32, #tpu.memory_space<vmem>>, vector<1x16xf32>,
        %get3A_1414 = arith.index_cast %scan3A_1034 : i32 to index
        %get3A_1415 = arith.constant 608 : index
        %get3A_1416 = tpu.vector_load %arg12[%get3A_1414, %get3A_1415] {strides = array<i32>} : memref<40x768xf32, #tpu.memory_space<vmem>>, vector<1x16xf32>,
        %get3A_1417 = vector.shape_cast %get3A_1416 : vector<1x16xf32> to vector<16xf32>
        %add3A_1418 = arith.addf %get3A_1417, %get3A_732 : vector<16xf32>
        %swap3A_1419 = arith.index_cast %scan3A_1034 : i32 to index
        %swap3A_1420 = arith.constant 608 : index
        %swap3A_1421 = tpu.vector_load %arg12[%swap3A_1419, %swap3A_1420] {strides = array<i32>} : memref<40x768xf32, #tpu.memory_space<vmem>>, vector<1x16xf32>,
        %swap3A_1422 = vector.shape_cast %swap3A_1421 : vector<1x16xf32> to vector<16xf32>
        %swap3A_1423 = vector.shape_cast %add3A_1418 : vector<16xf32> to vector<1x16xf32>
        tpu.vector_store %arg12[%swap3A_1419, %swap3A_1420], %swap3A_1423 {strides = array<i32>} : memref<40x768xf32, #tpu.memory_space<vmem>>, vector<1x16xf32>,
        %get3A_1424 = arith.index_cast %scan3A_1034 : i32 to index
        %get3A_1425 = arith.constant 624 : index
        %get3A_1426 = tpu.vector_load %arg12[%get3A_1424, %get3A_1425] {strides = array<i32>} : memref<40x768xf32, #tpu.memory_space<vmem>>, vector<1x16xf32>,
        %get3A_1427 = vector.shape_cast %get3A_1426 : vector<1x16xf32> to vector<16xf32>
        %add3A_1428 = arith.addf %get3A_1427, %get3A_736 : vector<16xf32>
        %swap3A_1429 = arith.index_cast %scan3A_1034 : i32 to index
        %swap3A_1430 = arith.constant 624 : index
        %swap3A_1431 = tpu.vector_load %arg12[%swap3A_1429, %swap3A_1430] {strides = array<i32>} : memref<40x768xf32, #tpu.memory_space<vmem>>, vector<1x16xf32>,
        %swap3A_1432 = vector.shape_cast %swap3A_1431 : vector<1x16xf32> to vector<16xf32>
        %swap3A_1433 = vector.shape_cast %add3A_1428 : vector<16xf32> to vector<1x16xf32>
        tpu.vector_store %arg12[%swap3A_1429, %swap3A_1430], %swap3A_1433 {strides = array<i32>} : memref<40x768xf32, #tpu.memory_space<vmem>>, vector<1x16xf32>,
        %get3A_1434 = arith.index_cast %scan3A_1034 : i32 to index
        %get3A_1435 = arith.constant 640 : index
        %get3A_1436 = tpu.vector_load %arg12[%get3A_1434, %get3A_1435] {strides = array<i32>} : memref<40x768xf32, #tpu.memory_space<vmem>>, vector<1x16xf32>,
        %get3A_1437 = vector.shape_cast %get3A_1436 : vector<1x16xf32> to vector<16xf32>
        %add3A_1438 = arith.addf %get3A_1437, %get3A_740 : vector<16xf32>
        %swap3A_1439 = arith.index_cast %scan3A_1034 : i32 to index
        %swap3A_1440 = arith.constant 640 : index
        %swap3A_1441 = tpu.vector_load %arg12[%swap3A_1439, %swap3A_1440] {strides = array<i32>} : memref<40x768xf32, #tpu.memory_space<vmem>>, vector<1x16xf32>,
        %swap3A_1442 = vector.shape_cast %swap3A_1441 : vector<1x16xf32> to vector<16xf32>
        %swap3A_1443 = vector.shape_cast %add3A_1438 : vector<16xf32> to vector<1x16xf32>
        tpu.vector_store %arg12[%swap3A_1439, %swap3A_1440], %swap3A_1443 {strides = array<i32>} : memref<40x768xf32, #tpu.memory_space<vmem>>, vector<1x16xf32>,
        %get3A_1444 = arith.index_cast %scan3A_1034 : i32 to index
        %get3A_1445 = arith.constant 656 : index
        %get3A_1446 = tpu.vector_load %arg12[%get3A_1444, %get3A_1445] {strides = array<i32>} : memref<40x768xf32, #tpu.memory_space<vmem>>, vector<1x16xf32>,
        %get3A_1447 = vector.shape_cast %get3A_1446 : vector<1x16xf32> to vector<16xf32>
        %add3A_1448 = arith.addf %get3A_1447, %get3A_744 : vector<16xf32>
        %swap3A_1449 = arith.index_cast %scan3A_1034 : i32 to index
        %swap3A_1450 = arith.constant 656 : index
        %swap3A_1451 = tpu.vector_load %arg12[%swap3A_1449, %swap3A_1450] {strides = array<i32>} : memref<40x768xf32, #tpu.memory_space<vmem>>, vector<1x16xf32>,
        %swap3A_1452 = vector.shape_cast %swap3A_1451 : vector<1x16xf32> to vector<16xf32>
        %swap3A_1453 = vector.shape_cast %add3A_1448 : vector<16xf32> to vector<1x16xf32>
        tpu.vector_store %arg12[%swap3A_1449, %swap3A_1450], %swap3A_1453 {strides = array<i32>} : memref<40x768xf32, #tpu.memory_space<vmem>>, vector<1x16xf32>,
        %get3A_1454 = arith.index_cast %scan3A_1034 : i32 to index
        %get3A_1455 = arith.constant 672 : index
        %get3A_1456 = tpu.vector_load %arg12[%get3A_1454, %get3A_1455] {strides = array<i32>} : memref<40x768xf32, #tpu.memory_space<vmem>>, vector<1x16xf32>,
        %get3A_1457 = vector.shape_cast %get3A_1456 : vector<1x16xf32> to vector<16xf32>
        %add3A_1458 = arith.addf %get3A_1457, %get3A_748 : vector<16xf32>
        %swap3A_1459 = arith.index_cast %scan3A_1034 : i32 to index
        %swap3A_1460 = arith.constant 672 : index
        %swap3A_1461 = tpu.vector_load %arg12[%swap3A_1459, %swap3A_1460] {strides = array<i32>} : memref<40x768xf32, #tpu.memory_space<vmem>>, vector<1x16xf32>,
        %swap3A_1462 = vector.shape_cast %swap3A_1461 : vector<1x16xf32> to vector<16xf32>
        %swap3A_1463 = vector.shape_cast %add3A_1458 : vector<16xf32> to vector<1x16xf32>
        tpu.vector_store %arg12[%swap3A_1459, %swap3A_1460], %swap3A_1463 {strides = array<i32>} : memref<40x768xf32, #tpu.memory_space<vmem>>, vector<1x16xf32>,
        %get3A_1464 = arith.index_cast %scan3A_1034 : i32 to index
        %get3A_1465 = arith.constant 688 : index
        %get3A_1466 = tpu.vector_load %arg12[%get3A_1464, %get3A_1465] {strides = array<i32>} : memref<40x768xf32, #tpu.memory_space<vmem>>, vector<1x16xf32>,
        %get3A_1467 = vector.shape_cast %get3A_1466 : vector<1x16xf32> to vector<16xf32>
        %add3A_1468 = arith.addf %get3A_1467, %get3A_752 : vector<16xf32>
        %swap3A_1469 = arith.index_cast %scan3A_1034 : i32 to index
        %swap3A_1470 = arith.constant 688 : index
        %swap3A_1471 = tpu.vector_load %arg12[%swap3A_1469, %swap3A_1470] {strides = array<i32>} : memref<40x768xf32, #tpu.memory_space<vmem>>, vector<1x16xf32>,
        %swap3A_1472 = vector.shape_cast %swap3A_1471 : vector<1x16xf32> to vector<16xf32>
        %swap3A_1473 = vector.shape_cast %add3A_1468 : vector<16xf32> to vector<1x16xf32>
        tpu.vector_store %arg12[%swap3A_1469, %swap3A_1470], %swap3A_1473 {strides = array<i32>} : memref<40x768xf32, #tpu.memory_space<vmem>>, vector<1x16xf32>,
        %get3A_1474 = arith.index_cast %scan3A_1034 : i32 to index
        %get3A_1475 = arith.constant 704 : index
        %get3A_1476 = tpu.vector_load %arg12[%get3A_1474, %get3A_1475] {strides = array<i32>} : memref<40x768xf32, #tpu.memory_space<vmem>>, vector<1x16xf32>,
        %get3A_1477 = vector.shape_cast %get3A_1476 : vector<1x16xf32> to vector<16xf32>
        %add3A_1478 = arith.addf %get3A_1477, %get3A_756 : vector<16xf32>
        %swap3A_1479 = arith.index_cast %scan3A_1034 : i32 to index
        %swap3A_1480 = arith.constant 704 : index
        %swap3A_1481 = tpu.vector_load %arg12[%swap3A_1479, %swap3A_1480] {strides = array<i32>} : memref<40x768xf32, #tpu.memory_space<vmem>>, vector<1x16xf32>,
        %swap3A_1482 = vector.shape_cast %swap3A_1481 : vector<1x16xf32> to vector<16xf32>
        %swap3A_1483 = vector.shape_cast %add3A_1478 : vector<16xf32> to vector<1x16xf32>
        tpu.vector_store %arg12[%swap3A_1479, %swap3A_1480], %swap3A_1483 {strides = array<i32>} : memref<40x768xf32, #tpu.memory_space<vmem>>, vector<1x16xf32>,
        %get3A_1484 = arith.index_cast %scan3A_1034 : i32 to index
        %get3A_1485 = arith.constant 720 : index
        %get3A_1486 = tpu.vector_load %arg12[%get3A_1484, %get3A_1485] {strides = array<i32>} : memref<40x768xf32, #tpu.memory_space<vmem>>, vector<1x16xf32>,
        %get3A_1487 = vector.shape_cast %get3A_1486 : vector<1x16xf32> to vector<16xf32>
        %add3A_1488 = arith.addf %get3A_1487, %get3A_760 : vector<16xf32>
        %swap3A_1489 = arith.index_cast %scan3A_1034 : i32 to index
        %swap3A_1490 = arith.constant 720 : index
        %swap3A_1491 = tpu.vector_load %arg12[%swap3A_1489, %swap3A_1490] {strides = array<i32>} : memref<40x768xf32, #tpu.memory_space<vmem>>, vector<1x16xf32>,
        %swap3A_1492 = vector.shape_cast %swap3A_1491 : vector<1x16xf32> to vector<16xf32>
        %swap3A_1493 = vector.shape_cast %add3A_1488 : vector<16xf32> to vector<1x16xf32>
        tpu.vector_store %arg12[%swap3A_1489, %swap3A_1490], %swap3A_1493 {strides = array<i32>} : memref<40x768xf32, #tpu.memory_space<vmem>>, vector<1x16xf32>,
        %get3A_1494 = arith.index_cast %scan3A_1034 : i32 to index
        %get3A_1495 = arith.constant 736 : index
        %get3A_1496 = tpu.vector_load %arg12[%get3A_1494, %get3A_1495] {strides = array<i32>} : memref<40x768xf32, #tpu.memory_space<vmem>>, vector<1x16xf32>,
        %get3A_1497 = vector.shape_cast %get3A_1496 : vector<1x16xf32> to vector<16xf32>
        %add3A_1498 = arith.addf %get3A_1497, %get3A_764 : vector<16xf32>
        %swap3A_1499 = arith.index_cast %scan3A_1034 : i32 to index
        %swap3A_1500 = arith.constant 736 : index
        %swap3A_1501 = tpu.vector_load %arg12[%swap3A_1499, %swap3A_1500] {strides = array<i32>} : memref<40x768xf32, #tpu.memory_space<vmem>>, vector<1x16xf32>,
        %swap3A_1502 = vector.shape_cast %swap3A_1501 : vector<1x16xf32> to vector<16xf32>
        %swap3A_1503 = vector.shape_cast %add3A_1498 : vector<16xf32> to vector<1x16xf32>
        tpu.vector_store %arg12[%swap3A_1499, %swap3A_1500], %swap3A_1503 {strides = array<i32>} : memref<40x768xf32, #tpu.memory_space<vmem>>, vector<1x16xf32>,
        %get3A_1504 = arith.index_cast %scan3A_1034 : i32 to index
        %get3A_1505 = arith.constant 752 : index
        %get3A_1506 = tpu.vector_load %arg12[%get3A_1504, %get3A_1505] {strides = array<i32>} : memref<40x768xf32, #tpu.memory_space<vmem>>, vector<1x16xf32>,
        %get3A_1507 = vector.shape_cast %get3A_1506 : vector<1x16xf32> to vector<16xf32>
        %add3A_1508 = arith.addf %get3A_1507, %get3A_768 : vector<16xf32>
        %swap3A_1509 = arith.index_cast %scan3A_1034 : i32 to index
        %swap3A_1510 = arith.constant 752 : index
        %swap3A_1511 = tpu.vector_load %arg12[%swap3A_1509, %swap3A_1510] {strides = array<i32>} : memref<40x768xf32, #tpu.memory_space<vmem>>, vector<1x16xf32>,
        %swap3A_1512 = vector.shape_cast %swap3A_1511 : vector<1x16xf32> to vector<16xf32>
        %swap3A_1513 = vector.shape_cast %add3A_1508 : vector<16xf32> to vector<1x16xf32>
        tpu.vector_store %arg12[%swap3A_1509, %swap3A_1510], %swap3A_1513 {strides = array<i32>} : memref<40x768xf32, #tpu.memory_space<vmem>>, vector<1x16xf32>,
      }
      %scan3A_774 = arith.constant 40 : i32
      %mul3A_775 = arith.constant 1600 : i32
      %mul3A_776 = arith.muli %add3A, %mul3A_775 : i32
      %mul3A_777 = arith.constant 40 : i32
      %mul3A_778 = arith.muli %add3A_535, %mul3A_777 : i32
      %add3A_779 = arith.addi %mul3A_776, %mul3A_778 : i32
      %dma_start3A_780 = arith.constant 0 : i32
      %dma_start3A_781 = tpu.memref_slice %arg6[%add3A_779, %dma_start3A_780] : memref<51200x768xf32, #tpu.memory_space<hbm>> -> memref<40x768xf32, #tpu.memory_space<hbm>>
      %dma_start3A_782 = arith.constant 0 : i32
      %dma_start3A_783 = tpu.memref_slice %arg6[%add3A_779, %dma_start3A_782] : memref<51200x768xf32, #tpu.memory_space<hbm>> -> memref<40x768xf32, #tpu.memory_space<hbm>>
      tpu.enqueue_dma source(%arg12 : memref<40x768xf32, #tpu.memory_space<vmem>>) target(%dma_start3A_783 : memref<40x768xf32, #tpu.memory_space<hbm>>) target_semaphore(%arg20 : memref<!tpu.dma_semaphore, #tpu.memory_space<semaphore_mem>>)
      %add3A_784 = arith.constant 3 : i32
      %add3A_785 = arith.addi %mul3A_45, %add3A_784 : i32
      %ge3A_786 = arith.constant 2 : i32
      %ge3A_787 = arith.cmpi sge, %add3A_785, %ge3A_786 : i32
      %convert_element_type3A_788 = arith.extui %ge3A_787 : i1 to i32
      %cond3A_789 = arith.constant 0 : i32
      %cond3A_790 = arith.cmpi ne, %convert_element_type3A_788, %cond3A_789 : i32
      scf.if %cond3A_790 {
        %dma_wait3A_1034 = arith.constant 0 : i32
        %dma_wait3A_1035 = arith.constant 0 : i32
        %dma_wait3A_1036 = tpu.memref_slice %arg6[%dma_wait3A_1034, %dma_wait3A_1035] : memref<51200x768xf32, #tpu.memory_space<hbm>> -> memref<40x768xf32, #tpu.memory_space<hbm>>
        %dma_wait3A_1037 = arith.constant 0 : i32
        %dma_wait3A_1038 = arith.constant 0 : i32
        %dma_wait3A_1039 = tpu.memref_slice %arg6[%dma_wait3A_1037, %dma_wait3A_1038] : memref<51200x768xf32, #tpu.memory_space<hbm>> -> memref<40x768xf32, #tpu.memory_space<hbm>>
        tpu.wait_dma2 semaphore(%arg19 : memref<!tpu.dma_semaphore, #tpu.memory_space<semaphore_mem>>) src(%arg11 : memref<40x768xf32, #tpu.memory_space<vmem>>) dst(%dma_wait3A_1039 : memref<40x768xf32, #tpu.memory_space<hbm>>)
      } else {
      }
      %add3A_791 = arith.constant 2 : i32
      %add3A_792 = arith.addi %add3A_785, %add3A_791 : i32
      %lt3A_793 = arith.constant 40 : i32
      %lt3A_794 = arith.cmpi slt, %add3A_792, %lt3A_793 : i32
      %convert_element_type3A_795 = arith.extui %lt3A_794 : i1 to i32
      %cond3A_796 = arith.constant 0 : i32
      %cond3A_797 = arith.cmpi ne, %convert_element_type3A_795, %cond3A_796 : i32
      scf.if %cond3A_797 {
        %add3A_1034 = arith.constant 2 : i32
        %add3A_1035 = arith.addi %add3A_785, %add3A_1034 : i32
        %mul3A_1036 = arith.constant 40 : i32
        %mul3A_1037 = arith.muli %add3A_1035, %mul3A_1036 : i32
        %dma_start3A_1038 = tpu.memref_slice %arg7[%mul3A_1037] : memref<1600xi32, #tpu.memory_space<vmem>> -> memref<40xi32, #tpu.memory_space<vmem>>
        %dma_start3A_1039 = arith.constant 0 : i32
        %dma_start3A_1040 = arith.constant 0 : i32
        %dma_start3A_1041 = tpu.memref_slice %arg4[%dma_start3A_1039, %dma_start3A_1040] : memref<100000x768xf32, #tpu.memory_space<hbm>> -> memref<100000x768xf32, #tpu.memory_space<hbm>>
        tpu.enqueue_indirect_dma source(%dma_start3A_1041 : memref<100000x768xf32, #tpu.memory_space<hbm>>) target(%arg11 : memref<40x768xf32, #tpu.memory_space<vmem>>) offsets(%dma_start3A_1038 : memref<40xi32, #tpu.memory_space<vmem>>) semaphore(%arg15 : memref<!tpu.dma_semaphore, #tpu.memory_space<semaphore_mem>>)
      } else {
      }
      %dma_wait3A_798 = arith.constant 0 : i32
      %dma_wait3A_799 = tpu.memref_slice %arg7[%dma_wait3A_798] : memref<1600xi32, #tpu.memory_space<vmem>> -> memref<40xi32, #tpu.memory_space<vmem>>
      %dma_wait3A_800 = arith.constant 0 : i32
      %dma_wait3A_801 = arith.constant 0 : i32
      %dma_wait3A_802 = tpu.memref_slice %arg4[%dma_wait3A_800, %dma_wait3A_801] : memref<100000x768xf32, #tpu.memory_space<hbm>> -> memref<100000x768xf32, #tpu.memory_space<hbm>>
      tpu.wait_indirect_dma semaphore(%arg17 : memref<!tpu.dma_semaphore, #tpu.memory_space<semaphore_mem>>) src(%dma_wait3A_802 : memref<100000x768xf32, #tpu.memory_space<hbm>>) dst(%arg13 : memref<40x768xf32, #tpu.memory_space<vmem>>)
      %jit3A_803 = arith.constant 5 : i32
      %div3A_804 = arith.divsi %add3A_785, %jit3A_803 : i32
      %sign3A_805 = arith.constant 0 : i32
      %sign3A_806 = arith.cmpi sgt, %add3A_785, %sign3A_805 : i32
      %sign3A_807 = arith.extui %sign3A_806 : i1 to i32
      %sign3A_808 = arith.constant 0 : i32
      %sign3A_809 = arith.cmpi slt, %add3A_785, %sign3A_808 : i32
      %sign3A_810 = arith.extui %sign3A_809 : i1 to i32
      %sign3A_811 = arith.subi %sign3A_807, %sign3A_810 : i32
      %sign3A_812 = arith.constant 0 : i32
      %sign3A_813 = arith.cmpi sgt, %jit3A_803, %sign3A_812 : i32
      %sign3A_814 = arith.extui %sign3A_813 : i1 to i32
      %sign3A_815 = arith.constant 0 : i32
      %sign3A_816 = arith.cmpi slt, %jit3A_803, %sign3A_815 : i32
      %sign3A_817 = arith.extui %sign3A_816 : i1 to i32
      %sign3A_818 = arith.subi %sign3A_814, %sign3A_817 : i32
      %ne3A_819 = arith.cmpi ne, %sign3A_811, %sign3A_818 : i32
      %rem3A_820 = arith.remsi %add3A_785, %jit3A_803 : i32
      %ne3A_821 = arith.constant 0 : i32
      %ne3A_822 = arith.cmpi ne, %rem3A_820, %ne3A_821 : i32
      %and3A_823 = arith.andi %ne3A_819, %ne3A_822 : i1
      %sub3A_824 = arith.constant 1 : i32
      %sub3A_825 = arith.subi %div3A_804, %sub3A_824 : i32
      %select_n3A_826 = arith.select %and3A_823, %sub3A_825, %div3A_804 : i32
      %get3A_827 = arith.index_cast %select_n3A_826 : i32 to index
      %get3A_828 = arith.constant 0 : index
      %get3A_829 = tpu.vector_load %arg9[%get3A_827, %get3A_828] {strides = array<i32>} : memref<8x768xf32, #tpu.memory_space<vmem>>, vector<1x16xf32>,
      %get3A_830 = vector.shape_cast %get3A_829 : vector<1x16xf32> to vector<16xf32>
      %get3A_831 = arith.index_cast %select_n3A_826 : i32 to index
      %get3A_832 = arith.constant 16 : index
      %get3A_833 = tpu.vector_load %arg9[%get3A_831, %get3A_832] {strides = array<i32>} : memref<8x768xf32, #tpu.memory_space<vmem>>, vector<1x16xf32>,
      %get3A_834 = vector.shape_cast %get3A_833 : vector<1x16xf32> to vector<16xf32>
      %get3A_835 = arith.index_cast %select_n3A_826 : i32 to index
      %get3A_836 = arith.constant 32 : index
      %get3A_837 = tpu.vector_load %arg9[%get3A_835, %get3A_836] {strides = array<i32>} : memref<8x768xf32, #tpu.memory_space<vmem>>, vector<1x16xf32>,
      %get3A_838 = vector.shape_cast %get3A_837 : vector<1x16xf32> to vector<16xf32>
      %get3A_839 = arith.index_cast %select_n3A_826 : i32 to index
      %get3A_840 = arith.constant 48 : index
      %get3A_841 = tpu.vector_load %arg9[%get3A_839, %get3A_840] {strides = array<i32>} : memref<8x768xf32, #tpu.memory_space<vmem>>, vector<1x16xf32>,
      %get3A_842 = vector.shape_cast %get3A_841 : vector<1x16xf32> to vector<16xf32>
      %get3A_843 = arith.index_cast %select_n3A_826 : i32 to index
      %get3A_844 = arith.constant 64 : index
      %get3A_845 = tpu.vector_load %arg9[%get3A_843, %get3A_844] {strides = array<i32>} : memref<8x768xf32, #tpu.memory_space<vmem>>, vector<1x16xf32>,
      %get3A_846 = vector.shape_cast %get3A_845 : vector<1x16xf32> to vector<16xf32>
      %get3A_847 = arith.index_cast %select_n3A_826 : i32 to index
      %get3A_848 = arith.constant 80 : index
      %get3A_849 = tpu.vector_load %arg9[%get3A_847, %get3A_848] {strides = array<i32>} : memref<8x768xf32, #tpu.memory_space<vmem>>, vector<1x16xf32>,
      %get3A_850 = vector.shape_cast %get3A_849 : vector<1x16xf32> to vector<16xf32>
      %get3A_851 = arith.index_cast %select_n3A_826 : i32 to index
      %get3A_852 = arith.constant 96 : index
      %get3A_853 = tpu.vector_load %arg9[%get3A_851, %get3A_852] {strides = array<i32>} : memref<8x768xf32, #tpu.memory_space<vmem>>, vector<1x16xf32>,
      %get3A_854 = vector.shape_cast %get3A_853 : vector<1x16xf32> to vector<16xf32>
      %get3A_855 = arith.index_cast %select_n3A_826 : i32 to index
      %get3A_856 = arith.constant 112 : index
      %get3A_857 = tpu.vector_load %arg9[%get3A_855, %get3A_856] {strides = array<i32>} : memref<8x768xf32, #tpu.memory_space<vmem>>, vector<1x16xf32>,
      %get3A_858 = vector.shape_cast %get3A_857 : vector<1x16xf32> to vector<16xf32>
      %get3A_859 = arith.index_cast %select_n3A_826 : i32 to index
      %get3A_860 = arith.constant 128 : index
      %get3A_861 = tpu.vector_load %arg9[%get3A_859, %get3A_860] {strides = array<i32>} : memref<8x768xf32, #tpu.memory_space<vmem>>, vector<1x16xf32>,
      %get3A_862 = vector.shape_cast %get3A_861 : vector<1x16xf32> to vector<16xf32>
      %get3A_863 = arith.index_cast %select_n3A_826 : i32 to index
      %get3A_864 = arith.constant 144 : index
      %get3A_865 = tpu.vector_load %arg9[%get3A_863, %get3A_864] {strides = array<i32>} : memref<8x768xf32, #tpu.memory_space<vmem>>, vector<1x16xf32>,
      %get3A_866 = vector.shape_cast %get3A_865 : vector<1x16xf32> to vector<16xf32>
      %get3A_867 = arith.index_cast %select_n3A_826 : i32 to index
      %get3A_868 = arith.constant 160 : index
      %get3A_869 = tpu.vector_load %arg9[%get3A_867, %get3A_868] {strides = array<i32>} : memref<8x768xf32, #tpu.memory_space<vmem>>, vector<1x16xf32>,
      %get3A_870 = vector.shape_cast %get3A_869 : vector<1x16xf32> to vector<16xf32>
      %get3A_871 = arith.index_cast %select_n3A_826 : i32 to index
      %get3A_872 = arith.constant 176 : index
      %get3A_873 = tpu.vector_load %arg9[%get3A_871, %get3A_872] {strides = array<i32>} : memref<8x768xf32, #tpu.memory_space<vmem>>, vector<1x16xf32>,
      %get3A_874 = vector.shape_cast %get3A_873 : vector<1x16xf32> to vector<16xf32>
      %get3A_875 = arith.index_cast %select_n3A_826 : i32 to index
      %get3A_876 = arith.constant 192 : index
      %get3A_877 = tpu.vector_load %arg9[%get3A_875, %get3A_876] {strides = array<i32>} : memref<8x768xf32, #tpu.memory_space<vmem>>, vector<1x16xf32>,
      %get3A_878 = vector.shape_cast %get3A_877 : vector<1x16xf32> to vector<16xf32>
      %get3A_879 = arith.index_cast %select_n3A_826 : i32 to index
      %get3A_880 = arith.constant 208 : index
      %get3A_881 = tpu.vector_load %arg9[%get3A_879, %get3A_880] {strides = array<i32>} : memref<8x768xf32, #tpu.memory_space<vmem>>, vector<1x16xf32>,
      %get3A_882 = vector.shape_cast %get3A_881 : vector<1x16xf32> to vector<16xf32>
      %get3A_883 = arith.index_cast %select_n3A_826 : i32 to index
      %get3A_884 = arith.constant 224 : index
      %get3A_885 = tpu.vector_load %arg9[%get3A_883, %get3A_884] {strides = array<i32>} : memref<8x768xf32, #tpu.memory_space<vmem>>, vector<1x16xf32>,
      %get3A_886 = vector.shape_cast %get3A_885 : vector<1x16xf32> to vector<16xf32>
      %get3A_887 = arith.index_cast %select_n3A_826 : i32 to index
      %get3A_888 = arith.constant 240 : index
      %get3A_889 = tpu.vector_load %arg9[%get3A_887, %get3A_888] {strides = array<i32>} : memref<8x768xf32, #tpu.memory_space<vmem>>, vector<1x16xf32>,
      %get3A_890 = vector.shape_cast %get3A_889 : vector<1x16xf32> to vector<16xf32>
      %get3A_891 = arith.index_cast %select_n3A_826 : i32 to index
      %get3A_892 = arith.constant 256 : index
      %get3A_893 = tpu.vector_load %arg9[%get3A_891, %get3A_892] {strides = array<i32>} : memref<8x768xf32, #tpu.memory_space<vmem>>, vector<1x16xf32>,
      %get3A_894 = vector.shape_cast %get3A_893 : vector<1x16xf32> to vector<16xf32>
      %get3A_895 = arith.index_cast %select_n3A_826 : i32 to index
      %get3A_896 = arith.constant 272 : index
      %get3A_897 = tpu.vector_load %arg9[%get3A_895, %get3A_896] {strides = array<i32>} : memref<8x768xf32, #tpu.memory_space<vmem>>, vector<1x16xf32>,
      %get3A_898 = vector.shape_cast %get3A_897 : vector<1x16xf32> to vector<16xf32>
      %get3A_899 = arith.index_cast %select_n3A_826 : i32 to index
      %get3A_900 = arith.constant 288 : index
      %get3A_901 = tpu.vector_load %arg9[%get3A_899, %get3A_900] {strides = array<i32>} : memref<8x768xf32, #tpu.memory_space<vmem>>, vector<1x16xf32>,
      %get3A_902 = vector.shape_cast %get3A_901 : vector<1x16xf32> to vector<16xf32>
      %get3A_903 = arith.index_cast %select_n3A_826 : i32 to index
      %get3A_904 = arith.constant 304 : index
      %get3A_905 = tpu.vector_load %arg9[%get3A_903, %get3A_904] {strides = array<i32>} : memref<8x768xf32, #tpu.memory_space<vmem>>, vector<1x16xf32>,
      %get3A_906 = vector.shape_cast %get3A_905 : vector<1x16xf32> to vector<16xf32>
      %get3A_907 = arith.index_cast %select_n3A_826 : i32 to index
      %get3A_908 = arith.constant 320 : index
      %get3A_909 = tpu.vector_load %arg9[%get3A_907, %get3A_908] {strides = array<i32>} : memref<8x768xf32, #tpu.memory_space<vmem>>, vector<1x16xf32>,
      %get3A_910 = vector.shape_cast %get3A_909 : vector<1x16xf32> to vector<16xf32>
      %get3A_911 = arith.index_cast %select_n3A_826 : i32 to index
      %get3A_912 = arith.constant 336 : index
      %get3A_913 = tpu.vector_load %arg9[%get3A_911, %get3A_912] {strides = array<i32>} : memref<8x768xf32, #tpu.memory_space<vmem>>, vector<1x16xf32>,
      %get3A_914 = vector.shape_cast %get3A_913 : vector<1x16xf32> to vector<16xf32>
      %get3A_915 = arith.index_cast %select_n3A_826 : i32 to index
      %get3A_916 = arith.constant 352 : index
      %get3A_917 = tpu.vector_load %arg9[%get3A_915, %get3A_916] {strides = array<i32>} : memref<8x768xf32, #tpu.memory_space<vmem>>, vector<1x16xf32>,
      %get3A_918 = vector.shape_cast %get3A_917 : vector<1x16xf32> to vector<16xf32>
      %get3A_919 = arith.index_cast %select_n3A_826 : i32 to index
      %get3A_920 = arith.constant 368 : index
      %get3A_921 = tpu.vector_load %arg9[%get3A_919, %get3A_920] {strides = array<i32>} : memref<8x768xf32, #tpu.memory_space<vmem>>, vector<1x16xf32>,
      %get3A_922 = vector.shape_cast %get3A_921 : vector<1x16xf32> to vector<16xf32>
      %get3A_923 = arith.index_cast %select_n3A_826 : i32 to index
      %get3A_924 = arith.constant 384 : index
      %get3A_925 = tpu.vector_load %arg9[%get3A_923, %get3A_924] {strides = array<i32>} : memref<8x768xf32, #tpu.memory_space<vmem>>, vector<1x16xf32>,
      %get3A_926 = vector.shape_cast %get3A_925 : vector<1x16xf32> to vector<16xf32>
      %get3A_927 = arith.index_cast %select_n3A_826 : i32 to index
      %get3A_928 = arith.constant 400 : index
      %get3A_929 = tpu.vector_load %arg9[%get3A_927, %get3A_928] {strides = array<i32>} : memref<8x768xf32, #tpu.memory_space<vmem>>, vector<1x16xf32>,
      %get3A_930 = vector.shape_cast %get3A_929 : vector<1x16xf32> to vector<16xf32>
      %get3A_931 = arith.index_cast %select_n3A_826 : i32 to index
      %get3A_932 = arith.constant 416 : index
      %get3A_933 = tpu.vector_load %arg9[%get3A_931, %get3A_932] {strides = array<i32>} : memref<8x768xf32, #tpu.memory_space<vmem>>, vector<1x16xf32>,
      %get3A_934 = vector.shape_cast %get3A_933 : vector<1x16xf32> to vector<16xf32>
      %get3A_935 = arith.index_cast %select_n3A_826 : i32 to index
      %get3A_936 = arith.constant 432 : index
      %get3A_937 = tpu.vector_load %arg9[%get3A_935, %get3A_936] {strides = array<i32>} : memref<8x768xf32, #tpu.memory_space<vmem>>, vector<1x16xf32>,
      %get3A_938 = vector.shape_cast %get3A_937 : vector<1x16xf32> to vector<16xf32>
      %get3A_939 = arith.index_cast %select_n3A_826 : i32 to index
      %get3A_940 = arith.constant 448 : index
      %get3A_941 = tpu.vector_load %arg9[%get3A_939, %get3A_940] {strides = array<i32>} : memref<8x768xf32, #tpu.memory_space<vmem>>, vector<1x16xf32>,
      %get3A_942 = vector.shape_cast %get3A_941 : vector<1x16xf32> to vector<16xf32>
      %get3A_943 = arith.index_cast %select_n3A_826 : i32 to index
      %get3A_944 = arith.constant 464 : index
      %get3A_945 = tpu.vector_load %arg9[%get3A_943, %get3A_944] {strides = array<i32>} : memref<8x768xf32, #tpu.memory_space<vmem>>, vector<1x16xf32>,
      %get3A_946 = vector.shape_cast %get3A_945 : vector<1x16xf32> to vector<16xf32>
      %get3A_947 = arith.index_cast %select_n3A_826 : i32 to index
      %get3A_948 = arith.constant 480 : index
      %get3A_949 = tpu.vector_load %arg9[%get3A_947, %get3A_948] {strides = array<i32>} : memref<8x768xf32, #tpu.memory_space<vmem>>, vector<1x16xf32>,
      %get3A_950 = vector.shape_cast %get3A_949 : vector<1x16xf32> to vector<16xf32>
      %get3A_951 = arith.index_cast %select_n3A_826 : i32 to index
      %get3A_952 = arith.constant 496 : index
      %get3A_953 = tpu.vector_load %arg9[%get3A_951, %get3A_952] {strides = array<i32>} : memref<8x768xf32, #tpu.memory_space<vmem>>, vector<1x16xf32>,
      %get3A_954 = vector.shape_cast %get3A_953 : vector<1x16xf32> to vector<16xf32>
      %get3A_955 = arith.index_cast %select_n3A_826 : i32 to index
      %get3A_956 = arith.constant 512 : index
      %get3A_957 = tpu.vector_load %arg9[%get3A_955, %get3A_956] {strides = array<i32>} : memref<8x768xf32, #tpu.memory_space<vmem>>, vector<1x16xf32>,
      %get3A_958 = vector.shape_cast %get3A_957 : vector<1x16xf32> to vector<16xf32>
      %get3A_959 = arith.index_cast %select_n3A_826 : i32 to index
      %get3A_960 = arith.constant 528 : index
      %get3A_961 = tpu.vector_load %arg9[%get3A_959, %get3A_960] {strides = array<i32>} : memref<8x768xf32, #tpu.memory_space<vmem>>, vector<1x16xf32>,
      %get3A_962 = vector.shape_cast %get3A_961 : vector<1x16xf32> to vector<16xf32>
      %get3A_963 = arith.index_cast %select_n3A_826 : i32 to index
      %get3A_964 = arith.constant 544 : index
      %get3A_965 = tpu.vector_load %arg9[%get3A_963, %get3A_964] {strides = array<i32>} : memref<8x768xf32, #tpu.memory_space<vmem>>, vector<1x16xf32>,
      %get3A_966 = vector.shape_cast %get3A_965 : vector<1x16xf32> to vector<16xf32>
      %get3A_967 = arith.index_cast %select_n3A_826 : i32 to index
      %get3A_968 = arith.constant 560 : index
      %get3A_969 = tpu.vector_load %arg9[%get3A_967, %get3A_968] {strides = array<i32>} : memref<8x768xf32, #tpu.memory_space<vmem>>, vector<1x16xf32>,
      %get3A_970 = vector.shape_cast %get3A_969 : vector<1x16xf32> to vector<16xf32>
      %get3A_971 = arith.index_cast %select_n3A_826 : i32 to index
      %get3A_972 = arith.constant 576 : index
      %get3A_973 = tpu.vector_load %arg9[%get3A_971, %get3A_972] {strides = array<i32>} : memref<8x768xf32, #tpu.memory_space<vmem>>, vector<1x16xf32>,
      %get3A_974 = vector.shape_cast %get3A_973 : vector<1x16xf32> to vector<16xf32>
      %get3A_975 = arith.index_cast %select_n3A_826 : i32 to index
      %get3A_976 = arith.constant 592 : index
      %get3A_977 = tpu.vector_load %arg9[%get3A_975, %get3A_976] {strides = array<i32>} : memref<8x768xf32, #tpu.memory_space<vmem>>, vector<1x16xf32>,
      %get3A_978 = vector.shape_cast %get3A_977 : vector<1x16xf32> to vector<16xf32>
      %get3A_979 = arith.index_cast %select_n3A_826 : i32 to index
      %get3A_980 = arith.constant 608 : index
      %get3A_981 = tpu.vector_load %arg9[%get3A_979, %get3A_980] {strides = array<i32>} : memref<8x768xf32, #tpu.memory_space<vmem>>, vector<1x16xf32>,
      %get3A_982 = vector.shape_cast %get3A_981 : vector<1x16xf32> to vector<16xf32>
      %get3A_983 = arith.index_cast %select_n3A_826 : i32 to index
      %get3A_984 = arith.constant 624 : index
      %get3A_985 = tpu.vector_load %arg9[%get3A_983, %get3A_984] {strides = array<i32>} : memref<8x768xf32, #tpu.memory_space<vmem>>, vector<1x16xf32>,
      %get3A_986 = vector.shape_cast %get3A_985 : vector<1x16xf32> to vector<16xf32>
      %get3A_987 = arith.index_cast %select_n3A_826 : i32 to index
      %get3A_988 = arith.constant 640 : index
      %get3A_989 = tpu.vector_load %arg9[%get3A_987, %get3A_988] {strides = array<i32>} : memref<8x768xf32, #tpu.memory_space<vmem>>, vector<1x16xf32>,
      %get3A_990 = vector.shape_cast %get3A_989 : vector<1x16xf32> to vector<16xf32>
      %get3A_991 = arith.index_cast %select_n3A_826 : i32 to index
      %get3A_992 = arith.constant 656 : index
      %get3A_993 = tpu.vector_load %arg9[%get3A_991, %get3A_992] {strides = array<i32>} : memref<8x768xf32, #tpu.memory_space<vmem>>, vector<1x16xf32>,
      %get3A_994 = vector.shape_cast %get3A_993 : vector<1x16xf32> to vector<16xf32>
      %get3A_995 = arith.index_cast %select_n3A_826 : i32 to index
      %get3A_996 = arith.constant 672 : index
      %get3A_997 = tpu.vector_load %arg9[%get3A_995, %get3A_996] {strides = array<i32>} : memref<8x768xf32, #tpu.memory_space<vmem>>, vector<1x16xf32>,
      %get3A_998 = vector.shape_cast %get3A_997 : vector<1x16xf32> to vector<16xf32>
      %get3A_999 = arith.index_cast %select_n3A_826 : i32 to index
      %get3A_1000 = arith.constant 688 : index
      %get3A_1001 = tpu.vector_load %arg9[%get3A_999, %get3A_1000] {strides = array<i32>} : memref<8x768xf32, #tpu.memory_space<vmem>>, vector<1x16xf32>,
      %get3A_1002 = vector.shape_cast %get3A_1001 : vector<1x16xf32> to vector<16xf32>
      %get3A_1003 = arith.index_cast %select_n3A_826 : i32 to index
      %get3A_1004 = arith.constant 704 : index
      %get3A_1005 = tpu.vector_load %arg9[%get3A_1003, %get3A_1004] {strides = array<i32>} : memref<8x768xf32, #tpu.memory_space<vmem>>, vector<1x16xf32>,
      %get3A_1006 = vector.shape_cast %get3A_1005 : vector<1x16xf32> to vector<16xf32>
      %get3A_1007 = arith.index_cast %select_n3A_826 : i32 to index
      %get3A_1008 = arith.constant 720 : index
      %get3A_1009 = tpu.vector_load %arg9[%get3A_1007, %get3A_1008] {strides = array<i32>} : memref<8x768xf32, #tpu.memory_space<vmem>>, vector<1x16xf32>,
      %get3A_1010 = vector.shape_cast %get3A_1009 : vector<1x16xf32> to vector<16xf32>
      %get3A_1011 = arith.index_cast %select_n3A_826 : i32 to index
      %get3A_1012 = arith.constant 736 : index
      %get3A_1013 = tpu.vector_load %arg9[%get3A_1011, %get3A_1012] {strides = array<i32>} : memref<8x768xf32, #tpu.memory_space<vmem>>, vector<1x16xf32>,
      %get3A_1014 = vector.shape_cast %get3A_1013 : vector<1x16xf32> to vector<16xf32>
      %get3A_1015 = arith.index_cast %select_n3A_826 : i32 to index
      %get3A_1016 = arith.constant 752 : index
      %get3A_1017 = tpu.vector_load %arg9[%get3A_1015, %get3A_1016] {strides = array<i32>} : memref<8x768xf32, #tpu.memory_space<vmem>>, vector<1x16xf32>,
      %get3A_1018 = vector.shape_cast %get3A_1017 : vector<1x16xf32> to vector<16xf32>
      %scan3A_1019 = arith.constant 0 : i32
      %scan3A_1020 = arith.constant 0 : i32
      %scan3A_1021 = arith.constant 40 : i32
      %scan3A_1022 = arith.addi %scan3A_1020, %scan3A_1021 : i32
      %scan3A_1023 = arith.constant 1 : i32
      scf.for %scan3A_1034 = %scan3A_1020 to %scan3A_1022 step %scan3A_1023  : i32 {
        %get3A_1035 = arith.index_cast %scan3A_1034 : i32 to index
        %get3A_1036 = arith.constant 0 : index
        %get3A_1037 = tpu.vector_load %arg13[%get3A_1035, %get3A_1036] {strides = array<i32>} : memref<40x768xf32, #tpu.memory_space<vmem>>, vector<1x16xf32>,
        %get3A_1038 = vector.shape_cast %get3A_1037 : vector<1x16xf32> to vector<16xf32>
        %add3A_1039 = arith.addf %get3A_1038, %get3A_830 : vector<16xf32>
        %swap3A = arith.index_cast %scan3A_1034 : i32 to index
        %swap3A_1040 = arith.constant 0 : index
        %swap3A_1041 = tpu.vector_load %arg13[%swap3A, %swap3A_1040] {strides = array<i32>} : memref<40x768xf32, #tpu.memory_space<vmem>>, vector<1x16xf32>,
        %swap3A_1042 = vector.shape_cast %swap3A_1041 : vector<1x16xf32> to vector<16xf32>
        %swap3A_1043 = vector.shape_cast %add3A_1039 : vector<16xf32> to vector<1x16xf32>
        tpu.vector_store %arg13[%swap3A, %swap3A_1040], %swap3A_1043 {strides = array<i32>} : memref<40x768xf32, #tpu.memory_space<vmem>>, vector<1x16xf32>,
        %get3A_1044 = arith.index_cast %scan3A_1034 : i32 to index
        %get3A_1045 = arith.constant 16 : index
        %get3A_1046 = tpu.vector_load %arg13[%get3A_1044, %get3A_1045] {strides = array<i32>} : memref<40x768xf32, #tpu.memory_space<vmem>>, vector<1x16xf32>,
        %get3A_1047 = vector.shape_cast %get3A_1046 : vector<1x16xf32> to vector<16xf32>
        %add3A_1048 = arith.addf %get3A_1047, %get3A_834 : vector<16xf32>
        %swap3A_1049 = arith.index_cast %scan3A_1034 : i32 to index
        %swap3A_1050 = arith.constant 16 : index
        %swap3A_1051 = tpu.vector_load %arg13[%swap3A_1049, %swap3A_1050] {strides = array<i32>} : memref<40x768xf32, #tpu.memory_space<vmem>>, vector<1x16xf32>,
        %swap3A_1052 = vector.shape_cast %swap3A_1051 : vector<1x16xf32> to vector<16xf32>
        %swap3A_1053 = vector.shape_cast %add3A_1048 : vector<16xf32> to vector<1x16xf32>
        tpu.vector_store %arg13[%swap3A_1049, %swap3A_1050], %swap3A_1053 {strides = array<i32>} : memref<40x768xf32, #tpu.memory_space<vmem>>, vector<1x16xf32>,
        %get3A_1054 = arith.index_cast %scan3A_1034 : i32 to index
        %get3A_1055 = arith.constant 32 : index
        %get3A_1056 = tpu.vector_load %arg13[%get3A_1054, %get3A_1055] {strides = array<i32>} : memref<40x768xf32, #tpu.memory_space<vmem>>, vector<1x16xf32>,
        %get3A_1057 = vector.shape_cast %get3A_1056 : vector<1x16xf32> to vector<16xf32>
        %add3A_1058 = arith.addf %get3A_1057, %get3A_838 : vector<16xf32>
        %swap3A_1059 = arith.index_cast %scan3A_1034 : i32 to index
        %swap3A_1060 = arith.constant 32 : index
        %swap3A_1061 = tpu.vector_load %arg13[%swap3A_1059, %swap3A_1060] {strides = array<i32>} : memref<40x768xf32, #tpu.memory_space<vmem>>, vector<1x16xf32>,
        %swap3A_1062 = vector.shape_cast %swap3A_1061 : vector<1x16xf32> to vector<16xf32>
        %swap3A_1063 = vector.shape_cast %add3A_1058 : vector<16xf32> to vector<1x16xf32>
        tpu.vector_store %arg13[%swap3A_1059, %swap3A_1060], %swap3A_1063 {strides = array<i32>} : memref<40x768xf32, #tpu.memory_space<vmem>>, vector<1x16xf32>,
        %get3A_1064 = arith.index_cast %scan3A_1034 : i32 to index
        %get3A_1065 = arith.constant 48 : index
        %get3A_1066 = tpu.vector_load %arg13[%get3A_1064, %get3A_1065] {strides = array<i32>} : memref<40x768xf32, #tpu.memory_space<vmem>>, vector<1x16xf32>,
        %get3A_1067 = vector.shape_cast %get3A_1066 : vector<1x16xf32> to vector<16xf32>
        %add3A_1068 = arith.addf %get3A_1067, %get3A_842 : vector<16xf32>
        %swap3A_1069 = arith.index_cast %scan3A_1034 : i32 to index
        %swap3A_1070 = arith.constant 48 : index
        %swap3A_1071 = tpu.vector_load %arg13[%swap3A_1069, %swap3A_1070] {strides = array<i32>} : memref<40x768xf32, #tpu.memory_space<vmem>>, vector<1x16xf32>,
        %swap3A_1072 = vector.shape_cast %swap3A_1071 : vector<1x16xf32> to vector<16xf32>
        %swap3A_1073 = vector.shape_cast %add3A_1068 : vector<16xf32> to vector<1x16xf32>
        tpu.vector_store %arg13[%swap3A_1069, %swap3A_1070], %swap3A_1073 {strides = array<i32>} : memref<40x768xf32, #tpu.memory_space<vmem>>, vector<1x16xf32>,
        %get3A_1074 = arith.index_cast %scan3A_1034 : i32 to index
        %get3A_1075 = arith.constant 64 : index
        %get3A_1076 = tpu.vector_load %arg13[%get3A_1074, %get3A_1075] {strides = array<i32>} : memref<40x768xf32, #tpu.memory_space<vmem>>, vector<1x16xf32>,
        %get3A_1077 = vector.shape_cast %get3A_1076 : vector<1x16xf32> to vector<16xf32>
        %add3A_1078 = arith.addf %get3A_1077, %get3A_846 : vector<16xf32>
        %swap3A_1079 = arith.index_cast %scan3A_1034 : i32 to index
        %swap3A_1080 = arith.constant 64 : index
        %swap3A_1081 = tpu.vector_load %arg13[%swap3A_1079, %swap3A_1080] {strides = array<i32>} : memref<40x768xf32, #tpu.memory_space<vmem>>, vector<1x16xf32>,
        %swap3A_1082 = vector.shape_cast %swap3A_1081 : vector<1x16xf32> to vector<16xf32>
        %swap3A_1083 = vector.shape_cast %add3A_1078 : vector<16xf32> to vector<1x16xf32>
        tpu.vector_store %arg13[%swap3A_1079, %swap3A_1080], %swap3A_1083 {strides = array<i32>} : memref<40x768xf32, #tpu.memory_space<vmem>>, vector<1x16xf32>,
        %get3A_1084 = arith.index_cast %scan3A_1034 : i32 to index
        %get3A_1085 = arith.constant 80 : index
        %get3A_1086 = tpu.vector_load %arg13[%get3A_1084, %get3A_1085] {strides = array<i32>} : memref<40x768xf32, #tpu.memory_space<vmem>>, vector<1x16xf32>,
        %get3A_1087 = vector.shape_cast %get3A_1086 : vector<1x16xf32> to vector<16xf32>
        %add3A_1088 = arith.addf %get3A_1087, %get3A_850 : vector<16xf32>
        %swap3A_1089 = arith.index_cast %scan3A_1034 : i32 to index
        %swap3A_1090 = arith.constant 80 : index
        %swap3A_1091 = tpu.vector_load %arg13[%swap3A_1089, %swap3A_1090] {strides = array<i32>} : memref<40x768xf32, #tpu.memory_space<vmem>>, vector<1x16xf32>,
        %swap3A_1092 = vector.shape_cast %swap3A_1091 : vector<1x16xf32> to vector<16xf32>
        %swap3A_1093 = vector.shape_cast %add3A_1088 : vector<16xf32> to vector<1x16xf32>
        tpu.vector_store %arg13[%swap3A_1089, %swap3A_1090], %swap3A_1093 {strides = array<i32>} : memref<40x768xf32, #tpu.memory_space<vmem>>, vector<1x16xf32>,
        %get3A_1094 = arith.index_cast %scan3A_1034 : i32 to index
        %get3A_1095 = arith.constant 96 : index
        %get3A_1096 = tpu.vector_load %arg13[%get3A_1094, %get3A_1095] {strides = array<i32>} : memref<40x768xf32, #tpu.memory_space<vmem>>, vector<1x16xf32>,
        %get3A_1097 = vector.shape_cast %get3A_1096 : vector<1x16xf32> to vector<16xf32>
        %add3A_1098 = arith.addf %get3A_1097, %get3A_854 : vector<16xf32>
        %swap3A_1099 = arith.index_cast %scan3A_1034 : i32 to index
        %swap3A_1100 = arith.constant 96 : index
        %swap3A_1101 = tpu.vector_load %arg13[%swap3A_1099, %swap3A_1100] {strides = array<i32>} : memref<40x768xf32, #tpu.memory_space<vmem>>, vector<1x16xf32>,
        %swap3A_1102 = vector.shape_cast %swap3A_1101 : vector<1x16xf32> to vector<16xf32>
        %swap3A_1103 = vector.shape_cast %add3A_1098 : vector<16xf32> to vector<1x16xf32>
        tpu.vector_store %arg13[%swap3A_1099, %swap3A_1100], %swap3A_1103 {strides = array<i32>} : memref<40x768xf32, #tpu.memory_space<vmem>>, vector<1x16xf32>,
        %get3A_1104 = arith.index_cast %scan3A_1034 : i32 to index
        %get3A_1105 = arith.constant 112 : index
        %get3A_1106 = tpu.vector_load %arg13[%get3A_1104, %get3A_1105] {strides = array<i32>} : memref<40x768xf32, #tpu.memory_space<vmem>>, vector<1x16xf32>,
        %get3A_1107 = vector.shape_cast %get3A_1106 : vector<1x16xf32> to vector<16xf32>
        %add3A_1108 = arith.addf %get3A_1107, %get3A_858 : vector<16xf32>
        %swap3A_1109 = arith.index_cast %scan3A_1034 : i32 to index
        %swap3A_1110 = arith.constant 112 : index
        %swap3A_1111 = tpu.vector_load %arg13[%swap3A_1109, %swap3A_1110] {strides = array<i32>} : memref<40x768xf32, #tpu.memory_space<vmem>>, vector<1x16xf32>,
        %swap3A_1112 = vector.shape_cast %swap3A_1111 : vector<1x16xf32> to vector<16xf32>
        %swap3A_1113 = vector.shape_cast %add3A_1108 : vector<16xf32> to vector<1x16xf32>
        tpu.vector_store %arg13[%swap3A_1109, %swap3A_1110], %swap3A_1113 {strides = array<i32>} : memref<40x768xf32, #tpu.memory_space<vmem>>, vector<1x16xf32>,
        %get3A_1114 = arith.index_cast %scan3A_1034 : i32 to index
        %get3A_1115 = arith.constant 128 : index
        %get3A_1116 = tpu.vector_load %arg13[%get3A_1114, %get3A_1115] {strides = array<i32>} : memref<40x768xf32, #tpu.memory_space<vmem>>, vector<1x16xf32>,
        %get3A_1117 = vector.shape_cast %get3A_1116 : vector<1x16xf32> to vector<16xf32>
        %add3A_1118 = arith.addf %get3A_1117, %get3A_862 : vector<16xf32>
        %swap3A_1119 = arith.index_cast %scan3A_1034 : i32 to index
        %swap3A_1120 = arith.constant 128 : index
        %swap3A_1121 = tpu.vector_load %arg13[%swap3A_1119, %swap3A_1120] {strides = array<i32>} : memref<40x768xf32, #tpu.memory_space<vmem>>, vector<1x16xf32>,
        %swap3A_1122 = vector.shape_cast %swap3A_1121 : vector<1x16xf32> to vector<16xf32>
        %swap3A_1123 = vector.shape_cast %add3A_1118 : vector<16xf32> to vector<1x16xf32>
        tpu.vector_store %arg13[%swap3A_1119, %swap3A_1120], %swap3A_1123 {strides = array<i32>} : memref<40x768xf32, #tpu.memory_space<vmem>>, vector<1x16xf32>,
        %get3A_1124 = arith.index_cast %scan3A_1034 : i32 to index
        %get3A_1125 = arith.constant 144 : index
        %get3A_1126 = tpu.vector_load %arg13[%get3A_1124, %get3A_1125] {strides = array<i32>} : memref<40x768xf32, #tpu.memory_space<vmem>>, vector<1x16xf32>,
        %get3A_1127 = vector.shape_cast %get3A_1126 : vector<1x16xf32> to vector<16xf32>
        %add3A_1128 = arith.addf %get3A_1127, %get3A_866 : vector<16xf32>
        %swap3A_1129 = arith.index_cast %scan3A_1034 : i32 to index
        %swap3A_1130 = arith.constant 144 : index
        %swap3A_1131 = tpu.vector_load %arg13[%swap3A_1129, %swap3A_1130] {strides = array<i32>} : memref<40x768xf32, #tpu.memory_space<vmem>>, vector<1x16xf32>,
        %swap3A_1132 = vector.shape_cast %swap3A_1131 : vector<1x16xf32> to vector<16xf32>
        %swap3A_1133 = vector.shape_cast %add3A_1128 : vector<16xf32> to vector<1x16xf32>
        tpu.vector_store %arg13[%swap3A_1129, %swap3A_1130], %swap3A_1133 {strides = array<i32>} : memref<40x768xf32, #tpu.memory_space<vmem>>, vector<1x16xf32>,
        %get3A_1134 = arith.index_cast %scan3A_1034 : i32 to index
        %get3A_1135 = arith.constant 160 : index
        %get3A_1136 = tpu.vector_load %arg13[%get3A_1134, %get3A_1135] {strides = array<i32>} : memref<40x768xf32, #tpu.memory_space<vmem>>, vector<1x16xf32>,
        %get3A_1137 = vector.shape_cast %get3A_1136 : vector<1x16xf32> to vector<16xf32>
        %add3A_1138 = arith.addf %get3A_1137, %get3A_870 : vector<16xf32>
        %swap3A_1139 = arith.index_cast %scan3A_1034 : i32 to index
        %swap3A_1140 = arith.constant 160 : index
        %swap3A_1141 = tpu.vector_load %arg13[%swap3A_1139, %swap3A_1140] {strides = array<i32>} : memref<40x768xf32, #tpu.memory_space<vmem>>, vector<1x16xf32>,
        %swap3A_1142 = vector.shape_cast %swap3A_1141 : vector<1x16xf32> to vector<16xf32>
        %swap3A_1143 = vector.shape_cast %add3A_1138 : vector<16xf32> to vector<1x16xf32>
        tpu.vector_store %arg13[%swap3A_1139, %swap3A_1140], %swap3A_1143 {strides = array<i32>} : memref<40x768xf32, #tpu.memory_space<vmem>>, vector<1x16xf32>,
        %get3A_1144 = arith.index_cast %scan3A_1034 : i32 to index
        %get3A_1145 = arith.constant 176 : index
        %get3A_1146 = tpu.vector_load %arg13[%get3A_1144, %get3A_1145] {strides = array<i32>} : memref<40x768xf32, #tpu.memory_space<vmem>>, vector<1x16xf32>,
        %get3A_1147 = vector.shape_cast %get3A_1146 : vector<1x16xf32> to vector<16xf32>
        %add3A_1148 = arith.addf %get3A_1147, %get3A_874 : vector<16xf32>
        %swap3A_1149 = arith.index_cast %scan3A_1034 : i32 to index
        %swap3A_1150 = arith.constant 176 : index
        %swap3A_1151 = tpu.vector_load %arg13[%swap3A_1149, %swap3A_1150] {strides = array<i32>} : memref<40x768xf32, #tpu.memory_space<vmem>>, vector<1x16xf32>,
        %swap3A_1152 = vector.shape_cast %swap3A_1151 : vector<1x16xf32> to vector<16xf32>
        %swap3A_1153 = vector.shape_cast %add3A_1148 : vector<16xf32> to vector<1x16xf32>
        tpu.vector_store %arg13[%swap3A_1149, %swap3A_1150], %swap3A_1153 {strides = array<i32>} : memref<40x768xf32, #tpu.memory_space<vmem>>, vector<1x16xf32>,
        %get3A_1154 = arith.index_cast %scan3A_1034 : i32 to index
        %get3A_1155 = arith.constant 192 : index
        %get3A_1156 = tpu.vector_load %arg13[%get3A_1154, %get3A_1155] {strides = array<i32>} : memref<40x768xf32, #tpu.memory_space<vmem>>, vector<1x16xf32>,
        %get3A_1157 = vector.shape_cast %get3A_1156 : vector<1x16xf32> to vector<16xf32>
        %add3A_1158 = arith.addf %get3A_1157, %get3A_878 : vector<16xf32>
        %swap3A_1159 = arith.index_cast %scan3A_1034 : i32 to index
        %swap3A_1160 = arith.constant 192 : index
        %swap3A_1161 = tpu.vector_load %arg13[%swap3A_1159, %swap3A_1160] {strides = array<i32>} : memref<40x768xf32, #tpu.memory_space<vmem>>, vector<1x16xf32>,
        %swap3A_1162 = vector.shape_cast %swap3A_1161 : vector<1x16xf32> to vector<16xf32>
        %swap3A_1163 = vector.shape_cast %add3A_1158 : vector<16xf32> to vector<1x16xf32>
        tpu.vector_store %arg13[%swap3A_1159, %swap3A_1160], %swap3A_1163 {strides = array<i32>} : memref<40x768xf32, #tpu.memory_space<vmem>>, vector<1x16xf32>,
        %get3A_1164 = arith.index_cast %scan3A_1034 : i32 to index
        %get3A_1165 = arith.constant 208 : index
        %get3A_1166 = tpu.vector_load %arg13[%get3A_1164, %get3A_1165] {strides = array<i32>} : memref<40x768xf32, #tpu.memory_space<vmem>>, vector<1x16xf32>,
        %get3A_1167 = vector.shape_cast %get3A_1166 : vector<1x16xf32> to vector<16xf32>
        %add3A_1168 = arith.addf %get3A_1167, %get3A_882 : vector<16xf32>
        %swap3A_1169 = arith.index_cast %scan3A_1034 : i32 to index
        %swap3A_1170 = arith.constant 208 : index
        %swap3A_1171 = tpu.vector_load %arg13[%swap3A_1169, %swap3A_1170] {strides = array<i32>} : memref<40x768xf32, #tpu.memory_space<vmem>>, vector<1x16xf32>,
        %swap3A_1172 = vector.shape_cast %swap3A_1171 : vector<1x16xf32> to vector<16xf32>
        %swap3A_1173 = vector.shape_cast %add3A_1168 : vector<16xf32> to vector<1x16xf32>
        tpu.vector_store %arg13[%swap3A_1169, %swap3A_1170], %swap3A_1173 {strides = array<i32>} : memref<40x768xf32, #tpu.memory_space<vmem>>, vector<1x16xf32>,
        %get3A_1174 = arith.index_cast %scan3A_1034 : i32 to index
        %get3A_1175 = arith.constant 224 : index
        %get3A_1176 = tpu.vector_load %arg13[%get3A_1174, %get3A_1175] {strides = array<i32>} : memref<40x768xf32, #tpu.memory_space<vmem>>, vector<1x16xf32>,
        %get3A_1177 = vector.shape_cast %get3A_1176 : vector<1x16xf32> to vector<16xf32>
        %add3A_1178 = arith.addf %get3A_1177, %get3A_886 : vector<16xf32>
        %swap3A_1179 = arith.index_cast %scan3A_1034 : i32 to index
        %swap3A_1180 = arith.constant 224 : index
        %swap3A_1181 = tpu.vector_load %arg13[%swap3A_1179, %swap3A_1180] {strides = array<i32>} : memref<40x768xf32, #tpu.memory_space<vmem>>, vector<1x16xf32>,
        %swap3A_1182 = vector.shape_cast %swap3A_1181 : vector<1x16xf32> to vector<16xf32>
        %swap3A_1183 = vector.shape_cast %add3A_1178 : vector<16xf32> to vector<1x16xf32>
        tpu.vector_store %arg13[%swap3A_1179, %swap3A_1180], %swap3A_1183 {strides = array<i32>} : memref<40x768xf32, #tpu.memory_space<vmem>>, vector<1x16xf32>,
        %get3A_1184 = arith.index_cast %scan3A_1034 : i32 to index
        %get3A_1185 = arith.constant 240 : index
        %get3A_1186 = tpu.vector_load %arg13[%get3A_1184, %get3A_1185] {strides = array<i32>} : memref<40x768xf32, #tpu.memory_space<vmem>>, vector<1x16xf32>,
        %get3A_1187 = vector.shape_cast %get3A_1186 : vector<1x16xf32> to vector<16xf32>
        %add3A_1188 = arith.addf %get3A_1187, %get3A_890 : vector<16xf32>
        %swap3A_1189 = arith.index_cast %scan3A_1034 : i32 to index
        %swap3A_1190 = arith.constant 240 : index
        %swap3A_1191 = tpu.vector_load %arg13[%swap3A_1189, %swap3A_1190] {strides = array<i32>} : memref<40x768xf32, #tpu.memory_space<vmem>>, vector<1x16xf32>,
        %swap3A_1192 = vector.shape_cast %swap3A_1191 : vector<1x16xf32> to vector<16xf32>
        %swap3A_1193 = vector.shape_cast %add3A_1188 : vector<16xf32> to vector<1x16xf32>
        tpu.vector_store %arg13[%swap3A_1189, %swap3A_1190], %swap3A_1193 {strides = array<i32>} : memref<40x768xf32, #tpu.memory_space<vmem>>, vector<1x16xf32>,
        %get3A_1194 = arith.index_cast %scan3A_1034 : i32 to index
        %get3A_1195 = arith.constant 256 : index
        %get3A_1196 = tpu.vector_load %arg13[%get3A_1194, %get3A_1195] {strides = array<i32>} : memref<40x768xf32, #tpu.memory_space<vmem>>, vector<1x16xf32>,
        %get3A_1197 = vector.shape_cast %get3A_1196 : vector<1x16xf32> to vector<16xf32>
        %add3A_1198 = arith.addf %get3A_1197, %get3A_894 : vector<16xf32>
        %swap3A_1199 = arith.index_cast %scan3A_1034 : i32 to index
        %swap3A_1200 = arith.constant 256 : index
        %swap3A_1201 = tpu.vector_load %arg13[%swap3A_1199, %swap3A_1200] {strides = array<i32>} : memref<40x768xf32, #tpu.memory_space<vmem>>, vector<1x16xf32>,
        %swap3A_1202 = vector.shape_cast %swap3A_1201 : vector<1x16xf32> to vector<16xf32>
        %swap3A_1203 = vector.shape_cast %add3A_1198 : vector<16xf32> to vector<1x16xf32>
        tpu.vector_store %arg13[%swap3A_1199, %swap3A_1200], %swap3A_1203 {strides = array<i32>} : memref<40x768xf32, #tpu.memory_space<vmem>>, vector<1x16xf32>,
        %get3A_1204 = arith.index_cast %scan3A_1034 : i32 to index
        %get3A_1205 = arith.constant 272 : index
        %get3A_1206 = tpu.vector_load %arg13[%get3A_1204, %get3A_1205] {strides = array<i32>} : memref<40x768xf32, #tpu.memory_space<vmem>>, vector<1x16xf32>,
        %get3A_1207 = vector.shape_cast %get3A_1206 : vector<1x16xf32> to vector<16xf32>
        %add3A_1208 = arith.addf %get3A_1207, %get3A_898 : vector<16xf32>
        %swap3A_1209 = arith.index_cast %scan3A_1034 : i32 to index
        %swap3A_1210 = arith.constant 272 : index
        %swap3A_1211 = tpu.vector_load %arg13[%swap3A_1209, %swap3A_1210] {strides = array<i32>} : memref<40x768xf32, #tpu.memory_space<vmem>>, vector<1x16xf32>,
        %swap3A_1212 = vector.shape_cast %swap3A_1211 : vector<1x16xf32> to vector<16xf32>
        %swap3A_1213 = vector.shape_cast %add3A_1208 : vector<16xf32> to vector<1x16xf32>
        tpu.vector_store %arg13[%swap3A_1209, %swap3A_1210], %swap3A_1213 {strides = array<i32>} : memref<40x768xf32, #tpu.memory_space<vmem>>, vector<1x16xf32>,
        %get3A_1214 = arith.index_cast %scan3A_1034 : i32 to index
        %get3A_1215 = arith.constant 288 : index
        %get3A_1216 = tpu.vector_load %arg13[%get3A_1214, %get3A_1215] {strides = array<i32>} : memref<40x768xf32, #tpu.memory_space<vmem>>, vector<1x16xf32>,
        %get3A_1217 = vector.shape_cast %get3A_1216 : vector<1x16xf32> to vector<16xf32>
        %add3A_1218 = arith.addf %get3A_1217, %get3A_902 : vector<16xf32>
        %swap3A_1219 = arith.index_cast %scan3A_1034 : i32 to index
        %swap3A_1220 = arith.constant 288 : index
        %swap3A_1221 = tpu.vector_load %arg13[%swap3A_1219, %swap3A_1220] {strides = array<i32>} : memref<40x768xf32, #tpu.memory_space<vmem>>, vector<1x16xf32>,
        %swap3A_1222 = vector.shape_cast %swap3A_1221 : vector<1x16xf32> to vector<16xf32>
        %swap3A_1223 = vector.shape_cast %add3A_1218 : vector<16xf32> to vector<1x16xf32>
        tpu.vector_store %arg13[%swap3A_1219, %swap3A_1220], %swap3A_1223 {strides = array<i32>} : memref<40x768xf32, #tpu.memory_space<vmem>>, vector<1x16xf32>,
        %get3A_1224 = arith.index_cast %scan3A_1034 : i32 to index
        %get3A_1225 = arith.constant 304 : index
        %get3A_1226 = tpu.vector_load %arg13[%get3A_1224, %get3A_1225] {strides = array<i32>} : memref<40x768xf32, #tpu.memory_space<vmem>>, vector<1x16xf32>,
        %get3A_1227 = vector.shape_cast %get3A_1226 : vector<1x16xf32> to vector<16xf32>
        %add3A_1228 = arith.addf %get3A_1227, %get3A_906 : vector<16xf32>
        %swap3A_1229 = arith.index_cast %scan3A_1034 : i32 to index
        %swap3A_1230 = arith.constant 304 : index
        %swap3A_1231 = tpu.vector_load %arg13[%swap3A_1229, %swap3A_1230] {strides = array<i32>} : memref<40x768xf32, #tpu.memory_space<vmem>>, vector<1x16xf32>,
        %swap3A_1232 = vector.shape_cast %swap3A_1231 : vector<1x16xf32> to vector<16xf32>
        %swap3A_1233 = vector.shape_cast %add3A_1228 : vector<16xf32> to vector<1x16xf32>
        tpu.vector_store %arg13[%swap3A_1229, %swap3A_1230], %swap3A_1233 {strides = array<i32>} : memref<40x768xf32, #tpu.memory_space<vmem>>, vector<1x16xf32>,
        %get3A_1234 = arith.index_cast %scan3A_1034 : i32 to index
        %get3A_1235 = arith.constant 320 : index
        %get3A_1236 = tpu.vector_load %arg13[%get3A_1234, %get3A_1235] {strides = array<i32>} : memref<40x768xf32, #tpu.memory_space<vmem>>, vector<1x16xf32>,
        %get3A_1237 = vector.shape_cast %get3A_1236 : vector<1x16xf32> to vector<16xf32>
        %add3A_1238 = arith.addf %get3A_1237, %get3A_910 : vector<16xf32>
        %swap3A_1239 = arith.index_cast %scan3A_1034 : i32 to index
        %swap3A_1240 = arith.constant 320 : index
        %swap3A_1241 = tpu.vector_load %arg13[%swap3A_1239, %swap3A_1240] {strides = array<i32>} : memref<40x768xf32, #tpu.memory_space<vmem>>, vector<1x16xf32>,
        %swap3A_1242 = vector.shape_cast %swap3A_1241 : vector<1x16xf32> to vector<16xf32>
        %swap3A_1243 = vector.shape_cast %add3A_1238 : vector<16xf32> to vector<1x16xf32>
        tpu.vector_store %arg13[%swap3A_1239, %swap3A_1240], %swap3A_1243 {strides = array<i32>} : memref<40x768xf32, #tpu.memory_space<vmem>>, vector<1x16xf32>,
        %get3A_1244 = arith.index_cast %scan3A_1034 : i32 to index
        %get3A_1245 = arith.constant 336 : index
        %get3A_1246 = tpu.vector_load %arg13[%get3A_1244, %get3A_1245] {strides = array<i32>} : memref<40x768xf32, #tpu.memory_space<vmem>>, vector<1x16xf32>,
        %get3A_1247 = vector.shape_cast %get3A_1246 : vector<1x16xf32> to vector<16xf32>
        %add3A_1248 = arith.addf %get3A_1247, %get3A_914 : vector<16xf32>
        %swap3A_1249 = arith.index_cast %scan3A_1034 : i32 to index
        %swap3A_1250 = arith.constant 336 : index
        %swap3A_1251 = tpu.vector_load %arg13[%swap3A_1249, %swap3A_1250] {strides = array<i32>} : memref<40x768xf32, #tpu.memory_space<vmem>>, vector<1x16xf32>,
        %swap3A_1252 = vector.shape_cast %swap3A_1251 : vector<1x16xf32> to vector<16xf32>
        %swap3A_1253 = vector.shape_cast %add3A_1248 : vector<16xf32> to vector<1x16xf32>
        tpu.vector_store %arg13[%swap3A_1249, %swap3A_1250], %swap3A_1253 {strides = array<i32>} : memref<40x768xf32, #tpu.memory_space<vmem>>, vector<1x16xf32>,
        %get3A_1254 = arith.index_cast %scan3A_1034 : i32 to index
        %get3A_1255 = arith.constant 352 : index
        %get3A_1256 = tpu.vector_load %arg13[%get3A_1254, %get3A_1255] {strides = array<i32>} : memref<40x768xf32, #tpu.memory_space<vmem>>, vector<1x16xf32>,
        %get3A_1257 = vector.shape_cast %get3A_1256 : vector<1x16xf32> to vector<16xf32>
        %add3A_1258 = arith.addf %get3A_1257, %get3A_918 : vector<16xf32>
        %swap3A_1259 = arith.index_cast %scan3A_1034 : i32 to index
        %swap3A_1260 = arith.constant 352 : index
        %swap3A_1261 = tpu.vector_load %arg13[%swap3A_1259, %swap3A_1260] {strides = array<i32>} : memref<40x768xf32, #tpu.memory_space<vmem>>, vector<1x16xf32>,
        %swap3A_1262 = vector.shape_cast %swap3A_1261 : vector<1x16xf32> to vector<16xf32>
        %swap3A_1263 = vector.shape_cast %add3A_1258 : vector<16xf32> to vector<1x16xf32>
        tpu.vector_store %arg13[%swap3A_1259, %swap3A_1260], %swap3A_1263 {strides = array<i32>} : memref<40x768xf32, #tpu.memory_space<vmem>>, vector<1x16xf32>,
        %get3A_1264 = arith.index_cast %scan3A_1034 : i32 to index
        %get3A_1265 = arith.constant 368 : index
        %get3A_1266 = tpu.vector_load %arg13[%get3A_1264, %get3A_1265] {strides = array<i32>} : memref<40x768xf32, #tpu.memory_space<vmem>>, vector<1x16xf32>,
        %get3A_1267 = vector.shape_cast %get3A_1266 : vector<1x16xf32> to vector<16xf32>
        %add3A_1268 = arith.addf %get3A_1267, %get3A_922 : vector<16xf32>
        %swap3A_1269 = arith.index_cast %scan3A_1034 : i32 to index
        %swap3A_1270 = arith.constant 368 : index
        %swap3A_1271 = tpu.vector_load %arg13[%swap3A_1269, %swap3A_1270] {strides = array<i32>} : memref<40x768xf32, #tpu.memory_space<vmem>>, vector<1x16xf32>,
        %swap3A_1272 = vector.shape_cast %swap3A_1271 : vector<1x16xf32> to vector<16xf32>
        %swap3A_1273 = vector.shape_cast %add3A_1268 : vector<16xf32> to vector<1x16xf32>
        tpu.vector_store %arg13[%swap3A_1269, %swap3A_1270], %swap3A_1273 {strides = array<i32>} : memref<40x768xf32, #tpu.memory_space<vmem>>, vector<1x16xf32>,
        %get3A_1274 = arith.index_cast %scan3A_1034 : i32 to index
        %get3A_1275 = arith.constant 384 : index
        %get3A_1276 = tpu.vector_load %arg13[%get3A_1274, %get3A_1275] {strides = array<i32>} : memref<40x768xf32, #tpu.memory_space<vmem>>, vector<1x16xf32>,
        %get3A_1277 = vector.shape_cast %get3A_1276 : vector<1x16xf32> to vector<16xf32>
        %add3A_1278 = arith.addf %get3A_1277, %get3A_926 : vector<16xf32>
        %swap3A_1279 = arith.index_cast %scan3A_1034 : i32 to index
        %swap3A_1280 = arith.constant 384 : index
        %swap3A_1281 = tpu.vector_load %arg13[%swap3A_1279, %swap3A_1280] {strides = array<i32>} : memref<40x768xf32, #tpu.memory_space<vmem>>, vector<1x16xf32>,
        %swap3A_1282 = vector.shape_cast %swap3A_1281 : vector<1x16xf32> to vector<16xf32>
        %swap3A_1283 = vector.shape_cast %add3A_1278 : vector<16xf32> to vector<1x16xf32>
        tpu.vector_store %arg13[%swap3A_1279, %swap3A_1280], %swap3A_1283 {strides = array<i32>} : memref<40x768xf32, #tpu.memory_space<vmem>>, vector<1x16xf32>,
        %get3A_1284 = arith.index_cast %scan3A_1034 : i32 to index
        %get3A_1285 = arith.constant 400 : index
        %get3A_1286 = tpu.vector_load %arg13[%get3A_1284, %get3A_1285] {strides = array<i32>} : memref<40x768xf32, #tpu.memory_space<vmem>>, vector<1x16xf32>,
        %get3A_1287 = vector.shape_cast %get3A_1286 : vector<1x16xf32> to vector<16xf32>
        %add3A_1288 = arith.addf %get3A_1287, %get3A_930 : vector<16xf32>
        %swap3A_1289 = arith.index_cast %scan3A_1034 : i32 to index
        %swap3A_1290 = arith.constant 400 : index
        %swap3A_1291 = tpu.vector_load %arg13[%swap3A_1289, %swap3A_1290] {strides = array<i32>} : memref<40x768xf32, #tpu.memory_space<vmem>>, vector<1x16xf32>,
        %swap3A_1292 = vector.shape_cast %swap3A_1291 : vector<1x16xf32> to vector<16xf32>
        %swap3A_1293 = vector.shape_cast %add3A_1288 : vector<16xf32> to vector<1x16xf32>
        tpu.vector_store %arg13[%swap3A_1289, %swap3A_1290], %swap3A_1293 {strides = array<i32>} : memref<40x768xf32, #tpu.memory_space<vmem>>, vector<1x16xf32>,
        %get3A_1294 = arith.index_cast %scan3A_1034 : i32 to index
        %get3A_1295 = arith.constant 416 : index
        %get3A_1296 = tpu.vector_load %arg13[%get3A_1294, %get3A_1295] {strides = array<i32>} : memref<40x768xf32, #tpu.memory_space<vmem>>, vector<1x16xf32>,
        %get3A_1297 = vector.shape_cast %get3A_1296 : vector<1x16xf32> to vector<16xf32>
        %add3A_1298 = arith.addf %get3A_1297, %get3A_934 : vector<16xf32>
        %swap3A_1299 = arith.index_cast %scan3A_1034 : i32 to index
        %swap3A_1300 = arith.constant 416 : index
        %swap3A_1301 = tpu.vector_load %arg13[%swap3A_1299, %swap3A_1300] {strides = array<i32>} : memref<40x768xf32, #tpu.memory_space<vmem>>, vector<1x16xf32>,
        %swap3A_1302 = vector.shape_cast %swap3A_1301 : vector<1x16xf32> to vector<16xf32>
        %swap3A_1303 = vector.shape_cast %add3A_1298 : vector<16xf32> to vector<1x16xf32>
        tpu.vector_store %arg13[%swap3A_1299, %swap3A_1300], %swap3A_1303 {strides = array<i32>} : memref<40x768xf32, #tpu.memory_space<vmem>>, vector<1x16xf32>,
        %get3A_1304 = arith.index_cast %scan3A_1034 : i32 to index
        %get3A_1305 = arith.constant 432 : index
        %get3A_1306 = tpu.vector_load %arg13[%get3A_1304, %get3A_1305] {strides = array<i32>} : memref<40x768xf32, #tpu.memory_space<vmem>>, vector<1x16xf32>,
        %get3A_1307 = vector.shape_cast %get3A_1306 : vector<1x16xf32> to vector<16xf32>
        %add3A_1308 = arith.addf %get3A_1307, %get3A_938 : vector<16xf32>
        %swap3A_1309 = arith.index_cast %scan3A_1034 : i32 to index
        %swap3A_1310 = arith.constant 432 : index
        %swap3A_1311 = tpu.vector_load %arg13[%swap3A_1309, %swap3A_1310] {strides = array<i32>} : memref<40x768xf32, #tpu.memory_space<vmem>>, vector<1x16xf32>,
        %swap3A_1312 = vector.shape_cast %swap3A_1311 : vector<1x16xf32> to vector<16xf32>
        %swap3A_1313 = vector.shape_cast %add3A_1308 : vector<16xf32> to vector<1x16xf32>
        tpu.vector_store %arg13[%swap3A_1309, %swap3A_1310], %swap3A_1313 {strides = array<i32>} : memref<40x768xf32, #tpu.memory_space<vmem>>, vector<1x16xf32>,
        %get3A_1314 = arith.index_cast %scan3A_1034 : i32 to index
        %get3A_1315 = arith.constant 448 : index
        %get3A_1316 = tpu.vector_load %arg13[%get3A_1314, %get3A_1315] {strides = array<i32>} : memref<40x768xf32, #tpu.memory_space<vmem>>, vector<1x16xf32>,
        %get3A_1317 = vector.shape_cast %get3A_1316 : vector<1x16xf32> to vector<16xf32>
        %add3A_1318 = arith.addf %get3A_1317, %get3A_942 : vector<16xf32>
        %swap3A_1319 = arith.index_cast %scan3A_1034 : i32 to index
        %swap3A_1320 = arith.constant 448 : index
        %swap3A_1321 = tpu.vector_load %arg13[%swap3A_1319, %swap3A_1320] {strides = array<i32>} : memref<40x768xf32, #tpu.memory_space<vmem>>, vector<1x16xf32>,
        %swap3A_1322 = vector.shape_cast %swap3A_1321 : vector<1x16xf32> to vector<16xf32>
        %swap3A_1323 = vector.shape_cast %add3A_1318 : vector<16xf32> to vector<1x16xf32>
        tpu.vector_store %arg13[%swap3A_1319, %swap3A_1320], %swap3A_1323 {strides = array<i32>} : memref<40x768xf32, #tpu.memory_space<vmem>>, vector<1x16xf32>,
        %get3A_1324 = arith.index_cast %scan3A_1034 : i32 to index
        %get3A_1325 = arith.constant 464 : index
        %get3A_1326 = tpu.vector_load %arg13[%get3A_1324, %get3A_1325] {strides = array<i32>} : memref<40x768xf32, #tpu.memory_space<vmem>>, vector<1x16xf32>,
        %get3A_1327 = vector.shape_cast %get3A_1326 : vector<1x16xf32> to vector<16xf32>
        %add3A_1328 = arith.addf %get3A_1327, %get3A_946 : vector<16xf32>
        %swap3A_1329 = arith.index_cast %scan3A_1034 : i32 to index
        %swap3A_1330 = arith.constant 464 : index
        %swap3A_1331 = tpu.vector_load %arg13[%swap3A_1329, %swap3A_1330] {strides = array<i32>} : memref<40x768xf32, #tpu.memory_space<vmem>>, vector<1x16xf32>,
        %swap3A_1332 = vector.shape_cast %swap3A_1331 : vector<1x16xf32> to vector<16xf32>
        %swap3A_1333 = vector.shape_cast %add3A_1328 : vector<16xf32> to vector<1x16xf32>
        tpu.vector_store %arg13[%swap3A_1329, %swap3A_1330], %swap3A_1333 {strides = array<i32>} : memref<40x768xf32, #tpu.memory_space<vmem>>, vector<1x16xf32>,
        %get3A_1334 = arith.index_cast %scan3A_1034 : i32 to index
        %get3A_1335 = arith.constant 480 : index
        %get3A_1336 = tpu.vector_load %arg13[%get3A_1334, %get3A_1335] {strides = array<i32>} : memref<40x768xf32, #tpu.memory_space<vmem>>, vector<1x16xf32>,
        %get3A_1337 = vector.shape_cast %get3A_1336 : vector<1x16xf32> to vector<16xf32>
        %add3A_1338 = arith.addf %get3A_1337, %get3A_950 : vector<16xf32>
        %swap3A_1339 = arith.index_cast %scan3A_1034 : i32 to index
        %swap3A_1340 = arith.constant 480 : index
        %swap3A_1341 = tpu.vector_load %arg13[%swap3A_1339, %swap3A_1340] {strides = array<i32>} : memref<40x768xf32, #tpu.memory_space<vmem>>, vector<1x16xf32>,
        %swap3A_1342 = vector.shape_cast %swap3A_1341 : vector<1x16xf32> to vector<16xf32>
        %swap3A_1343 = vector.shape_cast %add3A_1338 : vector<16xf32> to vector<1x16xf32>
        tpu.vector_store %arg13[%swap3A_1339, %swap3A_1340], %swap3A_1343 {strides = array<i32>} : memref<40x768xf32, #tpu.memory_space<vmem>>, vector<1x16xf32>,
        %get3A_1344 = arith.index_cast %scan3A_1034 : i32 to index
        %get3A_1345 = arith.constant 496 : index
        %get3A_1346 = tpu.vector_load %arg13[%get3A_1344, %get3A_1345] {strides = array<i32>} : memref<40x768xf32, #tpu.memory_space<vmem>>, vector<1x16xf32>,
        %get3A_1347 = vector.shape_cast %get3A_1346 : vector<1x16xf32> to vector<16xf32>
        %add3A_1348 = arith.addf %get3A_1347, %get3A_954 : vector<16xf32>
        %swap3A_1349 = arith.index_cast %scan3A_1034 : i32 to index
        %swap3A_1350 = arith.constant 496 : index
        %swap3A_1351 = tpu.vector_load %arg13[%swap3A_1349, %swap3A_1350] {strides = array<i32>} : memref<40x768xf32, #tpu.memory_space<vmem>>, vector<1x16xf32>,
        %swap3A_1352 = vector.shape_cast %swap3A_1351 : vector<1x16xf32> to vector<16xf32>
        %swap3A_1353 = vector.shape_cast %add3A_1348 : vector<16xf32> to vector<1x16xf32>
        tpu.vector_store %arg13[%swap3A_1349, %swap3A_1350], %swap3A_1353 {strides = array<i32>} : memref<40x768xf32, #tpu.memory_space<vmem>>, vector<1x16xf32>,
        %get3A_1354 = arith.index_cast %scan3A_1034 : i32 to index
        %get3A_1355 = arith.constant 512 : index
        %get3A_1356 = tpu.vector_load %arg13[%get3A_1354, %get3A_1355] {strides = array<i32>} : memref<40x768xf32, #tpu.memory_space<vmem>>, vector<1x16xf32>,
        %get3A_1357 = vector.shape_cast %get3A_1356 : vector<1x16xf32> to vector<16xf32>
        %add3A_1358 = arith.addf %get3A_1357, %get3A_958 : vector<16xf32>
        %swap3A_1359 = arith.index_cast %scan3A_1034 : i32 to index
        %swap3A_1360 = arith.constant 512 : index
        %swap3A_1361 = tpu.vector_load %arg13[%swap3A_1359, %swap3A_1360] {strides = array<i32>} : memref<40x768xf32, #tpu.memory_space<vmem>>, vector<1x16xf32>,
        %swap3A_1362 = vector.shape_cast %swap3A_1361 : vector<1x16xf32> to vector<16xf32>
        %swap3A_1363 = vector.shape_cast %add3A_1358 : vector<16xf32> to vector<1x16xf32>
        tpu.vector_store %arg13[%swap3A_1359, %swap3A_1360], %swap3A_1363 {strides = array<i32>} : memref<40x768xf32, #tpu.memory_space<vmem>>, vector<1x16xf32>,
        %get3A_1364 = arith.index_cast %scan3A_1034 : i32 to index
        %get3A_1365 = arith.constant 528 : index
        %get3A_1366 = tpu.vector_load %arg13[%get3A_1364, %get3A_1365] {strides = array<i32>} : memref<40x768xf32, #tpu.memory_space<vmem>>, vector<1x16xf32>,
        %get3A_1367 = vector.shape_cast %get3A_1366 : vector<1x16xf32> to vector<16xf32>
        %add3A_1368 = arith.addf %get3A_1367, %get3A_962 : vector<16xf32>
        %swap3A_1369 = arith.index_cast %scan3A_1034 : i32 to index
        %swap3A_1370 = arith.constant 528 : index
        %swap3A_1371 = tpu.vector_load %arg13[%swap3A_1369, %swap3A_1370] {strides = array<i32>} : memref<40x768xf32, #tpu.memory_space<vmem>>, vector<1x16xf32>,
        %swap3A_1372 = vector.shape_cast %swap3A_1371 : vector<1x16xf32> to vector<16xf32>
        %swap3A_1373 = vector.shape_cast %add3A_1368 : vector<16xf32> to vector<1x16xf32>
        tpu.vector_store %arg13[%swap3A_1369, %swap3A_1370], %swap3A_1373 {strides = array<i32>} : memref<40x768xf32, #tpu.memory_space<vmem>>, vector<1x16xf32>,
        %get3A_1374 = arith.index_cast %scan3A_1034 : i32 to index
        %get3A_1375 = arith.constant 544 : index
        %get3A_1376 = tpu.vector_load %arg13[%get3A_1374, %get3A_1375] {strides = array<i32>} : memref<40x768xf32, #tpu.memory_space<vmem>>, vector<1x16xf32>,
        %get3A_1377 = vector.shape_cast %get3A_1376 : vector<1x16xf32> to vector<16xf32>
        %add3A_1378 = arith.addf %get3A_1377, %get3A_966 : vector<16xf32>
        %swap3A_1379 = arith.index_cast %scan3A_1034 : i32 to index
        %swap3A_1380 = arith.constant 544 : index
        %swap3A_1381 = tpu.vector_load %arg13[%swap3A_1379, %swap3A_1380] {strides = array<i32>} : memref<40x768xf32, #tpu.memory_space<vmem>>, vector<1x16xf32>,
        %swap3A_1382 = vector.shape_cast %swap3A_1381 : vector<1x16xf32> to vector<16xf32>
        %swap3A_1383 = vector.shape_cast %add3A_1378 : vector<16xf32> to vector<1x16xf32>
        tpu.vector_store %arg13[%swap3A_1379, %swap3A_1380], %swap3A_1383 {strides = array<i32>} : memref<40x768xf32, #tpu.memory_space<vmem>>, vector<1x16xf32>,
        %get3A_1384 = arith.index_cast %scan3A_1034 : i32 to index
        %get3A_1385 = arith.constant 560 : index
        %get3A_1386 = tpu.vector_load %arg13[%get3A_1384, %get3A_1385] {strides = array<i32>} : memref<40x768xf32, #tpu.memory_space<vmem>>, vector<1x16xf32>,
        %get3A_1387 = vector.shape_cast %get3A_1386 : vector<1x16xf32> to vector<16xf32>
        %add3A_1388 = arith.addf %get3A_1387, %get3A_970 : vector<16xf32>
        %swap3A_1389 = arith.index_cast %scan3A_1034 : i32 to index
        %swap3A_1390 = arith.constant 560 : index
        %swap3A_1391 = tpu.vector_load %arg13[%swap3A_1389, %swap3A_1390] {strides = array<i32>} : memref<40x768xf32, #tpu.memory_space<vmem>>, vector<1x16xf32>,
        %swap3A_1392 = vector.shape_cast %swap3A_1391 : vector<1x16xf32> to vector<16xf32>
        %swap3A_1393 = vector.shape_cast %add3A_1388 : vector<16xf32> to vector<1x16xf32>
        tpu.vector_store %arg13[%swap3A_1389, %swap3A_1390], %swap3A_1393 {strides = array<i32>} : memref<40x768xf32, #tpu.memory_space<vmem>>, vector<1x16xf32>,
        %get3A_1394 = arith.index_cast %scan3A_1034 : i32 to index
        %get3A_1395 = arith.constant 576 : index
        %get3A_1396 = tpu.vector_load %arg13[%get3A_1394, %get3A_1395] {strides = array<i32>} : memref<40x768xf32, #tpu.memory_space<vmem>>, vector<1x16xf32>,
        %get3A_1397 = vector.shape_cast %get3A_1396 : vector<1x16xf32> to vector<16xf32>
        %add3A_1398 = arith.addf %get3A_1397, %get3A_974 : vector<16xf32>
        %swap3A_1399 = arith.index_cast %scan3A_1034 : i32 to index
        %swap3A_1400 = arith.constant 576 : index
        %swap3A_1401 = tpu.vector_load %arg13[%swap3A_1399, %swap3A_1400] {strides = array<i32>} : memref<40x768xf32, #tpu.memory_space<vmem>>, vector<1x16xf32>,
        %swap3A_1402 = vector.shape_cast %swap3A_1401 : vector<1x16xf32> to vector<16xf32>
        %swap3A_1403 = vector.shape_cast %add3A_1398 : vector<16xf32> to vector<1x16xf32>
        tpu.vector_store %arg13[%swap3A_1399, %swap3A_1400], %swap3A_1403 {strides = array<i32>} : memref<40x768xf32, #tpu.memory_space<vmem>>, vector<1x16xf32>,
        %get3A_1404 = arith.index_cast %scan3A_1034 : i32 to index
        %get3A_1405 = arith.constant 592 : index
        %get3A_1406 = tpu.vector_load %arg13[%get3A_1404, %get3A_1405] {strides = array<i32>} : memref<40x768xf32, #tpu.memory_space<vmem>>, vector<1x16xf32>,
        %get3A_1407 = vector.shape_cast %get3A_1406 : vector<1x16xf32> to vector<16xf32>
        %add3A_1408 = arith.addf %get3A_1407, %get3A_978 : vector<16xf32>
        %swap3A_1409 = arith.index_cast %scan3A_1034 : i32 to index
        %swap3A_1410 = arith.constant 592 : index
        %swap3A_1411 = tpu.vector_load %arg13[%swap3A_1409, %swap3A_1410] {strides = array<i32>} : memref<40x768xf32, #tpu.memory_space<vmem>>, vector<1x16xf32>,
        %swap3A_1412 = vector.shape_cast %swap3A_1411 : vector<1x16xf32> to vector<16xf32>
        %swap3A_1413 = vector.shape_cast %add3A_1408 : vector<16xf32> to vector<1x16xf32>
        tpu.vector_store %arg13[%swap3A_1409, %swap3A_1410], %swap3A_1413 {strides = array<i32>} : memref<40x768xf32, #tpu.memory_space<vmem>>, vector<1x16xf32>,
        %get3A_1414 = arith.index_cast %scan3A_1034 : i32 to index
        %get3A_1415 = arith.constant 608 : index
        %get3A_1416 = tpu.vector_load %arg13[%get3A_1414, %get3A_1415] {strides = array<i32>} : memref<40x768xf32, #tpu.memory_space<vmem>>, vector<1x16xf32>,
        %get3A_1417 = vector.shape_cast %get3A_1416 : vector<1x16xf32> to vector<16xf32>
        %add3A_1418 = arith.addf %get3A_1417, %get3A_982 : vector<16xf32>
        %swap3A_1419 = arith.index_cast %scan3A_1034 : i32 to index
        %swap3A_1420 = arith.constant 608 : index
        %swap3A_1421 = tpu.vector_load %arg13[%swap3A_1419, %swap3A_1420] {strides = array<i32>} : memref<40x768xf32, #tpu.memory_space<vmem>>, vector<1x16xf32>,
        %swap3A_1422 = vector.shape_cast %swap3A_1421 : vector<1x16xf32> to vector<16xf32>
        %swap3A_1423 = vector.shape_cast %add3A_1418 : vector<16xf32> to vector<1x16xf32>
        tpu.vector_store %arg13[%swap3A_1419, %swap3A_1420], %swap3A_1423 {strides = array<i32>} : memref<40x768xf32, #tpu.memory_space<vmem>>, vector<1x16xf32>,
        %get3A_1424 = arith.index_cast %scan3A_1034 : i32 to index
        %get3A_1425 = arith.constant 624 : index
        %get3A_1426 = tpu.vector_load %arg13[%get3A_1424, %get3A_1425] {strides = array<i32>} : memref<40x768xf32, #tpu.memory_space<vmem>>, vector<1x16xf32>,
        %get3A_1427 = vector.shape_cast %get3A_1426 : vector<1x16xf32> to vector<16xf32>
        %add3A_1428 = arith.addf %get3A_1427, %get3A_986 : vector<16xf32>
        %swap3A_1429 = arith.index_cast %scan3A_1034 : i32 to index
        %swap3A_1430 = arith.constant 624 : index
        %swap3A_1431 = tpu.vector_load %arg13[%swap3A_1429, %swap3A_1430] {strides = array<i32>} : memref<40x768xf32, #tpu.memory_space<vmem>>, vector<1x16xf32>,
        %swap3A_1432 = vector.shape_cast %swap3A_1431 : vector<1x16xf32> to vector<16xf32>
        %swap3A_1433 = vector.shape_cast %add3A_1428 : vector<16xf32> to vector<1x16xf32>
        tpu.vector_store %arg13[%swap3A_1429, %swap3A_1430], %swap3A_1433 {strides = array<i32>} : memref<40x768xf32, #tpu.memory_space<vmem>>, vector<1x16xf32>,
        %get3A_1434 = arith.index_cast %scan3A_1034 : i32 to index
        %get3A_1435 = arith.constant 640 : index
        %get3A_1436 = tpu.vector_load %arg13[%get3A_1434, %get3A_1435] {strides = array<i32>} : memref<40x768xf32, #tpu.memory_space<vmem>>, vector<1x16xf32>,
        %get3A_1437 = vector.shape_cast %get3A_1436 : vector<1x16xf32> to vector<16xf32>
        %add3A_1438 = arith.addf %get3A_1437, %get3A_990 : vector<16xf32>
        %swap3A_1439 = arith.index_cast %scan3A_1034 : i32 to index
        %swap3A_1440 = arith.constant 640 : index
        %swap3A_1441 = tpu.vector_load %arg13[%swap3A_1439, %swap3A_1440] {strides = array<i32>} : memref<40x768xf32, #tpu.memory_space<vmem>>, vector<1x16xf32>,
        %swap3A_1442 = vector.shape_cast %swap3A_1441 : vector<1x16xf32> to vector<16xf32>
        %swap3A_1443 = vector.shape_cast %add3A_1438 : vector<16xf32> to vector<1x16xf32>
        tpu.vector_store %arg13[%swap3A_1439, %swap3A_1440], %swap3A_1443 {strides = array<i32>} : memref<40x768xf32, #tpu.memory_space<vmem>>, vector<1x16xf32>,
        %get3A_1444 = arith.index_cast %scan3A_1034 : i32 to index
        %get3A_1445 = arith.constant 656 : index
        %get3A_1446 = tpu.vector_load %arg13[%get3A_1444, %get3A_1445] {strides = array<i32>} : memref<40x768xf32, #tpu.memory_space<vmem>>, vector<1x16xf32>,
        %get3A_1447 = vector.shape_cast %get3A_1446 : vector<1x16xf32> to vector<16xf32>
        %add3A_1448 = arith.addf %get3A_1447, %get3A_994 : vector<16xf32>
        %swap3A_1449 = arith.index_cast %scan3A_1034 : i32 to index
        %swap3A_1450 = arith.constant 656 : index
        %swap3A_1451 = tpu.vector_load %arg13[%swap3A_1449, %swap3A_1450] {strides = array<i32>} : memref<40x768xf32, #tpu.memory_space<vmem>>, vector<1x16xf32>,
        %swap3A_1452 = vector.shape_cast %swap3A_1451 : vector<1x16xf32> to vector<16xf32>
        %swap3A_1453 = vector.shape_cast %add3A_1448 : vector<16xf32> to vector<1x16xf32>
        tpu.vector_store %arg13[%swap3A_1449, %swap3A_1450], %swap3A_1453 {strides = array<i32>} : memref<40x768xf32, #tpu.memory_space<vmem>>, vector<1x16xf32>,
        %get3A_1454 = arith.index_cast %scan3A_1034 : i32 to index
        %get3A_1455 = arith.constant 672 : index
        %get3A_1456 = tpu.vector_load %arg13[%get3A_1454, %get3A_1455] {strides = array<i32>} : memref<40x768xf32, #tpu.memory_space<vmem>>, vector<1x16xf32>,
        %get3A_1457 = vector.shape_cast %get3A_1456 : vector<1x16xf32> to vector<16xf32>
        %add3A_1458 = arith.addf %get3A_1457, %get3A_998 : vector<16xf32>
        %swap3A_1459 = arith.index_cast %scan3A_1034 : i32 to index
        %swap3A_1460 = arith.constant 672 : index
        %swap3A_1461 = tpu.vector_load %arg13[%swap3A_1459, %swap3A_1460] {strides = array<i32>} : memref<40x768xf32, #tpu.memory_space<vmem>>, vector<1x16xf32>,
        %swap3A_1462 = vector.shape_cast %swap3A_1461 : vector<1x16xf32> to vector<16xf32>
        %swap3A_1463 = vector.shape_cast %add3A_1458 : vector<16xf32> to vector<1x16xf32>
        tpu.vector_store %arg13[%swap3A_1459, %swap3A_1460], %swap3A_1463 {strides = array<i32>} : memref<40x768xf32, #tpu.memory_space<vmem>>, vector<1x16xf32>,
        %get3A_1464 = arith.index_cast %scan3A_1034 : i32 to index
        %get3A_1465 = arith.constant 688 : index
        %get3A_1466 = tpu.vector_load %arg13[%get3A_1464, %get3A_1465] {strides = array<i32>} : memref<40x768xf32, #tpu.memory_space<vmem>>, vector<1x16xf32>,
        %get3A_1467 = vector.shape_cast %get3A_1466 : vector<1x16xf32> to vector<16xf32>
        %add3A_1468 = arith.addf %get3A_1467, %get3A_1002 : vector<16xf32>
        %swap3A_1469 = arith.index_cast %scan3A_1034 : i32 to index
        %swap3A_1470 = arith.constant 688 : index
        %swap3A_1471 = tpu.vector_load %arg13[%swap3A_1469, %swap3A_1470] {strides = array<i32>} : memref<40x768xf32, #tpu.memory_space<vmem>>, vector<1x16xf32>,
        %swap3A_1472 = vector.shape_cast %swap3A_1471 : vector<1x16xf32> to vector<16xf32>
        %swap3A_1473 = vector.shape_cast %add3A_1468 : vector<16xf32> to vector<1x16xf32>
        tpu.vector_store %arg13[%swap3A_1469, %swap3A_1470], %swap3A_1473 {strides = array<i32>} : memref<40x768xf32, #tpu.memory_space<vmem>>, vector<1x16xf32>,
        %get3A_1474 = arith.index_cast %scan3A_1034 : i32 to index
        %get3A_1475 = arith.constant 704 : index
        %get3A_1476 = tpu.vector_load %arg13[%get3A_1474, %get3A_1475] {strides = array<i32>} : memref<40x768xf32, #tpu.memory_space<vmem>>, vector<1x16xf32>,
        %get3A_1477 = vector.shape_cast %get3A_1476 : vector<1x16xf32> to vector<16xf32>
        %add3A_1478 = arith.addf %get3A_1477, %get3A_1006 : vector<16xf32>
        %swap3A_1479 = arith.index_cast %scan3A_1034 : i32 to index
        %swap3A_1480 = arith.constant 704 : index
        %swap3A_1481 = tpu.vector_load %arg13[%swap3A_1479, %swap3A_1480] {strides = array<i32>} : memref<40x768xf32, #tpu.memory_space<vmem>>, vector<1x16xf32>,
        %swap3A_1482 = vector.shape_cast %swap3A_1481 : vector<1x16xf32> to vector<16xf32>
        %swap3A_1483 = vector.shape_cast %add3A_1478 : vector<16xf32> to vector<1x16xf32>
        tpu.vector_store %arg13[%swap3A_1479, %swap3A_1480], %swap3A_1483 {strides = array<i32>} : memref<40x768xf32, #tpu.memory_space<vmem>>, vector<1x16xf32>,
        %get3A_1484 = arith.index_cast %scan3A_1034 : i32 to index
        %get3A_1485 = arith.constant 720 : index
        %get3A_1486 = tpu.vector_load %arg13[%get3A_1484, %get3A_1485] {strides = array<i32>} : memref<40x768xf32, #tpu.memory_space<vmem>>, vector<1x16xf32>,
        %get3A_1487 = vector.shape_cast %get3A_1486 : vector<1x16xf32> to vector<16xf32>
        %add3A_1488 = arith.addf %get3A_1487, %get3A_1010 : vector<16xf32>
        %swap3A_1489 = arith.index_cast %scan3A_1034 : i32 to index
        %swap3A_1490 = arith.constant 720 : index
        %swap3A_1491 = tpu.vector_load %arg13[%swap3A_1489, %swap3A_1490] {strides = array<i32>} : memref<40x768xf32, #tpu.memory_space<vmem>>, vector<1x16xf32>,
        %swap3A_1492 = vector.shape_cast %swap3A_1491 : vector<1x16xf32> to vector<16xf32>
        %swap3A_1493 = vector.shape_cast %add3A_1488 : vector<16xf32> to vector<1x16xf32>
        tpu.vector_store %arg13[%swap3A_1489, %swap3A_1490], %swap3A_1493 {strides = array<i32>} : memref<40x768xf32, #tpu.memory_space<vmem>>, vector<1x16xf32>,
        %get3A_1494 = arith.index_cast %scan3A_1034 : i32 to index
        %get3A_1495 = arith.constant 736 : index
        %get3A_1496 = tpu.vector_load %arg13[%get3A_1494, %get3A_1495] {strides = array<i32>} : memref<40x768xf32, #tpu.memory_space<vmem>>, vector<1x16xf32>,
        %get3A_1497 = vector.shape_cast %get3A_1496 : vector<1x16xf32> to vector<16xf32>
        %add3A_1498 = arith.addf %get3A_1497, %get3A_1014 : vector<16xf32>
        %swap3A_1499 = arith.index_cast %scan3A_1034 : i32 to index
        %swap3A_1500 = arith.constant 736 : index
        %swap3A_1501 = tpu.vector_load %arg13[%swap3A_1499, %swap3A_1500] {strides = array<i32>} : memref<40x768xf32, #tpu.memory_space<vmem>>, vector<1x16xf32>,
        %swap3A_1502 = vector.shape_cast %swap3A_1501 : vector<1x16xf32> to vector<16xf32>
        %swap3A_1503 = vector.shape_cast %add3A_1498 : vector<16xf32> to vector<1x16xf32>
        tpu.vector_store %arg13[%swap3A_1499, %swap3A_1500], %swap3A_1503 {strides = array<i32>} : memref<40x768xf32, #tpu.memory_space<vmem>>, vector<1x16xf32>,
        %get3A_1504 = arith.index_cast %scan3A_1034 : i32 to index
        %get3A_1505 = arith.constant 752 : index
        %get3A_1506 = tpu.vector_load %arg13[%get3A_1504, %get3A_1505] {strides = array<i32>} : memref<40x768xf32, #tpu.memory_space<vmem>>, vector<1x16xf32>,
        %get3A_1507 = vector.shape_cast %get3A_1506 : vector<1x16xf32> to vector<16xf32>
        %add3A_1508 = arith.addf %get3A_1507, %get3A_1018 : vector<16xf32>
        %swap3A_1509 = arith.index_cast %scan3A_1034 : i32 to index
        %swap3A_1510 = arith.constant 752 : index
        %swap3A_1511 = tpu.vector_load %arg13[%swap3A_1509, %swap3A_1510] {strides = array<i32>} : memref<40x768xf32, #tpu.memory_space<vmem>>, vector<1x16xf32>,
        %swap3A_1512 = vector.shape_cast %swap3A_1511 : vector<1x16xf32> to vector<16xf32>
        %swap3A_1513 = vector.shape_cast %add3A_1508 : vector<16xf32> to vector<1x16xf32>
        tpu.vector_store %arg13[%swap3A_1509, %swap3A_1510], %swap3A_1513 {strides = array<i32>} : memref<40x768xf32, #tpu.memory_space<vmem>>, vector<1x16xf32>,
      }
      %scan3A_1024 = arith.constant 40 : i32
      %mul3A_1025 = arith.constant 1600 : i32
      %mul3A_1026 = arith.muli %add3A, %mul3A_1025 : i32
      %mul3A_1027 = arith.constant 40 : i32
      %mul3A_1028 = arith.muli %add3A_785, %mul3A_1027 : i32
      %add3A_1029 = arith.addi %mul3A_1026, %mul3A_1028 : i32
      %dma_start3A_1030 = arith.constant 0 : i32
      %dma_start3A_1031 = tpu.memref_slice %arg6[%add3A_1029, %dma_start3A_1030] : memref<51200x768xf32, #tpu.memory_space<hbm>> -> memref<40x768xf32, #tpu.memory_space<hbm>>
      %dma_start3A_1032 = arith.constant 0 : i32
      %dma_start3A_1033 = tpu.memref_slice %arg6[%add3A_1029, %dma_start3A_1032] : memref<51200x768xf32, #tpu.memory_space<hbm>> -> memref<40x768xf32, #tpu.memory_space<hbm>>
      tpu.enqueue_dma source(%arg13 : memref<40x768xf32, #tpu.memory_space<vmem>>) target(%dma_start3A_1033 : memref<40x768xf32, #tpu.memory_space<hbm>>) target_semaphore(%arg21 : memref<!tpu.dma_semaphore, #tpu.memory_space<semaphore_mem>>)
    }
    %scan3A_30 = arith.constant 10 : i32
    %dma_wait3A_31 = arith.constant 0 : i32
    %dma_wait3A_32 = arith.constant 0 : i32
    %dma_wait3A_33 = tpu.memref_slice %arg6[%dma_wait3A_31, %dma_wait3A_32] : memref<51200x768xf32, #tpu.memory_space<hbm>> -> memref<40x768xf32, #tpu.memory_space<hbm>>
    %dma_wait3A_34 = arith.constant 0 : i32
    %dma_wait3A_35 = arith.constant 0 : i32
    %dma_wait3A_36 = tpu.memref_slice %arg6[%dma_wait3A_34, %dma_wait3A_35] : memref<51200x768xf32, #tpu.memory_space<hbm>> -> memref<40x768xf32, #tpu.memory_space<hbm>>
    tpu.wait_dma2 semaphore(%arg20 : memref<!tpu.dma_semaphore, #tpu.memory_space<semaphore_mem>>) src(%arg12 : memref<40x768xf32, #tpu.memory_space<vmem>>) dst(%dma_wait3A_36 : memref<40x768xf32, #tpu.memory_space<hbm>>)
    %dma_wait3A_37 = arith.constant 0 : i32
    %dma_wait3A_38 = arith.constant 0 : i32
    %dma_wait3A_39 = tpu.memref_slice %arg6[%dma_wait3A_37, %dma_wait3A_38] : memref<51200x768xf32, #tpu.memory_space<hbm>> -> memref<40x768xf32, #tpu.memory_space<hbm>>
    %dma_wait3A_40 = arith.constant 0 : i32
    %dma_wait3A_41 = arith.constant 0 : i32
    %dma_wait3A_42 = tpu.memref_slice %arg6[%dma_wait3A_40, %dma_wait3A_41] : memref<51200x768xf32, #tpu.memory_space<hbm>> -> memref<40x768xf32, #tpu.memory_space<hbm>>
    tpu.wait_dma2 semaphore(%arg21 : memref<!tpu.dma_semaphore, #tpu.memory_space<semaphore_mem>>) src(%arg13 : memref<40x768xf32, #tpu.memory_space<vmem>>) dst(%dma_wait3A_42 : memref<40x768xf32, #tpu.memory_space<hbm>>)
    return
  }
}

</mosaic_0001>

<sc_bundles>
// kernel: _sc_call.3.cloned.1.call-start
scs
__scs_entry_jumppad:
0x0: {  	(pc) =	sbr.rel $0x88, $3  }
0x1: {  	(tag) =	ssettag $0x0;
	lr =	simm.s32 $0x1  }
0x2: {  	[smem:$0x3F9D] =	sst lr;
	_ =	strace $0xD0000000  }
0x3: {  	_ = 	snop  }
0x4: {  	_ = 	snop  }
0x5: {  	_ = 	snop  }
0x6: {  	_ = 	snop  }
0x7: {  	_ = 	snop  }
__scs_overlays_trampoline_lowered:
0x8: {  	[smem:$0x3FAC] =	sst s0  }
0x9: {  	[smem:$0x3FAD] =	sst s1  }
0xa: {  	[smem:$0x3FAE] =	sst s2  }
0xb: {  	[smem:$0x3FAF] =	sst s3  }
0xc: {  	[smem:$0x3FB0] =	sst s4  }
0xd: {  	[smem:$0x3FB1] =	sst s5  }
0xe: {  	[smem:$0x3FB2] =	sst s6  }
0xf: {  	[smem:$0x3FB3] =	sst s7  }
0x10: {  	[smem:$0x3FB4] =	sst s8  }
0x11: {  	[smem:$0x3FB5] =	sst s9;
	s0 =	simm.s32 @!p0 $0x0  }
0x12: {  	s1 =	sld [smem:$0x3F9B];
	s0 =	simm.s32 @p0 $0x1  }
0x13: {  	[smem:$0x3FB6] =	sst s0;
	s0 =	simm.s32 @!p1 $0x0  }
0x14: {  	s2 =	sld [smem:$0x3F9A];
	s0 =	simm.s32 @p1 $0x1  }
0x15: {  	[smem:$0x3FB7] =	sst s0;
	s0 =	simm.s32 @!p2 $0x0  }
0x16: {  	s3 =	sld [smem:$0x3FDB];
	s0 =	simm.s32 @p2 $0x1  }
0x17: {  	s4 =	simm.s32 $0x1BF5;
	[smem:$0x3FB9] =	sst s0  }
0x18: {  	s0 =	sld [smem:$0x3F9C];
	_ =	swait.ge [sflag:s4], $0x0  }
0x19: {  	s7 =	sld [smem:$0x3F9D]  }
0x1a: {  	s8 =	sadd.s32 $0xFFFFE003, lr  }
0x1b: {  	s9 =	sadd.s32 $0xFFFFFEF7, lr;
	s5 =	simm.s32 $0xFFFFFFFF;
	p2 =	slt.u32 s8, $0xFFFFF086  }
0x1c: {  	p1 =	slt.u32 s9, $0xF7A;
	s5 =	simm.s32 @!p2 $0x0  }
0x1d: {  	s5 =	simm.s32 @p1 $0x1;
	p0 =	seq.s32 s7, s2  }
0x1e: {  	s7 =	smul.u32 @!p0 $0xF7A, s2;
	p2 =	seq.s32 @!p0 s5, $0x0  }
0x1f: {  	s9 =	smul.u32 $0xF7A, s1;
	s8 =	simm.s32 @!p0 $0x1BF5;
	p2 =	por !p2, p0  }
0x20: {  	[sflag:s8] =	ssyncset.s32 @!p0 $0xFFFFF086;
	s6 =	sadd.s32 @!p0 s3, s7;
	s7 =	simm.s32 @!p0 $0x108  }
0x21: {  	s3 =	sadd.s32 s3, s9;
	s6 =	sadd.s32 @!p0 $0x88, s6;
	s7 =	simm.s32 @p2 $0x1082  }
0x22: {  	[simem:s7], [sflag:s8] =	dma.local @!p0 [hbm:s6], $0xF7A  }
0x23: {  	s9 =	sor.u32 $0xD0000000, s2;
	s6 =	simm.s32 $0x108;
	_ =	swait.ge @!p0 [sflag:s8], $0x0  }
0x24: {  	s3 =	sadd.s32 $0x88, s3;
	s6 =	simm.s32 @!p1 $0x1082;
	[sflag:s4] =	ssyncset.s32 $0xFFFFF086  }
0x25: {  	[simem:s6], [sflag:s4] =	dma.local [hbm:s3], $0xF7A  }
0x26: {  	[smem:$0x3F9D] =	sst s1;
	(tag) =	ssettag s2;
	_ =	strace s9  }
0x27: {  	s1 =	sld [smem:$0x3FAD]  }
0x28: {  	s2 =	sld [smem:$0x3FAE]  }
0x29: {  	s4 =	sld [smem:$0x3FB0]  }
0x2a: {  	p0 =	seq.s32 s5, $0x0;
	s5 =	sld [smem:$0x3FB1]  }
0x2b: {  	s6 =	sld [smem:$0x3FB2]  }
0x2c: {  	s7 =	sld [smem:$0x3FB3]  }
0x2d: {  	s3 =	simm.s32 $0x108;
	s8 =	sld [smem:$0x3FB4]  }
0x2e: {  	s3 =	simm.s32 @!p0 $0x1082;
	s9 =	sld [smem:$0x3FB5]  }
0x2f: {  	lr =	sadd.s32 s0, s3;
	s0 =	sld [smem:$0x3FAC]  }
0x30: {  	s3 =	sld [smem:$0x3FAF]  }
0x31: {  	[smem:$0x3FB8] =	sst s10  }
0x32: {  	s10 =	sld [smem:$0x3FB6];
	_ =	sdelay $0x3  }
0x33: {  	p0 =	seq.s32 s10, $0x1;
	s10 =	sld [smem:$0x3FB8];
	_ =	sdelay $0x3  }
0x34: {  	[smem:$0x3FB8] =	sst s10  }
0x35: {  	s10 =	sld [smem:$0x3FB7];
	_ =	sdelay $0x3  }
0x36: {  	p1 =	seq.s32 s10, $0x1;
	s10 =	sld [smem:$0x3FB8];
	_ =	sdelay $0x3  }
0x37: {  	[smem:$0x3FB8] =	sst s10  }
0x38: {  	s10 =	sld [smem:$0x3FB9]  }
0x39: {  	_ = 	snop;
	(pc) =	sbr.ind lr, $3  }
0x3a: {  	_ = 	snop  }
0x3b: {  	_ = 	snop  }
0x3c: {  	p2 =	seq.s32 s10, $0x1;
	s10 =	sld [smem:$0x3FB8]  }
0x3d: {  	_ =	shalt  }
0x3e: {  	_ =	shalt  }
0x3f: {  	_ =	shalt  }
0x40: {  	_ =	shalt  }
0x41: {  	_ =	shalt  }
0x42: {  	_ =	shalt  }
0x43: {  	_ =	shalt  }
0x44: {  	_ =	shalt  }
0x45: {  	_ =	shalt  }
0x46: {  	_ =	shalt  }
0x47: {  	_ =	shalt  }
0x48: {  	_ =	shalt  }
0x49: {  	_ =	shalt  }
0x4a: {  	_ =	shalt  }
0x4b: {  	_ =	shalt  }
0x4c: {  	_ =	shalt  }
0x4d: {  	_ =	shalt  }
0x4e: {  	_ =	shalt  }
0x4f: {  	_ =	shalt  }
0x50: {  	_ =	shalt  }
0x51: {  	_ =	shalt  }
0x52: {  	_ =	shalt  }
0x53: {  	_ =	shalt  }
0x54: {  	_ =	shalt  }
0x55: {  	_ =	shalt  }
0x56: {  	_ =	shalt  }
0x57: {  	_ =	shalt  }
0x58: {  	_ =	shalt  }
0x59: {  	_ =	shalt  }
0x5a: {  	_ =	shalt  }
0x5b: {  	_ =	shalt  }
0x5c: {  	_ =	shalt  }
0x5d: {  	_ =	shalt  }
0x5e: {  	_ =	shalt  }
0x5f: {  	_ =	shalt  }
0x60: {  	_ =	shalt  }
0x61: {  	_ =	shalt  }
0x62: {  	_ =	shalt  }
0x63: {  	_ =	shalt  }
0x64: {  	_ =	shalt  }
0x65: {  	_ =	shalt  }
0x66: {  	_ =	shalt  }
0x67: {  	_ =	shalt  }
0x68: {  	_ =	shalt  }
0x69: {  	_ =	shalt  }
0x6a: {  	_ =	shalt  }
0x6b: {  	_ =	shalt  }
0x6c: {  	_ =	shalt  }
0x6d: {  	_ =	shalt  }
0x6e: {  	_ =	shalt  }
0x6f: {  	_ =	shalt  }
0x70: {  	_ =	shalt  }
0x71: {  	_ =	shalt  }
0x72: {  	_ =	shalt  }
0x73: {  	_ =	shalt  }
0x74: {  	_ =	shalt  }
0x75: {  	_ =	shalt  }
0x76: {  	_ =	shalt  }
0x77: {  	_ =	shalt  }
0x78: {  	_ =	shalt  }
0x79: {  	_ =	shalt  }
0x7a: {  	_ =	shalt  }
0x7b: {  	_ =	shalt  }
0x7c: {  	_ =	shalt  }
0x7d: {  	_ =	shalt  }
0x7e: {  	_ =	shalt  }
0x7f: {  	_ =	shalt  }
0x80: {  	_ =	shalt  }
0x81: {  	_ =	shalt  }
0x82: {  	_ =	shalt  }
0x83: {  	_ =	shalt  }
0x84: {  	_ =	shalt  }
0x85: {  	_ =	shalt  }
0x86: {  	_ =	shalt  }
0x87: {  	_ =	shalt  }
.Lfunc_end0:
.L_simem_size_0:
called_computation_lowered:
.L_overlay_start_0:
0x88: {  	s2 =	sld [smem:$0x3FD9]  }
0x89: {  	s3 =	sld [smem:$0x3FFE];
	_ =	sdelay $0x1  }
0x8a: {  	s1 =	srdreg.scid  }
0x8b: {  	s0 =	sand.u32 $0x1, s1  }
0x8c: {  	s18 =	sshll.u32 s0, $0xA;
	s2 =	sadd.s32 s3, s2  }
0x8d: {  	s2 =	sadd.s32 s2, s18  }
0x8e: {  	[smem:$0x3FC4] =	sst s2  }
0x8f: {  	_ = 	snop  }
0x90: {  	s2 =	sld [smem:$0x3FC9]  }
0x91: {  	s19 =	sld [smem:$0x3FC8]  }
0x92: {  	s4 =	sld [smem:$0x3FC7]  }
0x93: {  	s5 =	sld [smem:$0x3FC6]  }
0x94: {  	s6 =	sld [smem:$0x3FD0];
	(tm) =	ssettm $0x1  }
0x95: {  	s7 =	sld [smem:$0x3FFB];
	_ =	sdelay $0x3  }
0x96: {  	_ =	strace s7  }
0x97: {  	s7 =	sld [smem:$0x3FFC];
	_ =	sdelay $0x3  }
0x98: {  	_ =	strace s7  }
0x99: {  	s7 =	sld [smem:$0x3FFD];
	_ =	sdelay $0x3  }
0x9a: {  	_ =	strace s7  }
0x9b: {  	_ =	strace $0x8FFFFFFF  }
0x9c: {  	s20 =	sld [smem:$0x3FDB];
	_ =	sdelay $0x1  }
0x9d: {  	s8 =	simm.s32 $_scs_section_size  }
0x9e: {  	s9 =	simm.s32 $_size__tile_overlayer_lowered;
	s10 =	simm.s32 $_tile_overlayer_lowered  }
0x9f: {  	s23 =	simm.s32 $0x1BFF;
	s22 =	sshll.u32 s10, $0x1;
	s7 =	sadd.s32 s8, s20  }
0xa0: {  	s11 =	simm.s32 $0x0;
	s21 =	sshll.u32 s9, $0x1;
	s9 =	sadd.s32 s22, s7  }
0xa1: {  	[timem:s11], [sflag:s23] =	dma.local [hbm:s9], s21  }
0xa2: {  	_ =	swait.ge [sflag:s23], s21  }
0xa3: {  	s8 =	ssub.s32 $0x0, s21;
	[sflag:s23] =	ssyncset.done $0x0  }
0xa4: {  	[sflag:s23] =	ssyncadd.s32 s8;
	_ =	sdelay $0x1  }
0xa5: {  	s24 =	simm.s32 $0x1B8B  }
0xa6: {  	_ =	swait.ge [sflag:s24], $0x1  }
0xa7: {  	[sflag:s24] =	ssyncset.done $0x0  }
0xa8: {  	s25 =	simm.s32 $0x1B8E;
	[sflag:s24] =	ssyncadd.s32 $0xFFFFFFFF  }
0xa9: {  	s26 =	simm.s32 $execute0_lowered;
	[smem:$0x3FD2] =	sst s25  }
0xaa: {  	s8 =	sshll.u32 s26, $0x1;
	_ =	strace $0x80000046;
	[dreg:$0x1] =	wrdreg $0xFFFFFFFF  }
0xab: {  	s28 =	simm.s32 $_size_execute0_lowered;
	s7 =	sadd.s32 s7, s8;
	[dreg:$0x0] =	wrdreg $0x0  }
0xac: {  	s8 =	sshll.u32 s28, $0x1;
	[dreg:$0x2] =	wrdreg s7  }
0xad: {  	[dreg:$0x3] =	wrdreg s8  }
0xae: {  	[dreg:$0x4] =	wrdreg $0xC0  }
0xaf: {  	_ =	task [dreg:s11], $0x5FFFF  }
0xb0: {  	[dreg:$0x1] =	wrdreg $0xFFFFFFFF  }
0xb1: {  	[dreg:$0x0] =	wrdreg $0x60  }
0xb2: {  	[dreg:$0x2] =	wrdreg s2  }
0xb3: {  	[dreg:$0x3] =	wrdreg s19  }
0xb4: {  	[dreg:$0x4] =	wrdreg s4  }
0xb5: {  	[dreg:$0x5] =	wrdreg s5  }
0xb6: {  	[dreg:$0x6] =	wrdreg s6  }
0xb7: {  	[dreg:$0x7] =	wrdreg $0x9  }
0xb8: {  	_ =	task.clear_ibuf [dreg:s11], $0x8FFFF;
	_ =	strace $0x90000046  }
0xb9: {  	s29 =	simm.s32 $0x9;
	_ =	strace $0x80000048  }
0xba: {  	_ =	swait.ge [sflag:s29], $0x1  }
0xbb: {  	[sflag:s29] =	ssyncadd.s32 $0xFFFFFFFF  }
0xbc: {  	_ =	strace $0x90000048  }
0xbd: {  	_ =	sfence  }
0xbe: {  	s30 =	sld [smem:$0x0];
	_ =	sdelay $0x2  }
0xbf: {  	s31 =	sshll.u32 s1, $0xD;
	s1 =	sshrl.u32 s1, $0x2  }
0xc0: {  	s3 =	sand.u32 $0x4000, s31;
	s1 =	sadd.s32 s1, s30  }
0xc1: {  	s0 =	sor.u32 s3, s0;
	s1 =	sshll.u32 s1, $0x11  }
0xc2: {  	s0 =	sor.u32 s1, s0  }
0xc3: {  	s0 =	sadd.s32 $0x8F2B, s0  }
0xc4: {  	[sflag:s0] =	ssyncadd.remote.s32 $0x1  }
0xc5: {  	_ =	sfence.sel $0xFFFF  }
0xc6: {  	[dreg:$0x0] =	wrdreg $0xFFFFFFFF;
	(pc) =	sbr.abs _section_cstart, $3  }
0xc7: {  	[dreg:$0x1] =	wrdreg $0xFFFFFFFF  }
0xc8: {  	_ =	task.clear_ibuf [dreg:s11], $0x2FFFF;
	_ =	strace $0x9FFFFFFF  }
0xc9: {  	(tm) =	ssettm $0x7FFFFFFF  }
tec
execute0_lowered:
.L_overlay_start_1:
0x0: {  	(tag) =	ssettag $0x1  }
0x1: {  	s0 =	rddreg [dreg:$0x0]  }
0x2: {  	s2 =	rddreg [dreg:$0x2]  }
0x3: {  	s9 =	rddreg [dreg:$0x3];
	s1 =	srdreg.scid  }
0x4: {  	s3 =	stileid.u32;
	s5 =	rddreg [dreg:$0x4];
	s6 =	simm.s32 $0x0  }
0x5: {  	s21 =	simm.s32 $0x1F00;
	s18 =	simm.s32 $0x9700;
	s19 =	simm.s32 $0x10F00  }
0x6: {  	s28 =	simm.s32 $0x1E700;
	s29 =	simm.s32 $0x1EF00;
	s30 =	simm.s32 $0x1F700  }
0x7: {  	s31 =	simm.s32 $0x2;
	s15 =	simm.s32 $0x4;
	s11 =	simm.s32 $0x0  }
0x8: {  	s1 =	sand.u32 $0x1, s1;
	s3 =	sshll.u32 s3, $0x1;
	[smem:$0x7FF] =	sst s6  }
0x9: {  	s24 =	sadd.s32 $0x100, s9;
	s25 =	sadd.s32 $0x200, s9;
	s12 =	sadd.s32 $0x100, s2  }
0xa: {  	s13 =	sadd.s32 $0x200, s2;
	s9 =	simm.s32 $0x18700;
	s3 =	sor.u32 s1, s3  }
0xb: {  	_ =	strace $0x80000047;
	s22 =	ssub.s32 $0x2, s1;
	[dreg:$0x8] =	wrdreg s24  }
0xc: {  	s1 =	sshll.u32 s1, $0x3;
	[dreg:$0x9] =	wrdreg s25;
	s25 =	simm.s32 $0x1D700  }
0xd: {  	s7 =	smul.u32 $0x640, s3;
	s4 =	sshrl.u32 s22, $0x1;
	s23 =	sor.u32 $0x680, s1  }
0xe: {  	s1 =	simm.s32 $0x6;
	s3 =	ssub.s32 s22, s4;
	[dreg:$0x7] =	wrdreg s23  }
0xf: {  	v2 =	vlaneseq.u32;
	s8 =	sshrl.u32 s7, $0x3;
	s26 =	smax.u32 s3, $0x1;
	s3 =	simm.s32 $0x5  }
0x10: {  	vm0 =	vmmov $0xffff;
	v1 =	vshrl.u32 v2, $0x3;
	s0 =	sadd.s32 s0, s8;
	[dreg:$0xa] =	wrdreg s26;
	s8 =	simm.s32 $0x1  }
0x11: {  	v0 =	vand.u32 $0x7, v2;
	v2 =	vor.u32 $0x8, v2;
	v1 =	vmul.u32 $0x8, v1;
	s26 =	simm.s32 $0x1DF00;
	[dreg:$0x6] =	wrdreg s0;
	s0 =	simm.s32 $0x3  }
.LBB2_1:
0x12: {  	[dreg:$0xb] =	wrdreg s11  }
0x13: {  	s4 =	rddreg [dreg:$0x6]  }
0x14: {  	[tilespmem:s6], [sflag:$0x9] =	stream.linear.gather [hbm4b:s4+s6], $0x640, $0x38;
	[tilespmem:$0x1FF00] =	vst v63  }
0x15: {  	s22 =	rddreg [dreg:$0x1];
	s10 =	simm.s32 $0x680;
	s23 =	simm.s32 $0xB  }
0x16: {  	[tilespmem:s10], [sflag:$0xB] =	stream.linear.gather [hbm4b:s22+s6], $0x80, $0x38;
	[tilespmem:$0x1FF00] =	vst v63  }
0x17: {  	_ =	swait.ge [sflag:s23], $0x80  }
0x18: {  	[sflag:s23] =	ssyncset.done $0x0  }
0x19: {  	s24 =	rddreg [dreg:$0x7];
	[sflag:s23] =	ssyncadd.s32 $0xFFFFFF80  }
0x1a: {  	v3 =	vld.msk [tilespmem:s24+$0x0], $0xff;
	_ =	sdelay $0x4  }
0x1b: {  	v4 =	vshrl.u32 v3, $0x3  }
0x1c: {  	v4 =	vmul.u32 $0x30, v4  }
0x1d: {  	v3 =	vand.u32 $0x7, v3  }
0x1e: {  	v3 =	vor.u32 v3, v4  }
0x1f: {  	v3 =	vperm.xlane v3, v0;
	_ =	sdelay $0x1  }
0x20: {  	v3 =	vadd.s32 v1, v3;
	_ =	sdelay $0x3  }
0x21: {  	s11 =	simm.s32 $0x700;
	s10 =	rddreg [dreg:$0x3]  }
0x22: {  	[tilespmem:s11], [sflag:$0xA] =	stream.indirect_vreg.gather [hbm4b:s10+s6], $0x80, v3, vm0, $0xb8;
	[tilespmem:$0x1FF00] =	vst v63  }
0x23: {  	s16 =	simm.s32 $0xF00;
	s14 =	rddreg [dreg:$0x8]  }
0x24: {  	[tilespmem:s16], [sflag:$0xA] =	stream.indirect_vreg.gather [hbm4b:s14+s6], $0x80, v3, vm0, $0xb8;
	[tilespmem:$0x1FF00] =	vst v63  }
0x25: {  	s20 =	simm.s32 $0x1700;
	s22 =	simm.s32 $0x9;
	s17 =	rddreg [dreg:$0x9]  }
0x26: {  	[tilespmem:s20], [sflag:$0xA] =	stream.indirect_vreg.gather [hbm4b:s17+s6], $0x80, v3, vm0, $0xb8;
	[tilespmem:$0x1FF00] =	vst v63  }
0x27: {  	_ =	swait.ge [sflag:s22], $0x640  }
0x28: {  	[sflag:s22] =	ssyncset.done $0x0  }
0x29: {  	[sflag:s22] =	ssyncadd.s32 $0xFFFFF9C0  }
0x2a: {  	v3 =	vld [tilespmem:$0x0];
	_ =	sdelay $0x4  }
0x2b: {  	v58 =	vshrl.u32 v3, $0x3  }
0x2c: {  	v4 =	vmul.u32 $0x30, v58  }
0x2d: {  	v3 =	vand.u32 $0x7, v3  }
0x2e: {  	v3 =	vor.u32 v3, v4  }
0x2f: {  	v4 =	vperm.xlane v3, v0;
	_ =	sdelay $0x1  }
0x30: {  	v4 =	vadd.s32 v1, v4;
	_ =	sdelay $0x3  }
0x31: {  	v3 =	vperm.xlane v3, v2  }
0x32: {  	[tilespmem:s21], [sflag:$0x1] =	stream.indirect_vreg.gather [hbm4b:s2+s6], $0x80, v4, vm0, $0xb8;
	[tilespmem:$0x1FF00] =	vst v63  }
0x33: {  	s23 =	simm.s32 $0x2700;
	v3 =	vadd.s32 v1, v3  }
0x34: {  	[tilespmem:s23], [sflag:$0x1] =	stream.indirect_vreg.gather [hbm4b:s12+s6], $0x80, v4, vm0, $0xb8;
	[tilespmem:$0x1FF00] =	vst v63  }
0x35: {  	s24 =	simm.s32 $0x2F00  }
0x36: {  	[tilespmem:s24], [sflag:$0x1] =	stream.indirect_vreg.gather [hbm4b:s13+s6], $0x80, v4, vm0, $0xb8;
	[tilespmem:$0x1FF00] =	vst v63  }
0x37: {  	s10 =	simm.s32 $0x3700  }
0x38: {  	[tilespmem:s10], [sflag:$0x1] =	stream.indirect_vreg.gather [hbm4b:s2+s6], $0x80, v3, vm0, $0xb8;
	[tilespmem:$0x1FF00] =	vst v63  }
0x39: {  	s11 =	simm.s32 $0x3F00  }
0x3a: {  	[tilespmem:s11], [sflag:$0x1] =	stream.indirect_vreg.gather [hbm4b:s12+s6], $0x80, v3, vm0, $0xb8;
	[tilespmem:$0x1FF00] =	vst v63  }
0x3b: {  	s14 =	simm.s32 $0x4700  }
0x3c: {  	[tilespmem:s14], [sflag:$0x1] =	stream.indirect_vreg.gather [hbm4b:s13+s6], $0x80, v3, vm0, $0xb8;
	[tilespmem:$0x1FF00] =	vst v63  }
0x3d: {  	v3 =	vld [tilespmem:$0x10];
	_ =	sdelay $0x4  }
0x3e: {  	v59 =	vshrl.u32 v3, $0x3  }
0x3f: {  	v4 =	vmul.u32 $0x30, v59  }
0x40: {  	v3 =	vand.u32 $0x7, v3  }
0x41: {  	v3 =	vor.u32 v3, v4  }
0x42: {  	v4 =	vperm.xlane v3, v0;
	_ =	sdelay $0x1  }
0x43: {  	v4 =	vadd.s32 v1, v4;
	_ =	sdelay $0x3  }
0x44: {  	s16 =	simm.s32 $0x4F00;
	v3 =	vperm.xlane v3, v2  }
0x45: {  	[tilespmem:s16], [sflag:$0x1] =	stream.indirect_vreg.gather [hbm4b:s2+s6], $0x80, v4, vm0, $0xb8;
	[tilespmem:$0x1FF00] =	vst v63  }
0x46: {  	s17 =	simm.s32 $0x5700;
	v3 =	vadd.s32 v1, v3  }
0x47: {  	[tilespmem:s17], [sflag:$0x1] =	stream.indirect_vreg.gather [hbm4b:s12+s6], $0x80, v4, vm0, $0xb8;
	[tilespmem:$0x1FF00] =	vst v63  }
0x48: {  	s20 =	simm.s32 $0x5F00  }
0x49: {  	[tilespmem:s20], [sflag:$0x1] =	stream.indirect_vreg.gather [hbm4b:s13+s6], $0x80, v4, vm0, $0xb8;
	[tilespmem:$0x1FF00] =	vst v63  }
0x4a: {  	s22 =	simm.s32 $0x6700  }
0x4b: {  	[tilespmem:s22], [sflag:$0x1] =	stream.indirect_vreg.gather [hbm4b:s2+s6], $0x80, v3, vm0, $0xb8;
	[tilespmem:$0x1FF00] =	vst v63  }
0x4c: {  	s23 =	simm.s32 $0x6F00  }
0x4d: {  	[tilespmem:s23], [sflag:$0x1] =	stream.indirect_vreg.gather [hbm4b:s12+s6], $0x80, v3, vm0, $0xb8;
	[tilespmem:$0x1FF00] =	vst v63  }
0x4e: {  	s24 =	simm.s32 $0x7700  }
0x4f: {  	[tilespmem:s24], [sflag:$0x1] =	stream.indirect_vreg.gather [hbm4b:s13+s6], $0x80, v3, vm0, $0xb8;
	[tilespmem:$0x1FF00] =	vst v63  }
0x50: {  	v3 =	vld.msk [tilespmem:$0x20], $0xff;
	_ =	sdelay $0x4  }
0x51: {  	v60 =	vshrl.u32 v3, $0x3  }
0x52: {  	v4 =	vmul.u32 $0x30, v60  }
0x53: {  	v3 =	vand.u32 $0x7, v3  }
0x54: {  	v3 =	vor.u32 v3, v4  }
0x55: {  	v3 =	vperm.xlane v3, v0;
	_ =	sdelay $0x1  }
0x56: {  	v3 =	vadd.s32 v1, v3;
	_ =	sdelay $0x3  }
0x57: {  	s10 =	simm.s32 $0x7F00  }
0x58: {  	[tilespmem:s10], [sflag:$0x1] =	stream.indirect_vreg.gather [hbm4b:s2+s6], $0x80, v3, vm0, $0xb8;
	[tilespmem:$0x1FF00] =	vst v63  }
0x59: {  	s11 =	simm.s32 $0x8700  }
0x5a: {  	[tilespmem:s11], [sflag:$0x1] =	stream.indirect_vreg.gather [hbm4b:s12+s6], $0x80, v3, vm0, $0xb8;
	[tilespmem:$0x1FF00] =	vst v63  }
0x5b: {  	s14 =	simm.s32 $0x8F00  }
0x5c: {  	[tilespmem:s14], [sflag:$0x1] =	stream.indirect_vreg.gather [hbm4b:s13+s6], $0x80, v3, vm0, $0xb8;
	[tilespmem:$0x1FF00] =	vst v63  }
0x5d: {  	v3 =	vld [tilespmem:$0x28];
	_ =	sdelay $0x4  }
0x5e: {  	v61 =	vshrl.u32 v3, $0x3  }
0x5f: {  	v4 =	vmul.u32 $0x30, v61  }
0x60: {  	v3 =	vand.u32 $0x7, v3  }
0x61: {  	v3 =	vor.u32 v3, v4  }
0x62: {  	v4 =	vperm.xlane v3, v0;
	_ =	sdelay $0x1  }
0x63: {  	v4 =	vadd.s32 v1, v4;
	_ =	sdelay $0x3  }
0x64: {  	v3 =	vperm.xlane v3, v2  }
0x65: {  	[tilespmem:s18], [sflag:$0x2] =	stream.indirect_vreg.gather [hbm4b:s2+s6], $0x80, v4, vm0, $0xb8;
	[tilespmem:$0x1FF00] =	vst v63  }
0x66: {  	s16 =	simm.s32 $0x9F00;
	v3 =	vadd.s32 v1, v3  }
0x67: {  	[tilespmem:s16], [sflag:$0x2] =	stream.indirect_vreg.gather [hbm4b:s12+s6], $0x80, v4, vm0, $0xb8;
	[tilespmem:$0x1FF00] =	vst v63  }
0x68: {  	s17 =	simm.s32 $0xA700  }
0x69: {  	[tilespmem:s17], [sflag:$0x2] =	stream.indirect_vreg.gather [hbm4b:s13+s6], $0x80, v4, vm0, $0xb8;
	[tilespmem:$0x1FF00] =	vst v63  }
0x6a: {  	s20 =	simm.s32 $0xAF00  }
0x6b: {  	[tilespmem:s20], [sflag:$0x2] =	stream.indirect_vreg.gather [hbm4b:s2+s6], $0x80, v3, vm0, $0xb8;
	[tilespmem:$0x1FF00] =	vst v63  }
0x6c: {  	s22 =	simm.s32 $0xB700  }
0x6d: {  	[tilespmem:s22], [sflag:$0x2] =	stream.indirect_vreg.gather [hbm4b:s12+s6], $0x80, v3, vm0, $0xb8;
	[tilespmem:$0x1FF00] =	vst v63  }
0x6e: {  	s23 =	simm.s32 $0xBF00  }
0x6f: {  	[tilespmem:s23], [sflag:$0x2] =	stream.indirect_vreg.gather [hbm4b:s13+s6], $0x80, v3, vm0, $0xb8;
	[tilespmem:$0x1FF00] =	vst v63  }
0x70: {  	v3 =	vld [tilespmem:$0x38];
	_ =	sdelay $0x4  }
0x71: {  	v62 =	vshrl.u32 v3, $0x3  }
0x72: {  	v4 =	vmul.u32 $0x30, v62  }
0x73: {  	v3 =	vand.u32 $0x7, v3  }
0x74: {  	v3 =	vor.u32 v3, v4  }
0x75: {  	v4 =	vperm.xlane v3, v0;
	_ =	sdelay $0x1  }
0x76: {  	v4 =	vadd.s32 v1, v4;
	_ =	sdelay $0x3  }
0x77: {  	s24 =	simm.s32 $0xC700;
	v3 =	vperm.xlane v3, v2  }
0x78: {  	[tilespmem:s24], [sflag:$0x2] =	stream.indirect_vreg.gather [hbm4b:s2+s6], $0x80, v4, vm0, $0xb8;
	[tilespmem:$0x1FF00] =	vst v63  }
0x79: {  	s10 =	simm.s32 $0xCF00;
	v3 =	vadd.s32 v1, v3  }
0x7a: {  	[tilespmem:s10], [sflag:$0x2] =	stream.indirect_vreg.gather [hbm4b:s12+s6], $0x80, v4, vm0, $0xb8;
	[tilespmem:$0x1FF00] =	vst v63  }
0x7b: {  	s11 =	simm.s32 $0xD700  }
0x7c: {  	[tilespmem:s11], [sflag:$0x2] =	stream.indirect_vreg.gather [hbm4b:s13+s6], $0x80, v4, vm0, $0xb8;
	[tilespmem:$0x1FF00] =	vst v63  }
0x7d: {  	s14 =	simm.s32 $0xDF00  }
0x7e: {  	[tilespmem:s14], [sflag:$0x2] =	stream.indirect_vreg.gather [hbm4b:s2+s6], $0x80, v3, vm0, $0xb8;
	[tilespmem:$0x1FF00] =	vst v63  }
0x7f: {  	s16 =	simm.s32 $0xE700  }
0x80: {  	[tilespmem:s16], [sflag:$0x2] =	stream.indirect_vreg.gather [hbm4b:s12+s6], $0x80, v3, vm0, $0xb8;
	[tilespmem:$0x1FF00] =	vst v63  }
0x81: {  	s17 =	simm.s32 $0xEF00  }
0x82: {  	[tilespmem:s17], [sflag:$0x2] =	stream.indirect_vreg.gather [hbm4b:s13+s6], $0x80, v3, vm0, $0xb8;
	[tilespmem:$0x1FF00] =	vst v63  }
0x83: {  	v3 =	vld.msk [tilespmem:$0x48], $0xff;
	_ =	sdelay $0x4  }
0x84: {  	v63 =	vshrl.u32 v3, $0x3  }
0x85: {  	v4 =	vmul.u32 $0x30, v63  }
0x86: {  	v3 =	vand.u32 $0x7, v3  }
0x87: {  	v3 =	vor.u32 v3, v4  }
0x88: {  	v3 =	vperm.xlane v3, v0;
	_ =	sdelay $0x1  }
0x89: {  	v3 =	vadd.s32 v1, v3;
	_ =	sdelay $0x3  }
0x8a: {  	s20 =	simm.s32 $0xF700  }
0x8b: {  	[tilespmem:s20], [sflag:$0x2] =	stream.indirect_vreg.gather [hbm4b:s2+s6], $0x80, v3, vm0, $0xb8;
	[tilespmem:$0x1FF00] =	vst v63  }
0x8c: {  	s22 =	simm.s32 $0xFF00  }
0x8d: {  	[tilespmem:s22], [sflag:$0x2] =	stream.indirect_vreg.gather [hbm4b:s12+s6], $0x80, v3, vm0, $0xb8;
	[tilespmem:$0x1FF00] =	vst v63  }
0x8e: {  	s23 =	simm.s32 $0x10700;
	s24 =	simm.s32 $0xA  }
0x8f: {  	[tilespmem:s23], [sflag:$0x2] =	stream.indirect_vreg.gather [hbm4b:s13+s6], $0x80, v3, vm0, $0xb8;
	[tilespmem:$0x1FF00] =	vst v63  }
0x90: {  	_ =	swait.ge [sflag:s24], $0x1800  }
0x91: {  	[sflag:s24] =	ssyncset.done $0x0  }
0x92: {  	s4 =	simm.s32 $0x0;
	[sflag:s24] =	ssyncadd.s32 $0xFFFFE800  }
.LBB2_2:
0x93: {  	s14 =	sshll.u32 s4, $0x2;
	p0 =	seq.s32 s4, $0x0  }
0x94: {  	s10 =	simm.s32 @!p0 $0x7;
	s11 =	sor.u32 $0x2, s14  }
0x95: {  	_ =	swait.ge @!p0 [sflag:s10], $0x7800;
	s16 =	smul.u32 $0xA0, s11  }
0x96: {  	[sflag:s10] =	ssyncset.done @!p0 $0x0  }
0x97: {  	[sflag:s10] =	ssyncadd.s32 @!p0 $0xFFFF8800;
	s16 =	sshra.s32 s16, $0x2  }
0x98: {  	v3 =	vld [tilespmem:s16+$0x0];
	_ =	sdelay $0x4  }
0x99: {  	v4 =	vshrl.u32 v3, $0x3  }
0x9a: {  	v4 =	vmul.u32 $0x30, v4  }
0x9b: {  	v3 =	vand.u32 $0x7, v3  }
0x9c: {  	v3 =	vor.u32 v3, v4  }
0x9d: {  	v4 =	vperm.xlane v3, v0;
	_ =	sdelay $0x1  }
0x9e: {  	v4 =	vadd.s32 v1, v4;
	_ =	sdelay $0x3  }
0x9f: {  	s10 =	simm.s32 $0x0;
	v3 =	vperm.xlane v3, v2  }
0xa0: {  	[tilespmem:s19], [sflag:$0x3] =	stream.indirect_vreg.gather [hbm4b:s2+s10], $0x80, v4, vm0, $0xb8;
	[tilespmem:$0x1FF00] =	vst v63  }
0xa1: {  	s17 =	simm.s32 $0x11700;
	v3 =	vadd.s32 v1, v3  }
0xa2: {  	[tilespmem:s17], [sflag:$0x3] =	stream.indirect_vreg.gather [hbm4b:s12+s10], $0x80, v4, vm0, $0xb8;
	[tilespmem:$0x1FF00] =	vst v63  }
0xa3: {  	s22 =	simm.s32 $0x11F00  }
0xa4: {  	[tilespmem:s22], [sflag:$0x3] =	stream.indirect_vreg.gather [hbm4b:s13+s10], $0x80, v4, vm0, $0xb8;
	[tilespmem:$0x1FF00] =	vst v63  }
0xa5: {  	s23 =	simm.s32 $0x12700  }
0xa6: {  	[tilespmem:s23], [sflag:$0x3] =	stream.indirect_vreg.gather [hbm4b:s2+s10], $0x80, v3, vm0, $0xb8;
	[tilespmem:$0x1FF00] =	vst v63  }
0xa7: {  	s24 =	simm.s32 $0x12F00  }
0xa8: {  	[tilespmem:s24], [sflag:$0x3] =	stream.indirect_vreg.gather [hbm4b:s12+s10], $0x80, v3, vm0, $0xb8;
	[tilespmem:$0x1FF00] =	vst v63  }
0xa9: {  	s20 =	simm.s32 $0x13700  }
0xaa: {  	[tilespmem:s20], [sflag:$0x3] =	stream.indirect_vreg.gather [hbm4b:s13+s10], $0x80, v3, vm0, $0xb8;
	[tilespmem:$0x1FF00] =	vst v63  }
0xab: {  	v3 =	vld [tilespmem:s16+$0x10];
	_ =	sdelay $0x4  }
0xac: {  	v4 =	vshrl.u32 v3, $0x3  }
0xad: {  	v4 =	vmul.u32 $0x30, v4  }
0xae: {  	v3 =	vand.u32 $0x7, v3  }
0xaf: {  	v3 =	vor.u32 v3, v4  }
0xb0: {  	v4 =	vperm.xlane v3, v0;
	_ =	sdelay $0x1  }
0xb1: {  	v4 =	vadd.s32 v1, v4;
	_ =	sdelay $0x3  }
0xb2: {  	s22 =	simm.s32 $0x13F00;
	v3 =	vperm.xlane v3, v2  }
0xb3: {  	[tilespmem:s22], [sflag:$0x3] =	stream.indirect_vreg.gather [hbm4b:s2+s10], $0x80, v4, vm0, $0xb8;
	[tilespmem:$0x1FF00] =	vst v63  }
0xb4: {  	s23 =	simm.s32 $0x14700;
	v3 =	vadd.s32 v1, v3  }
0xb5: {  	[tilespmem:s23], [sflag:$0x3] =	stream.indirect_vreg.gather [hbm4b:s12+s10], $0x80, v4, vm0, $0xb8;
	[tilespmem:$0x1FF00] =	vst v63  }
0xb6: {  	s24 =	simm.s32 $0x14F00  }
0xb7: {  	[tilespmem:s24], [sflag:$0x3] =	stream.indirect_vreg.gather [hbm4b:s13+s10], $0x80, v4, vm0, $0xb8;
	[tilespmem:$0x1FF00] =	vst v63  }
0xb8: {  	s20 =	simm.s32 $0x15700  }
0xb9: {  	[tilespmem:s20], [sflag:$0x3] =	stream.indirect_vreg.gather [hbm4b:s2+s10], $0x80, v3, vm0, $0xb8;
	[tilespmem:$0x1FF00] =	vst v63  }
0xba: {  	s22 =	simm.s32 $0x15F00  }
0xbb: {  	[tilespmem:s22], [sflag:$0x3] =	stream.indirect_vreg.gather [hbm4b:s12+s10], $0x80, v3, vm0, $0xb8;
	[tilespmem:$0x1FF00] =	vst v63  }
0xbc: {  	s23 =	simm.s32 $0x16700  }
0xbd: {  	[tilespmem:s23], [sflag:$0x3] =	stream.indirect_vreg.gather [hbm4b:s13+s10], $0x80, v3, vm0, $0xb8;
	[tilespmem:$0x1FF00] =	vst v63  }
0xbe: {  	v3 =	vld.msk [tilespmem:s16+$0x20], $0xff;
	_ =	sdelay $0x4  }
0xbf: {  	v4 =	vshrl.u32 v3, $0x3  }
0xc0: {  	v4 =	vmul.u32 $0x30, v4  }
0xc1: {  	v3 =	vand.u32 $0x7, v3  }
0xc2: {  	v3 =	vor.u32 v3, v4  }
0xc3: {  	v3 =	vperm.xlane v3, v0;
	_ =	sdelay $0x1  }
0xc4: {  	v3 =	vadd.s32 v1, v3;
	_ =	sdelay $0x3  }
0xc5: {  	s24 =	simm.s32 $0x16F00;
	s20 =	smul.u32 $0xCD, s14  }
0xc6: {  	[tilespmem:s24], [sflag:$0x3] =	stream.indirect_vreg.gather [hbm4b:s2+s10], $0x80, v3, vm0, $0xb8;
	[tilespmem:$0x1FF00] =	vst v63  }
0xc7: {  	s17 =	simm.s32 $0x17700;
	s23 =	sshrl.u32 s20, $0xD  }
0xc8: {  	[tilespmem:s17], [sflag:$0x3] =	stream.indirect_vreg.gather [hbm4b:s12+s10], $0x80, v3, vm0, $0xb8;
	[tilespmem:$0x1FF00] =	vst v63  }
0xc9: {  	s17 =	sand.u32 $0x7, s23  }
0xca: {  	s22 =	simm.s32 $0x17F00;
	s17 =	smul.u32 $0x6000, s17  }
0xcb: {  	[tilespmem:s22], [sflag:$0x3] =	stream.indirect_vreg.gather [hbm4b:s13+s10], $0x80, v3, vm0, $0xb8;
	[tilespmem:$0x1FF00] =	vst v63  }
0xcc: {  	s16 =	sshrl.u32 s20, $0x3;
	_ =	swait.ge [sflag:s8], $0x7800  }
0xcd: {  	s16 =	sand.u32 $0x380, s16;
	s17 =	sshrl.u32 s17, $0x2;
	[sflag:s8] =	ssyncset.done $0x0  }
0xce: {  	s16 =	sor.u32 s16, s17;
	[sflag:s8] =	ssyncadd.s32 $0xFFFF8800  }
0xcf: {  	v3 =	vld [tilespmem:s16+$0x700]  }
0xd0: {  	v4 =	vld [tilespmem:s16+$0x710]  }
0xd1: {  	v5 =	vld [tilespmem:s16+$0x720]  }
0xd2: {  	v6 =	vld [tilespmem:s16+$0x730]  }
0xd3: {  	v7 =	vld [tilespmem:s16+$0x740]  }
0xd4: {  	v8 =	vld [tilespmem:s16+$0x750]  }
0xd5: {  	v9 =	vld [tilespmem:s16+$0x760]  }
0xd6: {  	v10 =	vld [tilespmem:s16+$0x770]  }
0xd7: {  	v11 =	vld [tilespmem:s16+$0xB00]  }
0xd8: {  	v12 =	vld [tilespmem:s16+$0xB10]  }
0xd9: {  	v13 =	vld [tilespmem:s16+$0xB20]  }
0xda: {  	v14 =	vld [tilespmem:s16+$0xB30]  }
0xdb: {  	v15 =	vld [tilespmem:s16+$0xB40]  }
0xdc: {  	v16 =	vld [tilespmem:s16+$0xB50]  }
0xdd: {  	v17 =	vld [tilespmem:s16+$0xB60]  }
0xde: {  	v18 =	vld [tilespmem:s16+$0xB70]  }
0xdf: {  	v19 =	vld [tilespmem:s16+$0xF00]  }
0xe0: {  	v20 =	vld [tilespmem:s16+$0xF10]  }
0xe1: {  	v21 =	vld [tilespmem:s16+$0xF20]  }
0xe2: {  	v22 =	vld [tilespmem:s16+$0xF30]  }
0xe3: {  	v23 =	vld [tilespmem:s16+$0xF40]  }
0xe4: {  	v24 =	vld [tilespmem:s16+$0xF50]  }
0xe5: {  	v25 =	vld [tilespmem:s16+$0xF60]  }
0xe6: {  	v28 =	vld [tilespmem:s16+$0xF70]  }
0xe7: {  	v29 =	vld [tilespmem:s16+$0x1300]  }
0xe8: {  	v32 =	vld [tilespmem:s16+$0x1310]  }
0xe9: {  	v34 =	vld [tilespmem:s16+$0x1320]  }
0xea: {  	v35 =	vld [tilespmem:s16+$0x1330]  }
0xeb: {  	v37 =	vld [tilespmem:s16+$0x1340]  }
0xec: {  	v38 =	vld [tilespmem:s16+$0x1350]  }
0xed: {  	v40 =	vld [tilespmem:s16+$0x1360]  }
0xee: {  	v42 =	vld [tilespmem:s16+$0x1370]  }
0xef: {  	v43 =	vld [tilespmem:s16+$0x1700]  }
0xf0: {  	v45 =	vld [tilespmem:s16+$0x1710]  }
0xf1: {  	v46 =	vld [tilespmem:s16+$0x1720]  }
0xf2: {  	v48 =	vld [tilespmem:s16+$0x1730]  }
0xf3: {  	v49 =	vld [tilespmem:s16+$0x1740]  }
0xf4: {  	v50 =	vld [tilespmem:s16+$0x1750]  }
0xf5: {  	v47 =	vld [tilespmem:s16+$0x1760]  }
0xf6: {  	v44 =	vld [tilespmem:s16+$0x1770]  }
0xf7: {  	v41 =	vld [tilespmem:s16+$0x1B00]  }
0xf8: {  	v39 =	vld [tilespmem:s16+$0x1B10]  }
0xf9: {  	v36 =	vld [tilespmem:s16+$0x1B20]  }
0xfa: {  	s24 =	simm.s32 $0x0;
	v33 =	vld [tilespmem:s16+$0x1B30]  }
0xfb: {  	s17 =	smul.u32 $0x6000, s24;
	v30 =	vld [tilespmem:s16+$0x1B40]  }
0xfc: {  	v31 =	vld [tilespmem:s16+$0x1B50]  }
0xfd: {  	s20 =	sand.u32 $0x380, s10;
	v26 =	vld [tilespmem:s16+$0x1B60];
	s17 =	sshra.s32 s17, $0x2  }
0xfe: {  	v27 =	vld [tilespmem:s16+$0x1B70];
	s16 =	sor.u32 s20, s17  }
0xff: {  	v51 =	vld [tilespmem:s16+$0x1F00]  }
0x100: {  	v52 =	vld [tilespmem:s16+$0x1F10]  }
0x101: {  	v53 =	vld [tilespmem:s16+$0x1F20]  }
0x102: {  	v54 =	vld [tilespmem:s16+$0x1F30]  }
0x103: {  	v55 =	vld [tilespmem:s16+$0x1F40]  }
0x104: {  	v56 =	vld [tilespmem:s16+$0x1F50]  }
0x105: {  	v57 =	vld [tilespmem:s16+$0x1F60];
	v51 =	vadd.f32 v51, v3  }
0x106: {  	v52 =	vadd.f32 v52, v4;
	v61 =	vadd.f32 v53, v5;
	v53 =	vld [tilespmem:s16+$0x1F70]  }
0x107: {  	v62 =	vadd.f32 v54, v6;
	v54 =	vld [tilespmem:s16+$0x2300];
	[tilespmem:s16+$0x1F00] =	vst v51  }
0x108: {  	v63 =	vadd.f32 v55, v7;
	v55 =	vld [tilespmem:s16+$0x2310];
	[tilespmem:s16+$0x1F10] =	vst v52  }
0x109: {  	v60 =	vadd.f32 v56, v8;
	v56 =	vld [tilespmem:s16+$0x2320];
	[tilespmem:s16+$0x1F20] =	vst v61  }
0x10a: {  	[tilespmem:s16+$0x1F40] =	vst v63;
	v63 =	vld [tilespmem:s16+$0x2330]  }
0x10b: {  	[tilespmem:s16+$0x1F30] =	vst v62;
	v61 =	vadd.f32 v57, v9;
	v52 =	vld [tilespmem:s16+$0x2700]  }
0x10c: {  	[tilespmem:s16+$0x1F50] =	vst v60;
	v60 =	vld [tilespmem:s16+$0x2340];
	v62 =	vadd.f32 v53, v10  }
0x10d: {  	v51 =	vld [tilespmem:s16+$0x2350];
	[tilespmem:s16+$0x1F60] =	vst v61;
	v58 =	vadd.f32 v54, v11  }
0x10e: {  	v59 =	vadd.f32 v55, v12;
	v55 =	vld [tilespmem:s16+$0x2710];
	[tilespmem:s16+$0x1F70] =	vst v62  }
0x10f: {  	v61 =	vadd.f32 v56, v13;
	[tilespmem:s16+$0x2300] =	vst v58;
	v62 =	vld [tilespmem:s16+$0x2360]  }
0x110: {  	[tilespmem:s16+$0x2310] =	vst v59;
	v53 =	vadd.f32 v63, v14;
	v63 =	vld [tilespmem:s16+$0x2370];
	v52 =	vadd.f32 v52, v19  }
0x111: {  	[tilespmem:s16+$0x2320] =	vst v61;
	v54 =	vadd.f32 v60, v15;
	v60 =	vld [tilespmem:s16+$0x2720]  }
0x112: {  	[tilespmem:s16+$0x2700] =	vst v52;
	v52 =	vld [tilespmem:s16+$0x2B10]  }
0x113: {  	v51 =	vadd.f32 v51, v16;
	v61 =	vld [tilespmem:s16+$0x2730];
	[tilespmem:s16+$0x2330] =	vst v53  }
0x114: {  	[tilespmem:s16+$0x2340] =	vst v54;
	v53 =	vld [tilespmem:s16+$0x2B00];
	v55 =	vadd.f32 v55, v20  }
0x115: {  	[tilespmem:s16+$0x2350] =	vst v51;
	v56 =	vadd.f32 v62, v17;
	v62 =	vld [tilespmem:s16+$0x2740]  }
0x116: {  	v57 =	vadd.f32 v63, v18;
	v63 =	vld [tilespmem:s16+$0x2750];
	[tilespmem:s16+$0x2710] =	vst v55  }
0x117: {  	v59 =	vadd.f32 v60, v21;
	v60 =	vld [tilespmem:s16+$0x2760];
	[tilespmem:s16+$0x2360] =	vst v56;
	v52 =	vadd.f32 v52, v32  }
0x118: {  	v54 =	vadd.f32 v61, v22;
	v61 =	vld [tilespmem:s16+$0x2770];
	[tilespmem:s16+$0x2370] =	vst v57  }
0x119: {  	v53 =	vadd.f32 v53, v29;
	[tilespmem:s16+$0x2B10] =	vst v52;
	v52 =	vld [tilespmem:s16+$0x2F00]  }
0x11a: {  	[tilespmem:s16+$0x2720] =	vst v59;
	v51 =	vadd.f32 v62, v23;
	v62 =	vld [tilespmem:s16+$0x2B20]  }
0x11b: {  	[tilespmem:s16+$0x2B00] =	vst v53;
	v53 =	vld [tilespmem:s16+$0x2F10]  }
0x11c: {  	[tilespmem:s16+$0x2730] =	vst v54;
	v56 =	vadd.f32 v63, v24;
	v63 =	vld [tilespmem:s16+$0x2B30]  }
0x11d: {  	v55 =	vadd.f32 v60, v25;
	v60 =	vld [tilespmem:s16+$0x2B40];
	[tilespmem:s16+$0x2740] =	vst v51  }
0x11e: {  	v57 =	vadd.f32 v61, v28;
	[tilespmem:s16+$0x2750] =	vst v56  }
0x11f: {  	[tilespmem:s16+$0x2760] =	vst v55;
	v52 =	vadd.f32 v52, v43;
	v61 =	vadd.f32 v62, v34;
	v62 =	vld [tilespmem:s16+$0x2B60]  }
0x120: {  	v55 =	vld [tilespmem:s16+$0x2B50];
	[tilespmem:s16+$0x2770] =	vst v57;
	v53 =	vadd.f32 v53, v45  }
0x121: {  	v51 =	vadd.f32 v63, v35;
	v63 =	vld [tilespmem:s16+$0x2B70];
	[tilespmem:s16+$0x2F00] =	vst v52  }
0x122: {  	v56 =	vadd.f32 v60, v37;
	v60 =	vld [tilespmem:s16+$0x2F20];
	[tilespmem:s16+$0x2F10] =	vst v53  }
0x123: {  	[tilespmem:s16+$0x2B20] =	vst v61;
	v61 =	vld [tilespmem:s16+$0x2F30]  }
0x124: {  	v58 =	vld [tilespmem:s16+$0x2F40];
	[tilespmem:s16+$0x2B30] =	vst v51;
	v54 =	vadd.f32 v62, v40  }
0x125: {  	v59 =	vld [tilespmem:s16+$0x2F50];
	v55 =	vadd.f32 v55, v38;
	[tilespmem:s16+$0x2B40] =	vst v56  }
0x126: {  	v62 =	vadd.f32 v63, v42;
	[tilespmem:s16+$0x2B60] =	vst v54;
	v54 =	vld [tilespmem:s16+$0x2F60]  }
0x127: {  	[tilespmem:s16+$0x2B50] =	vst v55;
	v55 =	vld [tilespmem:s16+$0x2F70];
	v51 =	vadd.f32 v60, v46  }
0x128: {  	v52 =	vld [tilespmem:s16+$0x3300];
	[tilespmem:s16+$0x2B70] =	vst v62;
	v63 =	vadd.f32 v61, v48  }
0x129: {  	v57 =	vadd.f32 v58, v49;
	[tilespmem:s16+$0x2F20] =	vst v51;
	v51 =	vld [tilespmem:s16+$0x3310]  }
0x12a: {  	s17 =	simm.s32 $0x1;
	v53 =	vld [tilespmem:s16+$0x3320];
	v56 =	vadd.f32 v59, v50;
	[tilespmem:s16+$0x2F30] =	vst v63  }
.LBB2_3:
0x12b: {  	s20 =	sshrl.u32 s17, $0x3;
	p1 =	sne.s32 s17, $0x27;
	[tilespmem:s16+$0x2F40] =	vst v57;
	v54 =	vadd.f32 v54, v47;
	v57 =	vld [tilespmem:s16+$0x3330]  }
0x12c: {  	s20 =	smul.u32 $0x6000, s20;
	[tilespmem:s16+$0x2F50] =	vst v56;
	v55 =	vadd.f32 v55, v44;
	v56 =	vld [tilespmem:s16+$0x3340]  }
0x12d: {  	s10 =	sadd.s32 $0x80, s10;
	[tilespmem:s16+$0x2F60] =	vst v54;
	v52 =	vadd.f32 v52, v41;
	v54 =	vld [tilespmem:s16+$0x3350]  }
0x12e: {  	s22 =	sand.u32 $0x380, s10;
	s20 =	sshra.s32 s20, $0x2;
	[tilespmem:s16+$0x2F70] =	vst v55;
	v51 =	vadd.f32 v51, v39;
	v55 =	vld [tilespmem:s16+$0x3360]  }
0x12f: {  	s20 =	sor.u32 s22, s20;
	[tilespmem:s16+$0x3300] =	vst v52;
	v52 =	vadd.f32 v53, v36;
	v53 =	vld [tilespmem:s16+$0x3370]  }
0x130: {  	v58 =	vld [tilespmem:s20+$0x1F00];
	[tilespmem:s16+$0x3310] =	vst v51;
	v51 =	vadd.f32 v57, v33  }
0x131: {  	v57 =	vld [tilespmem:s20+$0x1F10];
	[tilespmem:s16+$0x3320] =	vst v52;
	v52 =	vadd.f32 v56, v30  }
0x132: {  	v56 =	vld [tilespmem:s20+$0x1F20];
	[tilespmem:s16+$0x3330] =	vst v51;
	v51 =	vadd.f32 v54, v31  }
0x133: {  	v54 =	vld [tilespmem:s20+$0x1F30];
	[tilespmem:s16+$0x3340] =	vst v52;
	v52 =	vadd.f32 v55, v26  }
0x134: {  	v55 =	vld [tilespmem:s20+$0x1F40];
	[tilespmem:s16+$0x3350] =	vst v51;
	v51 =	vadd.f32 v53, v27  }
0x135: {  	v53 =	vadd.f32 v58, v3;
	v58 =	vld [tilespmem:s20+$0x1F50];
	[tilespmem:s16+$0x3360] =	vst v52  }
0x136: {  	v52 =	vadd.f32 v57, v4;
	v57 =	vld [tilespmem:s20+$0x1F60];
	[tilespmem:s16+$0x3370] =	vst v51;
	s16 =	smov.u32 s20  }
0x137: {  	[tilespmem:s16+$0x1F00] =	vst v53;
	v51 =	vadd.f32 v56, v5;
	v53 =	vld [tilespmem:s16+$0x1F70]  }
0x138: {  	[tilespmem:s16+$0x1F10] =	vst v52;
	v52 =	vadd.f32 v54, v6;
	v54 =	vld [tilespmem:s16+$0x2300]  }
0x139: {  	[tilespmem:s16+$0x1F20] =	vst v51;
	v51 =	vadd.f32 v55, v7;
	v55 =	vld [tilespmem:s16+$0x2310]  }
0x13a: {  	[tilespmem:s16+$0x1F30] =	vst v52;
	v52 =	vadd.f32 v58, v8;
	v56 =	vld [tilespmem:s16+$0x2320]  }
0x13b: {  	[tilespmem:s16+$0x1F40] =	vst v51;
	v51 =	vadd.f32 v57, v9;
	v57 =	vld [tilespmem:s16+$0x2330]  }
0x13c: {  	[tilespmem:s16+$0x1F50] =	vst v52;
	v52 =	vadd.f32 v53, v10;
	v53 =	vld [tilespmem:s16+$0x2340]  }
0x13d: {  	[tilespmem:s16+$0x1F60] =	vst v51;
	v51 =	vadd.f32 v54, v11;
	v54 =	vld [tilespmem:s16+$0x2350]  }
0x13e: {  	[tilespmem:s16+$0x1F70] =	vst v52;
	v52 =	vadd.f32 v55, v12;
	v55 =	vld [tilespmem:s16+$0x2360]  }
0x13f: {  	[tilespmem:s16+$0x2300] =	vst v51;
	v51 =	vadd.f32 v56, v13;
	v56 =	vld [tilespmem:s16+$0x2370]  }
0x140: {  	[tilespmem:s16+$0x2310] =	vst v52;
	v52 =	vadd.f32 v57, v14;
	v57 =	vld [tilespmem:s16+$0x2700]  }
0x141: {  	[tilespmem:s16+$0x2320] =	vst v51;
	v51 =	vadd.f32 v53, v15;
	v53 =	vld [tilespmem:s16+$0x2710]  }
0x142: {  	[tilespmem:s16+$0x2330] =	vst v52;
	v52 =	vadd.f32 v54, v16;
	v54 =	vld [tilespmem:s16+$0x2720]  }
0x143: {  	[tilespmem:s16+$0x2340] =	vst v51;
	v51 =	vadd.f32 v55, v17;
	v55 =	vld [tilespmem:s16+$0x2730]  }
0x144: {  	[tilespmem:s16+$0x2350] =	vst v52;
	v52 =	vadd.f32 v56, v18;
	v56 =	vld [tilespmem:s16+$0x2740]  }
0x145: {  	[tilespmem:s16+$0x2360] =	vst v51;
	v51 =	vadd.f32 v57, v19;
	v57 =	vld [tilespmem:s16+$0x2750]  }
0x146: {  	[tilespmem:s16+$0x2370] =	vst v52;
	v52 =	vadd.f32 v53, v20;
	v53 =	vld [tilespmem:s16+$0x2760]  }
0x147: {  	[tilespmem:s16+$0x2700] =	vst v51;
	v51 =	vadd.f32 v54, v21;
	v54 =	vld [tilespmem:s16+$0x2770]  }
0x148: {  	[tilespmem:s16+$0x2710] =	vst v52;
	v52 =	vadd.f32 v55, v22;
	v55 =	vld [tilespmem:s16+$0x2B00]  }
0x149: {  	[tilespmem:s16+$0x2720] =	vst v51;
	v51 =	vadd.f32 v56, v23;
	v56 =	vld [tilespmem:s16+$0x2B10]  }
0x14a: {  	[tilespmem:s16+$0x2730] =	vst v52;
	v52 =	vadd.f32 v57, v24;
	v57 =	vld [tilespmem:s16+$0x2B20]  }
0x14b: {  	[tilespmem:s16+$0x2740] =	vst v51;
	v51 =	vadd.f32 v53, v25;
	v53 =	vld [tilespmem:s16+$0x2B30]  }
0x14c: {  	[tilespmem:s16+$0x2750] =	vst v52;
	v52 =	vadd.f32 v54, v28;
	v54 =	vld [tilespmem:s16+$0x2B40]  }
0x14d: {  	[tilespmem:s16+$0x2760] =	vst v51;
	v51 =	vadd.f32 v55, v29;
	v55 =	vld [tilespmem:s16+$0x2B50]  }
0x14e: {  	[tilespmem:s16+$0x2770] =	vst v52;
	v52 =	vadd.f32 v56, v32;
	v56 =	vld [tilespmem:s16+$0x2B60]  }
0x14f: {  	[tilespmem:s16+$0x2B00] =	vst v51;
	v51 =	vadd.f32 v57, v34;
	v57 =	vld [tilespmem:s16+$0x2B70]  }
0x150: {  	[tilespmem:s16+$0x2B10] =	vst v52;
	v52 =	vadd.f32 v53, v35;
	v53 =	vld [tilespmem:s16+$0x2F00]  }
0x151: {  	[tilespmem:s16+$0x2B20] =	vst v51;
	v51 =	vadd.f32 v54, v37;
	v54 =	vld [tilespmem:s16+$0x2F10]  }
0x152: {  	[tilespmem:s16+$0x2B30] =	vst v52;
	v52 =	vadd.f32 v55, v38;
	v55 =	vld [tilespmem:s16+$0x2F20]  }
0x153: {  	[tilespmem:s16+$0x2B40] =	vst v51;
	v51 =	vadd.f32 v56, v40;
	v56 =	vld [tilespmem:s16+$0x2F30]  }
0x154: {  	[tilespmem:s16+$0x2B50] =	vst v52;
	v52 =	vadd.f32 v57, v42;
	v57 =	vld [tilespmem:s16+$0x2F40]  }
0x155: {  	[tilespmem:s16+$0x2B60] =	vst v51;
	v51 =	vadd.f32 v53, v43;
	v53 =	vld [tilespmem:s16+$0x2F50]  }
.Ltmp0:
0x156: {  	[tilespmem:s16+$0x2B70] =	vst v52;
	v52 =	vadd.f32 v54, v45;
	v54 =	vld [tilespmem:s16+$0x2F60];
	(pc) =	sbr.rel @p1 .LBB2_3-.Ltmp0, $4  }
0x157: {  	[tilespmem:s16+$0x2F00] =	vst v51;
	v51 =	vadd.f32 v55, v46;
	v55 =	vld [tilespmem:s16+$0x2F70]  }
0x158: {  	[tilespmem:s16+$0x2F10] =	vst v52;
	v56 =	vadd.f32 v56, v48;
	v52 =	vld [tilespmem:s16+$0x3300]  }
0x159: {  	[tilespmem:s16+$0x2F20] =	vst v51;
	v57 =	vadd.f32 v57, v49;
	v51 =	vld [tilespmem:s16+$0x3310]  }
0x15a: {  	s17 =	sadd.s32 $0x1, s17;
	[tilespmem:s16+$0x2F30] =	vst v56;
	v56 =	vadd.f32 v53, v50;
	v53 =	vld [tilespmem:s16+$0x3320]  }
0x15b: {  	[tilespmem:s16+$0x2F40] =	vst v57;
	v3 =	vld [tilespmem:s16+$0x3330];
	v4 =	vadd.f32 v54, v47  }
0x15c: {  	v5 =	vld [tilespmem:s16+$0x3340];
	[tilespmem:s16+$0x2F50] =	vst v56;
	v6 =	vadd.f32 v55, v44  }
0x15d: {  	[tilespmem:s16+$0x2F60] =	vst v4;
	v4 =	vld [tilespmem:s16+$0x3350];
	v7 =	vadd.f32 v52, v41  }
0x15e: {  	v8 =	vld [tilespmem:s16+$0x3360];
	[tilespmem:s16+$0x2F70] =	vst v6;
	v6 =	vadd.f32 v51, v39  }
0x15f: {  	v9 =	vld [tilespmem:s16+$0x3370];
	[tilespmem:s16+$0x3300] =	vst v7;
	v7 =	vadd.f32 v53, v36  }
0x160: {  	s10 =	smul.u32 $0xA0, s4;
	[tilespmem:s16+$0x3310] =	vst v6;
	v3 =	vadd.f32 v3, v33  }
0x161: {  	v5 =	vadd.f32 v5, v30;
	[tilespmem:s16+$0x3320] =	vst v7  }
0x162: {  	s10 =	sadd.s32 s7, s10;
	[tilespmem:s16+$0x3330] =	vst v3;
	v3 =	vadd.f32 v4, v31  }
0x163: {  	s10 =	sshrl.u32 s10, $0x3;
	[tilespmem:s16+$0x3340] =	vst v5;
	v4 =	vadd.f32 v8, v26  }
0x164: {  	s10 =	smul.u32 $0x300, s10;
	[tilespmem:s16+$0x3350] =	vst v3;
	v3 =	vadd.f32 v9, v27  }
0x165: {  	[tilespmem:s16+$0x3360] =	vst v4  }
0x166: {  	s10 =	sadd.s32 s5, s10;
	[tilespmem:s16+$0x3370] =	vst v3  }
0x167: {  	[hbm4b:s10+s6] =	stream.linear.scatter [tilespmem:s21], [sflag:$0x5], $0x7800, $0x38;
	[tilespmem:$0x1FF00] =	vst v63  }
0x168: {  	s16 =	simm.s32 @!p0 $0x8;
	s10 =	sor.u32 $0x3, s14  }
0x169: {  	_ =	swait.ge @!p0 [sflag:s16], $0x7800;
	s17 =	smul.u32 $0xA0, s10  }
0x16a: {  	[sflag:s16] =	ssyncset.done @!p0 $0x0  }
0x16b: {  	[sflag:s16] =	ssyncadd.s32 @!p0 $0xFFFF8800;
	s17 =	sshra.s32 s17, $0x2  }
0x16c: {  	v3 =	vld [tilespmem:s17+$0x0];
	_ =	sdelay $0x4  }
0x16d: {  	v4 =	vshrl.u32 v3, $0x3  }
0x16e: {  	v4 =	vmul.u32 $0x30, v4  }
0x16f: {  	v3 =	vand.u32 $0x7, v3  }
0x170: {  	v3 =	vor.u32 v3, v4  }
0x171: {  	v4 =	vperm.xlane v3, v0;
	_ =	sdelay $0x1  }
0x172: {  	v4 =	vadd.s32 v1, v4;
	_ =	sdelay $0x3  }
0x173: {  	s16 =	simm.s32 $0x0;
	v3 =	vperm.xlane v3, v2  }
0x174: {  	[tilespmem:s9], [sflag:$0x4] =	stream.indirect_vreg.gather [hbm4b:s2+s16], $0x80, v4, vm0, $0xb8;
	[tilespmem:$0x1FF00] =	vst v63  }
0x175: {  	s20 =	simm.s32 $0x18F00;
	v3 =	vadd.s32 v1, v3  }
0x176: {  	[tilespmem:s20], [sflag:$0x4] =	stream.indirect_vreg.gather [hbm4b:s12+s16], $0x80, v4, vm0, $0xb8;
	[tilespmem:$0x1FF00] =	vst v63  }
0x177: {  	s23 =	simm.s32 $0x19700  }
0x178: {  	[tilespmem:s23], [sflag:$0x4] =	stream.indirect_vreg.gather [hbm4b:s13+s16], $0x80, v4, vm0, $0xb8;
	[tilespmem:$0x1FF00] =	vst v63  }
0x179: {  	s24 =	simm.s32 $0x19F00  }
0x17a: {  	[tilespmem:s24], [sflag:$0x4] =	stream.indirect_vreg.gather [hbm4b:s2+s16], $0x80, v3, vm0, $0xb8;
	[tilespmem:$0x1FF00] =	vst v63  }
0x17b: {  	s22 =	simm.s32 $0x1A700  }
0x17c: {  	[tilespmem:s22], [sflag:$0x4] =	stream.indirect_vreg.gather [hbm4b:s12+s16], $0x80, v3, vm0, $0xb8;
	[tilespmem:$0x1FF00] =	vst v63  }
0x17d: {  	s23 =	simm.s32 $0x1AF00  }
0x17e: {  	[tilespmem:s23], [sflag:$0x4] =	stream.indirect_vreg.gather [hbm4b:s13+s16], $0x80, v3, vm0, $0xb8;
	[tilespmem:$0x1FF00] =	vst v63  }
0x17f: {  	v3 =	vld [tilespmem:s17+$0x10];
	_ =	sdelay $0x4  }
0x180: {  	v4 =	vshrl.u32 v3, $0x3  }
0x181: {  	v4 =	vmul.u32 $0x30, v4  }
0x182: {  	v3 =	vand.u32 $0x7, v3  }
0x183: {  	v3 =	vor.u32 v3, v4  }
0x184: {  	v4 =	vperm.xlane v3, v0;
	_ =	sdelay $0x1  }
0x185: {  	v4 =	vadd.s32 v1, v4;
	_ =	sdelay $0x3  }
0x186: {  	s24 =	simm.s32 $0x1B700;
	v3 =	vperm.xlane v3, v2  }
0x187: {  	[tilespmem:s24], [sflag:$0x4] =	stream.indirect_vreg.gather [hbm4b:s2+s16], $0x80, v4, vm0, $0xb8;
	[tilespmem:$0x1FF00] =	vst v63  }
0x188: {  	s22 =	simm.s32 $0x1BF00;
	v3 =	vadd.s32 v1, v3  }
0x189: {  	[tilespmem:s22], [sflag:$0x4] =	stream.indirect_vreg.gather [hbm4b:s12+s16], $0x80, v4, vm0, $0xb8;
	[tilespmem:$0x1FF00] =	vst v63  }
0x18a: {  	s23 =	simm.s32 $0x1C700  }
0x18b: {  	[tilespmem:s23], [sflag:$0x4] =	stream.indirect_vreg.gather [hbm4b:s13+s16], $0x80, v4, vm0, $0xb8;
	[tilespmem:$0x1FF00] =	vst v63  }
0x18c: {  	s24 =	simm.s32 $0x1CF00  }
0x18d: {  	[tilespmem:s24], [sflag:$0x4] =	stream.indirect_vreg.gather [hbm4b:s2+s16], $0x80, v3, vm0, $0xb8;
	[tilespmem:$0x1FF00] =	vst v63  }
0x18e: {  	_ = 	snop  }
0x18f: {  	[tilespmem:s25], [sflag:$0x4] =	stream.indirect_vreg.gather [hbm4b:s12+s16], $0x80, v3, vm0, $0xb8;
	[tilespmem:$0x1FF00] =	vst v63  }
0x190: {  	_ = 	snop  }
0x191: {  	[tilespmem:s26], [sflag:$0x4] =	stream.indirect_vreg.gather [hbm4b:s13+s16], $0x80, v3, vm0, $0xb8;
	[tilespmem:$0x1FF00] =	vst v63  }
0x192: {  	v3 =	vld.msk [tilespmem:s17+$0x20], $0xff;
	_ =	sdelay $0x4  }
0x193: {  	v4 =	vshrl.u32 v3, $0x3  }
0x194: {  	v4 =	vmul.u32 $0x30, v4  }
0x195: {  	v3 =	vand.u32 $0x7, v3  }
0x196: {  	v3 =	vor.u32 v3, v4  }
0x197: {  	v3 =	vperm.xlane v3, v0;
	_ =	sdelay $0x1  }
0x198: {  	v3 =	vadd.s32 v1, v3;
	_ =	sdelay $0x2  }
0x199: {  	s14 =	sor.u32 $0x1, s14  }
0x19a: {  	s22 =	smulhi.u32 $0x66666667, s14  }
0x19b: {  	[tilespmem:s28], [sflag:$0x4] =	stream.indirect_vreg.gather [hbm4b:s2+s16], $0x80, v3, vm0, $0xb8;
	[tilespmem:$0x1FF00] =	vst v63  }
0x19c: {  	s23 =	sshrl.u32 s22, $0x4  }
0x19d: {  	[tilespmem:s29], [sflag:$0x4] =	stream.indirect_vreg.gather [hbm4b:s12+s16], $0x80, v3, vm0, $0xb8;
	[tilespmem:$0x1FF00] =	vst v63  }
0x19e: {  	s20 =	smul.u32 $0x6000, s23  }
0x19f: {  	[tilespmem:s30], [sflag:$0x4] =	stream.indirect_vreg.gather [hbm4b:s13+s16], $0x80, v3, vm0, $0xb8;
	[tilespmem:$0x1FF00] =	vst v63  }
0x1a0: {  	s17 =	sshll.u32 s22, $0x6;
	_ =	swait.ge [sflag:s31], $0x7800  }
0x1a1: {  	s20 =	sshra.s32 s20, $0x2;
	s17 =	sand.u32 $0x380, s17;
	[sflag:s31] =	ssyncset.done $0x0  }
0x1a2: {  	s17 =	sor.u32 s17, s20;
	[sflag:s31] =	ssyncadd.s32 $0xFFFF8800  }
0x1a3: {  	v3 =	vld [tilespmem:s17+$0x700]  }
0x1a4: {  	v4 =	vld [tilespmem:s17+$0x710]  }
0x1a5: {  	v5 =	vld [tilespmem:s17+$0x720]  }
0x1a6: {  	v6 =	vld [tilespmem:s17+$0x730]  }
0x1a7: {  	v7 =	vld [tilespmem:s17+$0x740]  }
0x1a8: {  	v8 =	vld [tilespmem:s17+$0x750]  }
0x1a9: {  	v9 =	vld [tilespmem:s17+$0x760]  }
0x1aa: {  	v10 =	vld [tilespmem:s17+$0x770]  }
0x1ab: {  	v11 =	vld [tilespmem:s17+$0xB00]  }
0x1ac: {  	v12 =	vld [tilespmem:s17+$0xB10]  }
0x1ad: {  	v13 =	vld [tilespmem:s17+$0xB20]  }
0x1ae: {  	v14 =	vld [tilespmem:s17+$0xB30]  }
0x1af: {  	v15 =	vld [tilespmem:s17+$0xB40]  }
0x1b0: {  	v16 =	vld [tilespmem:s17+$0xB50]  }
0x1b1: {  	v17 =	vld [tilespmem:s17+$0xB60]  }
0x1b2: {  	v18 =	vld [tilespmem:s17+$0xB70]  }
0x1b3: {  	v19 =	vld [tilespmem:s17+$0xF00]  }
0x1b4: {  	v20 =	vld [tilespmem:s17+$0xF10]  }
0x1b5: {  	v21 =	vld [tilespmem:s17+$0xF20]  }
0x1b6: {  	v22 =	vld [tilespmem:s17+$0xF30]  }
0x1b7: {  	v23 =	vld [tilespmem:s17+$0xF40]  }
0x1b8: {  	v24 =	vld [tilespmem:s17+$0xF50]  }
0x1b9: {  	v25 =	vld [tilespmem:s17+$0xF60]  }
0x1ba: {  	v28 =	vld [tilespmem:s17+$0xF70]  }
0x1bb: {  	v29 =	vld [tilespmem:s17+$0x1300]  }
0x1bc: {  	v32 =	vld [tilespmem:s17+$0x1310]  }
0x1bd: {  	v34 =	vld [tilespmem:s17+$0x1320]  }
0x1be: {  	v35 =	vld [tilespmem:s17+$0x1330]  }
0x1bf: {  	v37 =	vld [tilespmem:s17+$0x1340]  }
0x1c0: {  	v38 =	vld [tilespmem:s17+$0x1350]  }
0x1c1: {  	v40 =	vld [tilespmem:s17+$0x1360]  }
0x1c2: {  	v42 =	vld [tilespmem:s17+$0x1370]  }
0x1c3: {  	v43 =	vld [tilespmem:s17+$0x1700]  }
0x1c4: {  	v45 =	vld [tilespmem:s17+$0x1710]  }
0x1c5: {  	v46 =	vld [tilespmem:s17+$0x1720]  }
0x1c6: {  	v48 =	vld [tilespmem:s17+$0x1730]  }
0x1c7: {  	v49 =	vld [tilespmem:s17+$0x1740]  }
0x1c8: {  	v50 =	vld [tilespmem:s17+$0x1750]  }
0x1c9: {  	v47 =	vld [tilespmem:s17+$0x1760]  }
0x1ca: {  	v44 =	vld [tilespmem:s17+$0x1770]  }
0x1cb: {  	v41 =	vld [tilespmem:s17+$0x1B00]  }
0x1cc: {  	v39 =	vld [tilespmem:s17+$0x1B10]  }
0x1cd: {  	v36 =	vld [tilespmem:s17+$0x1B20]  }
0x1ce: {  	s24 =	simm.s32 $0x0;
	v33 =	vld [tilespmem:s17+$0x1B30]  }
0x1cf: {  	s20 =	smul.u32 $0x6000, s24;
	v30 =	vld [tilespmem:s17+$0x1B40]  }
0x1d0: {  	v31 =	vld [tilespmem:s17+$0x1B50]  }
0x1d1: {  	s22 =	sand.u32 $0x380, s16;
	s20 =	sshra.s32 s20, $0x2;
	v26 =	vld [tilespmem:s17+$0x1B60]  }
0x1d2: {  	s20 =	sor.u32 s22, s20;
	v27 =	vld [tilespmem:s17+$0x1B70]  }
0x1d3: {  	v60 =	vld [tilespmem:s20+$0x9700]  }
0x1d4: {  	v52 =	vld [tilespmem:s20+$0x9710]  }
0x1d5: {  	v61 =	vld [tilespmem:s20+$0x9720]  }
0x1d6: {  	v62 =	vld [tilespmem:s20+$0x9730]  }
0x1d7: {  	v63 =	vld [tilespmem:s20+$0x9740]  }
0x1d8: {  	v57 =	vld [tilespmem:s20+$0x9760]  }
0x1d9: {  	v55 =	vld [tilespmem:s20+$0x9B10]  }
0x1da: {  	v53 =	vld [tilespmem:s20+$0x9770];
	v51 =	vadd.f32 v60, v3  }
0x1db: {  	v54 =	vld [tilespmem:s20+$0x9B00];
	v52 =	vadd.f32 v52, v4  }
0x1dc: {  	v60 =	vld [tilespmem:s20+$0x9750];
	v62 =	vadd.f32 v62, v6;
	[tilespmem:s20+$0x9700] =	vst v51  }
0x1dd: {  	v56 =	vld [tilespmem:s20+$0x9B20];
	v63 =	vadd.f32 v63, v7;
	[tilespmem:s20+$0x9710] =	vst v52  }
0x1de: {  	v61 =	vadd.f32 v61, v5;
	v59 =	vadd.f32 v55, v12;
	v55 =	vld [tilespmem:s20+$0x9F10];
	[tilespmem:s20+$0x9730] =	vst v62  }
0x1df: {  	[tilespmem:s20+$0x9740] =	vst v63;
	v62 =	vadd.f32 v53, v10;
	v63 =	vld [tilespmem:s20+$0x9B30]  }
0x1e0: {  	[tilespmem:s20+$0x9720] =	vst v61;
	v61 =	vadd.f32 v57, v9;
	v52 =	vld [tilespmem:s20+$0x9F00]  }
0x1e1: {  	[tilespmem:s20+$0x9770] =	vst v62;
	v62 =	vld [tilespmem:s20+$0x9B60];
	v60 =	vadd.f32 v60, v8  }
0x1e2: {  	v51 =	vld [tilespmem:s20+$0x9B50];
	[tilespmem:s20+$0x9760] =	vst v61;
	v61 =	vadd.f32 v56, v13  }
0x1e3: {  	v58 =	vadd.f32 v54, v11;
	[tilespmem:s20+$0x9750] =	vst v60;
	v60 =	vld [tilespmem:s20+$0x9B40]  }
0x1e4: {  	[tilespmem:s20+$0x9B20] =	vst v61;
	v61 =	vld [tilespmem:s20+$0x9F30]  }
0x1e5: {  	[tilespmem:s20+$0x9B00] =	vst v58;
	v53 =	vadd.f32 v63, v14;
	v63 =	vld [tilespmem:s20+$0x9B70];
	v52 =	vadd.f32 v52, v19  }
0x1e6: {  	[tilespmem:s20+$0x9B10] =	vst v59;
	v55 =	vadd.f32 v55, v20;
	v56 =	vadd.f32 v62, v17;
	v62 =	vld [tilespmem:s20+$0x9F40]  }
0x1e7: {  	[tilespmem:s20+$0x9F00] =	vst v52;
	v52 =	vld [tilespmem:s20+$0xA310]  }
0x1e8: {  	v51 =	vadd.f32 v51, v16;
	[tilespmem:s20+$0x9F10] =	vst v55;
	v54 =	vadd.f32 v60, v15;
	v60 =	vld [tilespmem:s20+$0x9F20]  }
0x1e9: {  	[tilespmem:s20+$0x9B30] =	vst v53;
	v53 =	vld [tilespmem:s20+$0xA300]  }
0x1ea: {  	[tilespmem:s20+$0x9B50] =	vst v51  }
0x1eb: {  	[tilespmem:s20+$0x9B60] =	vst v56;
	v57 =	vadd.f32 v63, v18;
	v63 =	vld [tilespmem:s20+$0x9F50]  }
0x1ec: {  	[tilespmem:s20+$0x9B40] =	vst v54;
	v54 =	vadd.f32 v61, v22;
	v61 =	vld [tilespmem:s20+$0x9F70]  }
0x1ed: {  	[tilespmem:s20+$0x9B70] =	vst v57;
	v52 =	vadd.f32 v52, v32;
	v59 =	vadd.f32 v60, v21;
	v60 =	vld [tilespmem:s20+$0x9F60]  }
0x1ee: {  	v51 =	vadd.f32 v62, v23;
	v62 =	vld [tilespmem:s20+$0xA320];
	v53 =	vadd.f32 v53, v29;
	[tilespmem:s20+$0x9F30] =	vst v54  }
0x1ef: {  	[tilespmem:s20+$0xA310] =	vst v52;
	v52 =	vld [tilespmem:s20+$0xA700]  }
0x1f0: {  	[tilespmem:s20+$0xA300] =	vst v53;
	v53 =	vld [tilespmem:s20+$0xA710]  }
0x1f1: {  	[tilespmem:s20+$0x9F40] =	vst v51;
	v56 =	vadd.f32 v63, v24;
	v63 =	vld [tilespmem:s20+$0xA330]  }
0x1f2: {  	[tilespmem:s20+$0x9F20] =	vst v59;
	v57 =	vadd.f32 v61, v28;
	v55 =	vadd.f32 v60, v25;
	v60 =	vld [tilespmem:s20+$0xA340]  }
0x1f3: {  	[tilespmem:s20+$0x9F50] =	vst v56;
	v61 =	vadd.f32 v62, v34;
	v62 =	vld [tilespmem:s20+$0xA360]  }
0x1f4: {  	[tilespmem:s20+$0x9F70] =	vst v57  }
0x1f5: {  	v52 =	vadd.f32 v52, v43;
	[tilespmem:s20+$0x9F60] =	vst v55;
	v55 =	vld [tilespmem:s20+$0xA350]  }
0x1f6: {  	[tilespmem:s20+$0xA320] =	vst v61;
	v53 =	vadd.f32 v53, v45;
	v51 =	vadd.f32 v63, v35;
	v63 =	vld [tilespmem:s20+$0xA370]  }
0x1f7: {  	[tilespmem:s20+$0xA700] =	vst v52;
	v56 =	vadd.f32 v60, v37;
	v60 =	vld [tilespmem:s20+$0xA720]  }
0x1f8: {  	v61 =	vld [tilespmem:s20+$0xA730];
	[tilespmem:s20+$0xA710] =	vst v53;
	v54 =	vadd.f32 v62, v40  }
0x1f9: {  	v58 =	vld [tilespmem:s20+$0xA740];
	[tilespmem:s20+$0xA330] =	vst v51  }
0x1fa: {  	v59 =	vld [tilespmem:s20+$0xA750];
	[tilespmem:s20+$0xA360] =	vst v54;
	v55 =	vadd.f32 v55, v38  }
0x1fb: {  	v54 =	vld [tilespmem:s20+$0xA760];
	v62 =	vadd.f32 v63, v42;
	[tilespmem:s20+$0xA340] =	vst v56  }
0x1fc: {  	[tilespmem:s20+$0xA350] =	vst v55;
	v55 =	vld [tilespmem:s20+$0xA770];
	v51 =	vadd.f32 v60, v46  }
0x1fd: {  	v52 =	vld [tilespmem:s20+$0xAB00];
	v63 =	vadd.f32 v61, v48;
	[tilespmem:s20+$0xA370] =	vst v62  }
0x1fe: {  	v57 =	vadd.f32 v58, v49;
	[tilespmem:s20+$0xA720] =	vst v51;
	v51 =	vld [tilespmem:s20+$0xAB10]  }
0x1ff: {  	s17 =	simm.s32 $0x1;
	v53 =	vld [tilespmem:s20+$0xAB20];
	[tilespmem:s20+$0xA730] =	vst v63;
	v56 =	vadd.f32 v59, v50  }
.LBB2_5:
0x200: {  	s22 =	sshrl.u32 s17, $0x3;
	p0 =	sne.s32 s17, $0x27;
	[tilespmem:s20+$0xA740] =	vst v57;
	v54 =	vadd.f32 v54, v47;
	v57 =	vld [tilespmem:s20+$0xAB30]  }
0x201: {  	s22 =	smul.u32 $0x6000, s22;
	[tilespmem:s20+$0xA750] =	vst v56;
	v55 =	vadd.f32 v55, v44;
	v56 =	vld [tilespmem:s20+$0xAB40]  }
0x202: {  	s16 =	sadd.s32 $0x80, s16;
	[tilespmem:s20+$0xA760] =	vst v54;
	v52 =	vadd.f32 v52, v41;
	v54 =	vld [tilespmem:s20+$0xAB50]  }
0x203: {  	s23 =	sand.u32 $0x380, s16;
	s22 =	sshra.s32 s22, $0x2;
	[tilespmem:s20+$0xA770] =	vst v55;
	v51 =	vadd.f32 v51, v39;
	v55 =	vld [tilespmem:s20+$0xAB60]  }
0x204: {  	s22 =	sor.u32 s23, s22;
	[tilespmem:s20+$0xAB00] =	vst v52;
	v52 =	vadd.f32 v53, v36;
	v53 =	vld [tilespmem:s20+$0xAB70]  }
0x205: {  	v58 =	vld [tilespmem:s22+$0x9700];
	[tilespmem:s20+$0xAB10] =	vst v51;
	v51 =	vadd.f32 v57, v33  }
0x206: {  	v57 =	vld [tilespmem:s22+$0x9710];
	[tilespmem:s20+$0xAB20] =	vst v52;
	v52 =	vadd.f32 v56, v30  }
0x207: {  	v56 =	vld [tilespmem:s22+$0x9720];
	[tilespmem:s20+$0xAB30] =	vst v51;
	v51 =	vadd.f32 v54, v31  }
0x208: {  	v54 =	vld [tilespmem:s22+$0x9730];
	[tilespmem:s20+$0xAB40] =	vst v52;
	v52 =	vadd.f32 v55, v26  }
0x209: {  	v55 =	vld [tilespmem:s22+$0x9740];
	[tilespmem:s20+$0xAB50] =	vst v51;
	v51 =	vadd.f32 v53, v27  }
0x20a: {  	v53 =	vadd.f32 v58, v3;
	v58 =	vld [tilespmem:s22+$0x9750];
	[tilespmem:s20+$0xAB60] =	vst v52  }
0x20b: {  	v52 =	vadd.f32 v57, v4;
	v57 =	vld [tilespmem:s22+$0x9760];
	[tilespmem:s20+$0xAB70] =	vst v51;
	s20 =	smov.u32 s22  }
0x20c: {  	[tilespmem:s20+$0x9700] =	vst v53;
	v51 =	vadd.f32 v56, v5;
	v53 =	vld [tilespmem:s20+$0x9770]  }
0x20d: {  	[tilespmem:s20+$0x9710] =	vst v52;
	v52 =	vadd.f32 v54, v6;
	v54 =	vld [tilespmem:s20+$0x9B00]  }
0x20e: {  	[tilespmem:s20+$0x9720] =	vst v51;
	v51 =	vadd.f32 v55, v7;
	v55 =	vld [tilespmem:s20+$0x9B10]  }
0x20f: {  	[tilespmem:s20+$0x9730] =	vst v52;
	v52 =	vadd.f32 v58, v8;
	v56 =	vld [tilespmem:s20+$0x9B20]  }
0x210: {  	[tilespmem:s20+$0x9740] =	vst v51;
	v51 =	vadd.f32 v57, v9;
	v57 =	vld [tilespmem:s20+$0x9B30]  }
0x211: {  	[tilespmem:s20+$0x9750] =	vst v52;
	v52 =	vadd.f32 v53, v10;
	v53 =	vld [tilespmem:s20+$0x9B40]  }
0x212: {  	[tilespmem:s20+$0x9760] =	vst v51;
	v51 =	vadd.f32 v54, v11;
	v54 =	vld [tilespmem:s20+$0x9B50]  }
0x213: {  	[tilespmem:s20+$0x9770] =	vst v52;
	v52 =	vadd.f32 v55, v12;
	v55 =	vld [tilespmem:s20+$0x9B60]  }
0x214: {  	[tilespmem:s20+$0x9B00] =	vst v51;
	v51 =	vadd.f32 v56, v13;
	v56 =	vld [tilespmem:s20+$0x9B70]  }
0x215: {  	[tilespmem:s20+$0x9B10] =	vst v52;
	v52 =	vadd.f32 v57, v14;
	v57 =	vld [tilespmem:s20+$0x9F00]  }
0x216: {  	[tilespmem:s20+$0x9B20] =	vst v51;
	v51 =	vadd.f32 v53, v15;
	v53 =	vld [tilespmem:s20+$0x9F10]  }
0x217: {  	[tilespmem:s20+$0x9B30] =	vst v52;
	v52 =	vadd.f32 v54, v16;
	v54 =	vld [tilespmem:s20+$0x9F20]  }
0x218: {  	[tilespmem:s20+$0x9B40] =	vst v51;
	v51 =	vadd.f32 v55, v17;
	v55 =	vld [tilespmem:s20+$0x9F30]  }
0x219: {  	[tilespmem:s20+$0x9B50] =	vst v52;
	v52 =	vadd.f32 v56, v18;
	v56 =	vld [tilespmem:s20+$0x9F40]  }
0x21a: {  	[tilespmem:s20+$0x9B60] =	vst v51;
	v51 =	vadd.f32 v57, v19;
	v57 =	vld [tilespmem:s20+$0x9F50]  }
0x21b: {  	[tilespmem:s20+$0x9B70] =	vst v52;
	v52 =	vadd.f32 v53, v20;
	v53 =	vld [tilespmem:s20+$0x9F60]  }
0x21c: {  	[tilespmem:s20+$0x9F00] =	vst v51;
	v51 =	vadd.f32 v54, v21;
	v54 =	vld [tilespmem:s20+$0x9F70]  }
0x21d: {  	[tilespmem:s20+$0x9F10] =	vst v52;
	v52 =	vadd.f32 v55, v22;
	v55 =	vld [tilespmem:s20+$0xA300]  }
0x21e: {  	[tilespmem:s20+$0x9F20] =	vst v51;
	v51 =	vadd.f32 v56, v23;
	v56 =	vld [tilespmem:s20+$0xA310]  }
0x21f: {  	[tilespmem:s20+$0x9F30] =	vst v52;
	v52 =	vadd.f32 v57, v24;
	v57 =	vld [tilespmem:s20+$0xA320]  }
0x220: {  	[tilespmem:s20+$0x9F40] =	vst v51;
	v51 =	vadd.f32 v53, v25;
	v53 =	vld [tilespmem:s20+$0xA330]  }
0x221: {  	[tilespmem:s20+$0x9F50] =	vst v52;
	v52 =	vadd.f32 v54, v28;
	v54 =	vld [tilespmem:s20+$0xA340]  }
0x222: {  	[tilespmem:s20+$0x9F60] =	vst v51;
	v51 =	vadd.f32 v55, v29;
	v55 =	vld [tilespmem:s20+$0xA350]  }
0x223: {  	[tilespmem:s20+$0x9F70] =	vst v52;
	v52 =	vadd.f32 v56, v32;
	v56 =	vld [tilespmem:s20+$0xA360]  }
0x224: {  	[tilespmem:s20+$0xA300] =	vst v51;
	v51 =	vadd.f32 v57, v34;
	v57 =	vld [tilespmem:s20+$0xA370]  }
0x225: {  	[tilespmem:s20+$0xA310] =	vst v52;
	v52 =	vadd.f32 v53, v35;
	v53 =	vld [tilespmem:s20+$0xA700]  }
0x226: {  	[tilespmem:s20+$0xA320] =	vst v51;
	v51 =	vadd.f32 v54, v37;
	v54 =	vld [tilespmem:s20+$0xA710]  }
0x227: {  	[tilespmem:s20+$0xA330] =	vst v52;
	v52 =	vadd.f32 v55, v38;
	v55 =	vld [tilespmem:s20+$0xA720]  }
0x228: {  	[tilespmem:s20+$0xA340] =	vst v51;
	v51 =	vadd.f32 v56, v40;
	v56 =	vld [tilespmem:s20+$0xA730]  }
0x229: {  	[tilespmem:s20+$0xA350] =	vst v52;
	v52 =	vadd.f32 v57, v42;
	v57 =	vld [tilespmem:s20+$0xA740]  }
0x22a: {  	[tilespmem:s20+$0xA360] =	vst v51;
	v51 =	vadd.f32 v53, v43;
	v53 =	vld [tilespmem:s20+$0xA750]  }
.Ltmp1:
0x22b: {  	[tilespmem:s20+$0xA370] =	vst v52;
	v52 =	vadd.f32 v54, v45;
	v54 =	vld [tilespmem:s20+$0xA760];
	(pc) =	sbr.rel @p0 .LBB2_5-.Ltmp1, $4  }
0x22c: {  	[tilespmem:s20+$0xA700] =	vst v51;
	v51 =	vadd.f32 v55, v46;
	v55 =	vld [tilespmem:s20+$0xA770]  }
0x22d: {  	[tilespmem:s20+$0xA710] =	vst v52;
	v56 =	vadd.f32 v56, v48;
	v52 =	vld [tilespmem:s20+$0xAB00]  }
0x22e: {  	[tilespmem:s20+$0xA720] =	vst v51;
	v57 =	vadd.f32 v57, v49;
	v51 =	vld [tilespmem:s20+$0xAB10]  }
0x22f: {  	s17 =	sadd.s32 $0x1, s17;
	[tilespmem:s20+$0xA730] =	vst v56;
	v56 =	vadd.f32 v53, v50;
	v53 =	vld [tilespmem:s20+$0xAB20]  }
0x230: {  	[tilespmem:s20+$0xA740] =	vst v57;
	v3 =	vld [tilespmem:s20+$0xAB30];
	v4 =	vadd.f32 v54, v47  }
0x231: {  	v5 =	vld [tilespmem:s20+$0xAB40];
	[tilespmem:s20+$0xA750] =	vst v56;
	v6 =	vadd.f32 v55, v44  }
0x232: {  	[tilespmem:s20+$0xA760] =	vst v4;
	v4 =	vld [tilespmem:s20+$0xAB50];
	v7 =	vadd.f32 v52, v41  }
0x233: {  	v8 =	vld [tilespmem:s20+$0xAB60];
	[tilespmem:s20+$0xA770] =	vst v6;
	v6 =	vadd.f32 v51, v39  }
0x234: {  	v9 =	vld [tilespmem:s20+$0xAB70];
	[tilespmem:s20+$0xAB00] =	vst v7;
	v7 =	vadd.f32 v53, v36  }
0x235: {  	s14 =	smul.u32 $0x28, s14;
	[tilespmem:s20+$0xAB10] =	vst v6;
	v3 =	vadd.f32 v3, v33  }
0x236: {  	v5 =	vadd.f32 v5, v30;
	[tilespmem:s20+$0xAB20] =	vst v7  }
0x237: {  	s14 =	sadd.s32 s7, s14;
	[tilespmem:s20+$0xAB30] =	vst v3;
	v3 =	vadd.f32 v4, v31  }
0x238: {  	s14 =	sshrl.u32 s14, $0x3;
	[tilespmem:s20+$0xAB40] =	vst v5;
	v4 =	vadd.f32 v8, v26  }
0x239: {  	s14 =	smul.u32 $0x300, s14;
	[tilespmem:s20+$0xAB50] =	vst v3;
	v3 =	vadd.f32 v9, v27  }
0x23a: {  	[tilespmem:s20+$0xAB60] =	vst v4  }
0x23b: {  	p0 =	seq.s32 s4, $0x9;
	s14 =	sadd.s32 s5, s14;
	[tilespmem:s20+$0xAB70] =	vst v3  }
0x23c: {  	[hbm4b:s14+s6] =	stream.linear.scatter [tilespmem:s18], [sflag:$0x6], $0x7800, $0x38;
	[tilespmem:$0x1FF00] =	vst v63  }
0x23d: {  	s14 =	smul.u32 @!p0 $0x280, s4;
	_ =	swait.ge [sflag:s3], $0x7800  }
0x23e: {  	[sflag:s3] =	ssyncset.done $0x0  }
0x23f: {  	s14 =	sshra.s32 @!p0 s14, $0x2;
	[sflag:s3] =	ssyncadd.s32 $0xFFFF8800  }
0x240: {  	v3 =	vld @!p0 [tilespmem:s14+$0xA0];
	_ =	sdelay $0x4  }
0x241: {  	v4 =	vshrl.u32 @!p0 v3, $0x3  }
0x242: {  	v4 =	vmul.u32 @!p0 $0x30, v4  }
0x243: {  	v5 =	vlaneseq.u32 @!p0;
	v3 =	vand.u32 @!p0 $0x7, v3  }
0x244: {  	v6 =	vshrl.u32 @!p0 v5, $0x3;
	v3 =	vor.u32 @!p0 v3, v4;
	v4 =	vand.u32 @!p0 $0x7, v5  }
0x245: {  	v6 =	vmul.u32 @!p0 $0x8, v6;
	v7 =	vperm.xlane @!p0 v3, v4;
	_ =	sdelay $0x1  }
0x246: {  	v7 =	vadd.s32 @!p0 v6, v7;
	_ =	sdelay $0x2  }
0x247: {  	v5 =	vor.u32 @!p0 $0x8, v5  }
0x248: {  	vm1 =	vmmov @!p0 $0xffff;
	s16 =	simm.s32 @!p0 $0x0;
	s17 =	simm.s32 @!p0 $0x1F00;
	v3 =	vperm.xlane @!p0 v3, v5  }
0x249: {  	[tilespmem:s17], [sflag:$0x1] =	stream.indirect_vreg.gather @!p0 [hbm4b:s2+s16], $0x80, v7, vm1, $0xb8;
	[tilespmem:$0x1FF00] =	vst v63  }
0x24a: {  	v3 =	vadd.s32 @!p0 v6, v3;
	s17 =	simm.s32 @!p0 $0x2700  }
0x24b: {  	[tilespmem:s17], [sflag:$0x1] =	stream.indirect_vreg.gather @!p0 [hbm4b:s12+s16], $0x80, v7, vm1, $0xb8;
	[tilespmem:$0x1FF00] =	vst v63  }
0x24c: {  	s17 =	simm.s32 @!p0 $0x2F00  }
0x24d: {  	[tilespmem:s17], [sflag:$0x1] =	stream.indirect_vreg.gather @!p0 [hbm4b:s13+s16], $0x80, v7, vm1, $0xb8;
	[tilespmem:$0x1FF00] =	vst v63  }
0x24e: {  	s17 =	simm.s32 @!p0 $0x3700  }
0x24f: {  	[tilespmem:s17], [sflag:$0x1] =	stream.indirect_vreg.gather @!p0 [hbm4b:s2+s16], $0x80, v3, vm1, $0xb8;
	[tilespmem:$0x1FF00] =	vst v63  }
0x250: {  	s17 =	simm.s32 @!p0 $0x3F00  }
0x251: {  	[tilespmem:s17], [sflag:$0x1] =	stream.indirect_vreg.gather @!p0 [hbm4b:s12+s16], $0x80, v3, vm1, $0xb8;
	[tilespmem:$0x1FF00] =	vst v63  }
0x252: {  	s17 =	simm.s32 @!p0 $0x4700  }
0x253: {  	[tilespmem:s17], [sflag:$0x1] =	stream.indirect_vreg.gather @!p0 [hbm4b:s13+s16], $0x80, v3, vm1, $0xb8;
	[tilespmem:$0x1FF00] =	vst v63  }
0x254: {  	v3 =	vld @!p0 [tilespmem:s14+$0xB0];
	_ =	sdelay $0x4  }
0x255: {  	v7 =	vshrl.u32 @!p0 v3, $0x3  }
0x256: {  	v7 =	vmul.u32 @!p0 $0x30, v7  }
0x257: {  	v3 =	vand.u32 @!p0 $0x7, v3  }
0x258: {  	v3 =	vor.u32 @!p0 v3, v7  }
0x259: {  	v7 =	vperm.xlane @!p0 v3, v4;
	_ =	sdelay $0x1  }
0x25a: {  	v7 =	vadd.s32 @!p0 v6, v7;
	_ =	sdelay $0x3  }
0x25b: {  	s17 =	simm.s32 @!p0 $0x4F00;
	v3 =	vperm.xlane @!p0 v3, v5  }
0x25c: {  	[tilespmem:s17], [sflag:$0x1] =	stream.indirect_vreg.gather @!p0 [hbm4b:s2+s16], $0x80, v7, vm1, $0xb8;
	[tilespmem:$0x1FF00] =	vst v63  }
0x25d: {  	v3 =	vadd.s32 @!p0 v6, v3;
	s17 =	simm.s32 @!p0 $0x5700  }
0x25e: {  	[tilespmem:s17], [sflag:$0x1] =	stream.indirect_vreg.gather @!p0 [hbm4b:s12+s16], $0x80, v7, vm1, $0xb8;
	[tilespmem:$0x1FF00] =	vst v63  }
0x25f: {  	s17 =	simm.s32 @!p0 $0x5F00  }
0x260: {  	[tilespmem:s17], [sflag:$0x1] =	stream.indirect_vreg.gather @!p0 [hbm4b:s13+s16], $0x80, v7, vm1, $0xb8;
	[tilespmem:$0x1FF00] =	vst v63  }
0x261: {  	s17 =	simm.s32 @!p0 $0x6700  }
0x262: {  	[tilespmem:s17], [sflag:$0x1] =	stream.indirect_vreg.gather @!p0 [hbm4b:s2+s16], $0x80, v3, vm1, $0xb8;
	[tilespmem:$0x1FF00] =	vst v63  }
0x263: {  	s17 =	simm.s32 @!p0 $0x6F00  }
0x264: {  	[tilespmem:s17], [sflag:$0x1] =	stream.indirect_vreg.gather @!p0 [hbm4b:s12+s16], $0x80, v3, vm1, $0xb8;
	[tilespmem:$0x1FF00] =	vst v63  }
0x265: {  	s17 =	simm.s32 @!p0 $0x7700  }
0x266: {  	[tilespmem:s17], [sflag:$0x1] =	stream.indirect_vreg.gather @!p0 [hbm4b:s13+s16], $0x80, v3, vm1, $0xb8;
	[tilespmem:$0x1FF00] =	vst v63  }
0x267: {  	v3 =	vld.msk @!p0 [tilespmem:s14+$0xC0], $0xff;
	_ =	sdelay $0x4  }
0x268: {  	v5 =	vshrl.u32 @!p0 v3, $0x3  }
0x269: {  	v5 =	vmul.u32 @!p0 $0x30, v5  }
0x26a: {  	v3 =	vand.u32 @!p0 $0x7, v3  }
0x26b: {  	v3 =	vor.u32 @!p0 v3, v5  }
0x26c: {  	v3 =	vperm.xlane @!p0 v3, v4;
	_ =	sdelay $0x1  }
0x26d: {  	v3 =	vadd.s32 @!p0 v6, v3;
	_ =	sdelay $0x3  }
0x26e: {  	s17 =	simm.s32 @!p0 $0x7F00  }
0x26f: {  	[tilespmem:s17], [sflag:$0x1] =	stream.indirect_vreg.gather @!p0 [hbm4b:s2+s16], $0x80, v3, vm1, $0xb8;
	[tilespmem:$0x1FF00] =	vst v63  }
0x270: {  	s22 =	smulhi.u32 $0x66666667, s11;
	s17 =	simm.s32 @!p0 $0x8700  }
0x271: {  	[tilespmem:s17], [sflag:$0x1] =	stream.indirect_vreg.gather @!p0 [hbm4b:s12+s16], $0x80, v3, vm1, $0xb8;
	[tilespmem:$0x1FF00] =	vst v63  }
0x272: {  	s23 =	sshrl.u32 s22, $0x4;
	s17 =	simm.s32 @!p0 $0x8F00  }
0x273: {  	[tilespmem:s17], [sflag:$0x1] =	stream.indirect_vreg.gather @!p0 [hbm4b:s13+s16], $0x80, v3, vm1, $0xb8;
	[tilespmem:$0x1FF00] =	vst v63  }
0x274: {  	s16 =	smul.u32 $0x6000, s23  }
0x275: {  	s24 =	sshll.u32 s22, $0x6;
	_ =	swait.ge [sflag:s0], $0x7800  }
0x276: {  	s17 =	sand.u32 $0x380, s24;
	[sflag:s0] =	ssyncset.done $0x0;
	s16 =	sshra.s32 s16, $0x2  }
0x277: {  	[sflag:s0] =	ssyncadd.s32 $0xFFFF8800;
	s17 =	sor.u32 s17, s16  }
0x278: {  	v6 =	vld [tilespmem:s17+$0x700]  }
0x279: {  	v7 =	vld [tilespmem:s17+$0x710]  }
0x27a: {  	v8 =	vld [tilespmem:s17+$0x720]  }
0x27b: {  	v9 =	vld [tilespmem:s17+$0x730]  }
0x27c: {  	v10 =	vld [tilespmem:s17+$0x740]  }
0x27d: {  	v11 =	vld [tilespmem:s17+$0x750]  }
0x27e: {  	v12 =	vld [tilespmem:s17+$0x760]  }
0x27f: {  	v13 =	vld [tilespmem:s17+$0x770]  }
0x280: {  	v14 =	vld [tilespmem:s17+$0xB00]  }
0x281: {  	v15 =	vld [tilespmem:s17+$0xB10]  }
0x282: {  	v16 =	vld [tilespmem:s17+$0xB20]  }
0x283: {  	v17 =	vld [tilespmem:s17+$0xB30]  }
0x284: {  	v18 =	vld [tilespmem:s17+$0xB40]  }
0x285: {  	v19 =	vld [tilespmem:s17+$0xB50]  }
0x286: {  	v22 =	vld [tilespmem:s17+$0xB60]  }
0x287: {  	v26 =	vld [tilespmem:s17+$0xB70]  }
0x288: {  	v28 =	vld [tilespmem:s17+$0xF00]  }
0x289: {  	v30 =	vld [tilespmem:s17+$0xF10]  }
0x28a: {  	v32 =	vld [tilespmem:s17+$0xF20]  }
0x28b: {  	v33 =	vld [tilespmem:s17+$0xF30]  }
0x28c: {  	v34 =	vld [tilespmem:s17+$0xF40]  }
0x28d: {  	v35 =	vld [tilespmem:s17+$0xF50]  }
0x28e: {  	v36 =	vld [tilespmem:s17+$0xF60]  }
0x28f: {  	v37 =	vld [tilespmem:s17+$0xF70]  }
0x290: {  	v38 =	vld [tilespmem:s17+$0x1300]  }
0x291: {  	v40 =	vld [tilespmem:s17+$0x1310]  }
0x292: {  	v41 =	vld [tilespmem:s17+$0x1320]  }
0x293: {  	v42 =	vld [tilespmem:s17+$0x1330]  }
0x294: {  	v43 =	vld [tilespmem:s17+$0x1340]  }
0x295: {  	v45 =	vld [tilespmem:s17+$0x1350]  }
0x296: {  	v48 =	vld [tilespmem:s17+$0x1360]  }
0x297: {  	v49 =	vld [tilespmem:s17+$0x1370]  }
0x298: {  	v46 =	vld [tilespmem:s17+$0x1700]  }
0x299: {  	v31 =	vld [tilespmem:s17+$0x1710]  }
0x29a: {  	v29 =	vld [tilespmem:s17+$0x1720]  }
0x29b: {  	v27 =	vld [tilespmem:s17+$0x1730]  }
0x29c: {  	v50 =	vld [tilespmem:s17+$0x1740]  }
0x29d: {  	v47 =	vld [tilespmem:s17+$0x1750]  }
0x29e: {  	v44 =	vld [tilespmem:s17+$0x1760]  }
0x29f: {  	v39 =	vld [tilespmem:s17+$0x1770]  }
0x2a0: {  	v20 =	vld [tilespmem:s17+$0x1B00]  }
0x2a1: {  	v5 =	vld [tilespmem:s17+$0x1B10]  }
0x2a2: {  	v4 =	vld [tilespmem:s17+$0x1B20]  }
0x2a3: {  	s20 =	simm.s32 $0x0;
	v3 =	vld [tilespmem:s17+$0x1B30]  }
0x2a4: {  	s16 =	smul.u32 $0x6000, s20;
	v23 =	vld [tilespmem:s17+$0x1B40]  }
0x2a5: {  	s20 =	simm.s32 $0x0;
	v24 =	vld [tilespmem:s17+$0x1B50]  }
0x2a6: {  	s22 =	sand.u32 $0x380, s20;
	v25 =	vld [tilespmem:s17+$0x1B60];
	s16 =	sshra.s32 s16, $0x2  }
0x2a7: {  	v21 =	vld [tilespmem:s17+$0x1B70];
	s16 =	sor.u32 s22, s16  }
0x2a8: {  	s22 =	sadd.s32 $0x10F00, s16;
	v52 =	vld [tilespmem:s16+$0x10F00]  }
0x2a9: {  	v63 =	vld [tilespmem:s22+$0x430]  }
0x2aa: {  	v60 =	vld [tilespmem:s22+$0x440]  }
0x2ab: {  	v54 =	vld [tilespmem:s22+$0x400]  }
0x2ac: {  	v61 =	vld [tilespmem:s22+$0x460]  }
0x2ad: {  	v62 =	vld [tilespmem:s22+$0x410];
	v52 =	vadd.f32 v52, v6  }
0x2ae: {  	v57 =	vld [tilespmem:s22+$0x70];
	v51 =	vadd.f32 v63, v17  }
0x2af: {  	v63 =	vld [tilespmem:s22+$0x450];
	v53 =	vadd.f32 v60, v18;
	[tilespmem:s16+$0x10F00] =	vst v52  }
0x2b0: {  	v58 =	vld [tilespmem:s22+$0x50];
	v54 =	vadd.f32 v54, v14;
	[tilespmem:s22+$0x430] =	vst v51  }
0x2b1: {  	v60 =	vld [tilespmem:s22+$0x60];
	v55 =	vadd.f32 v61, v22;
	[tilespmem:s22+$0x440] =	vst v53  }
0x2b2: {  	v61 =	vadd.f32 v62, v15;
	v52 =	vld [tilespmem:s22+$0x470];
	[tilespmem:s22+$0x400] =	vst v54  }
0x2b3: {  	v57 =	vadd.f32 v57, v13;
	v54 =	vld [tilespmem:s22+$0x420];
	[tilespmem:s22+$0x460] =	vst v55  }
0x2b4: {  	[tilespmem:s22+$0x410] =	vst v61;
	v61 =	vld [tilespmem:s22+$0x40];
	v62 =	vadd.f32 v63, v19  }
0x2b5: {  	[tilespmem:s22+$0x70] =	vst v57;
	v63 =	vadd.f32 v58, v11;
	v58 =	vld [tilespmem:s22+$0x20]  }
0x2b6: {  	v51 =	vadd.f32 v60, v12;
	v60 =	vld [tilespmem:s22+$0x30];
	[tilespmem:s22+$0x450] =	vst v62  }
0x2b7: {  	v52 =	vadd.f32 v52, v26;
	[tilespmem:s22+$0x50] =	vst v63;
	v62 =	vld [tilespmem:s22+$0x10]  }
0x2b8: {  	[tilespmem:s22+$0x60] =	vst v51;
	v63 =	vadd.f32 v54, v16  }
0x2b9: {  	v61 =	vadd.f32 v61, v10;
	[tilespmem:s22+$0x470] =	vst v52  }
0x2ba: {  	[tilespmem:s22+$0x420] =	vst v63;
	v59 =	vadd.f32 v58, v8  }
0x2bb: {  	[tilespmem:s22+$0x40] =	vst v61;
	v60 =	vadd.f32 v60, v9  }
0x2bc: {  	[tilespmem:s22+$0x20] =	vst v59;
	v62 =	vadd.f32 v62, v7  }
0x2bd: {  	[tilespmem:s22+$0x30] =	vst v60  }
0x2be: {  	[tilespmem:s22+$0x10] =	vst v62  }
0x2bf: {  	v51 =	vld [tilespmem:s16+$0x11700];
	_ =	sdelay $0x2  }
0x2c0: {  	s23 =	sadd.s32 $0x11700, s16  }
0x2c1: {  	v52 =	vld [tilespmem:s23+$0x40]  }
0x2c2: {  	v53 =	vld [tilespmem:s23+$0x50];
	v51 =	vadd.f32 v51, v28  }
0x2c3: {  	v54 =	vld [tilespmem:s23+$0x60]  }
0x2c4: {  	v63 =	vld [tilespmem:s23+$0x70];
	[tilespmem:s16+$0x11700] =	vst v51  }
0x2c5: {  	v51 =	vld [tilespmem:s23+$0x10]  }
0x2c6: {  	v52 =	vadd.f32 v52, v34;
	v60 =	vld [tilespmem:s23+$0x20]  }
0x2c7: {  	v53 =	vadd.f32 v53, v35;
	v61 =	vld [tilespmem:s23+$0x30]  }
0x2c8: {  	v62 =	vadd.f32 v54, v36;
	[tilespmem:s23+$0x40] =	vst v52  }
0x2c9: {  	v63 =	vadd.f32 v63, v37;
	[tilespmem:s23+$0x50] =	vst v53  }
0x2ca: {  	[tilespmem:s23+$0x60] =	vst v62;
	v51 =	vadd.f32 v51, v30  }
0x2cb: {  	[tilespmem:s23+$0x70] =	vst v63;
	v58 =	vadd.f32 v60, v32  }
0x2cc: {  	v59 =	vadd.f32 v61, v33;
	[tilespmem:s23+$0x10] =	vst v51  }
0x2cd: {  	[tilespmem:s23+$0x20] =	vst v58  }
0x2ce: {  	[tilespmem:s23+$0x30] =	vst v59  }
0x2cf: {  	v51 =	vld [tilespmem:s16+$0x11B00];
	_ =	sdelay $0x2  }
0x2d0: {  	s24 =	sadd.s32 $0x11B00, s16  }
0x2d1: {  	v52 =	vld [tilespmem:s24+$0x40]  }
0x2d2: {  	v53 =	vld [tilespmem:s24+$0x50];
	v51 =	vadd.f32 v51, v38  }
0x2d3: {  	v60 =	vld [tilespmem:s24+$0x60]  }
0x2d4: {  	v61 =	vld [tilespmem:s24+$0x70];
	[tilespmem:s16+$0x11B00] =	vst v51  }
0x2d5: {  	v51 =	vld [tilespmem:s24+$0x30]  }
0x2d6: {  	v52 =	vadd.f32 v52, v43;
	v62 =	vld [tilespmem:s24+$0x20]  }
0x2d7: {  	v53 =	vadd.f32 v53, v45;
	v63 =	vld [tilespmem:s24+$0x10]  }
0x2d8: {  	v60 =	vadd.f32 v60, v48;
	[tilespmem:s24+$0x40] =	vst v52  }
0x2d9: {  	v61 =	vadd.f32 v61, v49;
	[tilespmem:s24+$0x50] =	vst v53  }
0x2da: {  	[tilespmem:s24+$0x60] =	vst v60;
	v51 =	vadd.f32 v51, v42  }
0x2db: {  	[tilespmem:s24+$0x70] =	vst v61;
	v62 =	vadd.f32 v62, v41  }
0x2dc: {  	v63 =	vadd.f32 v63, v40;
	[tilespmem:s24+$0x30] =	vst v51  }
0x2dd: {  	[tilespmem:s24+$0x20] =	vst v62  }
0x2de: {  	[tilespmem:s24+$0x10] =	vst v63  }
0x2df: {  	s22 =	sadd.s32 $0x11F00, s16;
	v53 =	vld [tilespmem:s16+$0x11F00]  }
0x2e0: {  	v52 =	vld [tilespmem:s22+$0x40]  }
0x2e1: {  	s17 =	simm.s32 $0x1;
	v51 =	vld [tilespmem:s22+$0x50]  }
.LBB2_7:
0x2e2: {  	p1 =	sne.s32 s17, $0x27  }
0x2e3: {  	v54 =	vld [tilespmem:s22+$0x60];
	s20 =	sadd.s32 $0x80, s20;
	s23 =	smov.u32 s17;
	s17 =	sadd.s32 $0x1, s17  }
0x2e4: {  	v55 =	vld [tilespmem:s22+$0x70]  }
0x2e5: {  	v53 =	vadd.f32 v53, v46  }
0x2e6: {  	v52 =	vadd.f32 v52, v50  }
0x2e7: {  	[tilespmem:s16+$0x11F00] =	vst v53;
	v51 =	vadd.f32 v51, v47  }
0x2e8: {  	v53 =	vld [tilespmem:s22+$0x10];
	[tilespmem:s22+$0x40] =	vst v52;
	v52 =	vadd.f32 v54, v44  }
0x2e9: {  	v54 =	vld [tilespmem:s22+$0x20];
	[tilespmem:s22+$0x50] =	vst v51;
	v51 =	vadd.f32 v55, v39  }
0x2ea: {  	[tilespmem:s22+$0x60] =	vst v52  }
0x2eb: {  	[tilespmem:s22+$0x70] =	vst v51;
	_ =	sdelay $0x1  }
0x2ec: {  	v51 =	vadd.f32 v53, v31;
	v52 =	vld [tilespmem:s22+$0x30]  }
0x2ed: {  	v53 =	vadd.f32 v54, v29  }
0x2ee: {  	[tilespmem:s22+$0x10] =	vst v51  }
0x2ef: {  	[tilespmem:s22+$0x20] =	vst v53;
	_ =	sdelay $0x1  }
0x2f0: {  	v51 =	vadd.f32 v52, v27;
	_ =	sdelay $0x1  }
0x2f1: {  	[tilespmem:s22+$0x30] =	vst v51  }
0x2f2: {  	s24 =	sadd.s32 $0x12300, s16;
	v51 =	vld [tilespmem:s16+$0x12300]  }
0x2f3: {  	s22 =	sshrl.u32 s23, $0x3;
	v52 =	vld [tilespmem:s24+$0x40]  }
0x2f4: {  	s22 =	smul.u32 $0x6000, s22;
	v53 =	vld [tilespmem:s24+$0x50]  }
0x2f5: {  	v54 =	vld [tilespmem:s24+$0x60]  }
0x2f6: {  	s23 =	sand.u32 $0x380, s20;
	s22 =	sshra.s32 s22, $0x2;
	v55 =	vld [tilespmem:s24+$0x70]  }
0x2f7: {  	s22 =	sor.u32 s23, s22;
	v51 =	vadd.f32 v51, v20  }
0x2f8: {  	v52 =	vadd.f32 v52, v23  }
0x2f9: {  	[tilespmem:s16+$0x12300] =	vst v51;
	v51 =	vadd.f32 v53, v24;
	s16 =	smov.u32 s22  }
0x2fa: {  	v53 =	vld [tilespmem:s24+$0x10];
	[tilespmem:s24+$0x40] =	vst v52;
	v52 =	vadd.f32 v54, v25  }
0x2fb: {  	v54 =	vld [tilespmem:s24+$0x20];
	[tilespmem:s24+$0x50] =	vst v51;
	v51 =	vadd.f32 v55, v21  }
0x2fc: {  	v55 =	vld [tilespmem:s24+$0x30];
	[tilespmem:s24+$0x60] =	vst v52  }
0x2fd: {  	[tilespmem:s24+$0x70] =	vst v51;
	_ =	sdelay $0x1  }
0x2fe: {  	s22 =	sadd.s32 $0x10F00, s16;
	v51 =	vadd.f32 v53, v5  }
0x2ff: {  	v52 =	vadd.f32 v54, v4  }
0x300: {  	[tilespmem:s24+$0x10] =	vst v51;
	v51 =	vadd.f32 v55, v3  }
0x301: {  	[tilespmem:s24+$0x20] =	vst v52  }
0x302: {  	[tilespmem:s24+$0x30] =	vst v51;
	_ =	sdelay $0x1  }
0x303: {  	v51 =	vld [tilespmem:s22+$0x440]  }
0x304: {  	v52 =	vld [tilespmem:s22+$0x50]  }
0x305: {  	v53 =	vld [tilespmem:s22+$0x400]  }
0x306: {  	v54 =	vld [tilespmem:s22+$0x430]  }
0x307: {  	v55 =	vld [tilespmem:s22+$0x60]  }
0x308: {  	v56 =	vld [tilespmem:s16+$0x10F00]  }
0x309: {  	v57 =	vld [tilespmem:s22+$0x410]  }
0x30a: {  	v58 =	vld [tilespmem:s22+$0x460]  }
0x30b: {  	v53 =	vadd.f32 v53, v14;
	v54 =	vadd.f32 v54, v17;
	v59 =	vld [tilespmem:s22+$0x450]  }
0x30c: {  	v52 =	vadd.f32 v52, v11;
	v55 =	vadd.f32 v55, v12;
	v60 =	vld [tilespmem:s22+$0x470]  }
0x30d: {  	v51 =	vadd.f32 v51, v18;
	v56 =	vadd.f32 v56, v6  }
0x30e: {  	v57 =	vadd.f32 v57, v15;
	[tilespmem:s22+$0x430] =	vst v54  }
0x30f: {  	[tilespmem:s16+$0x10F00] =	vst v56;
	v54 =	vadd.f32 v58, v22  }
0x310: {  	v56 =	vld [tilespmem:s22+$0x30];
	[tilespmem:s22+$0x440] =	vst v51;
	v51 =	vadd.f32 v59, v19  }
0x311: {  	[tilespmem:s22+$0x400] =	vst v53;
	v53 =	vld [tilespmem:s22+$0x420]  }
0x312: {  	v58 =	vld [tilespmem:s22+$0x70];
	[tilespmem:s22+$0x460] =	vst v54  }
0x313: {  	v54 =	vld [tilespmem:s22+$0x20];
	[tilespmem:s22+$0x410] =	vst v57;
	v57 =	vadd.f32 v60, v26  }
0x314: {  	v59 =	vld [tilespmem:s22+$0x10];
	[tilespmem:s22+$0x450] =	vst v51  }
0x315: {  	v51 =	vadd.f32 v56, v9;
	v56 =	vld [tilespmem:s22+$0x40];
	[tilespmem:s22+$0x50] =	vst v52  }
0x316: {  	[tilespmem:s22+$0x60] =	vst v55;
	v52 =	vadd.f32 v53, v16  }
0x317: {  	v53 =	vadd.f32 v58, v13;
	[tilespmem:s22+$0x470] =	vst v57  }
0x318: {  	v54 =	vadd.f32 v54, v8;
	[tilespmem:s22+$0x420] =	vst v52  }
0x319: {  	v52 =	vadd.f32 v59, v7;
	[tilespmem:s22+$0x70] =	vst v53  }
0x31a: {  	[tilespmem:s22+$0x20] =	vst v54;
	v53 =	vadd.f32 v56, v10  }
0x31b: {  	[tilespmem:s22+$0x30] =	vst v51  }
0x31c: {  	[tilespmem:s22+$0x40] =	vst v53  }
0x31d: {  	[tilespmem:s22+$0x10] =	vst v52  }
0x31e: {  	s22 =	sadd.s32 $0x11700, s16;
	v51 =	vld [tilespmem:s16+$0x11700]  }
0x31f: {  	v52 =	vld [tilespmem:s22+$0x40]  }
0x320: {  	v53 =	vld [tilespmem:s22+$0x50]  }
0x321: {  	v54 =	vld [tilespmem:s22+$0x60]  }
0x322: {  	v55 =	vld [tilespmem:s22+$0x70]  }
0x323: {  	v51 =	vadd.f32 v51, v28  }
0x324: {  	v52 =	vadd.f32 v52, v34  }
0x325: {  	[tilespmem:s16+$0x11700] =	vst v51;
	v51 =	vadd.f32 v53, v35  }
0x326: {  	v53 =	vld [tilespmem:s22+$0x10];
	[tilespmem:s22+$0x40] =	vst v52;
	v52 =	vadd.f32 v54, v36  }
0x327: {  	v54 =	vld [tilespmem:s22+$0x20];
	[tilespmem:s22+$0x50] =	vst v51;
	v51 =	vadd.f32 v55, v37  }
0x328: {  	v55 =	vld [tilespmem:s22+$0x30];
	[tilespmem:s22+$0x60] =	vst v52  }
0x329: {  	[tilespmem:s22+$0x70] =	vst v51;
	_ =	sdelay $0x1  }
0x32a: {  	v51 =	vadd.f32 v53, v30  }
0x32b: {  	v52 =	vadd.f32 v54, v32  }
0x32c: {  	[tilespmem:s22+$0x10] =	vst v51;
	v51 =	vadd.f32 v55, v33  }
0x32d: {  	[tilespmem:s22+$0x20] =	vst v52  }
0x32e: {  	[tilespmem:s22+$0x30] =	vst v51  }
0x32f: {  	s22 =	sadd.s32 $0x11B00, s16;
	v51 =	vld [tilespmem:s16+$0x11B00]  }
0x330: {  	v52 =	vld [tilespmem:s22+$0x40]  }
0x331: {  	v53 =	vld [tilespmem:s22+$0x50]  }
0x332: {  	v54 =	vld [tilespmem:s22+$0x60]  }
0x333: {  	v55 =	vld [tilespmem:s22+$0x70]  }
0x334: {  	v51 =	vadd.f32 v51, v38  }
0x335: {  	v52 =	vadd.f32 v52, v43  }
0x336: {  	[tilespmem:s16+$0x11B00] =	vst v51;
	v51 =	vadd.f32 v53, v45  }
0x337: {  	v53 =	vld [tilespmem:s22+$0x30];
	[tilespmem:s22+$0x40] =	vst v52;
	v52 =	vadd.f32 v54, v48  }
0x338: {  	v54 =	vld [tilespmem:s22+$0x20];
	[tilespmem:s22+$0x50] =	vst v51;
	v51 =	vadd.f32 v55, v49  }
0x339: {  	v55 =	vld [tilespmem:s22+$0x10];
	[tilespmem:s22+$0x60] =	vst v52  }
0x33a: {  	[tilespmem:s22+$0x70] =	vst v51;
	_ =	sdelay $0x1  }
0x33b: {  	v51 =	vadd.f32 v53, v42  }
0x33c: {  	v52 =	vadd.f32 v54, v41  }
0x33d: {  	v53 =	vadd.f32 v55, v40;
	[tilespmem:s22+$0x30] =	vst v51  }
.Ltmp2:
0x33e: {  	[tilespmem:s22+$0x20] =	vst v52;
	(pc) =	sbr.rel @p1 .LBB2_7-.Ltmp2, $4  }
0x33f: {  	[tilespmem:s22+$0x10] =	vst v53  }
0x340: {  	s22 =	sadd.s32 $0x11F00, s16;
	v53 =	vld [tilespmem:s16+$0x11F00]  }
0x341: {  	v52 =	vld [tilespmem:s22+$0x40]  }
0x342: {  	v51 =	vld [tilespmem:s22+$0x50]  }
0x343: {  	v6 =	vld [tilespmem:s22+$0x60];
	_ =	sdelay $0x1  }
0x344: {  	v7 =	vadd.f32 v53, v46;
	_ =	sdelay $0x1  }
0x345: {  	v8 =	vld [tilespmem:s22+$0x70];
	v9 =	vadd.f32 v52, v50;
	[tilespmem:s16+$0x11F00] =	vst v7  }
0x346: {  	v7 =	vld [tilespmem:s22+$0x10];
	v6 =	vadd.f32 v6, v44  }
0x347: {  	[tilespmem:s22+$0x40] =	vst v9;
	v9 =	vld [tilespmem:s22+$0x20]  }
0x348: {  	[tilespmem:s22+$0x60] =	vst v6;
	v6 =	vld [tilespmem:s22+$0x30]  }
0x349: {  	v10 =	vadd.f32 v51, v47  }
0x34a: {  	v8 =	vadd.f32 v8, v39  }
0x34b: {  	[tilespmem:s22+$0x50] =	vst v10;
	v7 =	vadd.f32 v7, v31  }
0x34c: {  	[tilespmem:s22+$0x70] =	vst v8;
	v8 =	vadd.f32 v9, v29  }
0x34d: {  	[tilespmem:s22+$0x10] =	vst v7;
	v6 =	vadd.f32 v6, v27  }
0x34e: {  	[tilespmem:s22+$0x20] =	vst v8  }
0x34f: {  	[tilespmem:s22+$0x30] =	vst v6  }
0x350: {  	v6 =	vld [tilespmem:s16+$0x12300];
	_ =	sdelay $0x2  }
0x351: {  	s17 =	sadd.s32 $0x12300, s16  }
0x352: {  	v7 =	vld [tilespmem:s17+$0x40]  }
0x353: {  	v8 =	vld [tilespmem:s17+$0x50];
	v6 =	vadd.f32 v6, v20  }
0x354: {  	v9 =	vld [tilespmem:s17+$0x60]  }
0x355: {  	v10 =	vld [tilespmem:s17+$0x70];
	[tilespmem:s16+$0x12300] =	vst v6  }
0x356: {  	v6 =	vld [tilespmem:s17+$0x10]  }
0x357: {  	v7 =	vadd.f32 v7, v23;
	v11 =	vld [tilespmem:s17+$0x20]  }
0x358: {  	v8 =	vadd.f32 v8, v24;
	v12 =	vld [tilespmem:s17+$0x30]  }
0x359: {  	s11 =	smul.u32 $0x28, s11;
	[tilespmem:s17+$0x40] =	vst v7;
	v7 =	vadd.f32 v9, v25  }
0x35a: {  	[tilespmem:s17+$0x50] =	vst v8;
	v8 =	vadd.f32 v10, v21  }
0x35b: {  	s11 =	sadd.s32 s7, s11;
	[tilespmem:s17+$0x60] =	vst v7;
	v5 =	vadd.f32 v6, v5  }
0x35c: {  	s11 =	sshrl.u32 s11, $0x3;
	[tilespmem:s17+$0x70] =	vst v8;
	v4 =	vadd.f32 v11, v4  }
0x35d: {  	s11 =	smul.u32 $0x300, s11;
	v3 =	vadd.f32 v12, v3;
	[tilespmem:s17+$0x10] =	vst v5  }
0x35e: {  	[tilespmem:s17+$0x20] =	vst v4  }
0x35f: {  	s11 =	sadd.s32 s5, s11;
	[tilespmem:s17+$0x30] =	vst v3  }
0x360: {  	[hbm4b:s11+s6] =	stream.linear.scatter [tilespmem:s19], [sflag:$0x7], $0x7800, $0x38;
	[tilespmem:$0x1FF00] =	vst v63  }
0x361: {  	_ =	swait.ge [sflag:s1], $0x7800  }
0x362: {  	[sflag:s1] =	ssyncset.done $0x0  }
0x363: {  	[sflag:s1] =	ssyncadd.s32 $0xFFFF8800  }
0x364: {  	v3 =	vld @!p0 [tilespmem:s14+$0xC8];
	_ =	sdelay $0x4  }
0x365: {  	v4 =	vshrl.u32 @!p0 v3, $0x3  }
0x366: {  	v4 =	vmul.u32 @!p0 $0x30, v4  }
0x367: {  	v5 =	vlaneseq.u32 @!p0;
	v3 =	vand.u32 @!p0 $0x7, v3  }
0x368: {  	v6 =	vshrl.u32 @!p0 v5, $0x3;
	v3 =	vor.u32 @!p0 v3, v4;
	v4 =	vand.u32 @!p0 $0x7, v5  }
0x369: {  	v6 =	vmul.u32 @!p0 $0x8, v6;
	v7 =	vperm.xlane @!p0 v3, v4;
	_ =	sdelay $0x1  }
0x36a: {  	v7 =	vadd.s32 @!p0 v6, v7;
	_ =	sdelay $0x2  }
0x36b: {  	v5 =	vor.u32 @!p0 $0x8, v5  }
0x36c: {  	s16 =	simm.s32 @!p0 $0x9700;
	s11 =	simm.s32 @!p0 $0x0;
	v3 =	vperm.xlane @!p0 v3, v5  }
0x36d: {  	[tilespmem:s16], [sflag:$0x2] =	stream.indirect_vreg.gather @!p0 [hbm4b:s2+s11], $0x80, v7, vm1, $0xb8;
	[tilespmem:$0x1FF00] =	vst v63  }
0x36e: {  	v3 =	vadd.s32 @!p0 v6, v3;
	s16 =	simm.s32 @!p0 $0x9F00  }
0x36f: {  	[tilespmem:s16], [sflag:$0x2] =	stream.indirect_vreg.gather @!p0 [hbm4b:s12+s11], $0x80, v7, vm1, $0xb8;
	[tilespmem:$0x1FF00] =	vst v63  }
0x370: {  	s16 =	simm.s32 @!p0 $0xA700  }
0x371: {  	[tilespmem:s16], [sflag:$0x2] =	stream.indirect_vreg.gather @!p0 [hbm4b:s13+s11], $0x80, v7, vm1, $0xb8;
	[tilespmem:$0x1FF00] =	vst v63  }
0x372: {  	s16 =	simm.s32 @!p0 $0xAF00  }
0x373: {  	[tilespmem:s16], [sflag:$0x2] =	stream.indirect_vreg.gather @!p0 [hbm4b:s2+s11], $0x80, v3, vm1, $0xb8;
	[tilespmem:$0x1FF00] =	vst v63  }
0x374: {  	s16 =	simm.s32 @!p0 $0xB700  }
0x375: {  	[tilespmem:s16], [sflag:$0x2] =	stream.indirect_vreg.gather @!p0 [hbm4b:s12+s11], $0x80, v3, vm1, $0xb8;
	[tilespmem:$0x1FF00] =	vst v63  }
0x376: {  	s16 =	simm.s32 @!p0 $0xBF00  }
0x377: {  	[tilespmem:s16], [sflag:$0x2] =	stream.indirect_vreg.gather @!p0 [hbm4b:s13+s11], $0x80, v3, vm1, $0xb8;
	[tilespmem:$0x1FF00] =	vst v63  }
0x378: {  	v3 =	vld @!p0 [tilespmem:s14+$0xD8];
	_ =	sdelay $0x4  }
0x379: {  	v7 =	vshrl.u32 @!p0 v3, $0x3  }
0x37a: {  	v7 =	vmul.u32 @!p0 $0x30, v7  }
0x37b: {  	v3 =	vand.u32 @!p0 $0x7, v3  }
0x37c: {  	v3 =	vor.u32 @!p0 v3, v7  }
0x37d: {  	v7 =	vperm.xlane @!p0 v3, v4;
	_ =	sdelay $0x1  }
0x37e: {  	v7 =	vadd.s32 @!p0 v6, v7;
	_ =	sdelay $0x3  }
0x37f: {  	s16 =	simm.s32 @!p0 $0xC700;
	v3 =	vperm.xlane @!p0 v3, v5  }
0x380: {  	[tilespmem:s16], [sflag:$0x2] =	stream.indirect_vreg.gather @!p0 [hbm4b:s2+s11], $0x80, v7, vm1, $0xb8;
	[tilespmem:$0x1FF00] =	vst v63  }
0x381: {  	v3 =	vadd.s32 @!p0 v6, v3;
	s16 =	simm.s32 @!p0 $0xCF00  }
0x382: {  	[tilespmem:s16], [sflag:$0x2] =	stream.indirect_vreg.gather @!p0 [hbm4b:s12+s11], $0x80, v7, vm1, $0xb8;
	[tilespmem:$0x1FF00] =	vst v63  }
0x383: {  	s16 =	simm.s32 @!p0 $0xD700  }
0x384: {  	[tilespmem:s16], [sflag:$0x2] =	stream.indirect_vreg.gather @!p0 [hbm4b:s13+s11], $0x80, v7, vm1, $0xb8;
	[tilespmem:$0x1FF00] =	vst v63  }
0x385: {  	s16 =	simm.s32 @!p0 $0xDF00  }
0x386: {  	[tilespmem:s16], [sflag:$0x2] =	stream.indirect_vreg.gather @!p0 [hbm4b:s2+s11], $0x80, v3, vm1, $0xb8;
	[tilespmem:$0x1FF00] =	vst v63  }
0x387: {  	s16 =	simm.s32 @!p0 $0xE700  }
0x388: {  	[tilespmem:s16], [sflag:$0x2] =	stream.indirect_vreg.gather @!p0 [hbm4b:s12+s11], $0x80, v3, vm1, $0xb8;
	[tilespmem:$0x1FF00] =	vst v63  }
0x389: {  	s16 =	simm.s32 @!p0 $0xEF00  }
0x38a: {  	[tilespmem:s16], [sflag:$0x2] =	stream.indirect_vreg.gather @!p0 [hbm4b:s13+s11], $0x80, v3, vm1, $0xb8;
	[tilespmem:$0x1FF00] =	vst v63  }
0x38b: {  	v3 =	vld.msk @!p0 [tilespmem:s14+$0xE8], $0xff;
	_ =	sdelay $0x4  }
0x38c: {  	v5 =	vshrl.u32 @!p0 v3, $0x3  }
0x38d: {  	v5 =	vmul.u32 @!p0 $0x30, v5  }
0x38e: {  	v3 =	vand.u32 @!p0 $0x7, v3  }
0x38f: {  	v3 =	vor.u32 @!p0 v3, v5  }
0x390: {  	v3 =	vperm.xlane @!p0 v3, v4;
	_ =	sdelay $0x1  }
0x391: {  	v3 =	vadd.s32 @!p0 v6, v3;
	_ =	sdelay $0x3  }
0x392: {  	s14 =	simm.s32 @!p0 $0xF700  }
0x393: {  	[tilespmem:s14], [sflag:$0x2] =	stream.indirect_vreg.gather @!p0 [hbm4b:s2+s11], $0x80, v3, vm1, $0xb8;
	[tilespmem:$0x1FF00] =	vst v63  }
0x394: {  	s20 =	smulhi.u32 $0x66666667, s10;
	s14 =	simm.s32 @!p0 $0xFF00  }
0x395: {  	[tilespmem:s14], [sflag:$0x2] =	stream.indirect_vreg.gather @!p0 [hbm4b:s12+s11], $0x80, v3, vm1, $0xb8;
	[tilespmem:$0x1FF00] =	vst v63  }
0x396: {  	s22 =	sshrl.u32 s20, $0x4;
	s14 =	simm.s32 @!p0 $0x10700  }
0x397: {  	[tilespmem:s14], [sflag:$0x2] =	stream.indirect_vreg.gather @!p0 [hbm4b:s13+s11], $0x80, v3, vm1, $0xb8;
	[tilespmem:$0x1FF00] =	vst v63  }
0x398: {  	s11 =	smul.u32 $0x6000, s22  }
0x399: {  	s23 =	sshll.u32 s20, $0x6;
	_ =	swait.ge [sflag:s15], $0x7800  }
0x39a: {  	s14 =	sand.u32 $0x380, s23;
	[sflag:s15] =	ssyncset.done $0x0;
	s11 =	sshra.s32 s11, $0x2  }
0x39b: {  	[sflag:s15] =	ssyncadd.s32 $0xFFFF8800;
	s24 =	sor.u32 s14, s11  }
0x39c: {  	v6 =	vld [tilespmem:s24+$0x700]  }
0x39d: {  	v7 =	vld [tilespmem:s24+$0x710]  }
0x39e: {  	v8 =	vld [tilespmem:s24+$0x720]  }
0x39f: {  	v9 =	vld [tilespmem:s24+$0x730]  }
0x3a0: {  	v10 =	vld [tilespmem:s24+$0x740]  }
0x3a1: {  	v11 =	vld [tilespmem:s24+$0x750]  }
0x3a2: {  	v12 =	vld [tilespmem:s24+$0x760]  }
0x3a3: {  	v13 =	vld [tilespmem:s24+$0x770]  }
0x3a4: {  	v14 =	vld [tilespmem:s24+$0xB00]  }
0x3a5: {  	v15 =	vld [tilespmem:s24+$0xB10]  }
0x3a6: {  	v16 =	vld [tilespmem:s24+$0xB20]  }
0x3a7: {  	v17 =	vld [tilespmem:s24+$0xB30]  }
0x3a8: {  	v18 =	vld [tilespmem:s24+$0xB40]  }
0x3a9: {  	v19 =	vld [tilespmem:s24+$0xB50]  }
0x3aa: {  	v22 =	vld [tilespmem:s24+$0xB60]  }
0x3ab: {  	v26 =	vld [tilespmem:s24+$0xB70]  }
0x3ac: {  	v28 =	vld [tilespmem:s24+$0xF00]  }
0x3ad: {  	v30 =	vld [tilespmem:s24+$0xF10]  }
0x3ae: {  	v32 =	vld [tilespmem:s24+$0xF20]  }
0x3af: {  	v33 =	vld [tilespmem:s24+$0xF30]  }
0x3b0: {  	v34 =	vld [tilespmem:s24+$0xF40]  }
0x3b1: {  	v35 =	vld [tilespmem:s24+$0xF50]  }
0x3b2: {  	v36 =	vld [tilespmem:s24+$0xF60]  }
0x3b3: {  	v37 =	vld [tilespmem:s24+$0xF70]  }
0x3b4: {  	v38 =	vld [tilespmem:s24+$0x1300]  }
0x3b5: {  	v40 =	vld [tilespmem:s24+$0x1310]  }
0x3b6: {  	v41 =	vld [tilespmem:s24+$0x1320]  }
0x3b7: {  	v42 =	vld [tilespmem:s24+$0x1330]  }
0x3b8: {  	v43 =	vld [tilespmem:s24+$0x1340]  }
0x3b9: {  	v45 =	vld [tilespmem:s24+$0x1350]  }
0x3ba: {  	v48 =	vld [tilespmem:s24+$0x1360]  }
0x3bb: {  	v49 =	vld [tilespmem:s24+$0x1370]  }
0x3bc: {  	v46 =	vld [tilespmem:s24+$0x1700]  }
0x3bd: {  	v31 =	vld [tilespmem:s24+$0x1710]  }
0x3be: {  	v29 =	vld [tilespmem:s24+$0x1720]  }
0x3bf: {  	v27 =	vld [tilespmem:s24+$0x1730]  }
0x3c0: {  	v50 =	vld [tilespmem:s24+$0x1740]  }
0x3c1: {  	v47 =	vld [tilespmem:s24+$0x1750]  }
0x3c2: {  	v44 =	vld [tilespmem:s24+$0x1760]  }
0x3c3: {  	v39 =	vld [tilespmem:s24+$0x1770]  }
0x3c4: {  	v20 =	vld [tilespmem:s24+$0x1B00]  }
0x3c5: {  	v5 =	vld [tilespmem:s24+$0x1B10]  }
0x3c6: {  	s17 =	simm.s32 $0x0;
	v4 =	vld [tilespmem:s24+$0x1B20]  }
0x3c7: {  	s11 =	smul.u32 $0x6000, s17;
	v3 =	vld [tilespmem:s24+$0x1B30]  }
0x3c8: {  	s14 =	simm.s32 $0x0;
	v23 =	vld [tilespmem:s24+$0x1B40]  }
0x3c9: {  	v24 =	vld [tilespmem:s24+$0x1B50];
	s20 =	sand.u32 $0x380, s14;
	s11 =	sshra.s32 s11, $0x2  }
0x3ca: {  	v25 =	vld [tilespmem:s24+$0x1B60];
	s11 =	sor.u32 s20, s11  }
0x3cb: {  	s22 =	sadd.s32 $0x18700, s11;
	v62 =	vld [tilespmem:s11+$0x18700]  }
0x3cc: {  	v61 =	vld [tilespmem:s22+$0x430]  }
0x3cd: {  	v63 =	vld [tilespmem:s22+$0x440]  }
0x3ce: {  	v54 =	vld [tilespmem:s22+$0x400]  }
0x3cf: {  	v55 =	vld [tilespmem:s22+$0x460]  }
0x3d0: {  	v57 =	vld [tilespmem:s22+$0x450]  }
0x3d1: {  	v56 =	vld [tilespmem:s22+$0x410];
	v52 =	vadd.f32 v62, v6  }
0x3d2: {  	v21 =	vld [tilespmem:s24+$0x1B70];
	v51 =	vadd.f32 v61, v17  }
0x3d3: {  	v58 =	vld [tilespmem:s22+$0x50];
	v53 =	vadd.f32 v63, v18;
	[tilespmem:s11+$0x18700] =	vst v52  }
0x3d4: {  	v60 =	vld [tilespmem:s22+$0x60];
	v54 =	vadd.f32 v54, v14;
	[tilespmem:s22+$0x430] =	vst v51  }
0x3d5: {  	v55 =	vadd.f32 v55, v22;
	v62 =	vadd.f32 v57, v19;
	v57 =	vld [tilespmem:s22+$0x70];
	[tilespmem:s22+$0x440] =	vst v53  }
0x3d6: {  	v61 =	vadd.f32 v56, v15;
	v52 =	vld [tilespmem:s22+$0x470];
	[tilespmem:s22+$0x400] =	vst v54  }
0x3d7: {  	v54 =	vld [tilespmem:s22+$0x420];
	[tilespmem:s22+$0x460] =	vst v55  }
0x3d8: {  	v63 =	vadd.f32 v58, v11;
	v58 =	vld [tilespmem:s22+$0x20];
	[tilespmem:s22+$0x410] =	vst v61  }
0x3d9: {  	v51 =	vadd.f32 v60, v12;
	v60 =	vld [tilespmem:s22+$0x30];
	[tilespmem:s22+$0x450] =	vst v62  }
0x3da: {  	v61 =	vld [tilespmem:s22+$0x40];
	[tilespmem:s22+$0x50] =	vst v63;
	v57 =	vadd.f32 v57, v13  }
0x3db: {  	v62 =	vld [tilespmem:s22+$0x10];
	[tilespmem:s22+$0x60] =	vst v51;
	v52 =	vadd.f32 v52, v26  }
0x3dc: {  	v63 =	vadd.f32 v54, v16;
	[tilespmem:s22+$0x70] =	vst v57  }
0x3dd: {  	v59 =	vadd.f32 v58, v8;
	[tilespmem:s22+$0x470] =	vst v52  }
0x3de: {  	v60 =	vadd.f32 v60, v9;
	[tilespmem:s22+$0x420] =	vst v63  }
0x3df: {  	v61 =	vadd.f32 v61, v10;
	[tilespmem:s22+$0x20] =	vst v59  }
0x3e0: {  	v62 =	vadd.f32 v62, v7;
	[tilespmem:s22+$0x30] =	vst v60  }
0x3e1: {  	[tilespmem:s22+$0x40] =	vst v61  }
0x3e2: {  	[tilespmem:s22+$0x10] =	vst v62  }
0x3e3: {  	v51 =	vld [tilespmem:s11+$0x18F00];
	_ =	sdelay $0x2  }
0x3e4: {  	s23 =	sadd.s32 $0x18F00, s11  }
0x3e5: {  	v52 =	vld [tilespmem:s23+$0x40]  }
0x3e6: {  	v53 =	vld [tilespmem:s23+$0x50];
	v51 =	vadd.f32 v51, v28  }
0x3e7: {  	v54 =	vld [tilespmem:s23+$0x60]  }
0x3e8: {  	v63 =	vld [tilespmem:s23+$0x70];
	[tilespmem:s11+$0x18F00] =	vst v51  }
0x3e9: {  	v51 =	vld [tilespmem:s23+$0x10]  }
0x3ea: {  	v52 =	vadd.f32 v52, v34;
	v60 =	vld [tilespmem:s23+$0x20]  }
0x3eb: {  	v53 =	vadd.f32 v53, v35;
	v61 =	vld [tilespmem:s23+$0x30]  }
0x3ec: {  	v62 =	vadd.f32 v54, v36;
	[tilespmem:s23+$0x40] =	vst v52  }
0x3ed: {  	v63 =	vadd.f32 v63, v37;
	[tilespmem:s23+$0x50] =	vst v53  }
0x3ee: {  	[tilespmem:s23+$0x60] =	vst v62;
	v51 =	vadd.f32 v51, v30  }
0x3ef: {  	[tilespmem:s23+$0x70] =	vst v63;
	v58 =	vadd.f32 v60, v32  }
0x3f0: {  	v59 =	vadd.f32 v61, v33;
	[tilespmem:s23+$0x10] =	vst v51  }
0x3f1: {  	[tilespmem:s23+$0x20] =	vst v58  }
0x3f2: {  	[tilespmem:s23+$0x30] =	vst v59  }
0x3f3: {  	v51 =	vld [tilespmem:s11+$0x19300];
	_ =	sdelay $0x2  }
0x3f4: {  	s24 =	sadd.s32 $0x19300, s11  }
0x3f5: {  	v52 =	vld [tilespmem:s24+$0x40]  }
0x3f6: {  	v53 =	vld [tilespmem:s24+$0x50];
	v51 =	vadd.f32 v51, v38  }
0x3f7: {  	v60 =	vld [tilespmem:s24+$0x60]  }
0x3f8: {  	v61 =	vld [tilespmem:s24+$0x70];
	[tilespmem:s11+$0x19300] =	vst v51  }
0x3f9: {  	v51 =	vld [tilespmem:s24+$0x30]  }
0x3fa: {  	v52 =	vadd.f32 v52, v43;
	v62 =	vld [tilespmem:s24+$0x20]  }
0x3fb: {  	v53 =	vadd.f32 v53, v45;
	v63 =	vld [tilespmem:s24+$0x10]  }
0x3fc: {  	v60 =	vadd.f32 v60, v48;
	[tilespmem:s24+$0x40] =	vst v52  }
0x3fd: {  	v61 =	vadd.f32 v61, v49;
	[tilespmem:s24+$0x50] =	vst v53  }
0x3fe: {  	[tilespmem:s24+$0x60] =	vst v60;
	v51 =	vadd.f32 v51, v42  }
0x3ff: {  	[tilespmem:s24+$0x70] =	vst v61;
	v62 =	vadd.f32 v62, v41  }
0x400: {  	v63 =	vadd.f32 v63, v40;
	[tilespmem:s24+$0x30] =	vst v51  }
0x401: {  	[tilespmem:s24+$0x20] =	vst v62  }
0x402: {  	[tilespmem:s24+$0x10] =	vst v63  }
0x403: {  	s17 =	sadd.s32 $0x19700, s11;
	v53 =	vld [tilespmem:s11+$0x19700]  }
0x404: {  	v52 =	vld [tilespmem:s17+$0x40]  }
0x405: {  	s16 =	simm.s32 $0x1;
	v51 =	vld [tilespmem:s17+$0x50]  }
.LBB2_9:
0x406: {  	p0 =	sne.s32 s16, $0x27  }
0x407: {  	v54 =	vld [tilespmem:s17+$0x60];
	s14 =	sadd.s32 $0x80, s14;
	s20 =	smov.u32 s16;
	s16 =	sadd.s32 $0x1, s16  }
0x408: {  	v55 =	vld [tilespmem:s17+$0x70]  }
0x409: {  	v53 =	vadd.f32 v53, v46  }
0x40a: {  	v52 =	vadd.f32 v52, v50  }
0x40b: {  	[tilespmem:s11+$0x19700] =	vst v53;
	v51 =	vadd.f32 v51, v47  }
0x40c: {  	v53 =	vld [tilespmem:s17+$0x10];
	[tilespmem:s17+$0x40] =	vst v52;
	v52 =	vadd.f32 v54, v44  }
0x40d: {  	v54 =	vld [tilespmem:s17+$0x20];
	[tilespmem:s17+$0x50] =	vst v51;
	v51 =	vadd.f32 v55, v39  }
0x40e: {  	[tilespmem:s17+$0x60] =	vst v52  }
0x40f: {  	[tilespmem:s17+$0x70] =	vst v51;
	_ =	sdelay $0x1  }
0x410: {  	v51 =	vadd.f32 v53, v31;
	v52 =	vld [tilespmem:s17+$0x30]  }
0x411: {  	v53 =	vadd.f32 v54, v29  }
0x412: {  	[tilespmem:s17+$0x10] =	vst v51  }
0x413: {  	[tilespmem:s17+$0x20] =	vst v53;
	_ =	sdelay $0x1  }
0x414: {  	v51 =	vadd.f32 v52, v27;
	_ =	sdelay $0x1  }
0x415: {  	[tilespmem:s17+$0x30] =	vst v51  }
0x416: {  	s22 =	sadd.s32 $0x19B00, s11;
	v51 =	vld [tilespmem:s11+$0x19B00]  }
0x417: {  	s17 =	sshrl.u32 s20, $0x3;
	v52 =	vld [tilespmem:s22+$0x40]  }
0x418: {  	s17 =	smul.u32 $0x6000, s17;
	v53 =	vld [tilespmem:s22+$0x50]  }
0x419: {  	v54 =	vld [tilespmem:s22+$0x60]  }
0x41a: {  	s20 =	sand.u32 $0x380, s14;
	s17 =	sshra.s32 s17, $0x2;
	v55 =	vld [tilespmem:s22+$0x70]  }
0x41b: {  	s17 =	sor.u32 s20, s17;
	v51 =	vadd.f32 v51, v20  }
0x41c: {  	v52 =	vadd.f32 v52, v23  }
0x41d: {  	[tilespmem:s11+$0x19B00] =	vst v51;
	v51 =	vadd.f32 v53, v24;
	s11 =	smov.u32 s17  }
0x41e: {  	v53 =	vld [tilespmem:s22+$0x10];
	[tilespmem:s22+$0x40] =	vst v52;
	v52 =	vadd.f32 v54, v25  }
0x41f: {  	v54 =	vld [tilespmem:s22+$0x20];
	[tilespmem:s22+$0x50] =	vst v51;
	v51 =	vadd.f32 v55, v21  }
0x420: {  	v55 =	vld [tilespmem:s22+$0x30];
	[tilespmem:s22+$0x60] =	vst v52  }
0x421: {  	[tilespmem:s22+$0x70] =	vst v51;
	_ =	sdelay $0x1  }
0x422: {  	s17 =	sadd.s32 $0x18700, s11;
	v51 =	vadd.f32 v53, v5  }
0x423: {  	v52 =	vadd.f32 v54, v4  }
0x424: {  	[tilespmem:s22+$0x10] =	vst v51;
	v51 =	vadd.f32 v55, v3  }
0x425: {  	[tilespmem:s22+$0x20] =	vst v52  }
0x426: {  	[tilespmem:s22+$0x30] =	vst v51;
	_ =	sdelay $0x1  }
0x427: {  	v51 =	vld [tilespmem:s17+$0x440]  }
0x428: {  	v52 =	vld [tilespmem:s17+$0x50]  }
0x429: {  	v53 =	vld [tilespmem:s17+$0x400]  }
0x42a: {  	v54 =	vld [tilespmem:s17+$0x430]  }
0x42b: {  	v55 =	vld [tilespmem:s17+$0x60]  }
0x42c: {  	v56 =	vld [tilespmem:s11+$0x18700]  }
0x42d: {  	v57 =	vld [tilespmem:s17+$0x410]  }
0x42e: {  	v58 =	vld [tilespmem:s17+$0x460]  }
0x42f: {  	v53 =	vadd.f32 v53, v14;
	v54 =	vadd.f32 v54, v17;
	v59 =	vld [tilespmem:s17+$0x450]  }
0x430: {  	v52 =	vadd.f32 v52, v11;
	v55 =	vadd.f32 v55, v12;
	v60 =	vld [tilespmem:s17+$0x470]  }
0x431: {  	v51 =	vadd.f32 v51, v18;
	v56 =	vadd.f32 v56, v6  }
0x432: {  	v57 =	vadd.f32 v57, v15;
	[tilespmem:s17+$0x430] =	vst v54  }
0x433: {  	[tilespmem:s11+$0x18700] =	vst v56;
	v54 =	vadd.f32 v58, v22  }
0x434: {  	v56 =	vld [tilespmem:s17+$0x30];
	[tilespmem:s17+$0x440] =	vst v51;
	v51 =	vadd.f32 v59, v19  }
0x435: {  	[tilespmem:s17+$0x400] =	vst v53;
	v53 =	vld [tilespmem:s17+$0x420]  }
0x436: {  	v58 =	vld [tilespmem:s17+$0x70];
	[tilespmem:s17+$0x460] =	vst v54  }
0x437: {  	v54 =	vld [tilespmem:s17+$0x20];
	[tilespmem:s17+$0x410] =	vst v57;
	v57 =	vadd.f32 v60, v26  }
0x438: {  	v59 =	vld [tilespmem:s17+$0x10];
	[tilespmem:s17+$0x450] =	vst v51  }
0x439: {  	v51 =	vadd.f32 v56, v9;
	v56 =	vld [tilespmem:s17+$0x40];
	[tilespmem:s17+$0x50] =	vst v52  }
0x43a: {  	[tilespmem:s17+$0x60] =	vst v55;
	v52 =	vadd.f32 v53, v16  }
0x43b: {  	v53 =	vadd.f32 v58, v13;
	[tilespmem:s17+$0x470] =	vst v57  }
0x43c: {  	v54 =	vadd.f32 v54, v8;
	[tilespmem:s17+$0x420] =	vst v52  }
0x43d: {  	v52 =	vadd.f32 v59, v7;
	[tilespmem:s17+$0x70] =	vst v53  }
0x43e: {  	[tilespmem:s17+$0x20] =	vst v54;
	v53 =	vadd.f32 v56, v10  }
0x43f: {  	[tilespmem:s17+$0x30] =	vst v51  }
0x440: {  	[tilespmem:s17+$0x40] =	vst v53  }
0x441: {  	[tilespmem:s17+$0x10] =	vst v52  }
0x442: {  	s17 =	sadd.s32 $0x18F00, s11;
	v51 =	vld [tilespmem:s11+$0x18F00]  }
0x443: {  	v52 =	vld [tilespmem:s17+$0x40]  }
0x444: {  	v53 =	vld [tilespmem:s17+$0x50]  }
0x445: {  	v54 =	vld [tilespmem:s17+$0x60]  }
0x446: {  	v55 =	vld [tilespmem:s17+$0x70]  }
0x447: {  	v51 =	vadd.f32 v51, v28  }
0x448: {  	v52 =	vadd.f32 v52, v34  }
0x449: {  	[tilespmem:s11+$0x18F00] =	vst v51;
	v51 =	vadd.f32 v53, v35  }
0x44a: {  	v53 =	vld [tilespmem:s17+$0x10];
	[tilespmem:s17+$0x40] =	vst v52;
	v52 =	vadd.f32 v54, v36  }
0x44b: {  	v54 =	vld [tilespmem:s17+$0x20];
	[tilespmem:s17+$0x50] =	vst v51;
	v51 =	vadd.f32 v55, v37  }
0x44c: {  	v55 =	vld [tilespmem:s17+$0x30];
	[tilespmem:s17+$0x60] =	vst v52  }
0x44d: {  	[tilespmem:s17+$0x70] =	vst v51;
	_ =	sdelay $0x1  }
0x44e: {  	v51 =	vadd.f32 v53, v30  }
0x44f: {  	v52 =	vadd.f32 v54, v32  }
0x450: {  	[tilespmem:s17+$0x10] =	vst v51;
	v51 =	vadd.f32 v55, v33  }
0x451: {  	[tilespmem:s17+$0x20] =	vst v52  }
0x452: {  	[tilespmem:s17+$0x30] =	vst v51  }
0x453: {  	s17 =	sadd.s32 $0x19300, s11;
	v51 =	vld [tilespmem:s11+$0x19300]  }
0x454: {  	v52 =	vld [tilespmem:s17+$0x40]  }
0x455: {  	v53 =	vld [tilespmem:s17+$0x50]  }
0x456: {  	v54 =	vld [tilespmem:s17+$0x60]  }
0x457: {  	v55 =	vld [tilespmem:s17+$0x70]  }
0x458: {  	v51 =	vadd.f32 v51, v38  }
0x459: {  	v52 =	vadd.f32 v52, v43  }
0x45a: {  	[tilespmem:s11+$0x19300] =	vst v51;
	v51 =	vadd.f32 v53, v45  }
0x45b: {  	v53 =	vld [tilespmem:s17+$0x30];
	[tilespmem:s17+$0x40] =	vst v52;
	v52 =	vadd.f32 v54, v48  }
0x45c: {  	v54 =	vld [tilespmem:s17+$0x20];
	[tilespmem:s17+$0x50] =	vst v51;
	v51 =	vadd.f32 v55, v49  }
0x45d: {  	v55 =	vld [tilespmem:s17+$0x10];
	[tilespmem:s17+$0x60] =	vst v52  }
0x45e: {  	[tilespmem:s17+$0x70] =	vst v51;
	_ =	sdelay $0x1  }
0x45f: {  	v51 =	vadd.f32 v53, v42  }
0x460: {  	v52 =	vadd.f32 v54, v41  }
0x461: {  	v53 =	vadd.f32 v55, v40;
	[tilespmem:s17+$0x30] =	vst v51  }
.Ltmp3:
0x462: {  	[tilespmem:s17+$0x20] =	vst v52;
	(pc) =	sbr.rel @p0 .LBB2_9-.Ltmp3, $4  }
0x463: {  	[tilespmem:s17+$0x10] =	vst v53  }
0x464: {  	s17 =	sadd.s32 $0x19700, s11;
	v53 =	vld [tilespmem:s11+$0x19700]  }
0x465: {  	v52 =	vld [tilespmem:s17+$0x40]  }
0x466: {  	v51 =	vld [tilespmem:s17+$0x50]  }
0x467: {  	_ =	sdelay $0x1  }
0x468: {  	v7 =	vadd.f32 v53, v46  }
0x469: {  	v6 =	vld [tilespmem:s17+$0x60]  }
0x46a: {  	v8 =	vld [tilespmem:s17+$0x70];
	[tilespmem:s11+$0x19700] =	vst v7  }
0x46b: {  	v7 =	vld [tilespmem:s17+$0x10]  }
0x46c: {  	v9 =	vadd.f32 v52, v50;
	v58 =	vld [tilespmem:s17+$0x20]  }
0x46d: {  	v10 =	vadd.f32 v51, v47;
	v59 =	vld [tilespmem:s17+$0x30]  }
0x46e: {  	[tilespmem:s17+$0x40] =	vst v9;
	v6 =	vadd.f32 v6, v44  }
0x46f: {  	v8 =	vadd.f32 v8, v39;
	[tilespmem:s17+$0x50] =	vst v10  }
0x470: {  	[tilespmem:s17+$0x60] =	vst v6;
	v7 =	vadd.f32 v7, v31  }
0x471: {  	[tilespmem:s17+$0x70] =	vst v8;
	v60 =	vadd.f32 v58, v29  }
0x472: {  	v6 =	vadd.f32 v59, v27;
	[tilespmem:s17+$0x10] =	vst v7  }
0x473: {  	[tilespmem:s17+$0x20] =	vst v60  }
0x474: {  	[tilespmem:s17+$0x30] =	vst v6  }
0x475: {  	v6 =	vld [tilespmem:s11+$0x19B00];
	_ =	sdelay $0x2  }
0x476: {  	s14 =	sadd.s32 $0x19B00, s11  }
0x477: {  	v7 =	vld [tilespmem:s14+$0x40]  }
0x478: {  	v8 =	vld [tilespmem:s14+$0x50];
	v6 =	vadd.f32 v6, v20  }
0x479: {  	v61 =	vld [tilespmem:s14+$0x60]  }
0x47a: {  	v10 =	vld [tilespmem:s14+$0x70];
	[tilespmem:s11+$0x19B00] =	vst v6  }
0x47b: {  	v6 =	vld [tilespmem:s14+$0x10]  }
0x47c: {  	v7 =	vadd.f32 v7, v23;
	v11 =	vld [tilespmem:s14+$0x20]  }
0x47d: {  	v8 =	vadd.f32 v8, v24;
	v12 =	vld [tilespmem:s14+$0x30]  }
0x47e: {  	s10 =	smul.u32 $0x28, s10;
	v62 =	vadd.f32 v61, v25;
	[tilespmem:s14+$0x40] =	vst v7  }
0x47f: {  	s4 =	sadd.s32 $0x1, s4;
	v63 =	vadd.f32 v10, v21;
	[tilespmem:s14+$0x50] =	vst v8  }
0x480: {  	p0 =	sne.s32 s4, $0xA;
	s10 =	sadd.s32 s7, s10;
	[tilespmem:s14+$0x60] =	vst v62;
	v5 =	vadd.f32 v6, v5  }
.Ltmp4:
0x481: {  	s10 =	sshrl.u32 s10, $0x3;
	[tilespmem:s14+$0x70] =	vst v63;
	v4 =	vadd.f32 v11, v4;
	(pc) =	sbr.rel @p0 .LBB2_2-.Ltmp4, $4  }
0x482: {  	s10 =	smul.u32 $0x300, s10;
	v3 =	vadd.f32 v12, v3;
	[tilespmem:s14+$0x10] =	vst v5  }
0x483: {  	[tilespmem:s14+$0x20] =	vst v4  }
0x484: {  	s10 =	sadd.s32 s5, s10;
	[tilespmem:s14+$0x30] =	vst v3  }
0x485: {  	[hbm4b:s10+s6] =	stream.linear.scatter [tilespmem:s9], [sflag:$0x8], $0x7800, $0x38;
	[tilespmem:$0x1FF00] =	vst v63  }
0x486: {  	s4 =	simm.s32 $0x7  }
0x487: {  	_ =	swait.ge [sflag:s4], $0x7800  }
0x488: {  	[sflag:s4] =	ssyncset.done $0x0  }
0x489: {  	s10 =	simm.s32 $0x8;
	[sflag:s4] =	ssyncadd.s32 $0xFFFF8800  }
0x48a: {  	_ =	swait.ge [sflag:s10], $0x7800  }
0x48b: {  	s11 =	rddreg [dreg:$0xb]  }
0x48c: {  	s24 =	rddreg [dreg:$0xa];
	s11 =	sadd.s32 $0x1, s11  }
0x48d: {  	p0 =	sne.s32 s11, s24  }
.Ltmp5:
0x48e: {  	_ = 	snop;
	(pc) =	sbr.rel @p0 .LBB2_1-.Ltmp5, $3  }
0x48f: {  	_ =	sdelay $0x1  }
0x490: {  	[sflag:s10] =	ssyncset.done $0x0  }
0x491: {  	[sflag:s10] =	ssyncadd.s32 $0xFFFF8800  }
0x492: {  	_ =	sfence.sel $0x180000  }
0x493: {  	[bflag:$0x0] =	sbarrier.arrive $0xFFFF  }
0x494: {  	_ =	strace $0x90000047  }
0x495: {  	s0 =	stileid.u32;
	[bflag:$0x2] =	sbarrier.arrive $0xFFFF  }
0x496: {  	p0 =	sne.s32 s0, $0x0;
	s0 =	rddreg [dreg:$0x5]  }
0x497: {  	s0 =	sadd.s32 @!p0 $0x100000, s0  }
0x498: {  	[sflag:s0] =	ssyncadd.tile.s32 @!p0 $0x1;
	_ =	shalt  }
.Lfunc_end2:
_tile_overlayer_lowered:
.L_overlay_start_2:
0x499: {  	(tag) =	ssettag $0x2  }
0x49a: {  	s0 =	rddreg [dreg:$0x0];
	s2 =	stileid.u32  }
0x49b: {  	s1 =	rddreg [dreg:$0x1];
	p0 =	sne.s32 s2, $0x0  }
0x49c: {  	s3 =	rddreg [dreg:$0x2];
	[bflag:$0x3] =	sbarrier.arrive $0xFFFF;
	s2 =	simm.s32 @!p0 $0x1C0B  }
0x49d: {  	[timem:s3], [sflag:s2] =	dma.local @!p0 [hbm:s0], s1  }
0x49e: {  	s0 =	simm.s32 @!p0 $0xB  }
0x49f: {  	_ =	swait.ge @!p0 [sflag:s0], s1  }
0x4a0: {  	s1 =	ssub.s32 @!p0 $0x0, s1;
	[sflag:s0] =	ssyncset.done @!p0 $0x0  }
0x4a1: {  	[sflag:s0] =	ssyncadd.s32 @!p0 s1  }
0x4a2: {  	[bflag:$0x3] =	sbarrier.arrive $0xFFFF  }
0x4a3: {  	_ =	shalt  }

</sc_bundles>
